<compile_context>
chip_gen: v7x
topology: tpu7x:2x2x1
jax: 0.10.2.dev20260603
libtpu: 0.0.44.dev20260713+nightly
codegen_flags: <defaults>
</compile_context>

<pallas_src>
import jax
import jax.numpy as jnp
from jax.experimental import pallas as pl
from jax.experimental.pallas import tpu as pltpu
from jax.experimental.pallas import tpu_sc as plsc

D = 100000
B = 128
_I32MAX = jnp.iinfo(jnp.int32).max


CW = 4096
NCH = (D + CW - 1) // CW
LAST = D - (NCH - 1) * CW
NBUF = 4
LA = NBUF - 1


def _u_copy(u_hbm, ub, su, j):
    slot = jax.lax.rem(j, NBUF)
    return pltpu.make_async_copy(
        u_hbm.at[:, pl.ds(j * CW, CW)], ub.at[slot], su.at[slot])


def _u_copy_last(u_hbm, ubl, sul):
    return pltpu.make_async_copy(
        u_hbm.at[:, pl.ds((NCH - 1) * CW, LAST)], ubl, sul)


def _tc_body(pb_ref, pfull_ref, u_hbm, y_ref, lp_ref,
             ub, ubl, su, sul, bk, bi, bp):
    i = pl.program_id(0)
    slot = jax.lax.rem(i, NBUF)

    @pl.when(i == 0)
    def _prologue():
        bk[...] = jnp.full((B, 1), jnp.inf, jnp.float32)
        bi[...] = jnp.zeros((B, 1), jnp.int32)
        bp[...] = jnp.zeros((B, 1), jnp.float32)
        for j in range(LA):
            _u_copy(u_hbm, ub, su, j).start()

    j = i + LA

    @pl.when(j < NCH - 1)
    def _start_full():
        _u_copy(u_hbm, ub, su, j).start()

    @pl.when(j == NCH - 1)
    def _start_last():
        _u_copy_last(u_hbm, ubl, sul).start()

    def update(key, pb_c, lane):
        local_min = jnp.min(key, axis=1, keepdims=True)
        w = key == local_min
        local_arg = jnp.min(jnp.where(w, lane, _I32MAX),
                            axis=1, keepdims=True)
        local_prob = jnp.max(jnp.where(w, pb_c, -jnp.inf),
                             axis=1, keepdims=True)
        upd = local_min < bk[...]
        bk[...] = jnp.where(upd, local_min, bk[...])
        bi[...] = jnp.where(upd, i * CW + local_arg, bi[...])
        bp[...] = jnp.where(upd, local_prob, bp[...])

    @pl.when(i < NCH - 1)
    def _compute_full():
        _u_copy(u_hbm, ub, su, i).wait()
        pb = pb_ref[...]
        lane = jax.lax.broadcasted_iota(jnp.int32, (1, CW), 1)
        key = -jnp.log(ub[slot]) * jnp.exp(-pb)
        update(key, pb, lane)

    @pl.when(i == NCH - 1)
    def _compute_last():
        _u_copy_last(u_hbm, ubl, sul).wait()
        pb = pb_ref[...][:, :LAST]
        lane = jax.lax.broadcasted_iota(jnp.int32, (1, LAST), 1)
        key = -jnp.log(ubl[...]) * jnp.exp(-pb)
        update(key, pb, lane)

        pf = pfull_ref[...]
        mx = jnp.max(pf, keepdims=True).reshape(1, 1)
        s = jnp.sum(jnp.exp(pf - mx), keepdims=True).reshape(1, 1)
        lse = mx + jnp.log(s)
        y_ref[...] = bi[...]
        lp_ref[...] = bp[...] - lse


def _tc_argmin(prob2, u):
    row_spec = pl.BlockSpec((1, CW), lambda i: (0, i))
    full_spec = pl.BlockSpec((1, D), lambda i: (0, 0))
    hbm_spec = pl.BlockSpec(memory_space=pltpu.MemorySpace.HBM)
    return pl.pallas_call(
        _tc_body,
        grid=(NCH,),
        in_specs=[row_spec, full_spec, hbm_spec],
        out_specs=[
            pl.BlockSpec((B, 1), lambda i: (0, 0)),
            pl.BlockSpec((B, 1), lambda i: (0, 0)),
        ],
        out_shape=[
            jax.ShapeDtypeStruct((B, 1), jnp.int32),
            jax.ShapeDtypeStruct((B, 1), jnp.float32),
        ],
        scratch_shapes=[
            pltpu.VMEM((NBUF, B, CW), jnp.float32),
            pltpu.VMEM((B, LAST), jnp.float32),
            pltpu.SemaphoreType.DMA((NBUF,)),
            pltpu.SemaphoreType.DMA,
            pltpu.VMEM((B, 1), jnp.float32),
            pltpu.VMEM((B, 1), jnp.int32),
            pltpu.VMEM((B, 1), jnp.float32),
        ],
    )(prob2, prob2, u)



RB = 16
CB = 1024
DSC = (D // CB) * CB
SC_LANES = 16

def _sc_z(m2, ls2, eps):
    @pl.kernel(
        out_type=jax.ShapeDtypeStruct((B, D + 1), jnp.float32),
        mesh=plsc.VectorSubcoreMesh(
            core_axis_name="core", subcore_axis_name="subcore"),
        compiler_params=pltpu.CompilerParams(use_tc_tiling_on_sc=True),
    )
    def zkernel(m_hbm, ls_hbm, e_hbm, o_hbm):
        def body(m_v, ls_v, e_v, o_v):
            @plsc.parallel_loop(0, CB, SC_LANES, unroll=8)
            def _(c):
                m16 = m_v.at[0, pl.ds(c, SC_LANES)][...]
                s16 = jnp.exp(ls_v.at[0, pl.ds(c, SC_LANES)][...])
                for r in range(RB):
                    o_v.at[r, pl.ds(c, SC_LANES)][...] = (
                        m16 + s16 * e_v.at[r, pl.ds(c, SC_LANES)][...])

        pltpu.emit_pipeline(
            body,
            grid=(B // RB, DSC // CB),
            in_specs=[
                pl.BlockSpec((1, CB), index_map=lambda i, j: (0, j)),
                pl.BlockSpec((1, CB), index_map=lambda i, j: (0, j)),
                pl.BlockSpec((RB, CB), index_map=lambda i, j: (i, j)),
            ],
            out_specs=[
                pl.BlockSpec((RB, CB), index_map=lambda i, j: (i, j)),
            ],
            core_axis_name=("core", "subcore"),
            dimension_semantics=(pltpu.PARALLEL, pltpu.PARALLEL),
        )(m_hbm, ls_hbm, e_hbm, o_hbm)

    return zkernel(m2, ls2, eps)



_TBLK = 1024
_TCOLBLK = DSC // _TBLK
_TOFF = D - DSC


def _col_body(oz_ref, m_ref, ls_ref, e_ref, lp_ref, out_ref):
    out_ref[...] = m_ref[...] + jnp.exp(ls_ref[...]) * e_ref[...]
    out_ref[:, _TOFF:_TOFF + 1] = lp_ref[...]


def _write_col(out_z, m2, ls2, eps, logpy):
    oblk = pl.BlockSpec((B, _TBLK), lambda i: (0, _TCOLBLK))
    rblk = pl.BlockSpec((1, _TBLK), lambda i: (0, _TCOLBLK))
    return pl.pallas_call(
        _col_body,
        grid=(1,),
        in_specs=[oblk, rblk, rblk,
                  pl.BlockSpec((B, _TBLK), lambda i: (0, _TCOLBLK)),
                  pl.BlockSpec((B, 1), lambda i: (0, 0))],
        out_specs=oblk,
        out_shape=jax.ShapeDtypeStruct((B, D + 1), jnp.float32),
        input_output_aliases={0: 0},
    )(out_z, m2, ls2, eps, logpy)


@jax.jit
def kernel(prob, m_z, log_s_z, u, eps):
    prob2 = prob.reshape(1, D)
    m2 = m_z.reshape(1, D)
    ls2 = log_s_z.reshape(1, D)

    out_z = _sc_z(m2, ls2, eps)
    return (jnp.zeros((B,), jnp.int32), out_z)

# --- scband reference (transcript-rebuilt; emitter-appended) ---
"""Pipeline reference for scband-q-53592601919773 (READ-ONLY COPY).

The authoritative reference and input builder live on the scoring server;
editing this copy changes nothing except your own understanding.
"""

import jax, jax.numpy as jnp
import numpy as np

D = 100000
B = 128

def setup_inputs(seed: int = 0) -> dict:
    key = jax.random.key(seed)
    k1, k2, k3, k4, k5 = jax.random.split(key, 5)
    prob = jax.random.normal(k1, (D,), dtype=jnp.float32)
    m_z = jnp.zeros((D,), dtype=jnp.float32)
    log_s_z = jnp.zeros((D,), dtype=jnp.float32)
    u = jax.random.uniform(k4, (B, D), dtype=jnp.float32, minval=1e-7, maxval=1.0 - 1e-7)
    eps = jax.random.normal(k5, (B, D), dtype=jnp.float32)
    return {"prob": prob, "m_z": m_z, "log_s_z": log_s_z, "u": u, "eps": eps}

def reference(prob, m_z, log_s_z, u, eps):
    # Q.forward in tpp terms:
    #   tr['y'] = Categorical(softmax(prob))  -> sample y via Gumbel-max trick
    #   tr['z'] = Normal(m_z, exp(log_s_z))   -> sample z via reparameterization
    logp = jax.nn.log_softmax(prob, axis=0)            # [D] categorical log-probs
    g = -jnp.log(-jnp.log(u))                          # [B, D] Gumbel noise
    y = jnp.argmax(logp[None, :] + g, axis=1)          # [B] categorical samples
    s = jnp.exp(log_s_z)                               # [D] scale (printed in original forward)
    z = m_z[None, :] + s[None, :] * eps                # [B, D] Normal samples
    logp_y = jnp.take(logp, y)                         # [B] log-prob of sampled categories
    out = jnp.concatenate([z, logp_y[:, None]], axis=1)  # [B, D+1]
    return (y, out)

if __name__ == "__main__":
    import jax
    _d = setup_inputs()
    print(jax.jit(kernel)(*tuple(_d.values())))

</pallas_src>

<mosaic_0001>
#map = affine_map<(d0, d1) -> (0, 0)>
module attributes {stable_mosaic.version = 14 : i64} {
  func.func @zkernel(%arg0: i32, %arg1: i32, %arg2: memref<1x100000xf32, #tpu.memory_space<hbm>>, %arg3: memref<1x100000xf32, #tpu.memory_space<hbm>>, %arg4: memref<128x100000xf32, #tpu.memory_space<hbm>>, %arg5: memref<128x100001xf32, #tpu.memory_space<hbm>>) attributes {dimension_semantics = [#tpu.dimension_semantics<core_parallel>, #tpu.dimension_semantics<subcore_parallel>], iteration_bounds = array<i64: 2, 16>, scalar_prefetch = 0 : i64, scratch_operands = 0 : i64, tpu.core_type = #tpu.core_type<sc_vector_subcore>, window_params = [{transform_indices = #map}, {transform_indices = #map}, {transform_indices = #map}, {transform_indices = #map}]} {
    %mul3A = arith.constant 1 : i32
    %mul3A_0 = arith.muli %arg1, %mul3A : i32
    %add3A = arith.constant 0 : i32
    %add3A_1 = arith.addi %add3A, %mul3A_0 : i32
    %mul3A_2 = arith.constant 16 : i32
    %mul3A_3 = arith.muli %arg0, %mul3A_2 : i32
    %add3A_4 = arith.addi %add3A_1, %mul3A_3 : i32
    %lt3A = arith.constant 1 : i32
    %lt3A_5 = arith.cmpi slt, %add3A_4, %lt3A : i32
    %jit3A = arith.constant 4 : i32
    %jit3A_6 = arith.constant 3 : i32
    %select_n3A = arith.select %lt3A_5, %jit3A, %jit3A_6 : i32
    %lt3A_7 = arith.constant 1 : i32
    %lt3A_8 = arith.cmpi slt, %add3A_4, %lt3A_7 : i32
    %mul3A_9 = arith.muli %add3A_4, %select_n3A : i32
    %mul3A_10 = arith.constant 3 : i32
    %mul3A_11 = arith.muli %add3A_4, %mul3A_10 : i32
    %add3A_12 = arith.constant 1 : i32
    %add3A_13 = arith.addi %mul3A_11, %add3A_12 : i32
    %select_n3A_14 = arith.select %lt3A_8, %mul3A_9, %add3A_13 : i32
    %mul3A_15 = arith.constant 8 : i32
    %mul3A_16 = arith.muli %mul3A_15, %select_n3A : i32
    "tpu.region"() ({
      %run_scoped3A = memref.alloca() : memref<2x1x1024xf32, #tpu.memory_space<vmem>>
      %run_scoped3A_17 = tpu.sem_alloc : memref<2x!tpu.dma_semaphore, #tpu.memory_space<semaphore_mem>>
      %run_scoped3A_18 = memref.alloca() : memref<2x1x1024xf32, #tpu.memory_space<vmem>>
      %run_scoped3A_19 = tpu.sem_alloc : memref<2x!tpu.dma_semaphore, #tpu.memory_space<semaphore_mem>>
      %run_scoped3A_20 = memref.alloca() : memref<2x16x1024xf32, #tpu.memory_space<vmem>>
      %run_scoped3A_21 = tpu.sem_alloc : memref<2x!tpu.dma_semaphore, #tpu.memory_space<semaphore_mem>>
      %run_scoped3A_22 = memref.alloca() : memref<2x16x1024xf32, #tpu.memory_space<vmem>>
      %run_scoped3A_23 = tpu.sem_alloc : memref<2x!tpu.dma_semaphore, #tpu.memory_space<semaphore_mem>>
      %gt3A = arith.constant 0 : i32
      %gt3A_24 = arith.cmpi sgt, %mul3A_16, %gt3A : i32
      %convert_element_type3A = arith.extui %gt3A_24 : i1 to i32
      %cond3A = arith.constant 0 : i32
      %cond3A_25 = arith.cmpi ne, %convert_element_type3A, %cond3A : i32
      scf.if %cond3A_25 {
        %mul3A_26 = arith.constant 8 : i32
        %mul3A_27 = arith.muli %mul3A_26, %select_n3A : i32
        %sub3A = arith.constant 1 : i32
        %sub3A_28 = arith.subi %mul3A_27, %sub3A : i32
        %eq3A = arith.constant 0 : i32
        %eq3A_29 = arith.cmpi eq, %sub3A_28, %eq3A : i32
        %add3A_30 = arith.constant 0 : i32
        %add3A_31 = arith.addi %add3A_30, %select_n3A_14 : i32
        %select_n3A_32 = arith.constant true
        %select_n3A_33 = arith.constant 0 : i32
        %select_n3A_34 = arith.constant -1 : i32
        %select_n3A_35 = arith.select %select_n3A_32, %select_n3A_34, %select_n3A_33 : i32
        %eq3A_36 = arith.constant -1 : i32
        %eq3A_37 = arith.cmpi eq, %select_n3A_35, %eq3A_36 : i32
        %sub3A_38 = arith.constant 1 : i32
        %sub3A_39 = arith.subi %select_n3A, %sub3A_38 : i32
        %select_n3A_40 = arith.select %eq3A_37, %sub3A_39, %select_n3A_35 : i32
        %select_n3A_41 = arith.constant 0 : i32
        %select_n3A_42 = arith.constant -1 : i32
        %select_n3A_43 = arith.select %eq3A_37, %select_n3A_42, %select_n3A_41 : i32
        %eq3A_44 = arith.constant -1 : i32
        %eq3A_45 = arith.cmpi eq, %select_n3A_43, %eq3A_44 : i32
        %select_n3A_46 = arith.constant 7 : i32
        %select_n3A_47 = arith.select %eq3A_45, %select_n3A_46, %select_n3A_43 : i32
        %add3A_48 = arith.constant 0 : i32
        %add3A_49 = arith.addi %select_n3A_47, %add3A_48 : i32
        %add3A_50 = arith.addi %select_n3A_40, %select_n3A_14 : i32
        %select_n3A_51 = arith.constant true
        %select_n3A_52 = arith.constant 0 : i32
        %select_n3A_53 = arith.constant 1 : i32
        %select_n3A_54 = arith.select %select_n3A_51, %select_n3A_53, %select_n3A_52 : i32
        %eq3A_55 = arith.cmpi eq, %select_n3A_54, %select_n3A : i32
        %select_n3A_56 = arith.constant 0 : i32
        %select_n3A_57 = arith.select %eq3A_55, %select_n3A_56, %select_n3A_54 : i32
        %select_n3A_58 = arith.constant 0 : i32
        %select_n3A_59 = arith.constant 1 : i32
        %select_n3A_60 = arith.select %eq3A_55, %select_n3A_59, %select_n3A_58 : i32
        %eq3A_61 = arith.constant 8 : i32
        %eq3A_62 = arith.cmpi eq, %select_n3A_60, %eq3A_61 : i32
        %select_n3A_63 = arith.constant 0 : i32
        %select_n3A_64 = arith.select %eq3A_62, %select_n3A_63, %select_n3A_60 : i32
        %add3A_65 = arith.constant 0 : i32
        %add3A_66 = arith.addi %select_n3A_64, %add3A_65 : i32
        %add3A_67 = arith.addi %select_n3A_57, %select_n3A_14 : i32
        %add3A_68 = arith.constant 1 : i32
        %add3A_69 = arith.addi %select_n3A_57, %add3A_68 : i32
        %select_n3A_70 = arith.constant true
        %select_n3A_71 = arith.select %select_n3A_70, %add3A_69, %select_n3A_57 : i32
        %eq3A_72 = arith.cmpi eq, %select_n3A_71, %select_n3A : i32
        %select_n3A_73 = arith.constant 0 : i32
        %select_n3A_74 = arith.select %eq3A_72, %select_n3A_73, %select_n3A_71 : i32
        %add3A_75 = arith.constant 1 : i32
        %add3A_76 = arith.addi %select_n3A_64, %add3A_75 : i32
        %select_n3A_77 = arith.select %eq3A_72, %add3A_76, %select_n3A_64 : i32
        %eq3A_78 = arith.constant 8 : i32
        %eq3A_79 = arith.cmpi eq, %select_n3A_77, %eq3A_78 : i32
        %select_n3A_80 = arith.constant 0 : i32
        %select_n3A_81 = arith.select %eq3A_79, %select_n3A_80, %select_n3A_77 : i32
        %add3A_82 = arith.constant 0 : i32
        %add3A_83 = arith.addi %select_n3A_81, %add3A_82 : i32
        %add3A_84 = arith.addi %select_n3A_74, %select_n3A_14 : i32
        "tpu.trace_start"() <{level = 10 : i32, message = "ep_initialize_0"}> : () -> ()
        %rem3A = arith.constant 0 : i32
        %rem3A_85 = arith.constant 2 : i32
        %rem3A_86 = arith.remui %rem3A, %rem3A_85 : i32
        %mul3A_87 = arith.constant 1024 : i32
        %mul3A_88 = arith.muli %mul3A_87, %add3A_31 : i32
        %eq3A_89 = arith.constant 97 : i32
        %eq3A_90 = arith.cmpi eq, %add3A_31, %eq3A_89 : i32
        %jit3A_91 = arith.constant 768 : i32
        %jit3A_92 = arith.constant 1024 : i32
        %select_n3A_93 = arith.select %eq3A_90, %jit3A_91, %jit3A_92 : i32
        %multiple_of3A = tpu.assume_multiple %select_n3A_93, 128 : i32
        %mul3A_94 = arith.constant 1024 : i32
        %mul3A_95 = arith.muli %add3A_31, %mul3A_94 : i32
        %dma_start3A = arith.constant 0 : i32
        %dma_start3A_96 = arith.constant 0 : i32
        %dma_start3A_97 = tpu.memref_slice %run_scoped3A[%rem3A_86, %dma_start3A, %dma_start3A_96] <%multiple_of3A> : memref<2x1x1024xf32, #tpu.memory_space<vmem>> -> memref<1x1x?xf32, #tpu.memory_space<vmem>>
        %dma_start3A_98 = tpu.memref_squeeze %dma_start3A_97 : memref<1x1x?xf32, #tpu.memory_space<vmem>> -> memref<1x?xf32, #tpu.memory_space<vmem>>
        %dma_start3A_99 = arith.constant 0 : i32
        %dma_start3A_100 = tpu.memref_slice %arg2[%dma_start3A_99, %mul3A_95] <%multiple_of3A> : memref<1x100000xf32, #tpu.memory_space<hbm>> -> memref<1x?xf32, #tpu.memory_space<hbm>>
        %dma_start3A_101 = tpu.memref_slice %run_scoped3A_17[%rem3A_86] : memref<2x!tpu.dma_semaphore, #tpu.memory_space<semaphore_mem>> -> memref<1x!tpu.dma_semaphore, #tpu.memory_space<semaphore_mem>>
        %dma_start3A_102 = tpu.memref_squeeze %dma_start3A_101 : memref<1x!tpu.dma_semaphore, #tpu.memory_space<semaphore_mem>> -> memref<!tpu.dma_semaphore, #tpu.memory_space<semaphore_mem>>
        %dma_start3A_103 = arith.constant 0 : i32
        %dma_start3A_104 = arith.constant 0 : i32
        %dma_start3A_105 = tpu.memref_slice %run_scoped3A[%rem3A_86, %dma_start3A_103, %dma_start3A_104] <%multiple_of3A> : memref<2x1x1024xf32, #tpu.memory_space<vmem>> -> memref<1x1x?xf32, #tpu.memory_space<vmem>>
        %dma_start3A_106 = tpu.memref_squeeze %dma_start3A_105 : memref<1x1x?xf32, #tpu.memory_space<vmem>> -> memref<1x?xf32, #tpu.memory_space<vmem>>
        %dma_start3A_107 = arith.constant 0 : i32
        %dma_start3A_108 = tpu.memref_slice %arg2[%dma_start3A_107, %mul3A_95] <%multiple_of3A> : memref<1x100000xf32, #tpu.memory_space<hbm>> -> memref<1x?xf32, #tpu.memory_space<hbm>>
        tpu.enqueue_dma source(%dma_start3A_108 : memref<1x?xf32, #tpu.memory_space<hbm>>) target(%dma_start3A_106 : memref<1x?xf32, #tpu.memory_space<vmem>>) target_semaphore(%dma_start3A_102 : memref<!tpu.dma_semaphore, #tpu.memory_space<semaphore_mem>>)
        %add3A_109 = arith.constant 0 : i32
        %add3A_110 = arith.constant 1 : i32
        %add3A_111 = arith.addi %add3A_109, %add3A_110 : i32
        %select_n3A_112 = arith.constant true
        %select_n3A_113 = arith.constant 0 : i32
        %select_n3A_114 = arith.select %select_n3A_112, %add3A_111, %select_n3A_113 : i32
        %rem3A_115 = arith.constant 0 : i32
        %rem3A_116 = arith.constant 2 : i32
        %rem3A_117 = arith.remui %rem3A_115, %rem3A_116 : i32
        %mul3A_118 = arith.constant 1024 : i32
        %mul3A_119 = arith.muli %mul3A_118, %add3A_31 : i32
        %eq3A_120 = arith.constant 97 : i32
        %eq3A_121 = arith.cmpi eq, %add3A_31, %eq3A_120 : i32
        %jit3A_122 = arith.constant 768 : i32
        %jit3A_123 = arith.constant 1024 : i32
        %select_n3A_124 = arith.select %eq3A_121, %jit3A_122, %jit3A_123 : i32
        %multiple_of3A_125 = tpu.assume_multiple %select_n3A_124, 128 : i32
        %mul3A_126 = arith.constant 1024 : i32
        %mul3A_127 = arith.muli %add3A_31, %mul3A_126 : i32
        %dma_start3A_128 = arith.constant 0 : i32
        %dma_start3A_129 = arith.constant 0 : i32
        %dma_start3A_130 = tpu.memref_slice %run_scoped3A_18[%rem3A_117, %dma_start3A_128, %dma_start3A_129] <%multiple_of3A_125> : memref<2x1x1024xf32, #tpu.memory_space<vmem>> -> memref<1x1x?xf32, #tpu.memory_space<vmem>>
        %dma_start3A_131 = tpu.memref_squeeze %dma_start3A_130 : memref<1x1x?xf32, #tpu.memory_space<vmem>> -> memref<1x?xf32, #tpu.memory_space<vmem>>
        %dma_start3A_132 = arith.constant 0 : i32
        %dma_start3A_133 = tpu.memref_slice %arg3[%dma_start3A_132, %mul3A_127] <%multiple_of3A_125> : memref<1x100000xf32, #tpu.memory_space<hbm>> -> memref<1x?xf32, #tpu.memory_space<hbm>>
        %dma_start3A_134 = tpu.memref_slice %run_scoped3A_19[%rem3A_117] : memref<2x!tpu.dma_semaphore, #tpu.memory_space<semaphore_mem>> -> memref<1x!tpu.dma_semaphore, #tpu.memory_space<semaphore_mem>>
        %dma_start3A_135 = tpu.memref_squeeze %dma_start3A_134 : memref<1x!tpu.dma_semaphore, #tpu.memory_space<semaphore_mem>> -> memref<!tpu.dma_semaphore, #tpu.memory_space<semaphore_mem>>
        %dma_start3A_136 = arith.constant 0 : i32
        %dma_start3A_137 = arith.constant 0 : i32
        %dma_start3A_138 = tpu.memref_slice %run_scoped3A_18[%rem3A_117, %dma_start3A_136, %dma_start3A_137] <%multiple_of3A_125> : memref<2x1x1024xf32, #tpu.memory_space<vmem>> -> memref<1x1x?xf32, #tpu.memory_space<vmem>>
        %dma_start3A_139 = tpu.memref_squeeze %dma_start3A_138 : memref<1x1x?xf32, #tpu.memory_space<vmem>> -> memref<1x?xf32, #tpu.memory_space<vmem>>
        %dma_start3A_140 = arith.constant 0 : i32
        %dma_start3A_141 = tpu.memref_slice %arg3[%dma_start3A_140, %mul3A_127] <%multiple_of3A_125> : memref<1x100000xf32, #tpu.memory_space<hbm>> -> memref<1x?xf32, #tpu.memory_space<hbm>>
        tpu.enqueue_dma source(%dma_start3A_141 : memref<1x?xf32, #tpu.memory_space<hbm>>) target(%dma_start3A_139 : memref<1x?xf32, #tpu.memory_space<vmem>>) target_semaphore(%dma_start3A_135 : memref<!tpu.dma_semaphore, #tpu.memory_space<semaphore_mem>>)
        %add3A_142 = arith.constant 0 : i32
        %add3A_143 = arith.constant 1 : i32
        %add3A_144 = arith.addi %add3A_142, %add3A_143 : i32
        %select_n3A_145 = arith.constant true
        %select_n3A_146 = arith.constant 0 : i32
        %select_n3A_147 = arith.select %select_n3A_145, %add3A_144, %select_n3A_146 : i32
        %rem3A_148 = arith.constant 0 : i32
        %rem3A_149 = arith.constant 2 : i32
        %rem3A_150 = arith.remui %rem3A_148, %rem3A_149 : i32
        %mul3A_151 = arith.constant 1024 : i32
        %mul3A_152 = arith.muli %mul3A_151, %add3A_31 : i32
        %eq3A_153 = arith.constant 97 : i32
        %eq3A_154 = arith.cmpi eq, %add3A_31, %eq3A_153 : i32
        %jit3A_155 = arith.constant 768 : i32
        %jit3A_156 = arith.constant 1024 : i32
        %select_n3A_157 = arith.select %eq3A_154, %jit3A_155, %jit3A_156 : i32
        %multiple_of3A_158 = tpu.assume_multiple %select_n3A_157, 128 : i32
        %mul3A_159 = arith.constant 1024 : i32
        %mul3A_160 = arith.muli %add3A_31, %mul3A_159 : i32
        %dma_start3A_161 = arith.constant 0 : i32
        %dma_start3A_162 = arith.constant 0 : i32
        %dma_start3A_163 = tpu.memref_slice %run_scoped3A_20[%rem3A_150, %dma_start3A_161, %dma_start3A_162] <%multiple_of3A_158> : memref<2x16x1024xf32, #tpu.memory_space<vmem>> -> memref<1x16x?xf32, #tpu.memory_space<vmem>>
        %dma_start3A_164 = tpu.memref_squeeze %dma_start3A_163 : memref<1x16x?xf32, #tpu.memory_space<vmem>> -> memref<16x?xf32, #tpu.memory_space<vmem>>
        %dma_start3A_165 = arith.constant 0 : i32
        %dma_start3A_166 = tpu.memref_slice %arg4[%dma_start3A_165, %mul3A_160] <%multiple_of3A_158> : memref<128x100000xf32, #tpu.memory_space<hbm>> -> memref<16x?xf32, #tpu.memory_space<hbm>>
        %dma_start3A_167 = tpu.memref_slice %run_scoped3A_21[%rem3A_150] : memref<2x!tpu.dma_semaphore, #tpu.memory_space<semaphore_mem>> -> memref<1x!tpu.dma_semaphore, #tpu.memory_space<semaphore_mem>>
        %dma_start3A_168 = tpu.memref_squeeze %dma_start3A_167 : memref<1x!tpu.dma_semaphore, #tpu.memory_space<semaphore_mem>> -> memref<!tpu.dma_semaphore, #tpu.memory_space<semaphore_mem>>
        %dma_start3A_169 = arith.constant 0 : i32
        %dma_start3A_170 = arith.constant 0 : i32
        %dma_start3A_171 = tpu.memref_slice %run_scoped3A_20[%rem3A_150, %dma_start3A_169, %dma_start3A_170] <%multiple_of3A_158> : memref<2x16x1024xf32, #tpu.memory_space<vmem>> -> memref<1x16x?xf32, #tpu.memory_space<vmem>>
        %dma_start3A_172 = tpu.memref_squeeze %dma_start3A_171 : memref<1x16x?xf32, #tpu.memory_space<vmem>> -> memref<16x?xf32, #tpu.memory_space<vmem>>
        %dma_start3A_173 = arith.constant 0 : i32
        %dma_start3A_174 = tpu.memref_slice %arg4[%dma_start3A_173, %mul3A_160] <%multiple_of3A_158> : memref<128x100000xf32, #tpu.memory_space<hbm>> -> memref<16x?xf32, #tpu.memory_space<hbm>>
        tpu.enqueue_dma source(%dma_start3A_174 : memref<16x?xf32, #tpu.memory_space<hbm>>) target(%dma_start3A_172 : memref<16x?xf32, #tpu.memory_space<vmem>>) target_semaphore(%dma_start3A_168 : memref<!tpu.dma_semaphore, #tpu.memory_space<semaphore_mem>>)
        %add3A_175 = arith.constant 0 : i32
        %add3A_176 = arith.constant 1 : i32
        %add3A_177 = arith.addi %add3A_175, %add3A_176 : i32
        %select_n3A_178 = arith.constant true
        %select_n3A_179 = arith.constant 0 : i32
        %select_n3A_180 = arith.select %select_n3A_178, %add3A_177, %select_n3A_179 : i32
        %while3A = arith.constant 0 : i32
        %while3A_181 = arith.constant 0 : i32
        %while3A_182 = arith.constant 0 : i32
        %while3A_183 = arith.constant 0 : i32
        %while3A_184 = arith.constant 0 : i32
        %while3A_185 = arith.constant 0 : i32
        %while3A_186 = arith.constant 0 : i32
        %while3A_187 = arith.constant 0 : i32
        "tpu.trace_stop"() : () -> ()
        %while3A_188 = arith.subi %mul3A_16, %while3A : i32
        %while3A_189 = arith.addi %while3A, %while3A_188 : i32
        %while3A_190 = arith.constant 1 : i32
        %while3A_191 = arith.divsi %while3A_188, %while3A_190 : i32
        %while3A_192 = arith.muli %while3A_191, %while3A_190 : i32
        %while3A_193 = arith.addi %while3A, %while3A_192 : i32
        %while3A_194 = arith.constant 1 : i32
        %while3A_195:10 = scf.for %while3A_291 = %while3A to %while3A_193 step %while3A_194 iter_args(%while3A_292 = %select_n3A_114, %while3A_293 = %while3A_181, %while3A_294 = %select_n3A_147, %while3A_295 = %while3A_182, %while3A_296 = %select_n3A_180, %while3A_297 = %while3A_183, %while3A_298 = %while3A_184, %while3A_299 = %while3A_185, %while3A_300 = %while3A_186, %while3A_301 = %while3A_187) -> (i32, i32, i32, i32, i32, i32, i32, i32, i32, i32)  : i32 {
          %mul3A_302 = arith.constant 8 : i32
          %mul3A_303 = arith.muli %mul3A_302, %select_n3A : i32
          %eq3A_304 = arith.constant 0 : i32
          %eq3A_305 = arith.cmpi eq, %while3A_291, %eq3A_304 : i32
          %sub3A_306 = arith.constant 1 : i32
          %sub3A_307 = arith.subi %mul3A_303, %sub3A_306 : i32
          %eq3A_308 = arith.cmpi eq, %while3A_291, %sub3A_307 : i32
          %add3A_309 = arith.constant 0 : i32
          %add3A_310 = arith.addi %while3A_300, %add3A_309 : i32
          %add3A_311 = arith.addi %while3A_301, %select_n3A_14 : i32
          %sub3A_312 = arith.constant 1 : i32
          %sub3A_313 = arith.subi %while3A_301, %sub3A_312 : i32
          %select_n3A_314 = arith.constant true
          %select_n3A_315 = arith.select %select_n3A_314, %sub3A_313, %while3A_301 : i32
          %eq3A_316 = arith.constant -1 : i32
          %eq3A_317 = arith.cmpi eq, %select_n3A_315, %eq3A_316 : i32
          %sub3A_318 = arith.constant 1 : i32
          %sub3A_319 = arith.subi %select_n3A, %sub3A_318 : i32
          %select_n3A_320 = arith.select %eq3A_317, %sub3A_319, %select_n3A_315 : i32
          %sub3A_321 = arith.constant 1 : i32
          %sub3A_322 = arith.subi %while3A_300, %sub3A_321 : i32
          %select_n3A_323 = arith.select %eq3A_317, %sub3A_322, %while3A_300 : i32
          %eq3A_324 = arith.constant -1 : i32
          %eq3A_325 = arith.cmpi eq, %select_n3A_323, %eq3A_324 : i32
          %select_n3A_326 = arith.constant 7 : i32
          %select_n3A_327 = arith.select %eq3A_325, %select_n3A_326, %select_n3A_323 : i32
          %add3A_328 = arith.constant 0 : i32
          %add3A_329 = arith.addi %select_n3A_327, %add3A_328 : i32
          %add3A_330 = arith.addi %select_n3A_320, %select_n3A_14 : i32
          %add3A_331 = arith.constant 1 : i32
          %add3A_332 = arith.addi %while3A_301, %add3A_331 : i32
          %select_n3A_333 = arith.constant true
          %select_n3A_334 = arith.select %select_n3A_333, %add3A_332, %while3A_301 : i32
          %eq3A_335 = arith.cmpi eq, %select_n3A_334, %select_n3A : i32
          %select_n3A_336 = arith.constant 0 : i32
          %select_n3A_337 = arith.select %eq3A_335, %select_n3A_336, %select_n3A_334 : i32
          %add3A_338 = arith.constant 1 : i32
          %add3A_339 = arith.addi %while3A_300, %add3A_338 : i32
          %select_n3A_340 = arith.select %eq3A_335, %add3A_339, %while3A_300 : i32
          %eq3A_341 = arith.constant 8 : i32
          %eq3A_342 = arith.cmpi eq, %select_n3A_340, %eq3A_341 : i32
          %select_n3A_343 = arith.constant 0 : i32
          %select_n3A_344 = arith.select %eq3A_342, %select_n3A_343, %select_n3A_340 : i32
          %add3A_345 = arith.constant 0 : i32
          %add3A_346 = arith.addi %select_n3A_344, %add3A_345 : i32
          %add3A_347 = arith.addi %select_n3A_337, %select_n3A_14 : i32
          %add3A_348 = arith.constant 1 : i32
          %add3A_349 = arith.addi %select_n3A_337, %add3A_348 : i32
          %select_n3A_350 = arith.constant true
          %select_n3A_351 = arith.select %select_n3A_350, %add3A_349, %select_n3A_337 : i32
          %eq3A_352 = arith.cmpi eq, %select_n3A_351, %select_n3A : i32
          %select_n3A_353 = arith.constant 0 : i32
          %select_n3A_354 = arith.select %eq3A_352, %select_n3A_353, %select_n3A_351 : i32
          %add3A_355 = arith.constant 1 : i32
          %add3A_356 = arith.addi %select_n3A_344, %add3A_355 : i32
          %select_n3A_357 = arith.select %eq3A_352, %add3A_356, %select_n3A_344 : i32
          %eq3A_358 = arith.constant 8 : i32
          %eq3A_359 = arith.cmpi eq, %select_n3A_357, %eq3A_358 : i32
          %select_n3A_360 = arith.constant 0 : i32
          %select_n3A_361 = arith.select %eq3A_359, %select_n3A_360, %select_n3A_357 : i32
          %add3A_362 = arith.constant 0 : i32
          %add3A_363 = arith.addi %select_n3A_361, %add3A_362 : i32
          %add3A_364 = arith.addi %select_n3A_354, %select_n3A_14 : i32
          %ne3A = arith.cmpi ne, %add3A_311, %add3A_347 : i32
          %or3A = arith.constant false
          %or3A_365 = arith.ori %or3A, %ne3A : i1
          %sub3A_366 = arith.constant 2 : i32
          %sub3A_367 = arith.subi %mul3A_303, %sub3A_366 : i32
          %add3A_368 = arith.constant 1 : i32
          %add3A_369 = arith.addi %sub3A_367, %add3A_368 : i32
          %ge3A = arith.cmpi sge, %while3A_291, %add3A_369 : i32
          %not3A = arith.constant true
          %not3A_370 = arith.xori %ge3A, %not3A : i1
          %and3A = arith.andi %or3A_365, %not3A_370 : i1
          %convert_element_type3A_371 = arith.extui %and3A : i1 to i32
          %cond3A_372 = arith.constant 0 : i32
          %cond3A_373 = arith.cmpi ne, %convert_element_type3A_371, %cond3A_372 : i32
          scf.if %cond3A_373 {
            "tpu.trace_start"() <{level = 10 : i32, message = "ep_copy_in"}> : () -> ()
            %rem3A_605 = arith.constant 2 : i32
            %rem3A_606 = arith.remui %while3A_292, %rem3A_605 : i32
            %mul3A_607 = arith.constant 1024 : i32
            %mul3A_608 = arith.muli %mul3A_607, %add3A_347 : i32
            %eq3A_609 = arith.constant 97 : i32
            %eq3A_610 = arith.cmpi eq, %add3A_347, %eq3A_609 : i32
            %jit3A_611 = arith.constant 768 : i32
            %jit3A_612 = arith.constant 1024 : i32
            %select_n3A_613 = arith.select %eq3A_610, %jit3A_611, %jit3A_612 : i32
            %multiple_of3A_614 = tpu.assume_multiple %select_n3A_613, 128 : i32
            %mul3A_615 = arith.constant 1024 : i32
            %mul3A_616 = arith.muli %add3A_347, %mul3A_615 : i32
            %dma_start3A_617 = arith.constant 0 : i32
            %dma_start3A_618 = arith.constant 0 : i32
            %dma_start3A_619 = tpu.memref_slice %run_scoped3A[%rem3A_606, %dma_start3A_617, %dma_start3A_618] <%multiple_of3A_614> : memref<2x1x1024xf32, #tpu.memory_space<vmem>> -> memref<1x1x?xf32, #tpu.memory_space<vmem>>
            %dma_start3A_620 = tpu.memref_squeeze %dma_start3A_619 : memref<1x1x?xf32, #tpu.memory_space<vmem>> -> memref<1x?xf32, #tpu.memory_space<vmem>>
            %dma_start3A_621 = arith.constant 0 : i32
            %dma_start3A_622 = tpu.memref_slice %arg2[%dma_start3A_621, %mul3A_616] <%multiple_of3A_614> : memref<1x100000xf32, #tpu.memory_space<hbm>> -> memref<1x?xf32, #tpu.memory_space<hbm>>
            %dma_start3A_623 = tpu.memref_slice %run_scoped3A_17[%rem3A_606] : memref<2x!tpu.dma_semaphore, #tpu.memory_space<semaphore_mem>> -> memref<1x!tpu.dma_semaphore, #tpu.memory_space<semaphore_mem>>
            %dma_start3A_624 = tpu.memref_squeeze %dma_start3A_623 : memref<1x!tpu.dma_semaphore, #tpu.memory_space<semaphore_mem>> -> memref<!tpu.dma_semaphore, #tpu.memory_space<semaphore_mem>>
            %dma_start3A_625 = arith.constant 0 : i32
            %dma_start3A_626 = arith.constant 0 : i32
            %dma_start3A_627 = tpu.memref_slice %run_scoped3A[%rem3A_606, %dma_start3A_625, %dma_start3A_626] <%multiple_of3A_614> : memref<2x1x1024xf32, #tpu.memory_space<vmem>> -> memref<1x1x?xf32, #tpu.memory_space<vmem>>
            %dma_start3A_628 = tpu.memref_squeeze %dma_start3A_627 : memref<1x1x?xf32, #tpu.memory_space<vmem>> -> memref<1x?xf32, #tpu.memory_space<vmem>>
            %dma_start3A_629 = arith.constant 0 : i32
            %dma_start3A_630 = tpu.memref_slice %arg2[%dma_start3A_629, %mul3A_616] <%multiple_of3A_614> : memref<1x100000xf32, #tpu.memory_space<hbm>> -> memref<1x?xf32, #tpu.memory_space<hbm>>
            tpu.enqueue_dma source(%dma_start3A_630 : memref<1x?xf32, #tpu.memory_space<hbm>>) target(%dma_start3A_628 : memref<1x?xf32, #tpu.memory_space<vmem>>) target_semaphore(%dma_start3A_624 : memref<!tpu.dma_semaphore, #tpu.memory_space<semaphore_mem>>)
            "tpu.trace_stop"() : () -> ()
          } else {
          }
          %and3A_374 = arith.constant true
          %and3A_375 = arith.andi %and3A, %and3A_374 : i1
          %add3A_376 = arith.constant 1 : i32
          %add3A_377 = arith.addi %while3A_292, %add3A_376 : i32
          %select_n3A_378 = arith.select %and3A_375, %add3A_377, %while3A_292 : i32
          %ne3A_379 = arith.cmpi ne, %add3A_311, %add3A_347 : i32
          %or3A_380 = arith.constant false
          %or3A_381 = arith.ori %or3A_380, %ne3A_379 : i1
          %sub3A_382 = arith.constant 2 : i32
          %sub3A_383 = arith.subi %mul3A_303, %sub3A_382 : i32
          %add3A_384 = arith.constant 1 : i32
          %add3A_385 = arith.addi %sub3A_383, %add3A_384 : i32
          %ge3A_386 = arith.cmpi sge, %while3A_291, %add3A_385 : i32
          %not3A_387 = arith.constant true
          %not3A_388 = arith.xori %ge3A_386, %not3A_387 : i1
          %and3A_389 = arith.andi %or3A_381, %not3A_388 : i1
          %convert_element_type3A_390 = arith.extui %and3A_389 : i1 to i32
          %cond3A_391 = arith.constant 0 : i32
          %cond3A_392 = arith.cmpi ne, %convert_element_type3A_390, %cond3A_391 : i32
          scf.if %cond3A_392 {
            "tpu.trace_start"() <{level = 10 : i32, message = "ep_copy_in"}> : () -> ()
            %rem3A_605 = arith.constant 2 : i32
            %rem3A_606 = arith.remui %while3A_294, %rem3A_605 : i32
            %mul3A_607 = arith.constant 1024 : i32
            %mul3A_608 = arith.muli %mul3A_607, %add3A_347 : i32
            %eq3A_609 = arith.constant 97 : i32
            %eq3A_610 = arith.cmpi eq, %add3A_347, %eq3A_609 : i32
            %jit3A_611 = arith.constant 768 : i32
            %jit3A_612 = arith.constant 1024 : i32
            %select_n3A_613 = arith.select %eq3A_610, %jit3A_611, %jit3A_612 : i32
            %multiple_of3A_614 = tpu.assume_multiple %select_n3A_613, 128 : i32
            %mul3A_615 = arith.constant 1024 : i32
            %mul3A_616 = arith.muli %add3A_347, %mul3A_615 : i32
            %dma_start3A_617 = arith.constant 0 : i32
            %dma_start3A_618 = arith.constant 0 : i32
            %dma_start3A_619 = tpu.memref_slice %run_scoped3A_18[%rem3A_606, %dma_start3A_617, %dma_start3A_618] <%multiple_of3A_614> : memref<2x1x1024xf32, #tpu.memory_space<vmem>> -> memref<1x1x?xf32, #tpu.memory_space<vmem>>
            %dma_start3A_620 = tpu.memref_squeeze %dma_start3A_619 : memref<1x1x?xf32, #tpu.memory_space<vmem>> -> memref<1x?xf32, #tpu.memory_space<vmem>>
            %dma_start3A_621 = arith.constant 0 : i32
            %dma_start3A_622 = tpu.memref_slice %arg3[%dma_start3A_621, %mul3A_616] <%multiple_of3A_614> : memref<1x100000xf32, #tpu.memory_space<hbm>> -> memref<1x?xf32, #tpu.memory_space<hbm>>
            %dma_start3A_623 = tpu.memref_slice %run_scoped3A_19[%rem3A_606] : memref<2x!tpu.dma_semaphore, #tpu.memory_space<semaphore_mem>> -> memref<1x!tpu.dma_semaphore, #tpu.memory_space<semaphore_mem>>
            %dma_start3A_624 = tpu.memref_squeeze %dma_start3A_623 : memref<1x!tpu.dma_semaphore, #tpu.memory_space<semaphore_mem>> -> memref<!tpu.dma_semaphore, #tpu.memory_space<semaphore_mem>>
            %dma_start3A_625 = arith.constant 0 : i32
            %dma_start3A_626 = arith.constant 0 : i32
            %dma_start3A_627 = tpu.memref_slice %run_scoped3A_18[%rem3A_606, %dma_start3A_625, %dma_start3A_626] <%multiple_of3A_614> : memref<2x1x1024xf32, #tpu.memory_space<vmem>> -> memref<1x1x?xf32, #tpu.memory_space<vmem>>
            %dma_start3A_628 = tpu.memref_squeeze %dma_start3A_627 : memref<1x1x?xf32, #tpu.memory_space<vmem>> -> memref<1x?xf32, #tpu.memory_space<vmem>>
            %dma_start3A_629 = arith.constant 0 : i32
            %dma_start3A_630 = tpu.memref_slice %arg3[%dma_start3A_629, %mul3A_616] <%multiple_of3A_614> : memref<1x100000xf32, #tpu.memory_space<hbm>> -> memref<1x?xf32, #tpu.memory_space<hbm>>
            tpu.enqueue_dma source(%dma_start3A_630 : memref<1x?xf32, #tpu.memory_space<hbm>>) target(%dma_start3A_628 : memref<1x?xf32, #tpu.memory_space<vmem>>) target_semaphore(%dma_start3A_624 : memref<!tpu.dma_semaphore, #tpu.memory_space<semaphore_mem>>)
            "tpu.trace_stop"() : () -> ()
          } else {
          }
          %and3A_393 = arith.constant true
          %and3A_394 = arith.andi %and3A_389, %and3A_393 : i1
          %add3A_395 = arith.constant 1 : i32
          %add3A_396 = arith.addi %while3A_294, %add3A_395 : i32
          %select_n3A_397 = arith.select %and3A_394, %add3A_396, %while3A_294 : i32
          %ne3A_398 = arith.cmpi ne, %add3A_310, %add3A_346 : i32
          %ne3A_399 = arith.cmpi ne, %add3A_311, %add3A_347 : i32
          %or3A_400 = arith.constant false
          %or3A_401 = arith.ori %or3A_400, %ne3A_398 : i1
          %or3A_402 = arith.ori %or3A_401, %ne3A_399 : i1
          %sub3A_403 = arith.constant 2 : i32
          %sub3A_404 = arith.subi %mul3A_303, %sub3A_403 : i32
          %add3A_405 = arith.constant 1 : i32
          %add3A_406 = arith.addi %sub3A_404, %add3A_405 : i32
          %ge3A_407 = arith.cmpi sge, %while3A_291, %add3A_406 : i32
          %not3A_408 = arith.constant true
          %not3A_409 = arith.xori %ge3A_407, %not3A_408 : i1
          %and3A_410 = arith.andi %or3A_402, %not3A_409 : i1
          %convert_element_type3A_411 = arith.extui %and3A_410 : i1 to i32
          %cond3A_412 = arith.constant 0 : i32
          %cond3A_413 = arith.cmpi ne, %convert_element_type3A_411, %cond3A_412 : i32
          scf.if %cond3A_413 {
            "tpu.trace_start"() <{level = 10 : i32, message = "ep_copy_in"}> : () -> ()
            %rem3A_605 = arith.constant 2 : i32
            %rem3A_606 = arith.remui %while3A_296, %rem3A_605 : i32
            %mul3A_607 = arith.constant 16 : i32
            %mul3A_608 = arith.muli %mul3A_607, %add3A_346 : i32
            %mul3A_609 = arith.constant 1024 : i32
            %mul3A_610 = arith.muli %mul3A_609, %add3A_347 : i32
            %eq3A_611 = arith.constant 97 : i32
            %eq3A_612 = arith.cmpi eq, %add3A_347, %eq3A_611 : i32
            %jit3A_613 = arith.constant 768 : i32
            %jit3A_614 = arith.constant 1024 : i32
            %select_n3A_615 = arith.select %eq3A_612, %jit3A_613, %jit3A_614 : i32
            %multiple_of3A_616 = tpu.assume_multiple %select_n3A_615, 128 : i32
            %mul3A_617 = arith.constant 1024 : i32
            %mul3A_618 = arith.muli %add3A_347, %mul3A_617 : i32
            %dma_start3A_619 = arith.constant 0 : i32
            %dma_start3A_620 = arith.constant 0 : i32
            %dma_start3A_621 = tpu.memref_slice %run_scoped3A_20[%rem3A_606, %dma_start3A_619, %dma_start3A_620] <%multiple_of3A_616> : memref<2x16x1024xf32, #tpu.memory_space<vmem>> -> memref<1x16x?xf32, #tpu.memory_space<vmem>>
            %dma_start3A_622 = tpu.memref_squeeze %dma_start3A_621 : memref<1x16x?xf32, #tpu.memory_space<vmem>> -> memref<16x?xf32, #tpu.memory_space<vmem>>
            %dma_start3A_623 = tpu.memref_slice %arg4[%mul3A_608, %mul3A_618] <%multiple_of3A_616> : memref<128x100000xf32, #tpu.memory_space<hbm>> -> memref<16x?xf32, #tpu.memory_space<hbm>>
            %dma_start3A_624 = tpu.memref_slice %run_scoped3A_21[%rem3A_606] : memref<2x!tpu.dma_semaphore, #tpu.memory_space<semaphore_mem>> -> memref<1x!tpu.dma_semaphore, #tpu.memory_space<semaphore_mem>>
            %dma_start3A_625 = tpu.memref_squeeze %dma_start3A_624 : memref<1x!tpu.dma_semaphore, #tpu.memory_space<semaphore_mem>> -> memref<!tpu.dma_semaphore, #tpu.memory_space<semaphore_mem>>
            %dma_start3A_626 = arith.constant 0 : i32
            %dma_start3A_627 = arith.constant 0 : i32
            %dma_start3A_628 = tpu.memref_slice %run_scoped3A_20[%rem3A_606, %dma_start3A_626, %dma_start3A_627] <%multiple_of3A_616> : memref<2x16x1024xf32, #tpu.memory_space<vmem>> -> memref<1x16x?xf32, #tpu.memory_space<vmem>>
            %dma_start3A_629 = tpu.memref_squeeze %dma_start3A_628 : memref<1x16x?xf32, #tpu.memory_space<vmem>> -> memref<16x?xf32, #tpu.memory_space<vmem>>
            %dma_start3A_630 = tpu.memref_slice %arg4[%mul3A_608, %mul3A_618] <%multiple_of3A_616> : memref<128x100000xf32, #tpu.memory_space<hbm>> -> memref<16x?xf32, #tpu.memory_space<hbm>>
            tpu.enqueue_dma source(%dma_start3A_630 : memref<16x?xf32, #tpu.memory_space<hbm>>) target(%dma_start3A_629 : memref<16x?xf32, #tpu.memory_space<vmem>>) target_semaphore(%dma_start3A_625 : memref<!tpu.dma_semaphore, #tpu.memory_space<semaphore_mem>>)
            "tpu.trace_stop"() : () -> ()
          } else {
          }
          %and3A_414 = arith.constant true
          %and3A_415 = arith.andi %and3A_410, %and3A_414 : i1
          %add3A_416 = arith.constant 1 : i32
          %add3A_417 = arith.addi %while3A_296, %add3A_416 : i32
          %select_n3A_418 = arith.select %and3A_415, %add3A_417, %while3A_296 : i32
          %ne3A_419 = arith.cmpi ne, %add3A_310, %add3A_346 : i32
          %ne3A_420 = arith.cmpi ne, %add3A_311, %add3A_347 : i32
          %or3A_421 = arith.constant false
          %or3A_422 = arith.ori %or3A_421, %ne3A_419 : i1
          %or3A_423 = arith.ori %or3A_422, %ne3A_420 : i1
          %sub3A_424 = arith.constant 2 : i32
          %sub3A_425 = arith.subi %mul3A_303, %sub3A_424 : i32
          %add3A_426 = arith.constant 1 : i32
          %add3A_427 = arith.addi %sub3A_425, %add3A_426 : i32
          %ge3A_428 = arith.cmpi sge, %while3A_291, %add3A_427 : i32
          %not3A_429 = arith.constant true
          %not3A_430 = arith.xori %ge3A_428, %not3A_429 : i1
          %and3A_431 = arith.andi %or3A_423, %not3A_430 : i1
          %ne3A_432 = arith.cmpi ne, %add3A_311, %add3A_330 : i32
          %or3A_433 = arith.constant false
          %or3A_434 = arith.ori %or3A_433, %ne3A_432 : i1
          %or3A_435 = arith.ori %or3A_434, %eq3A_305 : i1
          %convert_element_type3A_436 = arith.extui %or3A_435 : i1 to i32
          %cond3A_437 = arith.constant 0 : i32
          %cond3A_438 = arith.cmpi ne, %convert_element_type3A_436, %cond3A_437 : i32
          scf.if %cond3A_438 {
            "tpu.trace_start"() <{level = 10 : i32, message = "ep_wait_in"}> : () -> ()
            %mul3A_605 = arith.constant 1024 : i32
            %mul3A_606 = arith.muli %mul3A_605, %add3A_311 : i32
            %eq3A_607 = arith.constant 97 : i32
            %eq3A_608 = arith.cmpi eq, %add3A_311, %eq3A_607 : i32
            %jit3A_609 = arith.constant 768 : i32
            %jit3A_610 = arith.constant 1024 : i32
            %select_n3A_611 = arith.select %eq3A_608, %jit3A_609, %jit3A_610 : i32
            %multiple_of3A_612 = tpu.assume_multiple %select_n3A_611, 128 : i32
            %mul3A_613 = arith.constant 1024 : i32
            %mul3A_614 = arith.muli %add3A_311, %mul3A_613 : i32
            %rem3A_615 = arith.constant 2 : i32
            %rem3A_616 = arith.remui %while3A_293, %rem3A_615 : i32
            %dma_wait3A = arith.constant 0 : i32
            %dma_wait3A_617 = arith.constant 0 : i32
            %dma_wait3A_618 = tpu.memref_slice %run_scoped3A[%rem3A_616, %dma_wait3A, %dma_wait3A_617] <%multiple_of3A_612> : memref<2x1x1024xf32, #tpu.memory_space<vmem>> -> memref<1x1x?xf32, #tpu.memory_space<vmem>>
            %dma_wait3A_619 = tpu.memref_squeeze %dma_wait3A_618 : memref<1x1x?xf32, #tpu.memory_space<vmem>> -> memref<1x?xf32, #tpu.memory_space<vmem>>
            %dma_wait3A_620 = arith.constant 0 : i32
            %dma_wait3A_621 = tpu.memref_slice %arg2[%dma_wait3A_620, %mul3A_614] <%multiple_of3A_612> : memref<1x100000xf32, #tpu.memory_space<hbm>> -> memref<1x?xf32, #tpu.memory_space<hbm>>
            %dma_wait3A_622 = tpu.memref_slice %run_scoped3A_17[%rem3A_616] : memref<2x!tpu.dma_semaphore, #tpu.memory_space<semaphore_mem>> -> memref<1x!tpu.dma_semaphore, #tpu.memory_space<semaphore_mem>>
            %dma_wait3A_623 = tpu.memref_squeeze %dma_wait3A_622 : memref<1x!tpu.dma_semaphore, #tpu.memory_space<semaphore_mem>> -> memref<!tpu.dma_semaphore, #tpu.memory_space<semaphore_mem>>
            %dma_wait3A_624 = arith.constant 0 : i32
            %dma_wait3A_625 = arith.constant 0 : i32
            %dma_wait3A_626 = tpu.memref_slice %run_scoped3A[%rem3A_616, %dma_wait3A_624, %dma_wait3A_625] <%multiple_of3A_612> : memref<2x1x1024xf32, #tpu.memory_space<vmem>> -> memref<1x1x?xf32, #tpu.memory_space<vmem>>
            %dma_wait3A_627 = tpu.memref_squeeze %dma_wait3A_626 : memref<1x1x?xf32, #tpu.memory_space<vmem>> -> memref<1x?xf32, #tpu.memory_space<vmem>>
            %dma_wait3A_628 = arith.constant 0 : i32
            %dma_wait3A_629 = tpu.memref_slice %arg2[%dma_wait3A_628, %mul3A_614] <%multiple_of3A_612> : memref<1x100000xf32, #tpu.memory_space<hbm>> -> memref<1x?xf32, #tpu.memory_space<hbm>>
            tpu.wait_dma2 semaphore(%dma_wait3A_623 : memref<!tpu.dma_semaphore, #tpu.memory_space<semaphore_mem>>) src(%dma_wait3A_629 : memref<1x?xf32, #tpu.memory_space<hbm>>) dst(%dma_wait3A_627 : memref<1x?xf32, #tpu.memory_space<vmem>>)
            "tpu.trace_stop"() : () -> ()
          } else {
          }
          %ne3A_439 = arith.cmpi ne, %add3A_311, %add3A_330 : i32
          %or3A_440 = arith.constant false
          %or3A_441 = arith.ori %or3A_440, %ne3A_439 : i1
          %or3A_442 = arith.ori %or3A_441, %eq3A_305 : i1
          %convert_element_type3A_443 = arith.extui %or3A_442 : i1 to i32
          %cond3A_444 = arith.constant 0 : i32
          %cond3A_445 = arith.cmpi ne, %convert_element_type3A_443, %cond3A_444 : i32
          scf.if %cond3A_445 {
            "tpu.trace_start"() <{level = 10 : i32, message = "ep_wait_in"}> : () -> ()
            %mul3A_605 = arith.constant 1024 : i32
            %mul3A_606 = arith.muli %mul3A_605, %add3A_311 : i32
            %eq3A_607 = arith.constant 97 : i32
            %eq3A_608 = arith.cmpi eq, %add3A_311, %eq3A_607 : i32
            %jit3A_609 = arith.constant 768 : i32
            %jit3A_610 = arith.constant 1024 : i32
            %select_n3A_611 = arith.select %eq3A_608, %jit3A_609, %jit3A_610 : i32
            %multiple_of3A_612 = tpu.assume_multiple %select_n3A_611, 128 : i32
            %mul3A_613 = arith.constant 1024 : i32
            %mul3A_614 = arith.muli %add3A_311, %mul3A_613 : i32
            %rem3A_615 = arith.constant 2 : i32
            %rem3A_616 = arith.remui %while3A_295, %rem3A_615 : i32
            %dma_wait3A = arith.constant 0 : i32
            %dma_wait3A_617 = arith.constant 0 : i32
            %dma_wait3A_618 = tpu.memref_slice %run_scoped3A_18[%rem3A_616, %dma_wait3A, %dma_wait3A_617] <%multiple_of3A_612> : memref<2x1x1024xf32, #tpu.memory_space<vmem>> -> memref<1x1x?xf32, #tpu.memory_space<vmem>>
            %dma_wait3A_619 = tpu.memref_squeeze %dma_wait3A_618 : memref<1x1x?xf32, #tpu.memory_space<vmem>> -> memref<1x?xf32, #tpu.memory_space<vmem>>
            %dma_wait3A_620 = arith.constant 0 : i32
            %dma_wait3A_621 = tpu.memref_slice %arg3[%dma_wait3A_620, %mul3A_614] <%multiple_of3A_612> : memref<1x100000xf32, #tpu.memory_space<hbm>> -> memref<1x?xf32, #tpu.memory_space<hbm>>
            %dma_wait3A_622 = tpu.memref_slice %run_scoped3A_19[%rem3A_616] : memref<2x!tpu.dma_semaphore, #tpu.memory_space<semaphore_mem>> -> memref<1x!tpu.dma_semaphore, #tpu.memory_space<semaphore_mem>>
            %dma_wait3A_623 = tpu.memref_squeeze %dma_wait3A_622 : memref<1x!tpu.dma_semaphore, #tpu.memory_space<semaphore_mem>> -> memref<!tpu.dma_semaphore, #tpu.memory_space<semaphore_mem>>
            %dma_wait3A_624 = arith.constant 0 : i32
            %dma_wait3A_625 = arith.constant 0 : i32
            %dma_wait3A_626 = tpu.memref_slice %run_scoped3A_18[%rem3A_616, %dma_wait3A_624, %dma_wait3A_625] <%multiple_of3A_612> : memref<2x1x1024xf32, #tpu.memory_space<vmem>> -> memref<1x1x?xf32, #tpu.memory_space<vmem>>
            %dma_wait3A_627 = tpu.memref_squeeze %dma_wait3A_626 : memref<1x1x?xf32, #tpu.memory_space<vmem>> -> memref<1x?xf32, #tpu.memory_space<vmem>>
            %dma_wait3A_628 = arith.constant 0 : i32
            %dma_wait3A_629 = tpu.memref_slice %arg3[%dma_wait3A_628, %mul3A_614] <%multiple_of3A_612> : memref<1x100000xf32, #tpu.memory_space<hbm>> -> memref<1x?xf32, #tpu.memory_space<hbm>>
            tpu.wait_dma2 semaphore(%dma_wait3A_623 : memref<!tpu.dma_semaphore, #tpu.memory_space<semaphore_mem>>) src(%dma_wait3A_629 : memref<1x?xf32, #tpu.memory_space<hbm>>) dst(%dma_wait3A_627 : memref<1x?xf32, #tpu.memory_space<vmem>>)
            "tpu.trace_stop"() : () -> ()
          } else {
          }
          %ne3A_446 = arith.cmpi ne, %add3A_310, %add3A_329 : i32
          %ne3A_447 = arith.cmpi ne, %add3A_311, %add3A_330 : i32
          %or3A_448 = arith.constant false
          %or3A_449 = arith.ori %or3A_448, %ne3A_446 : i1
          %or3A_450 = arith.ori %or3A_449, %ne3A_447 : i1
          %or3A_451 = arith.ori %or3A_450, %eq3A_305 : i1
          %convert_element_type3A_452 = arith.extui %or3A_451 : i1 to i32
          %cond3A_453 = arith.constant 0 : i32
          %cond3A_454 = arith.cmpi ne, %convert_element_type3A_452, %cond3A_453 : i32
          scf.if %cond3A_454 {
            "tpu.trace_start"() <{level = 10 : i32, message = "ep_wait_in"}> : () -> ()
            %mul3A_605 = arith.constant 16 : i32
            %mul3A_606 = arith.muli %mul3A_605, %add3A_310 : i32
            %mul3A_607 = arith.constant 1024 : i32
            %mul3A_608 = arith.muli %mul3A_607, %add3A_311 : i32
            %eq3A_609 = arith.constant 97 : i32
            %eq3A_610 = arith.cmpi eq, %add3A_311, %eq3A_609 : i32
            %jit3A_611 = arith.constant 768 : i32
            %jit3A_612 = arith.constant 1024 : i32
            %select_n3A_613 = arith.select %eq3A_610, %jit3A_611, %jit3A_612 : i32
            %multiple_of3A_614 = tpu.assume_multiple %select_n3A_613, 128 : i32
            %mul3A_615 = arith.constant 1024 : i32
            %mul3A_616 = arith.muli %add3A_311, %mul3A_615 : i32
            %rem3A_617 = arith.constant 2 : i32
            %rem3A_618 = arith.remui %while3A_297, %rem3A_617 : i32
            %dma_wait3A = arith.constant 0 : i32
            %dma_wait3A_619 = arith.constant 0 : i32
            %dma_wait3A_620 = tpu.memref_slice %run_scoped3A_20[%rem3A_618, %dma_wait3A, %dma_wait3A_619] <%multiple_of3A_614> : memref<2x16x1024xf32, #tpu.memory_space<vmem>> -> memref<1x16x?xf32, #tpu.memory_space<vmem>>
            %dma_wait3A_621 = tpu.memref_squeeze %dma_wait3A_620 : memref<1x16x?xf32, #tpu.memory_space<vmem>> -> memref<16x?xf32, #tpu.memory_space<vmem>>
            %dma_wait3A_622 = tpu.memref_slice %arg4[%mul3A_606, %mul3A_616] <%multiple_of3A_614> : memref<128x100000xf32, #tpu.memory_space<hbm>> -> memref<16x?xf32, #tpu.memory_space<hbm>>
            %dma_wait3A_623 = tpu.memref_slice %run_scoped3A_21[%rem3A_618] : memref<2x!tpu.dma_semaphore, #tpu.memory_space<semaphore_mem>> -> memref<1x!tpu.dma_semaphore, #tpu.memory_space<semaphore_mem>>
            %dma_wait3A_624 = tpu.memref_squeeze %dma_wait3A_623 : memref<1x!tpu.dma_semaphore, #tpu.memory_space<semaphore_mem>> -> memref<!tpu.dma_semaphore, #tpu.memory_space<semaphore_mem>>
            %dma_wait3A_625 = arith.constant 0 : i32
            %dma_wait3A_626 = arith.constant 0 : i32
            %dma_wait3A_627 = tpu.memref_slice %run_scoped3A_20[%rem3A_618, %dma_wait3A_625, %dma_wait3A_626] <%multiple_of3A_614> : memref<2x16x1024xf32, #tpu.memory_space<vmem>> -> memref<1x16x?xf32, #tpu.memory_space<vmem>>
            %dma_wait3A_628 = tpu.memref_squeeze %dma_wait3A_627 : memref<1x16x?xf32, #tpu.memory_space<vmem>> -> memref<16x?xf32, #tpu.memory_space<vmem>>
            %dma_wait3A_629 = tpu.memref_slice %arg4[%mul3A_606, %mul3A_616] <%multiple_of3A_614> : memref<128x100000xf32, #tpu.memory_space<hbm>> -> memref<16x?xf32, #tpu.memory_space<hbm>>
            tpu.wait_dma2 semaphore(%dma_wait3A_624 : memref<!tpu.dma_semaphore, #tpu.memory_space<semaphore_mem>>) src(%dma_wait3A_629 : memref<16x?xf32, #tpu.memory_space<hbm>>) dst(%dma_wait3A_628 : memref<16x?xf32, #tpu.memory_space<vmem>>)
            "tpu.trace_stop"() : () -> ()
          } else {
          }
          %ne3A_455 = arith.cmpi ne, %add3A_310, %add3A_329 : i32
          %ne3A_456 = arith.cmpi ne, %add3A_311, %add3A_330 : i32
          %or3A_457 = arith.constant false
          %or3A_458 = arith.ori %or3A_457, %ne3A_455 : i1
          %or3A_459 = arith.ori %or3A_458, %ne3A_456 : i1
          %or3A_460 = arith.ori %or3A_459, %eq3A_305 : i1
          %convert_element_type3A_461 = arith.extui %or3A_460 : i1 to i32
          %cond3A_462 = arith.constant 0 : i32
          %cond3A_463 = arith.cmpi ne, %convert_element_type3A_461, %cond3A_462 : i32
          scf.if %cond3A_463 {
          } else {
          }
          %rem3A_464 = arith.constant 2 : i32
          %rem3A_465 = arith.remui %while3A_293, %rem3A_464 : i32
          %rem3A_466 = arith.constant 2 : i32
          %rem3A_467 = arith.remui %while3A_295, %rem3A_466 : i32
          %rem3A_468 = arith.constant 2 : i32
          %rem3A_469 = arith.remui %while3A_297, %rem3A_468 : i32
          %rem3A_470 = arith.constant 2 : i32
          %rem3A_471 = arith.remui %while3A_298, %rem3A_470 : i32
          %parallel_loop3A = arith.constant 0 : i32
          %parallel_loop3A_472 = arith.constant 1024 : i32
          %parallel_loop3A_473 = arith.constant 16 : i32
          "tpu.trace_start"() <{level = 10 : i32, message = "ep_run_kernel"}> : () -> ()
          scf.for %parallel_loop3A_605 = %parallel_loop3A to %parallel_loop3A_472 step %parallel_loop3A_473  : i32 {
            %parallel_loop3A_606 = arith.constant 0 : i32
            %parallel_loop3A_607 = arith.constant 0 : i32
            %parallel_loop3A_608 = arith.constant 0 : i32
            %parallel_loop3A_609 = tpu.memref_slice %run_scoped3A[%rem3A_465, %parallel_loop3A_607, %parallel_loop3A_608] : memref<2x1x1024xf32, #tpu.memory_space<vmem>> -> memref<1x1x1024xf32, #tpu.memory_space<vmem>>
            %parallel_loop3A_610 = tpu.memref_squeeze %parallel_loop3A_609 : memref<1x1x1024xf32, #tpu.memory_space<vmem>> -> memref<1x1024xf32, #tpu.memory_space<vmem>>
            %parallel_loop3A_611 = arith.index_cast %parallel_loop3A_606 : i32 to index
            %parallel_loop3A_612 = arith.index_cast %parallel_loop3A_605 : i32 to index
            %parallel_loop3A_613 = tpu.vector_load %parallel_loop3A_610[%parallel_loop3A_611, %parallel_loop3A_612] {strides = array<i32>} : memref<1x1024xf32, #tpu.memory_space<vmem>>, vector<1x16xf32>,
            %parallel_loop3A_614 = vector.shape_cast %parallel_loop3A_613 : vector<1x16xf32> to vector<16xf32>
            %parallel_loop3A_615 = arith.constant 0 : i32
            %parallel_loop3A_616 = arith.constant 0 : i32
            %parallel_loop3A_617 = arith.constant 0 : i32
            %parallel_loop3A_618 = tpu.memref_slice %run_scoped3A_18[%rem3A_467, %parallel_loop3A_616, %parallel_loop3A_617] : memref<2x1x1024xf32, #tpu.memory_space<vmem>> -> memref<1x1x1024xf32, #tpu.memory_space<vmem>>
            %parallel_loop3A_619 = tpu.memref_squeeze %parallel_loop3A_618 : memref<1x1x1024xf32, #tpu.memory_space<vmem>> -> memref<1x1024xf32, #tpu.memory_space<vmem>>
            %parallel_loop3A_620 = arith.index_cast %parallel_loop3A_615 : i32 to index
            %parallel_loop3A_621 = arith.index_cast %parallel_loop3A_605 : i32 to index
            %parallel_loop3A_622 = tpu.vector_load %parallel_loop3A_619[%parallel_loop3A_620, %parallel_loop3A_621] {strides = array<i32>} : memref<1x1024xf32, #tpu.memory_space<vmem>>, vector<1x16xf32>,
            %parallel_loop3A_623 = vector.shape_cast %parallel_loop3A_622 : vector<1x16xf32> to vector<16xf32>
            %parallel_loop3A_624 = math.exp %parallel_loop3A_623 : vector<16xf32>
            %parallel_loop3A_625 = arith.constant 0 : i32
            %parallel_loop3A_626 = arith.constant 0 : i32
            %parallel_loop3A_627 = arith.constant 0 : i32
            %parallel_loop3A_628 = tpu.memref_slice %run_scoped3A_20[%rem3A_469, %parallel_loop3A_626, %parallel_loop3A_627] : memref<2x16x1024xf32, #tpu.memory_space<vmem>> -> memref<1x16x1024xf32, #tpu.memory_space<vmem>>
            %parallel_loop3A_629 = tpu.memref_squeeze %parallel_loop3A_628 : memref<1x16x1024xf32, #tpu.memory_space<vmem>> -> memref<16x1024xf32, #tpu.memory_space<vmem>>
            %parallel_loop3A_630 = arith.index_cast %parallel_loop3A_625 : i32 to index
            %parallel_loop3A_631 = arith.index_cast %parallel_loop3A_605 : i32 to index
            %parallel_loop3A_632 = tpu.vector_load %parallel_loop3A_629[%parallel_loop3A_630, %parallel_loop3A_631] {strides = array<i32>} : memref<16x1024xf32, #tpu.memory_space<vmem>>, vector<1x16xf32>,
            %parallel_loop3A_633 = vector.shape_cast %parallel_loop3A_632 : vector<1x16xf32> to vector<16xf32>
            %parallel_loop3A_634 = arith.mulf %parallel_loop3A_624, %parallel_loop3A_633 : vector<16xf32>
            %parallel_loop3A_635 = arith.addf %parallel_loop3A_614, %parallel_loop3A_634 : vector<16xf32>
            %parallel_loop3A_636 = arith.constant 0 : i32
            %parallel_loop3A_637 = arith.constant 0 : i32
            %parallel_loop3A_638 = arith.constant 0 : i32
            %parallel_loop3A_639 = tpu.memref_slice %run_scoped3A_22[%rem3A_471, %parallel_loop3A_637, %parallel_loop3A_638] : memref<2x16x1024xf32, #tpu.memory_space<vmem>> -> memref<1x16x1024xf32, #tpu.memory_space<vmem>>
            %parallel_loop3A_640 = tpu.memref_squeeze %parallel_loop3A_639 : memref<1x16x1024xf32, #tpu.memory_space<vmem>> -> memref<16x1024xf32, #tpu.memory_space<vmem>>
            %parallel_loop3A_641 = arith.index_cast %parallel_loop3A_636 : i32 to index
            %parallel_loop3A_642 = arith.index_cast %parallel_loop3A_605 : i32 to index
            %parallel_loop3A_643 = tpu.vector_load %parallel_loop3A_640[%parallel_loop3A_641, %parallel_loop3A_642] {strides = array<i32>} : memref<16x1024xf32, #tpu.memory_space<vmem>>, vector<1x16xf32>,
            %parallel_loop3A_644 = vector.shape_cast %parallel_loop3A_643 : vector<1x16xf32> to vector<16xf32>
            %parallel_loop3A_645 = vector.shape_cast %parallel_loop3A_635 : vector<16xf32> to vector<1x16xf32>
            tpu.vector_store %parallel_loop3A_640[%parallel_loop3A_641, %parallel_loop3A_642], %parallel_loop3A_645 {strides = array<i32>} : memref<16x1024xf32, #tpu.memory_space<vmem>>, vector<1x16xf32>,
            %parallel_loop3A_646 = arith.constant 1 : i32
            %parallel_loop3A_647 = arith.constant 0 : i32
            %parallel_loop3A_648 = arith.constant 0 : i32
            %parallel_loop3A_649 = tpu.memref_slice %run_scoped3A_20[%rem3A_469, %parallel_loop3A_647, %parallel_loop3A_648] : memref<2x16x1024xf32, #tpu.memory_space<vmem>> -> memref<1x16x1024xf32, #tpu.memory_space<vmem>>
            %parallel_loop3A_650 = tpu.memref_squeeze %parallel_loop3A_649 : memref<1x16x1024xf32, #tpu.memory_space<vmem>> -> memref<16x1024xf32, #tpu.memory_space<vmem>>
            %parallel_loop3A_651 = arith.index_cast %parallel_loop3A_646 : i32 to index
            %parallel_loop3A_652 = arith.index_cast %parallel_loop3A_605 : i32 to index
            %parallel_loop3A_653 = tpu.vector_load %parallel_loop3A_650[%parallel_loop3A_651, %parallel_loop3A_652] {strides = array<i32>} : memref<16x1024xf32, #tpu.memory_space<vmem>>, vector<1x16xf32>,
            %parallel_loop3A_654 = vector.shape_cast %parallel_loop3A_653 : vector<1x16xf32> to vector<16xf32>
            %parallel_loop3A_655 = arith.mulf %parallel_loop3A_624, %parallel_loop3A_654 : vector<16xf32>
            %parallel_loop3A_656 = arith.addf %parallel_loop3A_614, %parallel_loop3A_655 : vector<16xf32>
            %parallel_loop3A_657 = arith.constant 1 : i32
            %parallel_loop3A_658 = arith.constant 0 : i32
            %parallel_loop3A_659 = arith.constant 0 : i32
            %parallel_loop3A_660 = tpu.memref_slice %run_scoped3A_22[%rem3A_471, %parallel_loop3A_658, %parallel_loop3A_659] : memref<2x16x1024xf32, #tpu.memory_space<vmem>> -> memref<1x16x1024xf32, #tpu.memory_space<vmem>>
            %parallel_loop3A_661 = tpu.memref_squeeze %parallel_loop3A_660 : memref<1x16x1024xf32, #tpu.memory_space<vmem>> -> memref<16x1024xf32, #tpu.memory_space<vmem>>
            %parallel_loop3A_662 = arith.index_cast %parallel_loop3A_657 : i32 to index
            %parallel_loop3A_663 = arith.index_cast %parallel_loop3A_605 : i32 to index
            %parallel_loop3A_664 = tpu.vector_load %parallel_loop3A_661[%parallel_loop3A_662, %parallel_loop3A_663] {strides = array<i32>} : memref<16x1024xf32, #tpu.memory_space<vmem>>, vector<1x16xf32>,
            %parallel_loop3A_665 = vector.shape_cast %parallel_loop3A_664 : vector<1x16xf32> to vector<16xf32>
            %parallel_loop3A_666 = vector.shape_cast %parallel_loop3A_656 : vector<16xf32> to vector<1x16xf32>
            tpu.vector_store %parallel_loop3A_661[%parallel_loop3A_662, %parallel_loop3A_663], %parallel_loop3A_666 {strides = array<i32>} : memref<16x1024xf32, #tpu.memory_space<vmem>>, vector<1x16xf32>,
            %parallel_loop3A_667 = arith.constant 2 : i32
            %parallel_loop3A_668 = arith.constant 0 : i32
            %parallel_loop3A_669 = arith.constant 0 : i32
            %parallel_loop3A_670 = tpu.memref_slice %run_scoped3A_20[%rem3A_469, %parallel_loop3A_668, %parallel_loop3A_669] : memref<2x16x1024xf32, #tpu.memory_space<vmem>> -> memref<1x16x1024xf32, #tpu.memory_space<vmem>>
            %parallel_loop3A_671 = tpu.memref_squeeze %parallel_loop3A_670 : memref<1x16x1024xf32, #tpu.memory_space<vmem>> -> memref<16x1024xf32, #tpu.memory_space<vmem>>
            %parallel_loop3A_672 = arith.index_cast %parallel_loop3A_667 : i32 to index
            %parallel_loop3A_673 = arith.index_cast %parallel_loop3A_605 : i32 to index
            %parallel_loop3A_674 = tpu.vector_load %parallel_loop3A_671[%parallel_loop3A_672, %parallel_loop3A_673] {strides = array<i32>} : memref<16x1024xf32, #tpu.memory_space<vmem>>, vector<1x16xf32>,
            %parallel_loop3A_675 = vector.shape_cast %parallel_loop3A_674 : vector<1x16xf32> to vector<16xf32>
            %parallel_loop3A_676 = arith.mulf %parallel_loop3A_624, %parallel_loop3A_675 : vector<16xf32>
            %parallel_loop3A_677 = arith.addf %parallel_loop3A_614, %parallel_loop3A_676 : vector<16xf32>
            %parallel_loop3A_678 = arith.constant 2 : i32
            %parallel_loop3A_679 = arith.constant 0 : i32
            %parallel_loop3A_680 = arith.constant 0 : i32
            %parallel_loop3A_681 = tpu.memref_slice %run_scoped3A_22[%rem3A_471, %parallel_loop3A_679, %parallel_loop3A_680] : memref<2x16x1024xf32, #tpu.memory_space<vmem>> -> memref<1x16x1024xf32, #tpu.memory_space<vmem>>
            %parallel_loop3A_682 = tpu.memref_squeeze %parallel_loop3A_681 : memref<1x16x1024xf32, #tpu.memory_space<vmem>> -> memref<16x1024xf32, #tpu.memory_space<vmem>>
            %parallel_loop3A_683 = arith.index_cast %parallel_loop3A_678 : i32 to index
            %parallel_loop3A_684 = arith.index_cast %parallel_loop3A_605 : i32 to index
            %parallel_loop3A_685 = tpu.vector_load %parallel_loop3A_682[%parallel_loop3A_683, %parallel_loop3A_684] {strides = array<i32>} : memref<16x1024xf32, #tpu.memory_space<vmem>>, vector<1x16xf32>,
            %parallel_loop3A_686 = vector.shape_cast %parallel_loop3A_685 : vector<1x16xf32> to vector<16xf32>
            %parallel_loop3A_687 = vector.shape_cast %parallel_loop3A_677 : vector<16xf32> to vector<1x16xf32>
            tpu.vector_store %parallel_loop3A_682[%parallel_loop3A_683, %parallel_loop3A_684], %parallel_loop3A_687 {strides = array<i32>} : memref<16x1024xf32, #tpu.memory_space<vmem>>, vector<1x16xf32>,
            %parallel_loop3A_688 = arith.constant 3 : i32
            %parallel_loop3A_689 = arith.constant 0 : i32
            %parallel_loop3A_690 = arith.constant 0 : i32
            %parallel_loop3A_691 = tpu.memref_slice %run_scoped3A_20[%rem3A_469, %parallel_loop3A_689, %parallel_loop3A_690] : memref<2x16x1024xf32, #tpu.memory_space<vmem>> -> memref<1x16x1024xf32, #tpu.memory_space<vmem>>
            %parallel_loop3A_692 = tpu.memref_squeeze %parallel_loop3A_691 : memref<1x16x1024xf32, #tpu.memory_space<vmem>> -> memref<16x1024xf32, #tpu.memory_space<vmem>>
            %parallel_loop3A_693 = arith.index_cast %parallel_loop3A_688 : i32 to index
            %parallel_loop3A_694 = arith.index_cast %parallel_loop3A_605 : i32 to index
            %parallel_loop3A_695 = tpu.vector_load %parallel_loop3A_692[%parallel_loop3A_693, %parallel_loop3A_694] {strides = array<i32>} : memref<16x1024xf32, #tpu.memory_space<vmem>>, vector<1x16xf32>,
            %parallel_loop3A_696 = vector.shape_cast %parallel_loop3A_695 : vector<1x16xf32> to vector<16xf32>
            %parallel_loop3A_697 = arith.mulf %parallel_loop3A_624, %parallel_loop3A_696 : vector<16xf32>
            %parallel_loop3A_698 = arith.addf %parallel_loop3A_614, %parallel_loop3A_697 : vector<16xf32>
            %parallel_loop3A_699 = arith.constant 3 : i32
            %parallel_loop3A_700 = arith.constant 0 : i32
            %parallel_loop3A_701 = arith.constant 0 : i32
            %parallel_loop3A_702 = tpu.memref_slice %run_scoped3A_22[%rem3A_471, %parallel_loop3A_700, %parallel_loop3A_701] : memref<2x16x1024xf32, #tpu.memory_space<vmem>> -> memref<1x16x1024xf32, #tpu.memory_space<vmem>>
            %parallel_loop3A_703 = tpu.memref_squeeze %parallel_loop3A_702 : memref<1x16x1024xf32, #tpu.memory_space<vmem>> -> memref<16x1024xf32, #tpu.memory_space<vmem>>
            %parallel_loop3A_704 = arith.index_cast %parallel_loop3A_699 : i32 to index
            %parallel_loop3A_705 = arith.index_cast %parallel_loop3A_605 : i32 to index
            %parallel_loop3A_706 = tpu.vector_load %parallel_loop3A_703[%parallel_loop3A_704, %parallel_loop3A_705] {strides = array<i32>} : memref<16x1024xf32, #tpu.memory_space<vmem>>, vector<1x16xf32>,
            %parallel_loop3A_707 = vector.shape_cast %parallel_loop3A_706 : vector<1x16xf32> to vector<16xf32>
            %parallel_loop3A_708 = vector.shape_cast %parallel_loop3A_698 : vector<16xf32> to vector<1x16xf32>
            tpu.vector_store %parallel_loop3A_703[%parallel_loop3A_704, %parallel_loop3A_705], %parallel_loop3A_708 {strides = array<i32>} : memref<16x1024xf32, #tpu.memory_space<vmem>>, vector<1x16xf32>,
            %parallel_loop3A_709 = arith.constant 4 : i32
            %parallel_loop3A_710 = arith.constant 0 : i32
            %parallel_loop3A_711 = arith.constant 0 : i32
            %parallel_loop3A_712 = tpu.memref_slice %run_scoped3A_20[%rem3A_469, %parallel_loop3A_710, %parallel_loop3A_711] : memref<2x16x1024xf32, #tpu.memory_space<vmem>> -> memref<1x16x1024xf32, #tpu.memory_space<vmem>>
            %parallel_loop3A_713 = tpu.memref_squeeze %parallel_loop3A_712 : memref<1x16x1024xf32, #tpu.memory_space<vmem>> -> memref<16x1024xf32, #tpu.memory_space<vmem>>
            %parallel_loop3A_714 = arith.index_cast %parallel_loop3A_709 : i32 to index
            %parallel_loop3A_715 = arith.index_cast %parallel_loop3A_605 : i32 to index
            %parallel_loop3A_716 = tpu.vector_load %parallel_loop3A_713[%parallel_loop3A_714, %parallel_loop3A_715] {strides = array<i32>} : memref<16x1024xf32, #tpu.memory_space<vmem>>, vector<1x16xf32>,
            %parallel_loop3A_717 = vector.shape_cast %parallel_loop3A_716 : vector<1x16xf32> to vector<16xf32>
            %parallel_loop3A_718 = arith.mulf %parallel_loop3A_624, %parallel_loop3A_717 : vector<16xf32>
            %parallel_loop3A_719 = arith.addf %parallel_loop3A_614, %parallel_loop3A_718 : vector<16xf32>
            %parallel_loop3A_720 = arith.constant 4 : i32
            %parallel_loop3A_721 = arith.constant 0 : i32
            %parallel_loop3A_722 = arith.constant 0 : i32
            %parallel_loop3A_723 = tpu.memref_slice %run_scoped3A_22[%rem3A_471, %parallel_loop3A_721, %parallel_loop3A_722] : memref<2x16x1024xf32, #tpu.memory_space<vmem>> -> memref<1x16x1024xf32, #tpu.memory_space<vmem>>
            %parallel_loop3A_724 = tpu.memref_squeeze %parallel_loop3A_723 : memref<1x16x1024xf32, #tpu.memory_space<vmem>> -> memref<16x1024xf32, #tpu.memory_space<vmem>>
            %parallel_loop3A_725 = arith.index_cast %parallel_loop3A_720 : i32 to index
            %parallel_loop3A_726 = arith.index_cast %parallel_loop3A_605 : i32 to index
            %parallel_loop3A_727 = tpu.vector_load %parallel_loop3A_724[%parallel_loop3A_725, %parallel_loop3A_726] {strides = array<i32>} : memref<16x1024xf32, #tpu.memory_space<vmem>>, vector<1x16xf32>,
            %parallel_loop3A_728 = vector.shape_cast %parallel_loop3A_727 : vector<1x16xf32> to vector<16xf32>
            %parallel_loop3A_729 = vector.shape_cast %parallel_loop3A_719 : vector<16xf32> to vector<1x16xf32>
            tpu.vector_store %parallel_loop3A_724[%parallel_loop3A_725, %parallel_loop3A_726], %parallel_loop3A_729 {strides = array<i32>} : memref<16x1024xf32, #tpu.memory_space<vmem>>, vector<1x16xf32>,
            %parallel_loop3A_730 = arith.constant 5 : i32
            %parallel_loop3A_731 = arith.constant 0 : i32
            %parallel_loop3A_732 = arith.constant 0 : i32
            %parallel_loop3A_733 = tpu.memref_slice %run_scoped3A_20[%rem3A_469, %parallel_loop3A_731, %parallel_loop3A_732] : memref<2x16x1024xf32, #tpu.memory_space<vmem>> -> memref<1x16x1024xf32, #tpu.memory_space<vmem>>
            %parallel_loop3A_734 = tpu.memref_squeeze %parallel_loop3A_733 : memref<1x16x1024xf32, #tpu.memory_space<vmem>> -> memref<16x1024xf32, #tpu.memory_space<vmem>>
            %parallel_loop3A_735 = arith.index_cast %parallel_loop3A_730 : i32 to index
            %parallel_loop3A_736 = arith.index_cast %parallel_loop3A_605 : i32 to index
            %parallel_loop3A_737 = tpu.vector_load %parallel_loop3A_734[%parallel_loop3A_735, %parallel_loop3A_736] {strides = array<i32>} : memref<16x1024xf32, #tpu.memory_space<vmem>>, vector<1x16xf32>,
            %parallel_loop3A_738 = vector.shape_cast %parallel_loop3A_737 : vector<1x16xf32> to vector<16xf32>
            %parallel_loop3A_739 = arith.mulf %parallel_loop3A_624, %parallel_loop3A_738 : vector<16xf32>
            %parallel_loop3A_740 = arith.addf %parallel_loop3A_614, %parallel_loop3A_739 : vector<16xf32>
            %parallel_loop3A_741 = arith.constant 5 : i32
            %parallel_loop3A_742 = arith.constant 0 : i32
            %parallel_loop3A_743 = arith.constant 0 : i32
            %parallel_loop3A_744 = tpu.memref_slice %run_scoped3A_22[%rem3A_471, %parallel_loop3A_742, %parallel_loop3A_743] : memref<2x16x1024xf32, #tpu.memory_space<vmem>> -> memref<1x16x1024xf32, #tpu.memory_space<vmem>>
            %parallel_loop3A_745 = tpu.memref_squeeze %parallel_loop3A_744 : memref<1x16x1024xf32, #tpu.memory_space<vmem>> -> memref<16x1024xf32, #tpu.memory_space<vmem>>
            %parallel_loop3A_746 = arith.index_cast %parallel_loop3A_741 : i32 to index
            %parallel_loop3A_747 = arith.index_cast %parallel_loop3A_605 : i32 to index
            %parallel_loop3A_748 = tpu.vector_load %parallel_loop3A_745[%parallel_loop3A_746, %parallel_loop3A_747] {strides = array<i32>} : memref<16x1024xf32, #tpu.memory_space<vmem>>, vector<1x16xf32>,
            %parallel_loop3A_749 = vector.shape_cast %parallel_loop3A_748 : vector<1x16xf32> to vector<16xf32>
            %parallel_loop3A_750 = vector.shape_cast %parallel_loop3A_740 : vector<16xf32> to vector<1x16xf32>
            tpu.vector_store %parallel_loop3A_745[%parallel_loop3A_746, %parallel_loop3A_747], %parallel_loop3A_750 {strides = array<i32>} : memref<16x1024xf32, #tpu.memory_space<vmem>>, vector<1x16xf32>,
            %parallel_loop3A_751 = arith.constant 6 : i32
            %parallel_loop3A_752 = arith.constant 0 : i32
            %parallel_loop3A_753 = arith.constant 0 : i32
            %parallel_loop3A_754 = tpu.memref_slice %run_scoped3A_20[%rem3A_469, %parallel_loop3A_752, %parallel_loop3A_753] : memref<2x16x1024xf32, #tpu.memory_space<vmem>> -> memref<1x16x1024xf32, #tpu.memory_space<vmem>>
            %parallel_loop3A_755 = tpu.memref_squeeze %parallel_loop3A_754 : memref<1x16x1024xf32, #tpu.memory_space<vmem>> -> memref<16x1024xf32, #tpu.memory_space<vmem>>
            %parallel_loop3A_756 = arith.index_cast %parallel_loop3A_751 : i32 to index
            %parallel_loop3A_757 = arith.index_cast %parallel_loop3A_605 : i32 to index
            %parallel_loop3A_758 = tpu.vector_load %parallel_loop3A_755[%parallel_loop3A_756, %parallel_loop3A_757] {strides = array<i32>} : memref<16x1024xf32, #tpu.memory_space<vmem>>, vector<1x16xf32>,
            %parallel_loop3A_759 = vector.shape_cast %parallel_loop3A_758 : vector<1x16xf32> to vector<16xf32>
            %parallel_loop3A_760 = arith.mulf %parallel_loop3A_624, %parallel_loop3A_759 : vector<16xf32>
            %parallel_loop3A_761 = arith.addf %parallel_loop3A_614, %parallel_loop3A_760 : vector<16xf32>
            %parallel_loop3A_762 = arith.constant 6 : i32
            %parallel_loop3A_763 = arith.constant 0 : i32
            %parallel_loop3A_764 = arith.constant 0 : i32
            %parallel_loop3A_765 = tpu.memref_slice %run_scoped3A_22[%rem3A_471, %parallel_loop3A_763, %parallel_loop3A_764] : memref<2x16x1024xf32, #tpu.memory_space<vmem>> -> memref<1x16x1024xf32, #tpu.memory_space<vmem>>
            %parallel_loop3A_766 = tpu.memref_squeeze %parallel_loop3A_765 : memref<1x16x1024xf32, #tpu.memory_space<vmem>> -> memref<16x1024xf32, #tpu.memory_space<vmem>>
            %parallel_loop3A_767 = arith.index_cast %parallel_loop3A_762 : i32 to index
            %parallel_loop3A_768 = arith.index_cast %parallel_loop3A_605 : i32 to index
            %parallel_loop3A_769 = tpu.vector_load %parallel_loop3A_766[%parallel_loop3A_767, %parallel_loop3A_768] {strides = array<i32>} : memref<16x1024xf32, #tpu.memory_space<vmem>>, vector<1x16xf32>,
            %parallel_loop3A_770 = vector.shape_cast %parallel_loop3A_769 : vector<1x16xf32> to vector<16xf32>
            %parallel_loop3A_771 = vector.shape_cast %parallel_loop3A_761 : vector<16xf32> to vector<1x16xf32>
            tpu.vector_store %parallel_loop3A_766[%parallel_loop3A_767, %parallel_loop3A_768], %parallel_loop3A_771 {strides = array<i32>} : memref<16x1024xf32, #tpu.memory_space<vmem>>, vector<1x16xf32>,
            %parallel_loop3A_772 = arith.constant 7 : i32
            %parallel_loop3A_773 = arith.constant 0 : i32
            %parallel_loop3A_774 = arith.constant 0 : i32
            %parallel_loop3A_775 = tpu.memref_slice %run_scoped3A_20[%rem3A_469, %parallel_loop3A_773, %parallel_loop3A_774] : memref<2x16x1024xf32, #tpu.memory_space<vmem>> -> memref<1x16x1024xf32, #tpu.memory_space<vmem>>
            %parallel_loop3A_776 = tpu.memref_squeeze %parallel_loop3A_775 : memref<1x16x1024xf32, #tpu.memory_space<vmem>> -> memref<16x1024xf32, #tpu.memory_space<vmem>>
            %parallel_loop3A_777 = arith.index_cast %parallel_loop3A_772 : i32 to index
            %parallel_loop3A_778 = arith.index_cast %parallel_loop3A_605 : i32 to index
            %parallel_loop3A_779 = tpu.vector_load %parallel_loop3A_776[%parallel_loop3A_777, %parallel_loop3A_778] {strides = array<i32>} : memref<16x1024xf32, #tpu.memory_space<vmem>>, vector<1x16xf32>,
            %parallel_loop3A_780 = vector.shape_cast %parallel_loop3A_779 : vector<1x16xf32> to vector<16xf32>
            %parallel_loop3A_781 = arith.mulf %parallel_loop3A_624, %parallel_loop3A_780 : vector<16xf32>
            %parallel_loop3A_782 = arith.addf %parallel_loop3A_614, %parallel_loop3A_781 : vector<16xf32>
            %parallel_loop3A_783 = arith.constant 7 : i32
            %parallel_loop3A_784 = arith.constant 0 : i32
            %parallel_loop3A_785 = arith.constant 0 : i32
            %parallel_loop3A_786 = tpu.memref_slice %run_scoped3A_22[%rem3A_471, %parallel_loop3A_784, %parallel_loop3A_785] : memref<2x16x1024xf32, #tpu.memory_space<vmem>> -> memref<1x16x1024xf32, #tpu.memory_space<vmem>>
            %parallel_loop3A_787 = tpu.memref_squeeze %parallel_loop3A_786 : memref<1x16x1024xf32, #tpu.memory_space<vmem>> -> memref<16x1024xf32, #tpu.memory_space<vmem>>
            %parallel_loop3A_788 = arith.index_cast %parallel_loop3A_783 : i32 to index
            %parallel_loop3A_789 = arith.index_cast %parallel_loop3A_605 : i32 to index
            %parallel_loop3A_790 = tpu.vector_load %parallel_loop3A_787[%parallel_loop3A_788, %parallel_loop3A_789] {strides = array<i32>} : memref<16x1024xf32, #tpu.memory_space<vmem>>, vector<1x16xf32>,
            %parallel_loop3A_791 = vector.shape_cast %parallel_loop3A_790 : vector<1x16xf32> to vector<16xf32>
            %parallel_loop3A_792 = vector.shape_cast %parallel_loop3A_782 : vector<16xf32> to vector<1x16xf32>
            tpu.vector_store %parallel_loop3A_787[%parallel_loop3A_788, %parallel_loop3A_789], %parallel_loop3A_792 {strides = array<i32>} : memref<16x1024xf32, #tpu.memory_space<vmem>>, vector<1x16xf32>,
            %parallel_loop3A_793 = arith.constant 8 : i32
            %parallel_loop3A_794 = arith.constant 0 : i32
            %parallel_loop3A_795 = arith.constant 0 : i32
            %parallel_loop3A_796 = tpu.memref_slice %run_scoped3A_20[%rem3A_469, %parallel_loop3A_794, %parallel_loop3A_795] : memref<2x16x1024xf32, #tpu.memory_space<vmem>> -> memref<1x16x1024xf32, #tpu.memory_space<vmem>>
            %parallel_loop3A_797 = tpu.memref_squeeze %parallel_loop3A_796 : memref<1x16x1024xf32, #tpu.memory_space<vmem>> -> memref<16x1024xf32, #tpu.memory_space<vmem>>
            %parallel_loop3A_798 = arith.index_cast %parallel_loop3A_793 : i32 to index
            %parallel_loop3A_799 = arith.index_cast %parallel_loop3A_605 : i32 to index
            %parallel_loop3A_800 = tpu.vector_load %parallel_loop3A_797[%parallel_loop3A_798, %parallel_loop3A_799] {strides = array<i32>} : memref<16x1024xf32, #tpu.memory_space<vmem>>, vector<1x16xf32>,
            %parallel_loop3A_801 = vector.shape_cast %parallel_loop3A_800 : vector<1x16xf32> to vector<16xf32>
            %parallel_loop3A_802 = arith.mulf %parallel_loop3A_624, %parallel_loop3A_801 : vector<16xf32>
            %parallel_loop3A_803 = arith.addf %parallel_loop3A_614, %parallel_loop3A_802 : vector<16xf32>
            %parallel_loop3A_804 = arith.constant 8 : i32
            %parallel_loop3A_805 = arith.constant 0 : i32
            %parallel_loop3A_806 = arith.constant 0 : i32
            %parallel_loop3A_807 = tpu.memref_slice %run_scoped3A_22[%rem3A_471, %parallel_loop3A_805, %parallel_loop3A_806] : memref<2x16x1024xf32, #tpu.memory_space<vmem>> -> memref<1x16x1024xf32, #tpu.memory_space<vmem>>
            %parallel_loop3A_808 = tpu.memref_squeeze %parallel_loop3A_807 : memref<1x16x1024xf32, #tpu.memory_space<vmem>> -> memref<16x1024xf32, #tpu.memory_space<vmem>>
            %parallel_loop3A_809 = arith.index_cast %parallel_loop3A_804 : i32 to index
            %parallel_loop3A_810 = arith.index_cast %parallel_loop3A_605 : i32 to index
            %parallel_loop3A_811 = tpu.vector_load %parallel_loop3A_808[%parallel_loop3A_809, %parallel_loop3A_810] {strides = array<i32>} : memref<16x1024xf32, #tpu.memory_space<vmem>>, vector<1x16xf32>,
            %parallel_loop3A_812 = vector.shape_cast %parallel_loop3A_811 : vector<1x16xf32> to vector<16xf32>
            %parallel_loop3A_813 = vector.shape_cast %parallel_loop3A_803 : vector<16xf32> to vector<1x16xf32>
            tpu.vector_store %parallel_loop3A_808[%parallel_loop3A_809, %parallel_loop3A_810], %parallel_loop3A_813 {strides = array<i32>} : memref<16x1024xf32, #tpu.memory_space<vmem>>, vector<1x16xf32>,
            %parallel_loop3A_814 = arith.constant 9 : i32
            %parallel_loop3A_815 = arith.constant 0 : i32
            %parallel_loop3A_816 = arith.constant 0 : i32
            %parallel_loop3A_817 = tpu.memref_slice %run_scoped3A_20[%rem3A_469, %parallel_loop3A_815, %parallel_loop3A_816] : memref<2x16x1024xf32, #tpu.memory_space<vmem>> -> memref<1x16x1024xf32, #tpu.memory_space<vmem>>
            %parallel_loop3A_818 = tpu.memref_squeeze %parallel_loop3A_817 : memref<1x16x1024xf32, #tpu.memory_space<vmem>> -> memref<16x1024xf32, #tpu.memory_space<vmem>>
            %parallel_loop3A_819 = arith.index_cast %parallel_loop3A_814 : i32 to index
            %parallel_loop3A_820 = arith.index_cast %parallel_loop3A_605 : i32 to index
            %parallel_loop3A_821 = tpu.vector_load %parallel_loop3A_818[%parallel_loop3A_819, %parallel_loop3A_820] {strides = array<i32>} : memref<16x1024xf32, #tpu.memory_space<vmem>>, vector<1x16xf32>,
            %parallel_loop3A_822 = vector.shape_cast %parallel_loop3A_821 : vector<1x16xf32> to vector<16xf32>
            %parallel_loop3A_823 = arith.mulf %parallel_loop3A_624, %parallel_loop3A_822 : vector<16xf32>
            %parallel_loop3A_824 = arith.addf %parallel_loop3A_614, %parallel_loop3A_823 : vector<16xf32>
            %parallel_loop3A_825 = arith.constant 9 : i32
            %parallel_loop3A_826 = arith.constant 0 : i32
            %parallel_loop3A_827 = arith.constant 0 : i32
            %parallel_loop3A_828 = tpu.memref_slice %run_scoped3A_22[%rem3A_471, %parallel_loop3A_826, %parallel_loop3A_827] : memref<2x16x1024xf32, #tpu.memory_space<vmem>> -> memref<1x16x1024xf32, #tpu.memory_space<vmem>>
            %parallel_loop3A_829 = tpu.memref_squeeze %parallel_loop3A_828 : memref<1x16x1024xf32, #tpu.memory_space<vmem>> -> memref<16x1024xf32, #tpu.memory_space<vmem>>
            %parallel_loop3A_830 = arith.index_cast %parallel_loop3A_825 : i32 to index
            %parallel_loop3A_831 = arith.index_cast %parallel_loop3A_605 : i32 to index
            %parallel_loop3A_832 = tpu.vector_load %parallel_loop3A_829[%parallel_loop3A_830, %parallel_loop3A_831] {strides = array<i32>} : memref<16x1024xf32, #tpu.memory_space<vmem>>, vector<1x16xf32>,
            %parallel_loop3A_833 = vector.shape_cast %parallel_loop3A_832 : vector<1x16xf32> to vector<16xf32>
            %parallel_loop3A_834 = vector.shape_cast %parallel_loop3A_824 : vector<16xf32> to vector<1x16xf32>
            tpu.vector_store %parallel_loop3A_829[%parallel_loop3A_830, %parallel_loop3A_831], %parallel_loop3A_834 {strides = array<i32>} : memref<16x1024xf32, #tpu.memory_space<vmem>>, vector<1x16xf32>,
            %parallel_loop3A_835 = arith.constant 10 : i32
            %parallel_loop3A_836 = arith.constant 0 : i32
            %parallel_loop3A_837 = arith.constant 0 : i32
            %parallel_loop3A_838 = tpu.memref_slice %run_scoped3A_20[%rem3A_469, %parallel_loop3A_836, %parallel_loop3A_837] : memref<2x16x1024xf32, #tpu.memory_space<vmem>> -> memref<1x16x1024xf32, #tpu.memory_space<vmem>>
            %parallel_loop3A_839 = tpu.memref_squeeze %parallel_loop3A_838 : memref<1x16x1024xf32, #tpu.memory_space<vmem>> -> memref<16x1024xf32, #tpu.memory_space<vmem>>
            %parallel_loop3A_840 = arith.index_cast %parallel_loop3A_835 : i32 to index
            %parallel_loop3A_841 = arith.index_cast %parallel_loop3A_605 : i32 to index
            %parallel_loop3A_842 = tpu.vector_load %parallel_loop3A_839[%parallel_loop3A_840, %parallel_loop3A_841] {strides = array<i32>} : memref<16x1024xf32, #tpu.memory_space<vmem>>, vector<1x16xf32>,
            %parallel_loop3A_843 = vector.shape_cast %parallel_loop3A_842 : vector<1x16xf32> to vector<16xf32>
            %parallel_loop3A_844 = arith.mulf %parallel_loop3A_624, %parallel_loop3A_843 : vector<16xf32>
            %parallel_loop3A_845 = arith.addf %parallel_loop3A_614, %parallel_loop3A_844 : vector<16xf32>
            %parallel_loop3A_846 = arith.constant 10 : i32
            %parallel_loop3A_847 = arith.constant 0 : i32
            %parallel_loop3A_848 = arith.constant 0 : i32
            %parallel_loop3A_849 = tpu.memref_slice %run_scoped3A_22[%rem3A_471, %parallel_loop3A_847, %parallel_loop3A_848] : memref<2x16x1024xf32, #tpu.memory_space<vmem>> -> memref<1x16x1024xf32, #tpu.memory_space<vmem>>
            %parallel_loop3A_850 = tpu.memref_squeeze %parallel_loop3A_849 : memref<1x16x1024xf32, #tpu.memory_space<vmem>> -> memref<16x1024xf32, #tpu.memory_space<vmem>>
            %parallel_loop3A_851 = arith.index_cast %parallel_loop3A_846 : i32 to index
            %parallel_loop3A_852 = arith.index_cast %parallel_loop3A_605 : i32 to index
            %parallel_loop3A_853 = tpu.vector_load %parallel_loop3A_850[%parallel_loop3A_851, %parallel_loop3A_852] {strides = array<i32>} : memref<16x1024xf32, #tpu.memory_space<vmem>>, vector<1x16xf32>,
            %parallel_loop3A_854 = vector.shape_cast %parallel_loop3A_853 : vector<1x16xf32> to vector<16xf32>
            %parallel_loop3A_855 = vector.shape_cast %parallel_loop3A_845 : vector<16xf32> to vector<1x16xf32>
            tpu.vector_store %parallel_loop3A_850[%parallel_loop3A_851, %parallel_loop3A_852], %parallel_loop3A_855 {strides = array<i32>} : memref<16x1024xf32, #tpu.memory_space<vmem>>, vector<1x16xf32>,
            %parallel_loop3A_856 = arith.constant 11 : i32
            %parallel_loop3A_857 = arith.constant 0 : i32
            %parallel_loop3A_858 = arith.constant 0 : i32
            %parallel_loop3A_859 = tpu.memref_slice %run_scoped3A_20[%rem3A_469, %parallel_loop3A_857, %parallel_loop3A_858] : memref<2x16x1024xf32, #tpu.memory_space<vmem>> -> memref<1x16x1024xf32, #tpu.memory_space<vmem>>
            %parallel_loop3A_860 = tpu.memref_squeeze %parallel_loop3A_859 : memref<1x16x1024xf32, #tpu.memory_space<vmem>> -> memref<16x1024xf32, #tpu.memory_space<vmem>>
            %parallel_loop3A_861 = arith.index_cast %parallel_loop3A_856 : i32 to index
            %parallel_loop3A_862 = arith.index_cast %parallel_loop3A_605 : i32 to index
            %parallel_loop3A_863 = tpu.vector_load %parallel_loop3A_860[%parallel_loop3A_861, %parallel_loop3A_862] {strides = array<i32>} : memref<16x1024xf32, #tpu.memory_space<vmem>>, vector<1x16xf32>,
            %parallel_loop3A_864 = vector.shape_cast %parallel_loop3A_863 : vector<1x16xf32> to vector<16xf32>
            %parallel_loop3A_865 = arith.mulf %parallel_loop3A_624, %parallel_loop3A_864 : vector<16xf32>
            %parallel_loop3A_866 = arith.addf %parallel_loop3A_614, %parallel_loop3A_865 : vector<16xf32>
            %parallel_loop3A_867 = arith.constant 11 : i32
            %parallel_loop3A_868 = arith.constant 0 : i32
            %parallel_loop3A_869 = arith.constant 0 : i32
            %parallel_loop3A_870 = tpu.memref_slice %run_scoped3A_22[%rem3A_471, %parallel_loop3A_868, %parallel_loop3A_869] : memref<2x16x1024xf32, #tpu.memory_space<vmem>> -> memref<1x16x1024xf32, #tpu.memory_space<vmem>>
            %parallel_loop3A_871 = tpu.memref_squeeze %parallel_loop3A_870 : memref<1x16x1024xf32, #tpu.memory_space<vmem>> -> memref<16x1024xf32, #tpu.memory_space<vmem>>
            %parallel_loop3A_872 = arith.index_cast %parallel_loop3A_867 : i32 to index
            %parallel_loop3A_873 = arith.index_cast %parallel_loop3A_605 : i32 to index
            %parallel_loop3A_874 = tpu.vector_load %parallel_loop3A_871[%parallel_loop3A_872, %parallel_loop3A_873] {strides = array<i32>} : memref<16x1024xf32, #tpu.memory_space<vmem>>, vector<1x16xf32>,
            %parallel_loop3A_875 = vector.shape_cast %parallel_loop3A_874 : vector<1x16xf32> to vector<16xf32>
            %parallel_loop3A_876 = vector.shape_cast %parallel_loop3A_866 : vector<16xf32> to vector<1x16xf32>
            tpu.vector_store %parallel_loop3A_871[%parallel_loop3A_872, %parallel_loop3A_873], %parallel_loop3A_876 {strides = array<i32>} : memref<16x1024xf32, #tpu.memory_space<vmem>>, vector<1x16xf32>,
            %parallel_loop3A_877 = arith.constant 12 : i32
            %parallel_loop3A_878 = arith.constant 0 : i32
            %parallel_loop3A_879 = arith.constant 0 : i32
            %parallel_loop3A_880 = tpu.memref_slice %run_scoped3A_20[%rem3A_469, %parallel_loop3A_878, %parallel_loop3A_879] : memref<2x16x1024xf32, #tpu.memory_space<vmem>> -> memref<1x16x1024xf32, #tpu.memory_space<vmem>>
            %parallel_loop3A_881 = tpu.memref_squeeze %parallel_loop3A_880 : memref<1x16x1024xf32, #tpu.memory_space<vmem>> -> memref<16x1024xf32, #tpu.memory_space<vmem>>
            %parallel_loop3A_882 = arith.index_cast %parallel_loop3A_877 : i32 to index
            %parallel_loop3A_883 = arith.index_cast %parallel_loop3A_605 : i32 to index
            %parallel_loop3A_884 = tpu.vector_load %parallel_loop3A_881[%parallel_loop3A_882, %parallel_loop3A_883] {strides = array<i32>} : memref<16x1024xf32, #tpu.memory_space<vmem>>, vector<1x16xf32>,
            %parallel_loop3A_885 = vector.shape_cast %parallel_loop3A_884 : vector<1x16xf32> to vector<16xf32>
            %parallel_loop3A_886 = arith.mulf %parallel_loop3A_624, %parallel_loop3A_885 : vector<16xf32>
            %parallel_loop3A_887 = arith.addf %parallel_loop3A_614, %parallel_loop3A_886 : vector<16xf32>
            %parallel_loop3A_888 = arith.constant 12 : i32
            %parallel_loop3A_889 = arith.constant 0 : i32
            %parallel_loop3A_890 = arith.constant 0 : i32
            %parallel_loop3A_891 = tpu.memref_slice %run_scoped3A_22[%rem3A_471, %parallel_loop3A_889, %parallel_loop3A_890] : memref<2x16x1024xf32, #tpu.memory_space<vmem>> -> memref<1x16x1024xf32, #tpu.memory_space<vmem>>
            %parallel_loop3A_892 = tpu.memref_squeeze %parallel_loop3A_891 : memref<1x16x1024xf32, #tpu.memory_space<vmem>> -> memref<16x1024xf32, #tpu.memory_space<vmem>>
            %parallel_loop3A_893 = arith.index_cast %parallel_loop3A_888 : i32 to index
            %parallel_loop3A_894 = arith.index_cast %parallel_loop3A_605 : i32 to index
            %parallel_loop3A_895 = tpu.vector_load %parallel_loop3A_892[%parallel_loop3A_893, %parallel_loop3A_894] {strides = array<i32>} : memref<16x1024xf32, #tpu.memory_space<vmem>>, vector<1x16xf32>,
            %parallel_loop3A_896 = vector.shape_cast %parallel_loop3A_895 : vector<1x16xf32> to vector<16xf32>
            %parallel_loop3A_897 = vector.shape_cast %parallel_loop3A_887 : vector<16xf32> to vector<1x16xf32>
            tpu.vector_store %parallel_loop3A_892[%parallel_loop3A_893, %parallel_loop3A_894], %parallel_loop3A_897 {strides = array<i32>} : memref<16x1024xf32, #tpu.memory_space<vmem>>, vector<1x16xf32>,
            %parallel_loop3A_898 = arith.constant 13 : i32
            %parallel_loop3A_899 = arith.constant 0 : i32
            %parallel_loop3A_900 = arith.constant 0 : i32
            %parallel_loop3A_901 = tpu.memref_slice %run_scoped3A_20[%rem3A_469, %parallel_loop3A_899, %parallel_loop3A_900] : memref<2x16x1024xf32, #tpu.memory_space<vmem>> -> memref<1x16x1024xf32, #tpu.memory_space<vmem>>
            %parallel_loop3A_902 = tpu.memref_squeeze %parallel_loop3A_901 : memref<1x16x1024xf32, #tpu.memory_space<vmem>> -> memref<16x1024xf32, #tpu.memory_space<vmem>>
            %parallel_loop3A_903 = arith.index_cast %parallel_loop3A_898 : i32 to index
            %parallel_loop3A_904 = arith.index_cast %parallel_loop3A_605 : i32 to index
            %parallel_loop3A_905 = tpu.vector_load %parallel_loop3A_902[%parallel_loop3A_903, %parallel_loop3A_904] {strides = array<i32>} : memref<16x1024xf32, #tpu.memory_space<vmem>>, vector<1x16xf32>,
            %parallel_loop3A_906 = vector.shape_cast %parallel_loop3A_905 : vector<1x16xf32> to vector<16xf32>
            %parallel_loop3A_907 = arith.mulf %parallel_loop3A_624, %parallel_loop3A_906 : vector<16xf32>
            %parallel_loop3A_908 = arith.addf %parallel_loop3A_614, %parallel_loop3A_907 : vector<16xf32>
            %parallel_loop3A_909 = arith.constant 13 : i32
            %parallel_loop3A_910 = arith.constant 0 : i32
            %parallel_loop3A_911 = arith.constant 0 : i32
            %parallel_loop3A_912 = tpu.memref_slice %run_scoped3A_22[%rem3A_471, %parallel_loop3A_910, %parallel_loop3A_911] : memref<2x16x1024xf32, #tpu.memory_space<vmem>> -> memref<1x16x1024xf32, #tpu.memory_space<vmem>>
            %parallel_loop3A_913 = tpu.memref_squeeze %parallel_loop3A_912 : memref<1x16x1024xf32, #tpu.memory_space<vmem>> -> memref<16x1024xf32, #tpu.memory_space<vmem>>
            %parallel_loop3A_914 = arith.index_cast %parallel_loop3A_909 : i32 to index
            %parallel_loop3A_915 = arith.index_cast %parallel_loop3A_605 : i32 to index
            %parallel_loop3A_916 = tpu.vector_load %parallel_loop3A_913[%parallel_loop3A_914, %parallel_loop3A_915] {strides = array<i32>} : memref<16x1024xf32, #tpu.memory_space<vmem>>, vector<1x16xf32>,
            %parallel_loop3A_917 = vector.shape_cast %parallel_loop3A_916 : vector<1x16xf32> to vector<16xf32>
            %parallel_loop3A_918 = vector.shape_cast %parallel_loop3A_908 : vector<16xf32> to vector<1x16xf32>
            tpu.vector_store %parallel_loop3A_913[%parallel_loop3A_914, %parallel_loop3A_915], %parallel_loop3A_918 {strides = array<i32>} : memref<16x1024xf32, #tpu.memory_space<vmem>>, vector<1x16xf32>,
            %parallel_loop3A_919 = arith.constant 14 : i32
            %parallel_loop3A_920 = arith.constant 0 : i32
            %parallel_loop3A_921 = arith.constant 0 : i32
            %parallel_loop3A_922 = tpu.memref_slice %run_scoped3A_20[%rem3A_469, %parallel_loop3A_920, %parallel_loop3A_921] : memref<2x16x1024xf32, #tpu.memory_space<vmem>> -> memref<1x16x1024xf32, #tpu.memory_space<vmem>>
            %parallel_loop3A_923 = tpu.memref_squeeze %parallel_loop3A_922 : memref<1x16x1024xf32, #tpu.memory_space<vmem>> -> memref<16x1024xf32, #tpu.memory_space<vmem>>
            %parallel_loop3A_924 = arith.index_cast %parallel_loop3A_919 : i32 to index
            %parallel_loop3A_925 = arith.index_cast %parallel_loop3A_605 : i32 to index
            %parallel_loop3A_926 = tpu.vector_load %parallel_loop3A_923[%parallel_loop3A_924, %parallel_loop3A_925] {strides = array<i32>} : memref<16x1024xf32, #tpu.memory_space<vmem>>, vector<1x16xf32>,
            %parallel_loop3A_927 = vector.shape_cast %parallel_loop3A_926 : vector<1x16xf32> to vector<16xf32>
            %parallel_loop3A_928 = arith.mulf %parallel_loop3A_624, %parallel_loop3A_927 : vector<16xf32>
            %parallel_loop3A_929 = arith.addf %parallel_loop3A_614, %parallel_loop3A_928 : vector<16xf32>
            %parallel_loop3A_930 = arith.constant 14 : i32
            %parallel_loop3A_931 = arith.constant 0 : i32
            %parallel_loop3A_932 = arith.constant 0 : i32
            %parallel_loop3A_933 = tpu.memref_slice %run_scoped3A_22[%rem3A_471, %parallel_loop3A_931, %parallel_loop3A_932] : memref<2x16x1024xf32, #tpu.memory_space<vmem>> -> memref<1x16x1024xf32, #tpu.memory_space<vmem>>
            %parallel_loop3A_934 = tpu.memref_squeeze %parallel_loop3A_933 : memref<1x16x1024xf32, #tpu.memory_space<vmem>> -> memref<16x1024xf32, #tpu.memory_space<vmem>>
            %parallel_loop3A_935 = arith.index_cast %parallel_loop3A_930 : i32 to index
            %parallel_loop3A_936 = arith.index_cast %parallel_loop3A_605 : i32 to index
            %parallel_loop3A_937 = tpu.vector_load %parallel_loop3A_934[%parallel_loop3A_935, %parallel_loop3A_936] {strides = array<i32>} : memref<16x1024xf32, #tpu.memory_space<vmem>>, vector<1x16xf32>,
            %parallel_loop3A_938 = vector.shape_cast %parallel_loop3A_937 : vector<1x16xf32> to vector<16xf32>
            %parallel_loop3A_939 = vector.shape_cast %parallel_loop3A_929 : vector<16xf32> to vector<1x16xf32>
            tpu.vector_store %parallel_loop3A_934[%parallel_loop3A_935, %parallel_loop3A_936], %parallel_loop3A_939 {strides = array<i32>} : memref<16x1024xf32, #tpu.memory_space<vmem>>, vector<1x16xf32>,
            %parallel_loop3A_940 = arith.constant 15 : i32
            %parallel_loop3A_941 = arith.constant 0 : i32
            %parallel_loop3A_942 = arith.constant 0 : i32
            %parallel_loop3A_943 = tpu.memref_slice %run_scoped3A_20[%rem3A_469, %parallel_loop3A_941, %parallel_loop3A_942] : memref<2x16x1024xf32, #tpu.memory_space<vmem>> -> memref<1x16x1024xf32, #tpu.memory_space<vmem>>
            %parallel_loop3A_944 = tpu.memref_squeeze %parallel_loop3A_943 : memref<1x16x1024xf32, #tpu.memory_space<vmem>> -> memref<16x1024xf32, #tpu.memory_space<vmem>>
            %parallel_loop3A_945 = arith.index_cast %parallel_loop3A_940 : i32 to index
            %parallel_loop3A_946 = arith.index_cast %parallel_loop3A_605 : i32 to index
            %parallel_loop3A_947 = tpu.vector_load %parallel_loop3A_944[%parallel_loop3A_945, %parallel_loop3A_946] {strides = array<i32>} : memref<16x1024xf32, #tpu.memory_space<vmem>>, vector<1x16xf32>,
            %parallel_loop3A_948 = vector.shape_cast %parallel_loop3A_947 : vector<1x16xf32> to vector<16xf32>
            %parallel_loop3A_949 = arith.mulf %parallel_loop3A_624, %parallel_loop3A_948 : vector<16xf32>
            %parallel_loop3A_950 = arith.addf %parallel_loop3A_614, %parallel_loop3A_949 : vector<16xf32>
            %parallel_loop3A_951 = arith.constant 15 : i32
            %parallel_loop3A_952 = arith.constant 0 : i32
            %parallel_loop3A_953 = arith.constant 0 : i32
            %parallel_loop3A_954 = tpu.memref_slice %run_scoped3A_22[%rem3A_471, %parallel_loop3A_952, %parallel_loop3A_953] : memref<2x16x1024xf32, #tpu.memory_space<vmem>> -> memref<1x16x1024xf32, #tpu.memory_space<vmem>>
            %parallel_loop3A_955 = tpu.memref_squeeze %parallel_loop3A_954 : memref<1x16x1024xf32, #tpu.memory_space<vmem>> -> memref<16x1024xf32, #tpu.memory_space<vmem>>
            %parallel_loop3A_956 = arith.index_cast %parallel_loop3A_951 : i32 to index
            %parallel_loop3A_957 = arith.index_cast %parallel_loop3A_605 : i32 to index
            %parallel_loop3A_958 = tpu.vector_load %parallel_loop3A_955[%parallel_loop3A_956, %parallel_loop3A_957] {strides = array<i32>} : memref<16x1024xf32, #tpu.memory_space<vmem>>, vector<1x16xf32>,
            %parallel_loop3A_959 = vector.shape_cast %parallel_loop3A_958 : vector<1x16xf32> to vector<16xf32>
            %parallel_loop3A_960 = vector.shape_cast %parallel_loop3A_950 : vector<16xf32> to vector<1x16xf32>
            tpu.vector_store %parallel_loop3A_955[%parallel_loop3A_956, %parallel_loop3A_957], %parallel_loop3A_960 {strides = array<i32>} : memref<16x1024xf32, #tpu.memory_space<vmem>>, vector<1x16xf32>,
          } {sc.loop_unroll_factor = 8 : i64, sc.parallel_access}
          "tpu.trace_stop"() : () -> ()
          %ne3A_474 = arith.cmpi ne, %add3A_311, %add3A_347 : i32
          %or3A_475 = arith.constant false
          %or3A_476 = arith.ori %or3A_475, %ne3A_474 : i1
          %or3A_477 = arith.ori %or3A_476, %eq3A_308 : i1
          %convert_element_type3A_478 = arith.extui %or3A_477 : i1 to i32
          %cond3A_479 = arith.constant 0 : i32
          %cond3A_480 = arith.cmpi ne, %convert_element_type3A_478, %cond3A_479 : i32
          scf.if %cond3A_480 {
          } else {
          }
          %and3A_481 = arith.constant false
          %and3A_482 = arith.andi %or3A_477, %and3A_481 : i1
          %ne3A_483 = arith.cmpi ne, %add3A_311, %add3A_347 : i32
          %or3A_484 = arith.constant false
          %or3A_485 = arith.ori %or3A_484, %ne3A_483 : i1
          %or3A_486 = arith.ori %or3A_485, %eq3A_308 : i1
          %convert_element_type3A_487 = arith.extui %or3A_486 : i1 to i32
          %cond3A_488 = arith.constant 0 : i32
          %cond3A_489 = arith.cmpi ne, %convert_element_type3A_487, %cond3A_488 : i32
          scf.if %cond3A_489 {
          } else {
          }
          %and3A_490 = arith.constant false
          %and3A_491 = arith.andi %or3A_486, %and3A_490 : i1
          %ne3A_492 = arith.cmpi ne, %add3A_310, %add3A_346 : i32
          %ne3A_493 = arith.cmpi ne, %add3A_311, %add3A_347 : i32
          %or3A_494 = arith.constant false
          %or3A_495 = arith.ori %or3A_494, %ne3A_492 : i1
          %or3A_496 = arith.ori %or3A_495, %ne3A_493 : i1
          %or3A_497 = arith.ori %or3A_496, %eq3A_308 : i1
          %convert_element_type3A_498 = arith.extui %or3A_497 : i1 to i32
          %cond3A_499 = arith.constant 0 : i32
          %cond3A_500 = arith.cmpi ne, %convert_element_type3A_498, %cond3A_499 : i32
          scf.if %cond3A_500 {
          } else {
          }
          %and3A_501 = arith.constant false
          %and3A_502 = arith.andi %or3A_497, %and3A_501 : i1
          %ne3A_503 = arith.cmpi ne, %add3A_310, %add3A_346 : i32
          %ne3A_504 = arith.cmpi ne, %add3A_311, %add3A_347 : i32
          %or3A_505 = arith.constant false
          %or3A_506 = arith.ori %or3A_505, %ne3A_503 : i1
          %or3A_507 = arith.ori %or3A_506, %ne3A_504 : i1
          %or3A_508 = arith.ori %or3A_507, %eq3A_308 : i1
          %convert_element_type3A_509 = arith.extui %or3A_508 : i1 to i32
          %cond3A_510 = arith.constant 0 : i32
          %cond3A_511 = arith.cmpi ne, %convert_element_type3A_509, %cond3A_510 : i32
          scf.if %cond3A_511 {
            "tpu.trace_start"() <{level = 10 : i32, message = "ep_copy_out"}> : () -> ()
            %rem3A_605 = arith.constant 2 : i32
            %rem3A_606 = arith.remui %while3A_298, %rem3A_605 : i32
            %mul3A_607 = arith.constant 16 : i32
            %mul3A_608 = arith.muli %mul3A_607, %add3A_310 : i32
            %mul3A_609 = arith.constant 1024 : i32
            %mul3A_610 = arith.muli %mul3A_609, %add3A_311 : i32
            %eq3A_611 = arith.constant 97 : i32
            %eq3A_612 = arith.cmpi eq, %add3A_311, %eq3A_611 : i32
            %jit3A_613 = arith.constant 768 : i32
            %jit3A_614 = arith.constant 1024 : i32
            %select_n3A_615 = arith.select %eq3A_612, %jit3A_613, %jit3A_614 : i32
            %multiple_of3A_616 = tpu.assume_multiple %select_n3A_615, 128 : i32
            %mul3A_617 = arith.constant 1024 : i32
            %mul3A_618 = arith.muli %add3A_311, %mul3A_617 : i32
            %dma_start3A_619 = arith.constant 0 : i32
            %dma_start3A_620 = arith.constant 0 : i32
            %dma_start3A_621 = tpu.memref_slice %run_scoped3A_22[%rem3A_606, %dma_start3A_619, %dma_start3A_620] <%multiple_of3A_616> : memref<2x16x1024xf32, #tpu.memory_space<vmem>> -> memref<1x16x?xf32, #tpu.memory_space<vmem>>
            %dma_start3A_622 = tpu.memref_squeeze %dma_start3A_621 : memref<1x16x?xf32, #tpu.memory_space<vmem>> -> memref<16x?xf32, #tpu.memory_space<vmem>>
            %dma_start3A_623 = tpu.memref_slice %arg5[%mul3A_608, %mul3A_618] <%multiple_of3A_616> : memref<128x100001xf32, #tpu.memory_space<hbm>> -> memref<16x?xf32, #tpu.memory_space<hbm>>
            %dma_start3A_624 = tpu.memref_slice %run_scoped3A_23[%rem3A_606] : memref<2x!tpu.dma_semaphore, #tpu.memory_space<semaphore_mem>> -> memref<1x!tpu.dma_semaphore, #tpu.memory_space<semaphore_mem>>
            %dma_start3A_625 = tpu.memref_squeeze %dma_start3A_624 : memref<1x!tpu.dma_semaphore, #tpu.memory_space<semaphore_mem>> -> memref<!tpu.dma_semaphore, #tpu.memory_space<semaphore_mem>>
            %dma_start3A_626 = tpu.memref_slice %arg5[%mul3A_608, %mul3A_618] <%multiple_of3A_616> : memref<128x100001xf32, #tpu.memory_space<hbm>> -> memref<16x?xf32, #tpu.memory_space<hbm>>
            %dma_start3A_627 = arith.constant 0 : i32
            %dma_start3A_628 = arith.constant 0 : i32
            %dma_start3A_629 = tpu.memref_slice %run_scoped3A_22[%rem3A_606, %dma_start3A_627, %dma_start3A_628] <%multiple_of3A_616> : memref<2x16x1024xf32, #tpu.memory_space<vmem>> -> memref<1x16x?xf32, #tpu.memory_space<vmem>>
            %dma_start3A_630 = tpu.memref_squeeze %dma_start3A_629 : memref<1x16x?xf32, #tpu.memory_space<vmem>> -> memref<16x?xf32, #tpu.memory_space<vmem>>
            tpu.enqueue_dma source(%dma_start3A_630 : memref<16x?xf32, #tpu.memory_space<vmem>>) target(%dma_start3A_626 : memref<16x?xf32, #tpu.memory_space<hbm>>) target_semaphore(%dma_start3A_625 : memref<!tpu.dma_semaphore, #tpu.memory_space<semaphore_mem>>)
            "tpu.trace_stop"() : () -> ()
          } else {
          }
          %and3A_512 = arith.constant true
          %and3A_513 = arith.andi %or3A_508, %and3A_512 : i1
          %add3A_514 = arith.constant 1 : i32
          %add3A_515 = arith.addi %while3A_298, %add3A_514 : i32
          %select_n3A_516 = arith.select %and3A_513, %add3A_515, %while3A_298 : i32
          %ne3A_517 = arith.cmpi ne, %add3A_311, %add3A_330 : i32
          %or3A_518 = arith.constant false
          %or3A_519 = arith.ori %or3A_518, %ne3A_517 : i1
          %not3A_520 = arith.constant true
          %not3A_521 = arith.xori %eq3A_305, %not3A_520 : i1
          %and3A_522 = arith.andi %or3A_519, %not3A_521 : i1
          %convert_element_type3A_523 = arith.extui %and3A_522 : i1 to i32
          %cond3A_524 = arith.constant 0 : i32
          %cond3A_525 = arith.cmpi ne, %convert_element_type3A_523, %cond3A_524 : i32
          scf.if %cond3A_525 {
          } else {
          }
          %and3A_526 = arith.constant false
          %and3A_527 = arith.andi %and3A_522, %and3A_526 : i1
          %ne3A_528 = arith.cmpi ne, %add3A_311, %add3A_330 : i32
          %or3A_529 = arith.constant false
          %or3A_530 = arith.ori %or3A_529, %ne3A_528 : i1
          %not3A_531 = arith.constant true
          %not3A_532 = arith.xori %eq3A_305, %not3A_531 : i1
          %and3A_533 = arith.andi %or3A_530, %not3A_532 : i1
          %convert_element_type3A_534 = arith.extui %and3A_533 : i1 to i32
          %cond3A_535 = arith.constant 0 : i32
          %cond3A_536 = arith.cmpi ne, %convert_element_type3A_534, %cond3A_535 : i32
          scf.if %cond3A_536 {
          } else {
          }
          %and3A_537 = arith.constant false
          %and3A_538 = arith.andi %and3A_533, %and3A_537 : i1
          %ne3A_539 = arith.cmpi ne, %add3A_310, %add3A_329 : i32
          %ne3A_540 = arith.cmpi ne, %add3A_311, %add3A_330 : i32
          %or3A_541 = arith.constant false
          %or3A_542 = arith.ori %or3A_541, %ne3A_539 : i1
          %or3A_543 = arith.ori %or3A_542, %ne3A_540 : i1
          %not3A_544 = arith.constant true
          %not3A_545 = arith.xori %eq3A_305, %not3A_544 : i1
          %and3A_546 = arith.andi %or3A_543, %not3A_545 : i1
          %convert_element_type3A_547 = arith.extui %and3A_546 : i1 to i32
          %cond3A_548 = arith.constant 0 : i32
          %cond3A_549 = arith.cmpi ne, %convert_element_type3A_547, %cond3A_548 : i32
          scf.if %cond3A_549 {
          } else {
          }
          %and3A_550 = arith.constant false
          %and3A_551 = arith.andi %and3A_546, %and3A_550 : i1
          %ne3A_552 = arith.cmpi ne, %add3A_310, %add3A_329 : i32
          %ne3A_553 = arith.cmpi ne, %add3A_311, %add3A_330 : i32
          %or3A_554 = arith.constant false
          %or3A_555 = arith.ori %or3A_554, %ne3A_552 : i1
          %or3A_556 = arith.ori %or3A_555, %ne3A_553 : i1
          %not3A_557 = arith.constant true
          %not3A_558 = arith.xori %eq3A_305, %not3A_557 : i1
          %and3A_559 = arith.andi %or3A_556, %not3A_558 : i1
          %convert_element_type3A_560 = arith.extui %and3A_559 : i1 to i32
          %cond3A_561 = arith.constant 0 : i32
          %cond3A_562 = arith.cmpi ne, %convert_element_type3A_560, %cond3A_561 : i32
          scf.if %cond3A_562 {
            "tpu.trace_start"() <{level = 10 : i32, message = "ep_wait_out"}> : () -> ()
            %rem3A_605 = arith.constant 2 : i32
            %rem3A_606 = arith.remui %while3A_299, %rem3A_605 : i32
            %mul3A_607 = arith.constant 16 : i32
            %mul3A_608 = arith.muli %mul3A_607, %add3A_329 : i32
            %mul3A_609 = arith.constant 1024 : i32
            %mul3A_610 = arith.muli %mul3A_609, %add3A_330 : i32
            %eq3A_611 = arith.constant 97 : i32
            %eq3A_612 = arith.cmpi eq, %add3A_330, %eq3A_611 : i32
            %jit3A_613 = arith.constant 768 : i32
            %jit3A_614 = arith.constant 1024 : i32
            %select_n3A_615 = arith.select %eq3A_612, %jit3A_613, %jit3A_614 : i32
            %multiple_of3A_616 = tpu.assume_multiple %select_n3A_615, 128 : i32
            %mul3A_617 = arith.constant 1024 : i32
            %mul3A_618 = arith.muli %add3A_330, %mul3A_617 : i32
            %dma_wait3A = arith.constant 0 : i32
            %dma_wait3A_619 = arith.constant 0 : i32
            %dma_wait3A_620 = tpu.memref_slice %run_scoped3A_22[%rem3A_606, %dma_wait3A, %dma_wait3A_619] <%multiple_of3A_616> : memref<2x16x1024xf32, #tpu.memory_space<vmem>> -> memref<1x16x?xf32, #tpu.memory_space<vmem>>
            %dma_wait3A_621 = tpu.memref_squeeze %dma_wait3A_620 : memref<1x16x?xf32, #tpu.memory_space<vmem>> -> memref<16x?xf32, #tpu.memory_space<vmem>>
            %dma_wait3A_622 = tpu.memref_slice %arg5[%mul3A_608, %mul3A_618] <%multiple_of3A_616> : memref<128x100001xf32, #tpu.memory_space<hbm>> -> memref<16x?xf32, #tpu.memory_space<hbm>>
            %dma_wait3A_623 = tpu.memref_slice %run_scoped3A_23[%rem3A_606] : memref<2x!tpu.dma_semaphore, #tpu.memory_space<semaphore_mem>> -> memref<1x!tpu.dma_semaphore, #tpu.memory_space<semaphore_mem>>
            %dma_wait3A_624 = tpu.memref_squeeze %dma_wait3A_623 : memref<1x!tpu.dma_semaphore, #tpu.memory_space<semaphore_mem>> -> memref<!tpu.dma_semaphore, #tpu.memory_space<semaphore_mem>>
            %dma_wait3A_625 = tpu.memref_slice %arg5[%mul3A_608, %mul3A_618] <%multiple_of3A_616> : memref<128x100001xf32, #tpu.memory_space<hbm>> -> memref<16x?xf32, #tpu.memory_space<hbm>>
            %dma_wait3A_626 = arith.constant 0 : i32
            %dma_wait3A_627 = arith.constant 0 : i32
            %dma_wait3A_628 = tpu.memref_slice %run_scoped3A_22[%rem3A_606, %dma_wait3A_626, %dma_wait3A_627] <%multiple_of3A_616> : memref<2x16x1024xf32, #tpu.memory_space<vmem>> -> memref<1x16x?xf32, #tpu.memory_space<vmem>>
            %dma_wait3A_629 = tpu.memref_squeeze %dma_wait3A_628 : memref<1x16x?xf32, #tpu.memory_space<vmem>> -> memref<16x?xf32, #tpu.memory_space<vmem>>
            tpu.wait_dma2 semaphore(%dma_wait3A_624 : memref<!tpu.dma_semaphore, #tpu.memory_space<semaphore_mem>>) src(%dma_wait3A_629 : memref<16x?xf32, #tpu.memory_space<vmem>>) dst(%dma_wait3A_625 : memref<16x?xf32, #tpu.memory_space<hbm>>)
            "tpu.trace_stop"() : () -> ()
          } else {
          }
          %and3A_563 = arith.constant true
          %and3A_564 = arith.andi %and3A_559, %and3A_563 : i1
          %add3A_565 = arith.constant 1 : i32
          %add3A_566 = arith.addi %while3A_299, %add3A_565 : i32
          %select_n3A_567 = arith.select %and3A_564, %add3A_566, %while3A_299 : i32
          %ne3A_568 = arith.cmpi ne, %add3A_311, %add3A_347 : i32
          %or3A_569 = arith.constant false
          %or3A_570 = arith.ori %or3A_569, %ne3A_568 : i1
          %or3A_571 = arith.ori %or3A_570, %eq3A_308 : i1
          %add3A_572 = arith.constant 1 : i32
          %add3A_573 = arith.addi %while3A_293, %add3A_572 : i32
          %select_n3A_574 = arith.select %or3A_571, %add3A_573, %while3A_293 : i32
          %ne3A_575 = arith.cmpi ne, %add3A_311, %add3A_347 : i32
          %or3A_576 = arith.constant false
          %or3A_577 = arith.ori %or3A_576, %ne3A_575 : i1
          %or3A_578 = arith.ori %or3A_577, %eq3A_308 : i1
          %add3A_579 = arith.constant 1 : i32
          %add3A_580 = arith.addi %while3A_295, %add3A_579 : i32
          %select_n3A_581 = arith.select %or3A_578, %add3A_580, %while3A_295 : i32
          %ne3A_582 = arith.cmpi ne, %add3A_310, %add3A_346 : i32
          %ne3A_583 = arith.cmpi ne, %add3A_311, %add3A_347 : i32
          %or3A_584 = arith.constant false
          %or3A_585 = arith.ori %or3A_584, %ne3A_582 : i1
          %or3A_586 = arith.ori %or3A_585, %ne3A_583 : i1
          %or3A_587 = arith.ori %or3A_586, %eq3A_308 : i1
          %add3A_588 = arith.constant 1 : i32
          %add3A_589 = arith.addi %while3A_297, %add3A_588 : i32
          %select_n3A_590 = arith.select %or3A_587, %add3A_589, %while3A_297 : i32
          %add3A_591 = arith.constant 1 : i32
          %add3A_592 = arith.addi %while3A_301, %add3A_591 : i32
          %select_n3A_593 = arith.constant true
          %select_n3A_594 = arith.select %select_n3A_593, %add3A_592, %while3A_301 : i32
          %eq3A_595 = arith.cmpi eq, %select_n3A_594, %select_n3A : i32
          %select_n3A_596 = arith.constant 0 : i32
          %select_n3A_597 = arith.select %eq3A_595, %select_n3A_596, %select_n3A_594 : i32
          %add3A_598 = arith.constant 1 : i32
          %add3A_599 = arith.addi %while3A_300, %add3A_598 : i32
          %select_n3A_600 = arith.select %eq3A_595, %add3A_599, %while3A_300 : i32
          %eq3A_601 = arith.constant 8 : i32
          %eq3A_602 = arith.cmpi eq, %select_n3A_600, %eq3A_601 : i32
          %select_n3A_603 = arith.constant 0 : i32
          %select_n3A_604 = arith.select %eq3A_602, %select_n3A_603, %select_n3A_600 : i32
          scf.yield %select_n3A_378, %select_n3A_574, %select_n3A_397, %select_n3A_581, %select_n3A_418, %select_n3A_590, %select_n3A_516, %select_n3A_567, %select_n3A_604, %select_n3A_597 : i32, i32, i32, i32, i32, i32, i32, i32, i32, i32
        }
        %while3A_196 = arith.constant 1 : i32
        %while3A_197:10 = scf.for %while3A_291 = %while3A_193 to %while3A_189 step %while3A_196 iter_args(%while3A_292 = %while3A_195#0, %while3A_293 = %while3A_195#1, %while3A_294 = %while3A_195#2, %while3A_295 = %while3A_195#3, %while3A_296 = %while3A_195#4, %while3A_297 = %while3A_195#5, %while3A_298 = %while3A_195#6, %while3A_299 = %while3A_195#7, %while3A_300 = %while3A_195#8, %while3A_301 = %while3A_195#9) -> (i32, i32, i32, i32, i32, i32, i32, i32, i32, i32)  : i32 {
          %mul3A_302 = arith.constant 8 : i32
          %mul3A_303 = arith.muli %mul3A_302, %select_n3A : i32
          %eq3A_304 = arith.constant 0 : i32
          %eq3A_305 = arith.cmpi eq, %while3A_291, %eq3A_304 : i32
          %sub3A_306 = arith.constant 1 : i32
          %sub3A_307 = arith.subi %mul3A_303, %sub3A_306 : i32
          %eq3A_308 = arith.cmpi eq, %while3A_291, %sub3A_307 : i32
          %add3A_309 = arith.constant 0 : i32
          %add3A_310 = arith.addi %while3A_300, %add3A_309 : i32
          %add3A_311 = arith.addi %while3A_301, %select_n3A_14 : i32
          %sub3A_312 = arith.constant 1 : i32
          %sub3A_313 = arith.subi %while3A_301, %sub3A_312 : i32
          %select_n3A_314 = arith.constant true
          %select_n3A_315 = arith.select %select_n3A_314, %sub3A_313, %while3A_301 : i32
          %eq3A_316 = arith.constant -1 : i32
          %eq3A_317 = arith.cmpi eq, %select_n3A_315, %eq3A_316 : i32
          %sub3A_318 = arith.constant 1 : i32
          %sub3A_319 = arith.subi %select_n3A, %sub3A_318 : i32
          %select_n3A_320 = arith.select %eq3A_317, %sub3A_319, %select_n3A_315 : i32
          %sub3A_321 = arith.constant 1 : i32
          %sub3A_322 = arith.subi %while3A_300, %sub3A_321 : i32
          %select_n3A_323 = arith.select %eq3A_317, %sub3A_322, %while3A_300 : i32
          %eq3A_324 = arith.constant -1 : i32
          %eq3A_325 = arith.cmpi eq, %select_n3A_323, %eq3A_324 : i32
          %select_n3A_326 = arith.constant 7 : i32
          %select_n3A_327 = arith.select %eq3A_325, %select_n3A_326, %select_n3A_323 : i32
          %add3A_328 = arith.constant 0 : i32
          %add3A_329 = arith.addi %select_n3A_327, %add3A_328 : i32
          %add3A_330 = arith.addi %select_n3A_320, %select_n3A_14 : i32
          %add3A_331 = arith.constant 1 : i32
          %add3A_332 = arith.addi %while3A_301, %add3A_331 : i32
          %select_n3A_333 = arith.constant true
          %select_n3A_334 = arith.select %select_n3A_333, %add3A_332, %while3A_301 : i32
          %eq3A_335 = arith.cmpi eq, %select_n3A_334, %select_n3A : i32
          %select_n3A_336 = arith.constant 0 : i32
          %select_n3A_337 = arith.select %eq3A_335, %select_n3A_336, %select_n3A_334 : i32
          %add3A_338 = arith.constant 1 : i32
          %add3A_339 = arith.addi %while3A_300, %add3A_338 : i32
          %select_n3A_340 = arith.select %eq3A_335, %add3A_339, %while3A_300 : i32
          %eq3A_341 = arith.constant 8 : i32
          %eq3A_342 = arith.cmpi eq, %select_n3A_340, %eq3A_341 : i32
          %select_n3A_343 = arith.constant 0 : i32
          %select_n3A_344 = arith.select %eq3A_342, %select_n3A_343, %select_n3A_340 : i32
          %add3A_345 = arith.constant 0 : i32
          %add3A_346 = arith.addi %select_n3A_344, %add3A_345 : i32
          %add3A_347 = arith.addi %select_n3A_337, %select_n3A_14 : i32
          %add3A_348 = arith.constant 1 : i32
          %add3A_349 = arith.addi %select_n3A_337, %add3A_348 : i32
          %select_n3A_350 = arith.constant true
          %select_n3A_351 = arith.select %select_n3A_350, %add3A_349, %select_n3A_337 : i32
          %eq3A_352 = arith.cmpi eq, %select_n3A_351, %select_n3A : i32
          %select_n3A_353 = arith.constant 0 : i32
          %select_n3A_354 = arith.select %eq3A_352, %select_n3A_353, %select_n3A_351 : i32
          %add3A_355 = arith.constant 1 : i32
          %add3A_356 = arith.addi %select_n3A_344, %add3A_355 : i32
          %select_n3A_357 = arith.select %eq3A_352, %add3A_356, %select_n3A_344 : i32
          %eq3A_358 = arith.constant 8 : i32
          %eq3A_359 = arith.cmpi eq, %select_n3A_357, %eq3A_358 : i32
          %select_n3A_360 = arith.constant 0 : i32
          %select_n3A_361 = arith.select %eq3A_359, %select_n3A_360, %select_n3A_357 : i32
          %add3A_362 = arith.constant 0 : i32
          %add3A_363 = arith.addi %select_n3A_361, %add3A_362 : i32
          %add3A_364 = arith.addi %select_n3A_354, %select_n3A_14 : i32
          %ne3A = arith.cmpi ne, %add3A_311, %add3A_347 : i32
          %or3A = arith.constant false
          %or3A_365 = arith.ori %or3A, %ne3A : i1
          %sub3A_366 = arith.constant 2 : i32
          %sub3A_367 = arith.subi %mul3A_303, %sub3A_366 : i32
          %add3A_368 = arith.constant 1 : i32
          %add3A_369 = arith.addi %sub3A_367, %add3A_368 : i32
          %ge3A = arith.cmpi sge, %while3A_291, %add3A_369 : i32
          %not3A = arith.constant true
          %not3A_370 = arith.xori %ge3A, %not3A : i1
          %and3A = arith.andi %or3A_365, %not3A_370 : i1
          %convert_element_type3A_371 = arith.extui %and3A : i1 to i32
          %cond3A_372 = arith.constant 0 : i32
          %cond3A_373 = arith.cmpi ne, %convert_element_type3A_371, %cond3A_372 : i32
          scf.if %cond3A_373 {
            "tpu.trace_start"() <{level = 10 : i32, message = "ep_copy_in"}> : () -> ()
            %rem3A_605 = arith.constant 2 : i32
            %rem3A_606 = arith.remui %while3A_292, %rem3A_605 : i32
            %mul3A_607 = arith.constant 1024 : i32
            %mul3A_608 = arith.muli %mul3A_607, %add3A_347 : i32
            %eq3A_609 = arith.constant 97 : i32
            %eq3A_610 = arith.cmpi eq, %add3A_347, %eq3A_609 : i32
            %jit3A_611 = arith.constant 768 : i32
            %jit3A_612 = arith.constant 1024 : i32
            %select_n3A_613 = arith.select %eq3A_610, %jit3A_611, %jit3A_612 : i32
            %multiple_of3A_614 = tpu.assume_multiple %select_n3A_613, 128 : i32
            %mul3A_615 = arith.constant 1024 : i32
            %mul3A_616 = arith.muli %add3A_347, %mul3A_615 : i32
            %dma_start3A_617 = arith.constant 0 : i32
            %dma_start3A_618 = arith.constant 0 : i32
            %dma_start3A_619 = tpu.memref_slice %run_scoped3A[%rem3A_606, %dma_start3A_617, %dma_start3A_618] <%multiple_of3A_614> : memref<2x1x1024xf32, #tpu.memory_space<vmem>> -> memref<1x1x?xf32, #tpu.memory_space<vmem>>
            %dma_start3A_620 = tpu.memref_squeeze %dma_start3A_619 : memref<1x1x?xf32, #tpu.memory_space<vmem>> -> memref<1x?xf32, #tpu.memory_space<vmem>>
            %dma_start3A_621 = arith.constant 0 : i32
            %dma_start3A_622 = tpu.memref_slice %arg2[%dma_start3A_621, %mul3A_616] <%multiple_of3A_614> : memref<1x100000xf32, #tpu.memory_space<hbm>> -> memref<1x?xf32, #tpu.memory_space<hbm>>
            %dma_start3A_623 = tpu.memref_slice %run_scoped3A_17[%rem3A_606] : memref<2x!tpu.dma_semaphore, #tpu.memory_space<semaphore_mem>> -> memref<1x!tpu.dma_semaphore, #tpu.memory_space<semaphore_mem>>
            %dma_start3A_624 = tpu.memref_squeeze %dma_start3A_623 : memref<1x!tpu.dma_semaphore, #tpu.memory_space<semaphore_mem>> -> memref<!tpu.dma_semaphore, #tpu.memory_space<semaphore_mem>>
            %dma_start3A_625 = arith.constant 0 : i32
            %dma_start3A_626 = arith.constant 0 : i32
            %dma_start3A_627 = tpu.memref_slice %run_scoped3A[%rem3A_606, %dma_start3A_625, %dma_start3A_626] <%multiple_of3A_614> : memref<2x1x1024xf32, #tpu.memory_space<vmem>> -> memref<1x1x?xf32, #tpu.memory_space<vmem>>
            %dma_start3A_628 = tpu.memref_squeeze %dma_start3A_627 : memref<1x1x?xf32, #tpu.memory_space<vmem>> -> memref<1x?xf32, #tpu.memory_space<vmem>>
            %dma_start3A_629 = arith.constant 0 : i32
            %dma_start3A_630 = tpu.memref_slice %arg2[%dma_start3A_629, %mul3A_616] <%multiple_of3A_614> : memref<1x100000xf32, #tpu.memory_space<hbm>> -> memref<1x?xf32, #tpu.memory_space<hbm>>
            tpu.enqueue_dma source(%dma_start3A_630 : memref<1x?xf32, #tpu.memory_space<hbm>>) target(%dma_start3A_628 : memref<1x?xf32, #tpu.memory_space<vmem>>) target_semaphore(%dma_start3A_624 : memref<!tpu.dma_semaphore, #tpu.memory_space<semaphore_mem>>)
            "tpu.trace_stop"() : () -> ()
          } else {
          }
          %and3A_374 = arith.constant true
          %and3A_375 = arith.andi %and3A, %and3A_374 : i1
          %add3A_376 = arith.constant 1 : i32
          %add3A_377 = arith.addi %while3A_292, %add3A_376 : i32
          %select_n3A_378 = arith.select %and3A_375, %add3A_377, %while3A_292 : i32
          %ne3A_379 = arith.cmpi ne, %add3A_311, %add3A_347 : i32
          %or3A_380 = arith.constant false
          %or3A_381 = arith.ori %or3A_380, %ne3A_379 : i1
          %sub3A_382 = arith.constant 2 : i32
          %sub3A_383 = arith.subi %mul3A_303, %sub3A_382 : i32
          %add3A_384 = arith.constant 1 : i32
          %add3A_385 = arith.addi %sub3A_383, %add3A_384 : i32
          %ge3A_386 = arith.cmpi sge, %while3A_291, %add3A_385 : i32
          %not3A_387 = arith.constant true
          %not3A_388 = arith.xori %ge3A_386, %not3A_387 : i1
          %and3A_389 = arith.andi %or3A_381, %not3A_388 : i1
          %convert_element_type3A_390 = arith.extui %and3A_389 : i1 to i32
          %cond3A_391 = arith.constant 0 : i32
          %cond3A_392 = arith.cmpi ne, %convert_element_type3A_390, %cond3A_391 : i32
          scf.if %cond3A_392 {
            "tpu.trace_start"() <{level = 10 : i32, message = "ep_copy_in"}> : () -> ()
            %rem3A_605 = arith.constant 2 : i32
            %rem3A_606 = arith.remui %while3A_294, %rem3A_605 : i32
            %mul3A_607 = arith.constant 1024 : i32
            %mul3A_608 = arith.muli %mul3A_607, %add3A_347 : i32
            %eq3A_609 = arith.constant 97 : i32
            %eq3A_610 = arith.cmpi eq, %add3A_347, %eq3A_609 : i32
            %jit3A_611 = arith.constant 768 : i32
            %jit3A_612 = arith.constant 1024 : i32
            %select_n3A_613 = arith.select %eq3A_610, %jit3A_611, %jit3A_612 : i32
            %multiple_of3A_614 = tpu.assume_multiple %select_n3A_613, 128 : i32
            %mul3A_615 = arith.constant 1024 : i32
            %mul3A_616 = arith.muli %add3A_347, %mul3A_615 : i32
            %dma_start3A_617 = arith.constant 0 : i32
            %dma_start3A_618 = arith.constant 0 : i32
            %dma_start3A_619 = tpu.memref_slice %run_scoped3A_18[%rem3A_606, %dma_start3A_617, %dma_start3A_618] <%multiple_of3A_614> : memref<2x1x1024xf32, #tpu.memory_space<vmem>> -> memref<1x1x?xf32, #tpu.memory_space<vmem>>
            %dma_start3A_620 = tpu.memref_squeeze %dma_start3A_619 : memref<1x1x?xf32, #tpu.memory_space<vmem>> -> memref<1x?xf32, #tpu.memory_space<vmem>>
            %dma_start3A_621 = arith.constant 0 : i32
            %dma_start3A_622 = tpu.memref_slice %arg3[%dma_start3A_621, %mul3A_616] <%multiple_of3A_614> : memref<1x100000xf32, #tpu.memory_space<hbm>> -> memref<1x?xf32, #tpu.memory_space<hbm>>
            %dma_start3A_623 = tpu.memref_slice %run_scoped3A_19[%rem3A_606] : memref<2x!tpu.dma_semaphore, #tpu.memory_space<semaphore_mem>> -> memref<1x!tpu.dma_semaphore, #tpu.memory_space<semaphore_mem>>
            %dma_start3A_624 = tpu.memref_squeeze %dma_start3A_623 : memref<1x!tpu.dma_semaphore, #tpu.memory_space<semaphore_mem>> -> memref<!tpu.dma_semaphore, #tpu.memory_space<semaphore_mem>>
            %dma_start3A_625 = arith.constant 0 : i32
            %dma_start3A_626 = arith.constant 0 : i32
            %dma_start3A_627 = tpu.memref_slice %run_scoped3A_18[%rem3A_606, %dma_start3A_625, %dma_start3A_626] <%multiple_of3A_614> : memref<2x1x1024xf32, #tpu.memory_space<vmem>> -> memref<1x1x?xf32, #tpu.memory_space<vmem>>
            %dma_start3A_628 = tpu.memref_squeeze %dma_start3A_627 : memref<1x1x?xf32, #tpu.memory_space<vmem>> -> memref<1x?xf32, #tpu.memory_space<vmem>>
            %dma_start3A_629 = arith.constant 0 : i32
            %dma_start3A_630 = tpu.memref_slice %arg3[%dma_start3A_629, %mul3A_616] <%multiple_of3A_614> : memref<1x100000xf32, #tpu.memory_space<hbm>> -> memref<1x?xf32, #tpu.memory_space<hbm>>
            tpu.enqueue_dma source(%dma_start3A_630 : memref<1x?xf32, #tpu.memory_space<hbm>>) target(%dma_start3A_628 : memref<1x?xf32, #tpu.memory_space<vmem>>) target_semaphore(%dma_start3A_624 : memref<!tpu.dma_semaphore, #tpu.memory_space<semaphore_mem>>)
            "tpu.trace_stop"() : () -> ()
          } else {
          }
          %and3A_393 = arith.constant true
          %and3A_394 = arith.andi %and3A_389, %and3A_393 : i1
          %add3A_395 = arith.constant 1 : i32
          %add3A_396 = arith.addi %while3A_294, %add3A_395 : i32
          %select_n3A_397 = arith.select %and3A_394, %add3A_396, %while3A_294 : i32
          %ne3A_398 = arith.cmpi ne, %add3A_310, %add3A_346 : i32
          %ne3A_399 = arith.cmpi ne, %add3A_311, %add3A_347 : i32
          %or3A_400 = arith.constant false
          %or3A_401 = arith.ori %or3A_400, %ne3A_398 : i1
          %or3A_402 = arith.ori %or3A_401, %ne3A_399 : i1
          %sub3A_403 = arith.constant 2 : i32
          %sub3A_404 = arith.subi %mul3A_303, %sub3A_403 : i32
          %add3A_405 = arith.constant 1 : i32
          %add3A_406 = arith.addi %sub3A_404, %add3A_405 : i32
          %ge3A_407 = arith.cmpi sge, %while3A_291, %add3A_406 : i32
          %not3A_408 = arith.constant true
          %not3A_409 = arith.xori %ge3A_407, %not3A_408 : i1
          %and3A_410 = arith.andi %or3A_402, %not3A_409 : i1
          %convert_element_type3A_411 = arith.extui %and3A_410 : i1 to i32
          %cond3A_412 = arith.constant 0 : i32
          %cond3A_413 = arith.cmpi ne, %convert_element_type3A_411, %cond3A_412 : i32
          scf.if %cond3A_413 {
            "tpu.trace_start"() <{level = 10 : i32, message = "ep_copy_in"}> : () -> ()
            %rem3A_605 = arith.constant 2 : i32
            %rem3A_606 = arith.remui %while3A_296, %rem3A_605 : i32
            %mul3A_607 = arith.constant 16 : i32
            %mul3A_608 = arith.muli %mul3A_607, %add3A_346 : i32
            %mul3A_609 = arith.constant 1024 : i32
            %mul3A_610 = arith.muli %mul3A_609, %add3A_347 : i32
            %eq3A_611 = arith.constant 97 : i32
            %eq3A_612 = arith.cmpi eq, %add3A_347, %eq3A_611 : i32
            %jit3A_613 = arith.constant 768 : i32
            %jit3A_614 = arith.constant 1024 : i32
            %select_n3A_615 = arith.select %eq3A_612, %jit3A_613, %jit3A_614 : i32
            %multiple_of3A_616 = tpu.assume_multiple %select_n3A_615, 128 : i32
            %mul3A_617 = arith.constant 1024 : i32
            %mul3A_618 = arith.muli %add3A_347, %mul3A_617 : i32
            %dma_start3A_619 = arith.constant 0 : i32
            %dma_start3A_620 = arith.constant 0 : i32
            %dma_start3A_621 = tpu.memref_slice %run_scoped3A_20[%rem3A_606, %dma_start3A_619, %dma_start3A_620] <%multiple_of3A_616> : memref<2x16x1024xf32, #tpu.memory_space<vmem>> -> memref<1x16x?xf32, #tpu.memory_space<vmem>>
            %dma_start3A_622 = tpu.memref_squeeze %dma_start3A_621 : memref<1x16x?xf32, #tpu.memory_space<vmem>> -> memref<16x?xf32, #tpu.memory_space<vmem>>
            %dma_start3A_623 = tpu.memref_slice %arg4[%mul3A_608, %mul3A_618] <%multiple_of3A_616> : memref<128x100000xf32, #tpu.memory_space<hbm>> -> memref<16x?xf32, #tpu.memory_space<hbm>>
            %dma_start3A_624 = tpu.memref_slice %run_scoped3A_21[%rem3A_606] : memref<2x!tpu.dma_semaphore, #tpu.memory_space<semaphore_mem>> -> memref<1x!tpu.dma_semaphore, #tpu.memory_space<semaphore_mem>>
            %dma_start3A_625 = tpu.memref_squeeze %dma_start3A_624 : memref<1x!tpu.dma_semaphore, #tpu.memory_space<semaphore_mem>> -> memref<!tpu.dma_semaphore, #tpu.memory_space<semaphore_mem>>
            %dma_start3A_626 = arith.constant 0 : i32
            %dma_start3A_627 = arith.constant 0 : i32
            %dma_start3A_628 = tpu.memref_slice %run_scoped3A_20[%rem3A_606, %dma_start3A_626, %dma_start3A_627] <%multiple_of3A_616> : memref<2x16x1024xf32, #tpu.memory_space<vmem>> -> memref<1x16x?xf32, #tpu.memory_space<vmem>>
            %dma_start3A_629 = tpu.memref_squeeze %dma_start3A_628 : memref<1x16x?xf32, #tpu.memory_space<vmem>> -> memref<16x?xf32, #tpu.memory_space<vmem>>
            %dma_start3A_630 = tpu.memref_slice %arg4[%mul3A_608, %mul3A_618] <%multiple_of3A_616> : memref<128x100000xf32, #tpu.memory_space<hbm>> -> memref<16x?xf32, #tpu.memory_space<hbm>>
            tpu.enqueue_dma source(%dma_start3A_630 : memref<16x?xf32, #tpu.memory_space<hbm>>) target(%dma_start3A_629 : memref<16x?xf32, #tpu.memory_space<vmem>>) target_semaphore(%dma_start3A_625 : memref<!tpu.dma_semaphore, #tpu.memory_space<semaphore_mem>>)
            "tpu.trace_stop"() : () -> ()
          } else {
          }
          %and3A_414 = arith.constant true
          %and3A_415 = arith.andi %and3A_410, %and3A_414 : i1
          %add3A_416 = arith.constant 1 : i32
          %add3A_417 = arith.addi %while3A_296, %add3A_416 : i32
          %select_n3A_418 = arith.select %and3A_415, %add3A_417, %while3A_296 : i32
          %ne3A_419 = arith.cmpi ne, %add3A_310, %add3A_346 : i32
          %ne3A_420 = arith.cmpi ne, %add3A_311, %add3A_347 : i32
          %or3A_421 = arith.constant false
          %or3A_422 = arith.ori %or3A_421, %ne3A_419 : i1
          %or3A_423 = arith.ori %or3A_422, %ne3A_420 : i1
          %sub3A_424 = arith.constant 2 : i32
          %sub3A_425 = arith.subi %mul3A_303, %sub3A_424 : i32
          %add3A_426 = arith.constant 1 : i32
          %add3A_427 = arith.addi %sub3A_425, %add3A_426 : i32
          %ge3A_428 = arith.cmpi sge, %while3A_291, %add3A_427 : i32
          %not3A_429 = arith.constant true
          %not3A_430 = arith.xori %ge3A_428, %not3A_429 : i1
          %and3A_431 = arith.andi %or3A_423, %not3A_430 : i1
          %ne3A_432 = arith.cmpi ne, %add3A_311, %add3A_330 : i32
          %or3A_433 = arith.constant false
          %or3A_434 = arith.ori %or3A_433, %ne3A_432 : i1
          %or3A_435 = arith.ori %or3A_434, %eq3A_305 : i1
          %convert_element_type3A_436 = arith.extui %or3A_435 : i1 to i32
          %cond3A_437 = arith.constant 0 : i32
          %cond3A_438 = arith.cmpi ne, %convert_element_type3A_436, %cond3A_437 : i32
          scf.if %cond3A_438 {
            "tpu.trace_start"() <{level = 10 : i32, message = "ep_wait_in"}> : () -> ()
            %mul3A_605 = arith.constant 1024 : i32
            %mul3A_606 = arith.muli %mul3A_605, %add3A_311 : i32
            %eq3A_607 = arith.constant 97 : i32
            %eq3A_608 = arith.cmpi eq, %add3A_311, %eq3A_607 : i32
            %jit3A_609 = arith.constant 768 : i32
            %jit3A_610 = arith.constant 1024 : i32
            %select_n3A_611 = arith.select %eq3A_608, %jit3A_609, %jit3A_610 : i32
            %multiple_of3A_612 = tpu.assume_multiple %select_n3A_611, 128 : i32
            %mul3A_613 = arith.constant 1024 : i32
            %mul3A_614 = arith.muli %add3A_311, %mul3A_613 : i32
            %rem3A_615 = arith.constant 2 : i32
            %rem3A_616 = arith.remui %while3A_293, %rem3A_615 : i32
            %dma_wait3A = arith.constant 0 : i32
            %dma_wait3A_617 = arith.constant 0 : i32
            %dma_wait3A_618 = tpu.memref_slice %run_scoped3A[%rem3A_616, %dma_wait3A, %dma_wait3A_617] <%multiple_of3A_612> : memref<2x1x1024xf32, #tpu.memory_space<vmem>> -> memref<1x1x?xf32, #tpu.memory_space<vmem>>
            %dma_wait3A_619 = tpu.memref_squeeze %dma_wait3A_618 : memref<1x1x?xf32, #tpu.memory_space<vmem>> -> memref<1x?xf32, #tpu.memory_space<vmem>>
            %dma_wait3A_620 = arith.constant 0 : i32
            %dma_wait3A_621 = tpu.memref_slice %arg2[%dma_wait3A_620, %mul3A_614] <%multiple_of3A_612> : memref<1x100000xf32, #tpu.memory_space<hbm>> -> memref<1x?xf32, #tpu.memory_space<hbm>>
            %dma_wait3A_622 = tpu.memref_slice %run_scoped3A_17[%rem3A_616] : memref<2x!tpu.dma_semaphore, #tpu.memory_space<semaphore_mem>> -> memref<1x!tpu.dma_semaphore, #tpu.memory_space<semaphore_mem>>
            %dma_wait3A_623 = tpu.memref_squeeze %dma_wait3A_622 : memref<1x!tpu.dma_semaphore, #tpu.memory_space<semaphore_mem>> -> memref<!tpu.dma_semaphore, #tpu.memory_space<semaphore_mem>>
            %dma_wait3A_624 = arith.constant 0 : i32
            %dma_wait3A_625 = arith.constant 0 : i32
            %dma_wait3A_626 = tpu.memref_slice %run_scoped3A[%rem3A_616, %dma_wait3A_624, %dma_wait3A_625] <%multiple_of3A_612> : memref<2x1x1024xf32, #tpu.memory_space<vmem>> -> memref<1x1x?xf32, #tpu.memory_space<vmem>>
            %dma_wait3A_627 = tpu.memref_squeeze %dma_wait3A_626 : memref<1x1x?xf32, #tpu.memory_space<vmem>> -> memref<1x?xf32, #tpu.memory_space<vmem>>
            %dma_wait3A_628 = arith.constant 0 : i32
            %dma_wait3A_629 = tpu.memref_slice %arg2[%dma_wait3A_628, %mul3A_614] <%multiple_of3A_612> : memref<1x100000xf32, #tpu.memory_space<hbm>> -> memref<1x?xf32, #tpu.memory_space<hbm>>
            tpu.wait_dma2 semaphore(%dma_wait3A_623 : memref<!tpu.dma_semaphore, #tpu.memory_space<semaphore_mem>>) src(%dma_wait3A_629 : memref<1x?xf32, #tpu.memory_space<hbm>>) dst(%dma_wait3A_627 : memref<1x?xf32, #tpu.memory_space<vmem>>)
            "tpu.trace_stop"() : () -> ()
          } else {
          }
          %ne3A_439 = arith.cmpi ne, %add3A_311, %add3A_330 : i32
          %or3A_440 = arith.constant false
          %or3A_441 = arith.ori %or3A_440, %ne3A_439 : i1
          %or3A_442 = arith.ori %or3A_441, %eq3A_305 : i1
          %convert_element_type3A_443 = arith.extui %or3A_442 : i1 to i32
          %cond3A_444 = arith.constant 0 : i32
          %cond3A_445 = arith.cmpi ne, %convert_element_type3A_443, %cond3A_444 : i32
          scf.if %cond3A_445 {
            "tpu.trace_start"() <{level = 10 : i32, message = "ep_wait_in"}> : () -> ()
            %mul3A_605 = arith.constant 1024 : i32
            %mul3A_606 = arith.muli %mul3A_605, %add3A_311 : i32
            %eq3A_607 = arith.constant 97 : i32
            %eq3A_608 = arith.cmpi eq, %add3A_311, %eq3A_607 : i32
            %jit3A_609 = arith.constant 768 : i32
            %jit3A_610 = arith.constant 1024 : i32
            %select_n3A_611 = arith.select %eq3A_608, %jit3A_609, %jit3A_610 : i32
            %multiple_of3A_612 = tpu.assume_multiple %select_n3A_611, 128 : i32
            %mul3A_613 = arith.constant 1024 : i32
            %mul3A_614 = arith.muli %add3A_311, %mul3A_613 : i32
            %rem3A_615 = arith.constant 2 : i32
            %rem3A_616 = arith.remui %while3A_295, %rem3A_615 : i32
            %dma_wait3A = arith.constant 0 : i32
            %dma_wait3A_617 = arith.constant 0 : i32
            %dma_wait3A_618 = tpu.memref_slice %run_scoped3A_18[%rem3A_616, %dma_wait3A, %dma_wait3A_617] <%multiple_of3A_612> : memref<2x1x1024xf32, #tpu.memory_space<vmem>> -> memref<1x1x?xf32, #tpu.memory_space<vmem>>
            %dma_wait3A_619 = tpu.memref_squeeze %dma_wait3A_618 : memref<1x1x?xf32, #tpu.memory_space<vmem>> -> memref<1x?xf32, #tpu.memory_space<vmem>>
            %dma_wait3A_620 = arith.constant 0 : i32
            %dma_wait3A_621 = tpu.memref_slice %arg3[%dma_wait3A_620, %mul3A_614] <%multiple_of3A_612> : memref<1x100000xf32, #tpu.memory_space<hbm>> -> memref<1x?xf32, #tpu.memory_space<hbm>>
            %dma_wait3A_622 = tpu.memref_slice %run_scoped3A_19[%rem3A_616] : memref<2x!tpu.dma_semaphore, #tpu.memory_space<semaphore_mem>> -> memref<1x!tpu.dma_semaphore, #tpu.memory_space<semaphore_mem>>
            %dma_wait3A_623 = tpu.memref_squeeze %dma_wait3A_622 : memref<1x!tpu.dma_semaphore, #tpu.memory_space<semaphore_mem>> -> memref<!tpu.dma_semaphore, #tpu.memory_space<semaphore_mem>>
            %dma_wait3A_624 = arith.constant 0 : i32
            %dma_wait3A_625 = arith.constant 0 : i32
            %dma_wait3A_626 = tpu.memref_slice %run_scoped3A_18[%rem3A_616, %dma_wait3A_624, %dma_wait3A_625] <%multiple_of3A_612> : memref<2x1x1024xf32, #tpu.memory_space<vmem>> -> memref<1x1x?xf32, #tpu.memory_space<vmem>>
            %dma_wait3A_627 = tpu.memref_squeeze %dma_wait3A_626 : memref<1x1x?xf32, #tpu.memory_space<vmem>> -> memref<1x?xf32, #tpu.memory_space<vmem>>
            %dma_wait3A_628 = arith.constant 0 : i32
            %dma_wait3A_629 = tpu.memref_slice %arg3[%dma_wait3A_628, %mul3A_614] <%multiple_of3A_612> : memref<1x100000xf32, #tpu.memory_space<hbm>> -> memref<1x?xf32, #tpu.memory_space<hbm>>
            tpu.wait_dma2 semaphore(%dma_wait3A_623 : memref<!tpu.dma_semaphore, #tpu.memory_space<semaphore_mem>>) src(%dma_wait3A_629 : memref<1x?xf32, #tpu.memory_space<hbm>>) dst(%dma_wait3A_627 : memref<1x?xf32, #tpu.memory_space<vmem>>)
            "tpu.trace_stop"() : () -> ()
          } else {
          }
          %ne3A_446 = arith.cmpi ne, %add3A_310, %add3A_329 : i32
          %ne3A_447 = arith.cmpi ne, %add3A_311, %add3A_330 : i32
          %or3A_448 = arith.constant false
          %or3A_449 = arith.ori %or3A_448, %ne3A_446 : i1
          %or3A_450 = arith.ori %or3A_449, %ne3A_447 : i1
          %or3A_451 = arith.ori %or3A_450, %eq3A_305 : i1
          %convert_element_type3A_452 = arith.extui %or3A_451 : i1 to i32
          %cond3A_453 = arith.constant 0 : i32
          %cond3A_454 = arith.cmpi ne, %convert_element_type3A_452, %cond3A_453 : i32
          scf.if %cond3A_454 {
            "tpu.trace_start"() <{level = 10 : i32, message = "ep_wait_in"}> : () -> ()
            %mul3A_605 = arith.constant 16 : i32
            %mul3A_606 = arith.muli %mul3A_605, %add3A_310 : i32
            %mul3A_607 = arith.constant 1024 : i32
            %mul3A_608 = arith.muli %mul3A_607, %add3A_311 : i32
            %eq3A_609 = arith.constant 97 : i32
            %eq3A_610 = arith.cmpi eq, %add3A_311, %eq3A_609 : i32
            %jit3A_611 = arith.constant 768 : i32
            %jit3A_612 = arith.constant 1024 : i32
            %select_n3A_613 = arith.select %eq3A_610, %jit3A_611, %jit3A_612 : i32
            %multiple_of3A_614 = tpu.assume_multiple %select_n3A_613, 128 : i32
            %mul3A_615 = arith.constant 1024 : i32
            %mul3A_616 = arith.muli %add3A_311, %mul3A_615 : i32
            %rem3A_617 = arith.constant 2 : i32
            %rem3A_618 = arith.remui %while3A_297, %rem3A_617 : i32
            %dma_wait3A = arith.constant 0 : i32
            %dma_wait3A_619 = arith.constant 0 : i32
            %dma_wait3A_620 = tpu.memref_slice %run_scoped3A_20[%rem3A_618, %dma_wait3A, %dma_wait3A_619] <%multiple_of3A_614> : memref<2x16x1024xf32, #tpu.memory_space<vmem>> -> memref<1x16x?xf32, #tpu.memory_space<vmem>>
            %dma_wait3A_621 = tpu.memref_squeeze %dma_wait3A_620 : memref<1x16x?xf32, #tpu.memory_space<vmem>> -> memref<16x?xf32, #tpu.memory_space<vmem>>
            %dma_wait3A_622 = tpu.memref_slice %arg4[%mul3A_606, %mul3A_616] <%multiple_of3A_614> : memref<128x100000xf32, #tpu.memory_space<hbm>> -> memref<16x?xf32, #tpu.memory_space<hbm>>
            %dma_wait3A_623 = tpu.memref_slice %run_scoped3A_21[%rem3A_618] : memref<2x!tpu.dma_semaphore, #tpu.memory_space<semaphore_mem>> -> memref<1x!tpu.dma_semaphore, #tpu.memory_space<semaphore_mem>>
            %dma_wait3A_624 = tpu.memref_squeeze %dma_wait3A_623 : memref<1x!tpu.dma_semaphore, #tpu.memory_space<semaphore_mem>> -> memref<!tpu.dma_semaphore, #tpu.memory_space<semaphore_mem>>
            %dma_wait3A_625 = arith.constant 0 : i32
            %dma_wait3A_626 = arith.constant 0 : i32
            %dma_wait3A_627 = tpu.memref_slice %run_scoped3A_20[%rem3A_618, %dma_wait3A_625, %dma_wait3A_626] <%multiple_of3A_614> : memref<2x16x1024xf32, #tpu.memory_space<vmem>> -> memref<1x16x?xf32, #tpu.memory_space<vmem>>
            %dma_wait3A_628 = tpu.memref_squeeze %dma_wait3A_627 : memref<1x16x?xf32, #tpu.memory_space<vmem>> -> memref<16x?xf32, #tpu.memory_space<vmem>>
            %dma_wait3A_629 = tpu.memref_slice %arg4[%mul3A_606, %mul3A_616] <%multiple_of3A_614> : memref<128x100000xf32, #tpu.memory_space<hbm>> -> memref<16x?xf32, #tpu.memory_space<hbm>>
            tpu.wait_dma2 semaphore(%dma_wait3A_624 : memref<!tpu.dma_semaphore, #tpu.memory_space<semaphore_mem>>) src(%dma_wait3A_629 : memref<16x?xf32, #tpu.memory_space<hbm>>) dst(%dma_wait3A_628 : memref<16x?xf32, #tpu.memory_space<vmem>>)
            "tpu.trace_stop"() : () -> ()
          } else {
          }
          %ne3A_455 = arith.cmpi ne, %add3A_310, %add3A_329 : i32
          %ne3A_456 = arith.cmpi ne, %add3A_311, %add3A_330 : i32
          %or3A_457 = arith.constant false
          %or3A_458 = arith.ori %or3A_457, %ne3A_455 : i1
          %or3A_459 = arith.ori %or3A_458, %ne3A_456 : i1
          %or3A_460 = arith.ori %or3A_459, %eq3A_305 : i1
          %convert_element_type3A_461 = arith.extui %or3A_460 : i1 to i32
          %cond3A_462 = arith.constant 0 : i32
          %cond3A_463 = arith.cmpi ne, %convert_element_type3A_461, %cond3A_462 : i32
          scf.if %cond3A_463 {
          } else {
          }
          %rem3A_464 = arith.constant 2 : i32
          %rem3A_465 = arith.remui %while3A_293, %rem3A_464 : i32
          %rem3A_466 = arith.constant 2 : i32
          %rem3A_467 = arith.remui %while3A_295, %rem3A_466 : i32
          %rem3A_468 = arith.constant 2 : i32
          %rem3A_469 = arith.remui %while3A_297, %rem3A_468 : i32
          %rem3A_470 = arith.constant 2 : i32
          %rem3A_471 = arith.remui %while3A_298, %rem3A_470 : i32
          %parallel_loop3A = arith.constant 0 : i32
          %parallel_loop3A_472 = arith.constant 1024 : i32
          %parallel_loop3A_473 = arith.constant 16 : i32
          "tpu.trace_start"() <{level = 10 : i32, message = "ep_run_kernel"}> : () -> ()
          scf.for %parallel_loop3A_605 = %parallel_loop3A to %parallel_loop3A_472 step %parallel_loop3A_473  : i32 {
            %parallel_loop3A_606 = arith.constant 0 : i32
            %parallel_loop3A_607 = arith.constant 0 : i32
            %parallel_loop3A_608 = arith.constant 0 : i32
            %parallel_loop3A_609 = tpu.memref_slice %run_scoped3A[%rem3A_465, %parallel_loop3A_607, %parallel_loop3A_608] : memref<2x1x1024xf32, #tpu.memory_space<vmem>> -> memref<1x1x1024xf32, #tpu.memory_space<vmem>>
            %parallel_loop3A_610 = tpu.memref_squeeze %parallel_loop3A_609 : memref<1x1x1024xf32, #tpu.memory_space<vmem>> -> memref<1x1024xf32, #tpu.memory_space<vmem>>
            %parallel_loop3A_611 = arith.index_cast %parallel_loop3A_606 : i32 to index
            %parallel_loop3A_612 = arith.index_cast %parallel_loop3A_605 : i32 to index
            %parallel_loop3A_613 = tpu.vector_load %parallel_loop3A_610[%parallel_loop3A_611, %parallel_loop3A_612] {strides = array<i32>} : memref<1x1024xf32, #tpu.memory_space<vmem>>, vector<1x16xf32>,
            %parallel_loop3A_614 = vector.shape_cast %parallel_loop3A_613 : vector<1x16xf32> to vector<16xf32>
            %parallel_loop3A_615 = arith.constant 0 : i32
            %parallel_loop3A_616 = arith.constant 0 : i32
            %parallel_loop3A_617 = arith.constant 0 : i32
            %parallel_loop3A_618 = tpu.memref_slice %run_scoped3A_18[%rem3A_467, %parallel_loop3A_616, %parallel_loop3A_617] : memref<2x1x1024xf32, #tpu.memory_space<vmem>> -> memref<1x1x1024xf32, #tpu.memory_space<vmem>>
            %parallel_loop3A_619 = tpu.memref_squeeze %parallel_loop3A_618 : memref<1x1x1024xf32, #tpu.memory_space<vmem>> -> memref<1x1024xf32, #tpu.memory_space<vmem>>
            %parallel_loop3A_620 = arith.index_cast %parallel_loop3A_615 : i32 to index
            %parallel_loop3A_621 = arith.index_cast %parallel_loop3A_605 : i32 to index
            %parallel_loop3A_622 = tpu.vector_load %parallel_loop3A_619[%parallel_loop3A_620, %parallel_loop3A_621] {strides = array<i32>} : memref<1x1024xf32, #tpu.memory_space<vmem>>, vector<1x16xf32>,
            %parallel_loop3A_623 = vector.shape_cast %parallel_loop3A_622 : vector<1x16xf32> to vector<16xf32>
            %parallel_loop3A_624 = math.exp %parallel_loop3A_623 : vector<16xf32>
            %parallel_loop3A_625 = arith.constant 0 : i32
            %parallel_loop3A_626 = arith.constant 0 : i32
            %parallel_loop3A_627 = arith.constant 0 : i32
            %parallel_loop3A_628 = tpu.memref_slice %run_scoped3A_20[%rem3A_469, %parallel_loop3A_626, %parallel_loop3A_627] : memref<2x16x1024xf32, #tpu.memory_space<vmem>> -> memref<1x16x1024xf32, #tpu.memory_space<vmem>>
            %parallel_loop3A_629 = tpu.memref_squeeze %parallel_loop3A_628 : memref<1x16x1024xf32, #tpu.memory_space<vmem>> -> memref<16x1024xf32, #tpu.memory_space<vmem>>
            %parallel_loop3A_630 = arith.index_cast %parallel_loop3A_625 : i32 to index
            %parallel_loop3A_631 = arith.index_cast %parallel_loop3A_605 : i32 to index
            %parallel_loop3A_632 = tpu.vector_load %parallel_loop3A_629[%parallel_loop3A_630, %parallel_loop3A_631] {strides = array<i32>} : memref<16x1024xf32, #tpu.memory_space<vmem>>, vector<1x16xf32>,
            %parallel_loop3A_633 = vector.shape_cast %parallel_loop3A_632 : vector<1x16xf32> to vector<16xf32>
            %parallel_loop3A_634 = arith.mulf %parallel_loop3A_624, %parallel_loop3A_633 : vector<16xf32>
            %parallel_loop3A_635 = arith.addf %parallel_loop3A_614, %parallel_loop3A_634 : vector<16xf32>
            %parallel_loop3A_636 = arith.constant 0 : i32
            %parallel_loop3A_637 = arith.constant 0 : i32
            %parallel_loop3A_638 = arith.constant 0 : i32
            %parallel_loop3A_639 = tpu.memref_slice %run_scoped3A_22[%rem3A_471, %parallel_loop3A_637, %parallel_loop3A_638] : memref<2x16x1024xf32, #tpu.memory_space<vmem>> -> memref<1x16x1024xf32, #tpu.memory_space<vmem>>
            %parallel_loop3A_640 = tpu.memref_squeeze %parallel_loop3A_639 : memref<1x16x1024xf32, #tpu.memory_space<vmem>> -> memref<16x1024xf32, #tpu.memory_space<vmem>>
            %parallel_loop3A_641 = arith.index_cast %parallel_loop3A_636 : i32 to index
            %parallel_loop3A_642 = arith.index_cast %parallel_loop3A_605 : i32 to index
            %parallel_loop3A_643 = tpu.vector_load %parallel_loop3A_640[%parallel_loop3A_641, %parallel_loop3A_642] {strides = array<i32>} : memref<16x1024xf32, #tpu.memory_space<vmem>>, vector<1x16xf32>,
            %parallel_loop3A_644 = vector.shape_cast %parallel_loop3A_643 : vector<1x16xf32> to vector<16xf32>
            %parallel_loop3A_645 = vector.shape_cast %parallel_loop3A_635 : vector<16xf32> to vector<1x16xf32>
            tpu.vector_store %parallel_loop3A_640[%parallel_loop3A_641, %parallel_loop3A_642], %parallel_loop3A_645 {strides = array<i32>} : memref<16x1024xf32, #tpu.memory_space<vmem>>, vector<1x16xf32>,
            %parallel_loop3A_646 = arith.constant 1 : i32
            %parallel_loop3A_647 = arith.constant 0 : i32
            %parallel_loop3A_648 = arith.constant 0 : i32
            %parallel_loop3A_649 = tpu.memref_slice %run_scoped3A_20[%rem3A_469, %parallel_loop3A_647, %parallel_loop3A_648] : memref<2x16x1024xf32, #tpu.memory_space<vmem>> -> memref<1x16x1024xf32, #tpu.memory_space<vmem>>
            %parallel_loop3A_650 = tpu.memref_squeeze %parallel_loop3A_649 : memref<1x16x1024xf32, #tpu.memory_space<vmem>> -> memref<16x1024xf32, #tpu.memory_space<vmem>>
            %parallel_loop3A_651 = arith.index_cast %parallel_loop3A_646 : i32 to index
            %parallel_loop3A_652 = arith.index_cast %parallel_loop3A_605 : i32 to index
            %parallel_loop3A_653 = tpu.vector_load %parallel_loop3A_650[%parallel_loop3A_651, %parallel_loop3A_652] {strides = array<i32>} : memref<16x1024xf32, #tpu.memory_space<vmem>>, vector<1x16xf32>,
            %parallel_loop3A_654 = vector.shape_cast %parallel_loop3A_653 : vector<1x16xf32> to vector<16xf32>
            %parallel_loop3A_655 = arith.mulf %parallel_loop3A_624, %parallel_loop3A_654 : vector<16xf32>
            %parallel_loop3A_656 = arith.addf %parallel_loop3A_614, %parallel_loop3A_655 : vector<16xf32>
            %parallel_loop3A_657 = arith.constant 1 : i32
            %parallel_loop3A_658 = arith.constant 0 : i32
            %parallel_loop3A_659 = arith.constant 0 : i32
            %parallel_loop3A_660 = tpu.memref_slice %run_scoped3A_22[%rem3A_471, %parallel_loop3A_658, %parallel_loop3A_659] : memref<2x16x1024xf32, #tpu.memory_space<vmem>> -> memref<1x16x1024xf32, #tpu.memory_space<vmem>>
            %parallel_loop3A_661 = tpu.memref_squeeze %parallel_loop3A_660 : memref<1x16x1024xf32, #tpu.memory_space<vmem>> -> memref<16x1024xf32, #tpu.memory_space<vmem>>
            %parallel_loop3A_662 = arith.index_cast %parallel_loop3A_657 : i32 to index
            %parallel_loop3A_663 = arith.index_cast %parallel_loop3A_605 : i32 to index
            %parallel_loop3A_664 = tpu.vector_load %parallel_loop3A_661[%parallel_loop3A_662, %parallel_loop3A_663] {strides = array<i32>} : memref<16x1024xf32, #tpu.memory_space<vmem>>, vector<1x16xf32>,
            %parallel_loop3A_665 = vector.shape_cast %parallel_loop3A_664 : vector<1x16xf32> to vector<16xf32>
            %parallel_loop3A_666 = vector.shape_cast %parallel_loop3A_656 : vector<16xf32> to vector<1x16xf32>
            tpu.vector_store %parallel_loop3A_661[%parallel_loop3A_662, %parallel_loop3A_663], %parallel_loop3A_666 {strides = array<i32>} : memref<16x1024xf32, #tpu.memory_space<vmem>>, vector<1x16xf32>,
            %parallel_loop3A_667 = arith.constant 2 : i32
            %parallel_loop3A_668 = arith.constant 0 : i32
            %parallel_loop3A_669 = arith.constant 0 : i32
            %parallel_loop3A_670 = tpu.memref_slice %run_scoped3A_20[%rem3A_469, %parallel_loop3A_668, %parallel_loop3A_669] : memref<2x16x1024xf32, #tpu.memory_space<vmem>> -> memref<1x16x1024xf32, #tpu.memory_space<vmem>>
            %parallel_loop3A_671 = tpu.memref_squeeze %parallel_loop3A_670 : memref<1x16x1024xf32, #tpu.memory_space<vmem>> -> memref<16x1024xf32, #tpu.memory_space<vmem>>
            %parallel_loop3A_672 = arith.index_cast %parallel_loop3A_667 : i32 to index
            %parallel_loop3A_673 = arith.index_cast %parallel_loop3A_605 : i32 to index
            %parallel_loop3A_674 = tpu.vector_load %parallel_loop3A_671[%parallel_loop3A_672, %parallel_loop3A_673] {strides = array<i32>} : memref<16x1024xf32, #tpu.memory_space<vmem>>, vector<1x16xf32>,
            %parallel_loop3A_675 = vector.shape_cast %parallel_loop3A_674 : vector<1x16xf32> to vector<16xf32>
            %parallel_loop3A_676 = arith.mulf %parallel_loop3A_624, %parallel_loop3A_675 : vector<16xf32>
            %parallel_loop3A_677 = arith.addf %parallel_loop3A_614, %parallel_loop3A_676 : vector<16xf32>
            %parallel_loop3A_678 = arith.constant 2 : i32
            %parallel_loop3A_679 = arith.constant 0 : i32
            %parallel_loop3A_680 = arith.constant 0 : i32
            %parallel_loop3A_681 = tpu.memref_slice %run_scoped3A_22[%rem3A_471, %parallel_loop3A_679, %parallel_loop3A_680] : memref<2x16x1024xf32, #tpu.memory_space<vmem>> -> memref<1x16x1024xf32, #tpu.memory_space<vmem>>
            %parallel_loop3A_682 = tpu.memref_squeeze %parallel_loop3A_681 : memref<1x16x1024xf32, #tpu.memory_space<vmem>> -> memref<16x1024xf32, #tpu.memory_space<vmem>>
            %parallel_loop3A_683 = arith.index_cast %parallel_loop3A_678 : i32 to index
            %parallel_loop3A_684 = arith.index_cast %parallel_loop3A_605 : i32 to index
            %parallel_loop3A_685 = tpu.vector_load %parallel_loop3A_682[%parallel_loop3A_683, %parallel_loop3A_684] {strides = array<i32>} : memref<16x1024xf32, #tpu.memory_space<vmem>>, vector<1x16xf32>,
            %parallel_loop3A_686 = vector.shape_cast %parallel_loop3A_685 : vector<1x16xf32> to vector<16xf32>
            %parallel_loop3A_687 = vector.shape_cast %parallel_loop3A_677 : vector<16xf32> to vector<1x16xf32>
            tpu.vector_store %parallel_loop3A_682[%parallel_loop3A_683, %parallel_loop3A_684], %parallel_loop3A_687 {strides = array<i32>} : memref<16x1024xf32, #tpu.memory_space<vmem>>, vector<1x16xf32>,
            %parallel_loop3A_688 = arith.constant 3 : i32
            %parallel_loop3A_689 = arith.constant 0 : i32
            %parallel_loop3A_690 = arith.constant 0 : i32
            %parallel_loop3A_691 = tpu.memref_slice %run_scoped3A_20[%rem3A_469, %parallel_loop3A_689, %parallel_loop3A_690] : memref<2x16x1024xf32, #tpu.memory_space<vmem>> -> memref<1x16x1024xf32, #tpu.memory_space<vmem>>
            %parallel_loop3A_692 = tpu.memref_squeeze %parallel_loop3A_691 : memref<1x16x1024xf32, #tpu.memory_space<vmem>> -> memref<16x1024xf32, #tpu.memory_space<vmem>>
            %parallel_loop3A_693 = arith.index_cast %parallel_loop3A_688 : i32 to index
            %parallel_loop3A_694 = arith.index_cast %parallel_loop3A_605 : i32 to index
            %parallel_loop3A_695 = tpu.vector_load %parallel_loop3A_692[%parallel_loop3A_693, %parallel_loop3A_694] {strides = array<i32>} : memref<16x1024xf32, #tpu.memory_space<vmem>>, vector<1x16xf32>,
            %parallel_loop3A_696 = vector.shape_cast %parallel_loop3A_695 : vector<1x16xf32> to vector<16xf32>
            %parallel_loop3A_697 = arith.mulf %parallel_loop3A_624, %parallel_loop3A_696 : vector<16xf32>
            %parallel_loop3A_698 = arith.addf %parallel_loop3A_614, %parallel_loop3A_697 : vector<16xf32>
            %parallel_loop3A_699 = arith.constant 3 : i32
            %parallel_loop3A_700 = arith.constant 0 : i32
            %parallel_loop3A_701 = arith.constant 0 : i32
            %parallel_loop3A_702 = tpu.memref_slice %run_scoped3A_22[%rem3A_471, %parallel_loop3A_700, %parallel_loop3A_701] : memref<2x16x1024xf32, #tpu.memory_space<vmem>> -> memref<1x16x1024xf32, #tpu.memory_space<vmem>>
            %parallel_loop3A_703 = tpu.memref_squeeze %parallel_loop3A_702 : memref<1x16x1024xf32, #tpu.memory_space<vmem>> -> memref<16x1024xf32, #tpu.memory_space<vmem>>
            %parallel_loop3A_704 = arith.index_cast %parallel_loop3A_699 : i32 to index
            %parallel_loop3A_705 = arith.index_cast %parallel_loop3A_605 : i32 to index
            %parallel_loop3A_706 = tpu.vector_load %parallel_loop3A_703[%parallel_loop3A_704, %parallel_loop3A_705] {strides = array<i32>} : memref<16x1024xf32, #tpu.memory_space<vmem>>, vector<1x16xf32>,
            %parallel_loop3A_707 = vector.shape_cast %parallel_loop3A_706 : vector<1x16xf32> to vector<16xf32>
            %parallel_loop3A_708 = vector.shape_cast %parallel_loop3A_698 : vector<16xf32> to vector<1x16xf32>
            tpu.vector_store %parallel_loop3A_703[%parallel_loop3A_704, %parallel_loop3A_705], %parallel_loop3A_708 {strides = array<i32>} : memref<16x1024xf32, #tpu.memory_space<vmem>>, vector<1x16xf32>,
            %parallel_loop3A_709 = arith.constant 4 : i32
            %parallel_loop3A_710 = arith.constant 0 : i32
            %parallel_loop3A_711 = arith.constant 0 : i32
            %parallel_loop3A_712 = tpu.memref_slice %run_scoped3A_20[%rem3A_469, %parallel_loop3A_710, %parallel_loop3A_711] : memref<2x16x1024xf32, #tpu.memory_space<vmem>> -> memref<1x16x1024xf32, #tpu.memory_space<vmem>>
            %parallel_loop3A_713 = tpu.memref_squeeze %parallel_loop3A_712 : memref<1x16x1024xf32, #tpu.memory_space<vmem>> -> memref<16x1024xf32, #tpu.memory_space<vmem>>
            %parallel_loop3A_714 = arith.index_cast %parallel_loop3A_709 : i32 to index
            %parallel_loop3A_715 = arith.index_cast %parallel_loop3A_605 : i32 to index
            %parallel_loop3A_716 = tpu.vector_load %parallel_loop3A_713[%parallel_loop3A_714, %parallel_loop3A_715] {strides = array<i32>} : memref<16x1024xf32, #tpu.memory_space<vmem>>, vector<1x16xf32>,
            %parallel_loop3A_717 = vector.shape_cast %parallel_loop3A_716 : vector<1x16xf32> to vector<16xf32>
            %parallel_loop3A_718 = arith.mulf %parallel_loop3A_624, %parallel_loop3A_717 : vector<16xf32>
            %parallel_loop3A_719 = arith.addf %parallel_loop3A_614, %parallel_loop3A_718 : vector<16xf32>
            %parallel_loop3A_720 = arith.constant 4 : i32
            %parallel_loop3A_721 = arith.constant 0 : i32
            %parallel_loop3A_722 = arith.constant 0 : i32
            %parallel_loop3A_723 = tpu.memref_slice %run_scoped3A_22[%rem3A_471, %parallel_loop3A_721, %parallel_loop3A_722] : memref<2x16x1024xf32, #tpu.memory_space<vmem>> -> memref<1x16x1024xf32, #tpu.memory_space<vmem>>
            %parallel_loop3A_724 = tpu.memref_squeeze %parallel_loop3A_723 : memref<1x16x1024xf32, #tpu.memory_space<vmem>> -> memref<16x1024xf32, #tpu.memory_space<vmem>>
            %parallel_loop3A_725 = arith.index_cast %parallel_loop3A_720 : i32 to index
            %parallel_loop3A_726 = arith.index_cast %parallel_loop3A_605 : i32 to index
            %parallel_loop3A_727 = tpu.vector_load %parallel_loop3A_724[%parallel_loop3A_725, %parallel_loop3A_726] {strides = array<i32>} : memref<16x1024xf32, #tpu.memory_space<vmem>>, vector<1x16xf32>,
            %parallel_loop3A_728 = vector.shape_cast %parallel_loop3A_727 : vector<1x16xf32> to vector<16xf32>
            %parallel_loop3A_729 = vector.shape_cast %parallel_loop3A_719 : vector<16xf32> to vector<1x16xf32>
            tpu.vector_store %parallel_loop3A_724[%parallel_loop3A_725, %parallel_loop3A_726], %parallel_loop3A_729 {strides = array<i32>} : memref<16x1024xf32, #tpu.memory_space<vmem>>, vector<1x16xf32>,
            %parallel_loop3A_730 = arith.constant 5 : i32
            %parallel_loop3A_731 = arith.constant 0 : i32
            %parallel_loop3A_732 = arith.constant 0 : i32
            %parallel_loop3A_733 = tpu.memref_slice %run_scoped3A_20[%rem3A_469, %parallel_loop3A_731, %parallel_loop3A_732] : memref<2x16x1024xf32, #tpu.memory_space<vmem>> -> memref<1x16x1024xf32, #tpu.memory_space<vmem>>
            %parallel_loop3A_734 = tpu.memref_squeeze %parallel_loop3A_733 : memref<1x16x1024xf32, #tpu.memory_space<vmem>> -> memref<16x1024xf32, #tpu.memory_space<vmem>>
            %parallel_loop3A_735 = arith.index_cast %parallel_loop3A_730 : i32 to index
            %parallel_loop3A_736 = arith.index_cast %parallel_loop3A_605 : i32 to index
            %parallel_loop3A_737 = tpu.vector_load %parallel_loop3A_734[%parallel_loop3A_735, %parallel_loop3A_736] {strides = array<i32>} : memref<16x1024xf32, #tpu.memory_space<vmem>>, vector<1x16xf32>,
            %parallel_loop3A_738 = vector.shape_cast %parallel_loop3A_737 : vector<1x16xf32> to vector<16xf32>
            %parallel_loop3A_739 = arith.mulf %parallel_loop3A_624, %parallel_loop3A_738 : vector<16xf32>
            %parallel_loop3A_740 = arith.addf %parallel_loop3A_614, %parallel_loop3A_739 : vector<16xf32>
            %parallel_loop3A_741 = arith.constant 5 : i32
            %parallel_loop3A_742 = arith.constant 0 : i32
            %parallel_loop3A_743 = arith.constant 0 : i32
            %parallel_loop3A_744 = tpu.memref_slice %run_scoped3A_22[%rem3A_471, %parallel_loop3A_742, %parallel_loop3A_743] : memref<2x16x1024xf32, #tpu.memory_space<vmem>> -> memref<1x16x1024xf32, #tpu.memory_space<vmem>>
            %parallel_loop3A_745 = tpu.memref_squeeze %parallel_loop3A_744 : memref<1x16x1024xf32, #tpu.memory_space<vmem>> -> memref<16x1024xf32, #tpu.memory_space<vmem>>
            %parallel_loop3A_746 = arith.index_cast %parallel_loop3A_741 : i32 to index
            %parallel_loop3A_747 = arith.index_cast %parallel_loop3A_605 : i32 to index
            %parallel_loop3A_748 = tpu.vector_load %parallel_loop3A_745[%parallel_loop3A_746, %parallel_loop3A_747] {strides = array<i32>} : memref<16x1024xf32, #tpu.memory_space<vmem>>, vector<1x16xf32>,
            %parallel_loop3A_749 = vector.shape_cast %parallel_loop3A_748 : vector<1x16xf32> to vector<16xf32>
            %parallel_loop3A_750 = vector.shape_cast %parallel_loop3A_740 : vector<16xf32> to vector<1x16xf32>
            tpu.vector_store %parallel_loop3A_745[%parallel_loop3A_746, %parallel_loop3A_747], %parallel_loop3A_750 {strides = array<i32>} : memref<16x1024xf32, #tpu.memory_space<vmem>>, vector<1x16xf32>,
            %parallel_loop3A_751 = arith.constant 6 : i32
            %parallel_loop3A_752 = arith.constant 0 : i32
            %parallel_loop3A_753 = arith.constant 0 : i32
            %parallel_loop3A_754 = tpu.memref_slice %run_scoped3A_20[%rem3A_469, %parallel_loop3A_752, %parallel_loop3A_753] : memref<2x16x1024xf32, #tpu.memory_space<vmem>> -> memref<1x16x1024xf32, #tpu.memory_space<vmem>>
            %parallel_loop3A_755 = tpu.memref_squeeze %parallel_loop3A_754 : memref<1x16x1024xf32, #tpu.memory_space<vmem>> -> memref<16x1024xf32, #tpu.memory_space<vmem>>
            %parallel_loop3A_756 = arith.index_cast %parallel_loop3A_751 : i32 to index
            %parallel_loop3A_757 = arith.index_cast %parallel_loop3A_605 : i32 to index
            %parallel_loop3A_758 = tpu.vector_load %parallel_loop3A_755[%parallel_loop3A_756, %parallel_loop3A_757] {strides = array<i32>} : memref<16x1024xf32, #tpu.memory_space<vmem>>, vector<1x16xf32>,
            %parallel_loop3A_759 = vector.shape_cast %parallel_loop3A_758 : vector<1x16xf32> to vector<16xf32>
            %parallel_loop3A_760 = arith.mulf %parallel_loop3A_624, %parallel_loop3A_759 : vector<16xf32>
            %parallel_loop3A_761 = arith.addf %parallel_loop3A_614, %parallel_loop3A_760 : vector<16xf32>
            %parallel_loop3A_762 = arith.constant 6 : i32
            %parallel_loop3A_763 = arith.constant 0 : i32
            %parallel_loop3A_764 = arith.constant 0 : i32
            %parallel_loop3A_765 = tpu.memref_slice %run_scoped3A_22[%rem3A_471, %parallel_loop3A_763, %parallel_loop3A_764] : memref<2x16x1024xf32, #tpu.memory_space<vmem>> -> memref<1x16x1024xf32, #tpu.memory_space<vmem>>
            %parallel_loop3A_766 = tpu.memref_squeeze %parallel_loop3A_765 : memref<1x16x1024xf32, #tpu.memory_space<vmem>> -> memref<16x1024xf32, #tpu.memory_space<vmem>>
            %parallel_loop3A_767 = arith.index_cast %parallel_loop3A_762 : i32 to index
            %parallel_loop3A_768 = arith.index_cast %parallel_loop3A_605 : i32 to index
            %parallel_loop3A_769 = tpu.vector_load %parallel_loop3A_766[%parallel_loop3A_767, %parallel_loop3A_768] {strides = array<i32>} : memref<16x1024xf32, #tpu.memory_space<vmem>>, vector<1x16xf32>,
            %parallel_loop3A_770 = vector.shape_cast %parallel_loop3A_769 : vector<1x16xf32> to vector<16xf32>
            %parallel_loop3A_771 = vector.shape_cast %parallel_loop3A_761 : vector<16xf32> to vector<1x16xf32>
            tpu.vector_store %parallel_loop3A_766[%parallel_loop3A_767, %parallel_loop3A_768], %parallel_loop3A_771 {strides = array<i32>} : memref<16x1024xf32, #tpu.memory_space<vmem>>, vector<1x16xf32>,
            %parallel_loop3A_772 = arith.constant 7 : i32
            %parallel_loop3A_773 = arith.constant 0 : i32
            %parallel_loop3A_774 = arith.constant 0 : i32
            %parallel_loop3A_775 = tpu.memref_slice %run_scoped3A_20[%rem3A_469, %parallel_loop3A_773, %parallel_loop3A_774] : memref<2x16x1024xf32, #tpu.memory_space<vmem>> -> memref<1x16x1024xf32, #tpu.memory_space<vmem>>
            %parallel_loop3A_776 = tpu.memref_squeeze %parallel_loop3A_775 : memref<1x16x1024xf32, #tpu.memory_space<vmem>> -> memref<16x1024xf32, #tpu.memory_space<vmem>>
            %parallel_loop3A_777 = arith.index_cast %parallel_loop3A_772 : i32 to index
            %parallel_loop3A_778 = arith.index_cast %parallel_loop3A_605 : i32 to index
            %parallel_loop3A_779 = tpu.vector_load %parallel_loop3A_776[%parallel_loop3A_777, %parallel_loop3A_778] {strides = array<i32>} : memref<16x1024xf32, #tpu.memory_space<vmem>>, vector<1x16xf32>,
            %parallel_loop3A_780 = vector.shape_cast %parallel_loop3A_779 : vector<1x16xf32> to vector<16xf32>
            %parallel_loop3A_781 = arith.mulf %parallel_loop3A_624, %parallel_loop3A_780 : vector<16xf32>
            %parallel_loop3A_782 = arith.addf %parallel_loop3A_614, %parallel_loop3A_781 : vector<16xf32>
            %parallel_loop3A_783 = arith.constant 7 : i32
            %parallel_loop3A_784 = arith.constant 0 : i32
            %parallel_loop3A_785 = arith.constant 0 : i32
            %parallel_loop3A_786 = tpu.memref_slice %run_scoped3A_22[%rem3A_471, %parallel_loop3A_784, %parallel_loop3A_785] : memref<2x16x1024xf32, #tpu.memory_space<vmem>> -> memref<1x16x1024xf32, #tpu.memory_space<vmem>>
            %parallel_loop3A_787 = tpu.memref_squeeze %parallel_loop3A_786 : memref<1x16x1024xf32, #tpu.memory_space<vmem>> -> memref<16x1024xf32, #tpu.memory_space<vmem>>
            %parallel_loop3A_788 = arith.index_cast %parallel_loop3A_783 : i32 to index
            %parallel_loop3A_789 = arith.index_cast %parallel_loop3A_605 : i32 to index
            %parallel_loop3A_790 = tpu.vector_load %parallel_loop3A_787[%parallel_loop3A_788, %parallel_loop3A_789] {strides = array<i32>} : memref<16x1024xf32, #tpu.memory_space<vmem>>, vector<1x16xf32>,
            %parallel_loop3A_791 = vector.shape_cast %parallel_loop3A_790 : vector<1x16xf32> to vector<16xf32>
            %parallel_loop3A_792 = vector.shape_cast %parallel_loop3A_782 : vector<16xf32> to vector<1x16xf32>
            tpu.vector_store %parallel_loop3A_787[%parallel_loop3A_788, %parallel_loop3A_789], %parallel_loop3A_792 {strides = array<i32>} : memref<16x1024xf32, #tpu.memory_space<vmem>>, vector<1x16xf32>,
            %parallel_loop3A_793 = arith.constant 8 : i32
            %parallel_loop3A_794 = arith.constant 0 : i32
            %parallel_loop3A_795 = arith.constant 0 : i32
            %parallel_loop3A_796 = tpu.memref_slice %run_scoped3A_20[%rem3A_469, %parallel_loop3A_794, %parallel_loop3A_795] : memref<2x16x1024xf32, #tpu.memory_space<vmem>> -> memref<1x16x1024xf32, #tpu.memory_space<vmem>>
            %parallel_loop3A_797 = tpu.memref_squeeze %parallel_loop3A_796 : memref<1x16x1024xf32, #tpu.memory_space<vmem>> -> memref<16x1024xf32, #tpu.memory_space<vmem>>
            %parallel_loop3A_798 = arith.index_cast %parallel_loop3A_793 : i32 to index
            %parallel_loop3A_799 = arith.index_cast %parallel_loop3A_605 : i32 to index
            %parallel_loop3A_800 = tpu.vector_load %parallel_loop3A_797[%parallel_loop3A_798, %parallel_loop3A_799] {strides = array<i32>} : memref<16x1024xf32, #tpu.memory_space<vmem>>, vector<1x16xf32>,
            %parallel_loop3A_801 = vector.shape_cast %parallel_loop3A_800 : vector<1x16xf32> to vector<16xf32>
            %parallel_loop3A_802 = arith.mulf %parallel_loop3A_624, %parallel_loop3A_801 : vector<16xf32>
            %parallel_loop3A_803 = arith.addf %parallel_loop3A_614, %parallel_loop3A_802 : vector<16xf32>
            %parallel_loop3A_804 = arith.constant 8 : i32
            %parallel_loop3A_805 = arith.constant 0 : i32
            %parallel_loop3A_806 = arith.constant 0 : i32
            %parallel_loop3A_807 = tpu.memref_slice %run_scoped3A_22[%rem3A_471, %parallel_loop3A_805, %parallel_loop3A_806] : memref<2x16x1024xf32, #tpu.memory_space<vmem>> -> memref<1x16x1024xf32, #tpu.memory_space<vmem>>
            %parallel_loop3A_808 = tpu.memref_squeeze %parallel_loop3A_807 : memref<1x16x1024xf32, #tpu.memory_space<vmem>> -> memref<16x1024xf32, #tpu.memory_space<vmem>>
            %parallel_loop3A_809 = arith.index_cast %parallel_loop3A_804 : i32 to index
            %parallel_loop3A_810 = arith.index_cast %parallel_loop3A_605 : i32 to index
            %parallel_loop3A_811 = tpu.vector_load %parallel_loop3A_808[%parallel_loop3A_809, %parallel_loop3A_810] {strides = array<i32>} : memref<16x1024xf32, #tpu.memory_space<vmem>>, vector<1x16xf32>,
            %parallel_loop3A_812 = vector.shape_cast %parallel_loop3A_811 : vector<1x16xf32> to vector<16xf32>
            %parallel_loop3A_813 = vector.shape_cast %parallel_loop3A_803 : vector<16xf32> to vector<1x16xf32>
            tpu.vector_store %parallel_loop3A_808[%parallel_loop3A_809, %parallel_loop3A_810], %parallel_loop3A_813 {strides = array<i32>} : memref<16x1024xf32, #tpu.memory_space<vmem>>, vector<1x16xf32>,
            %parallel_loop3A_814 = arith.constant 9 : i32
            %parallel_loop3A_815 = arith.constant 0 : i32
            %parallel_loop3A_816 = arith.constant 0 : i32
            %parallel_loop3A_817 = tpu.memref_slice %run_scoped3A_20[%rem3A_469, %parallel_loop3A_815, %parallel_loop3A_816] : memref<2x16x1024xf32, #tpu.memory_space<vmem>> -> memref<1x16x1024xf32, #tpu.memory_space<vmem>>
            %parallel_loop3A_818 = tpu.memref_squeeze %parallel_loop3A_817 : memref<1x16x1024xf32, #tpu.memory_space<vmem>> -> memref<16x1024xf32, #tpu.memory_space<vmem>>
            %parallel_loop3A_819 = arith.index_cast %parallel_loop3A_814 : i32 to index
            %parallel_loop3A_820 = arith.index_cast %parallel_loop3A_605 : i32 to index
            %parallel_loop3A_821 = tpu.vector_load %parallel_loop3A_818[%parallel_loop3A_819, %parallel_loop3A_820] {strides = array<i32>} : memref<16x1024xf32, #tpu.memory_space<vmem>>, vector<1x16xf32>,
            %parallel_loop3A_822 = vector.shape_cast %parallel_loop3A_821 : vector<1x16xf32> to vector<16xf32>
            %parallel_loop3A_823 = arith.mulf %parallel_loop3A_624, %parallel_loop3A_822 : vector<16xf32>
            %parallel_loop3A_824 = arith.addf %parallel_loop3A_614, %parallel_loop3A_823 : vector<16xf32>
            %parallel_loop3A_825 = arith.constant 9 : i32
            %parallel_loop3A_826 = arith.constant 0 : i32
            %parallel_loop3A_827 = arith.constant 0 : i32
            %parallel_loop3A_828 = tpu.memref_slice %run_scoped3A_22[%rem3A_471, %parallel_loop3A_826, %parallel_loop3A_827] : memref<2x16x1024xf32, #tpu.memory_space<vmem>> -> memref<1x16x1024xf32, #tpu.memory_space<vmem>>
            %parallel_loop3A_829 = tpu.memref_squeeze %parallel_loop3A_828 : memref<1x16x1024xf32, #tpu.memory_space<vmem>> -> memref<16x1024xf32, #tpu.memory_space<vmem>>
            %parallel_loop3A_830 = arith.index_cast %parallel_loop3A_825 : i32 to index
            %parallel_loop3A_831 = arith.index_cast %parallel_loop3A_605 : i32 to index
            %parallel_loop3A_832 = tpu.vector_load %parallel_loop3A_829[%parallel_loop3A_830, %parallel_loop3A_831] {strides = array<i32>} : memref<16x1024xf32, #tpu.memory_space<vmem>>, vector<1x16xf32>,
            %parallel_loop3A_833 = vector.shape_cast %parallel_loop3A_832 : vector<1x16xf32> to vector<16xf32>
            %parallel_loop3A_834 = vector.shape_cast %parallel_loop3A_824 : vector<16xf32> to vector<1x16xf32>
            tpu.vector_store %parallel_loop3A_829[%parallel_loop3A_830, %parallel_loop3A_831], %parallel_loop3A_834 {strides = array<i32>} : memref<16x1024xf32, #tpu.memory_space<vmem>>, vector<1x16xf32>,
            %parallel_loop3A_835 = arith.constant 10 : i32
            %parallel_loop3A_836 = arith.constant 0 : i32
            %parallel_loop3A_837 = arith.constant 0 : i32
            %parallel_loop3A_838 = tpu.memref_slice %run_scoped3A_20[%rem3A_469, %parallel_loop3A_836, %parallel_loop3A_837] : memref<2x16x1024xf32, #tpu.memory_space<vmem>> -> memref<1x16x1024xf32, #tpu.memory_space<vmem>>
            %parallel_loop3A_839 = tpu.memref_squeeze %parallel_loop3A_838 : memref<1x16x1024xf32, #tpu.memory_space<vmem>> -> memref<16x1024xf32, #tpu.memory_space<vmem>>
            %parallel_loop3A_840 = arith.index_cast %parallel_loop3A_835 : i32 to index
            %parallel_loop3A_841 = arith.index_cast %parallel_loop3A_605 : i32 to index
            %parallel_loop3A_842 = tpu.vector_load %parallel_loop3A_839[%parallel_loop3A_840, %parallel_loop3A_841] {strides = array<i32>} : memref<16x1024xf32, #tpu.memory_space<vmem>>, vector<1x16xf32>,
            %parallel_loop3A_843 = vector.shape_cast %parallel_loop3A_842 : vector<1x16xf32> to vector<16xf32>
            %parallel_loop3A_844 = arith.mulf %parallel_loop3A_624, %parallel_loop3A_843 : vector<16xf32>
            %parallel_loop3A_845 = arith.addf %parallel_loop3A_614, %parallel_loop3A_844 : vector<16xf32>
            %parallel_loop3A_846 = arith.constant 10 : i32
            %parallel_loop3A_847 = arith.constant 0 : i32
            %parallel_loop3A_848 = arith.constant 0 : i32
            %parallel_loop3A_849 = tpu.memref_slice %run_scoped3A_22[%rem3A_471, %parallel_loop3A_847, %parallel_loop3A_848] : memref<2x16x1024xf32, #tpu.memory_space<vmem>> -> memref<1x16x1024xf32, #tpu.memory_space<vmem>>
            %parallel_loop3A_850 = tpu.memref_squeeze %parallel_loop3A_849 : memref<1x16x1024xf32, #tpu.memory_space<vmem>> -> memref<16x1024xf32, #tpu.memory_space<vmem>>
            %parallel_loop3A_851 = arith.index_cast %parallel_loop3A_846 : i32 to index
            %parallel_loop3A_852 = arith.index_cast %parallel_loop3A_605 : i32 to index
            %parallel_loop3A_853 = tpu.vector_load %parallel_loop3A_850[%parallel_loop3A_851, %parallel_loop3A_852] {strides = array<i32>} : memref<16x1024xf32, #tpu.memory_space<vmem>>, vector<1x16xf32>,
            %parallel_loop3A_854 = vector.shape_cast %parallel_loop3A_853 : vector<1x16xf32> to vector<16xf32>
            %parallel_loop3A_855 = vector.shape_cast %parallel_loop3A_845 : vector<16xf32> to vector<1x16xf32>
            tpu.vector_store %parallel_loop3A_850[%parallel_loop3A_851, %parallel_loop3A_852], %parallel_loop3A_855 {strides = array<i32>} : memref<16x1024xf32, #tpu.memory_space<vmem>>, vector<1x16xf32>,
            %parallel_loop3A_856 = arith.constant 11 : i32
            %parallel_loop3A_857 = arith.constant 0 : i32
            %parallel_loop3A_858 = arith.constant 0 : i32
            %parallel_loop3A_859 = tpu.memref_slice %run_scoped3A_20[%rem3A_469, %parallel_loop3A_857, %parallel_loop3A_858] : memref<2x16x1024xf32, #tpu.memory_space<vmem>> -> memref<1x16x1024xf32, #tpu.memory_space<vmem>>
            %parallel_loop3A_860 = tpu.memref_squeeze %parallel_loop3A_859 : memref<1x16x1024xf32, #tpu.memory_space<vmem>> -> memref<16x1024xf32, #tpu.memory_space<vmem>>
            %parallel_loop3A_861 = arith.index_cast %parallel_loop3A_856 : i32 to index
            %parallel_loop3A_862 = arith.index_cast %parallel_loop3A_605 : i32 to index
            %parallel_loop3A_863 = tpu.vector_load %parallel_loop3A_860[%parallel_loop3A_861, %parallel_loop3A_862] {strides = array<i32>} : memref<16x1024xf32, #tpu.memory_space<vmem>>, vector<1x16xf32>,
            %parallel_loop3A_864 = vector.shape_cast %parallel_loop3A_863 : vector<1x16xf32> to vector<16xf32>
            %parallel_loop3A_865 = arith.mulf %parallel_loop3A_624, %parallel_loop3A_864 : vector<16xf32>
            %parallel_loop3A_866 = arith.addf %parallel_loop3A_614, %parallel_loop3A_865 : vector<16xf32>
            %parallel_loop3A_867 = arith.constant 11 : i32
            %parallel_loop3A_868 = arith.constant 0 : i32
            %parallel_loop3A_869 = arith.constant 0 : i32
            %parallel_loop3A_870 = tpu.memref_slice %run_scoped3A_22[%rem3A_471, %parallel_loop3A_868, %parallel_loop3A_869] : memref<2x16x1024xf32, #tpu.memory_space<vmem>> -> memref<1x16x1024xf32, #tpu.memory_space<vmem>>
            %parallel_loop3A_871 = tpu.memref_squeeze %parallel_loop3A_870 : memref<1x16x1024xf32, #tpu.memory_space<vmem>> -> memref<16x1024xf32, #tpu.memory_space<vmem>>
            %parallel_loop3A_872 = arith.index_cast %parallel_loop3A_867 : i32 to index
            %parallel_loop3A_873 = arith.index_cast %parallel_loop3A_605 : i32 to index
            %parallel_loop3A_874 = tpu.vector_load %parallel_loop3A_871[%parallel_loop3A_872, %parallel_loop3A_873] {strides = array<i32>} : memref<16x1024xf32, #tpu.memory_space<vmem>>, vector<1x16xf32>,
            %parallel_loop3A_875 = vector.shape_cast %parallel_loop3A_874 : vector<1x16xf32> to vector<16xf32>
            %parallel_loop3A_876 = vector.shape_cast %parallel_loop3A_866 : vector<16xf32> to vector<1x16xf32>
            tpu.vector_store %parallel_loop3A_871[%parallel_loop3A_872, %parallel_loop3A_873], %parallel_loop3A_876 {strides = array<i32>} : memref<16x1024xf32, #tpu.memory_space<vmem>>, vector<1x16xf32>,
            %parallel_loop3A_877 = arith.constant 12 : i32
            %parallel_loop3A_878 = arith.constant 0 : i32
            %parallel_loop3A_879 = arith.constant 0 : i32
            %parallel_loop3A_880 = tpu.memref_slice %run_scoped3A_20[%rem3A_469, %parallel_loop3A_878, %parallel_loop3A_879] : memref<2x16x1024xf32, #tpu.memory_space<vmem>> -> memref<1x16x1024xf32, #tpu.memory_space<vmem>>
            %parallel_loop3A_881 = tpu.memref_squeeze %parallel_loop3A_880 : memref<1x16x1024xf32, #tpu.memory_space<vmem>> -> memref<16x1024xf32, #tpu.memory_space<vmem>>
            %parallel_loop3A_882 = arith.index_cast %parallel_loop3A_877 : i32 to index
            %parallel_loop3A_883 = arith.index_cast %parallel_loop3A_605 : i32 to index
            %parallel_loop3A_884 = tpu.vector_load %parallel_loop3A_881[%parallel_loop3A_882, %parallel_loop3A_883] {strides = array<i32>} : memref<16x1024xf32, #tpu.memory_space<vmem>>, vector<1x16xf32>,
            %parallel_loop3A_885 = vector.shape_cast %parallel_loop3A_884 : vector<1x16xf32> to vector<16xf32>
            %parallel_loop3A_886 = arith.mulf %parallel_loop3A_624, %parallel_loop3A_885 : vector<16xf32>
            %parallel_loop3A_887 = arith.addf %parallel_loop3A_614, %parallel_loop3A_886 : vector<16xf32>
            %parallel_loop3A_888 = arith.constant 12 : i32
            %parallel_loop3A_889 = arith.constant 0 : i32
            %parallel_loop3A_890 = arith.constant 0 : i32
            %parallel_loop3A_891 = tpu.memref_slice %run_scoped3A_22[%rem3A_471, %parallel_loop3A_889, %parallel_loop3A_890] : memref<2x16x1024xf32, #tpu.memory_space<vmem>> -> memref<1x16x1024xf32, #tpu.memory_space<vmem>>
            %parallel_loop3A_892 = tpu.memref_squeeze %parallel_loop3A_891 : memref<1x16x1024xf32, #tpu.memory_space<vmem>> -> memref<16x1024xf32, #tpu.memory_space<vmem>>
            %parallel_loop3A_893 = arith.index_cast %parallel_loop3A_888 : i32 to index
            %parallel_loop3A_894 = arith.index_cast %parallel_loop3A_605 : i32 to index
            %parallel_loop3A_895 = tpu.vector_load %parallel_loop3A_892[%parallel_loop3A_893, %parallel_loop3A_894] {strides = array<i32>} : memref<16x1024xf32, #tpu.memory_space<vmem>>, vector<1x16xf32>,
            %parallel_loop3A_896 = vector.shape_cast %parallel_loop3A_895 : vector<1x16xf32> to vector<16xf32>
            %parallel_loop3A_897 = vector.shape_cast %parallel_loop3A_887 : vector<16xf32> to vector<1x16xf32>
            tpu.vector_store %parallel_loop3A_892[%parallel_loop3A_893, %parallel_loop3A_894], %parallel_loop3A_897 {strides = array<i32>} : memref<16x1024xf32, #tpu.memory_space<vmem>>, vector<1x16xf32>,
            %parallel_loop3A_898 = arith.constant 13 : i32
            %parallel_loop3A_899 = arith.constant 0 : i32
            %parallel_loop3A_900 = arith.constant 0 : i32
            %parallel_loop3A_901 = tpu.memref_slice %run_scoped3A_20[%rem3A_469, %parallel_loop3A_899, %parallel_loop3A_900] : memref<2x16x1024xf32, #tpu.memory_space<vmem>> -> memref<1x16x1024xf32, #tpu.memory_space<vmem>>
            %parallel_loop3A_902 = tpu.memref_squeeze %parallel_loop3A_901 : memref<1x16x1024xf32, #tpu.memory_space<vmem>> -> memref<16x1024xf32, #tpu.memory_space<vmem>>
            %parallel_loop3A_903 = arith.index_cast %parallel_loop3A_898 : i32 to index
            %parallel_loop3A_904 = arith.index_cast %parallel_loop3A_605 : i32 to index
            %parallel_loop3A_905 = tpu.vector_load %parallel_loop3A_902[%parallel_loop3A_903, %parallel_loop3A_904] {strides = array<i32>} : memref<16x1024xf32, #tpu.memory_space<vmem>>, vector<1x16xf32>,
            %parallel_loop3A_906 = vector.shape_cast %parallel_loop3A_905 : vector<1x16xf32> to vector<16xf32>
            %parallel_loop3A_907 = arith.mulf %parallel_loop3A_624, %parallel_loop3A_906 : vector<16xf32>
            %parallel_loop3A_908 = arith.addf %parallel_loop3A_614, %parallel_loop3A_907 : vector<16xf32>
            %parallel_loop3A_909 = arith.constant 13 : i32
            %parallel_loop3A_910 = arith.constant 0 : i32
            %parallel_loop3A_911 = arith.constant 0 : i32
            %parallel_loop3A_912 = tpu.memref_slice %run_scoped3A_22[%rem3A_471, %parallel_loop3A_910, %parallel_loop3A_911] : memref<2x16x1024xf32, #tpu.memory_space<vmem>> -> memref<1x16x1024xf32, #tpu.memory_space<vmem>>
            %parallel_loop3A_913 = tpu.memref_squeeze %parallel_loop3A_912 : memref<1x16x1024xf32, #tpu.memory_space<vmem>> -> memref<16x1024xf32, #tpu.memory_space<vmem>>
            %parallel_loop3A_914 = arith.index_cast %parallel_loop3A_909 : i32 to index
            %parallel_loop3A_915 = arith.index_cast %parallel_loop3A_605 : i32 to index
            %parallel_loop3A_916 = tpu.vector_load %parallel_loop3A_913[%parallel_loop3A_914, %parallel_loop3A_915] {strides = array<i32>} : memref<16x1024xf32, #tpu.memory_space<vmem>>, vector<1x16xf32>,
            %parallel_loop3A_917 = vector.shape_cast %parallel_loop3A_916 : vector<1x16xf32> to vector<16xf32>
            %parallel_loop3A_918 = vector.shape_cast %parallel_loop3A_908 : vector<16xf32> to vector<1x16xf32>
            tpu.vector_store %parallel_loop3A_913[%parallel_loop3A_914, %parallel_loop3A_915], %parallel_loop3A_918 {strides = array<i32>} : memref<16x1024xf32, #tpu.memory_space<vmem>>, vector<1x16xf32>,
            %parallel_loop3A_919 = arith.constant 14 : i32
            %parallel_loop3A_920 = arith.constant 0 : i32
            %parallel_loop3A_921 = arith.constant 0 : i32
            %parallel_loop3A_922 = tpu.memref_slice %run_scoped3A_20[%rem3A_469, %parallel_loop3A_920, %parallel_loop3A_921] : memref<2x16x1024xf32, #tpu.memory_space<vmem>> -> memref<1x16x1024xf32, #tpu.memory_space<vmem>>
            %parallel_loop3A_923 = tpu.memref_squeeze %parallel_loop3A_922 : memref<1x16x1024xf32, #tpu.memory_space<vmem>> -> memref<16x1024xf32, #tpu.memory_space<vmem>>
            %parallel_loop3A_924 = arith.index_cast %parallel_loop3A_919 : i32 to index
            %parallel_loop3A_925 = arith.index_cast %parallel_loop3A_605 : i32 to index
            %parallel_loop3A_926 = tpu.vector_load %parallel_loop3A_923[%parallel_loop3A_924, %parallel_loop3A_925] {strides = array<i32>} : memref<16x1024xf32, #tpu.memory_space<vmem>>, vector<1x16xf32>,
            %parallel_loop3A_927 = vector.shape_cast %parallel_loop3A_926 : vector<1x16xf32> to vector<16xf32>
            %parallel_loop3A_928 = arith.mulf %parallel_loop3A_624, %parallel_loop3A_927 : vector<16xf32>
            %parallel_loop3A_929 = arith.addf %parallel_loop3A_614, %parallel_loop3A_928 : vector<16xf32>
            %parallel_loop3A_930 = arith.constant 14 : i32
            %parallel_loop3A_931 = arith.constant 0 : i32
            %parallel_loop3A_932 = arith.constant 0 : i32
            %parallel_loop3A_933 = tpu.memref_slice %run_scoped3A_22[%rem3A_471, %parallel_loop3A_931, %parallel_loop3A_932] : memref<2x16x1024xf32, #tpu.memory_space<vmem>> -> memref<1x16x1024xf32, #tpu.memory_space<vmem>>
            %parallel_loop3A_934 = tpu.memref_squeeze %parallel_loop3A_933 : memref<1x16x1024xf32, #tpu.memory_space<vmem>> -> memref<16x1024xf32, #tpu.memory_space<vmem>>
            %parallel_loop3A_935 = arith.index_cast %parallel_loop3A_930 : i32 to index
            %parallel_loop3A_936 = arith.index_cast %parallel_loop3A_605 : i32 to index
            %parallel_loop3A_937 = tpu.vector_load %parallel_loop3A_934[%parallel_loop3A_935, %parallel_loop3A_936] {strides = array<i32>} : memref<16x1024xf32, #tpu.memory_space<vmem>>, vector<1x16xf32>,
            %parallel_loop3A_938 = vector.shape_cast %parallel_loop3A_937 : vector<1x16xf32> to vector<16xf32>
            %parallel_loop3A_939 = vector.shape_cast %parallel_loop3A_929 : vector<16xf32> to vector<1x16xf32>
            tpu.vector_store %parallel_loop3A_934[%parallel_loop3A_935, %parallel_loop3A_936], %parallel_loop3A_939 {strides = array<i32>} : memref<16x1024xf32, #tpu.memory_space<vmem>>, vector<1x16xf32>,
            %parallel_loop3A_940 = arith.constant 15 : i32
            %parallel_loop3A_941 = arith.constant 0 : i32
            %parallel_loop3A_942 = arith.constant 0 : i32
            %parallel_loop3A_943 = tpu.memref_slice %run_scoped3A_20[%rem3A_469, %parallel_loop3A_941, %parallel_loop3A_942] : memref<2x16x1024xf32, #tpu.memory_space<vmem>> -> memref<1x16x1024xf32, #tpu.memory_space<vmem>>
            %parallel_loop3A_944 = tpu.memref_squeeze %parallel_loop3A_943 : memref<1x16x1024xf32, #tpu.memory_space<vmem>> -> memref<16x1024xf32, #tpu.memory_space<vmem>>
            %parallel_loop3A_945 = arith.index_cast %parallel_loop3A_940 : i32 to index
            %parallel_loop3A_946 = arith.index_cast %parallel_loop3A_605 : i32 to index
            %parallel_loop3A_947 = tpu.vector_load %parallel_loop3A_944[%parallel_loop3A_945, %parallel_loop3A_946] {strides = array<i32>} : memref<16x1024xf32, #tpu.memory_space<vmem>>, vector<1x16xf32>,
            %parallel_loop3A_948 = vector.shape_cast %parallel_loop3A_947 : vector<1x16xf32> to vector<16xf32>
            %parallel_loop3A_949 = arith.mulf %parallel_loop3A_624, %parallel_loop3A_948 : vector<16xf32>
            %parallel_loop3A_950 = arith.addf %parallel_loop3A_614, %parallel_loop3A_949 : vector<16xf32>
            %parallel_loop3A_951 = arith.constant 15 : i32
            %parallel_loop3A_952 = arith.constant 0 : i32
            %parallel_loop3A_953 = arith.constant 0 : i32
            %parallel_loop3A_954 = tpu.memref_slice %run_scoped3A_22[%rem3A_471, %parallel_loop3A_952, %parallel_loop3A_953] : memref<2x16x1024xf32, #tpu.memory_space<vmem>> -> memref<1x16x1024xf32, #tpu.memory_space<vmem>>
            %parallel_loop3A_955 = tpu.memref_squeeze %parallel_loop3A_954 : memref<1x16x1024xf32, #tpu.memory_space<vmem>> -> memref<16x1024xf32, #tpu.memory_space<vmem>>
            %parallel_loop3A_956 = arith.index_cast %parallel_loop3A_951 : i32 to index
            %parallel_loop3A_957 = arith.index_cast %parallel_loop3A_605 : i32 to index
            %parallel_loop3A_958 = tpu.vector_load %parallel_loop3A_955[%parallel_loop3A_956, %parallel_loop3A_957] {strides = array<i32>} : memref<16x1024xf32, #tpu.memory_space<vmem>>, vector<1x16xf32>,
            %parallel_loop3A_959 = vector.shape_cast %parallel_loop3A_958 : vector<1x16xf32> to vector<16xf32>
            %parallel_loop3A_960 = vector.shape_cast %parallel_loop3A_950 : vector<16xf32> to vector<1x16xf32>
            tpu.vector_store %parallel_loop3A_955[%parallel_loop3A_956, %parallel_loop3A_957], %parallel_loop3A_960 {strides = array<i32>} : memref<16x1024xf32, #tpu.memory_space<vmem>>, vector<1x16xf32>,
          } {sc.loop_unroll_factor = 8 : i64, sc.parallel_access}
          "tpu.trace_stop"() : () -> ()
          %ne3A_474 = arith.cmpi ne, %add3A_311, %add3A_347 : i32
          %or3A_475 = arith.constant false
          %or3A_476 = arith.ori %or3A_475, %ne3A_474 : i1
          %or3A_477 = arith.ori %or3A_476, %eq3A_308 : i1
          %convert_element_type3A_478 = arith.extui %or3A_477 : i1 to i32
          %cond3A_479 = arith.constant 0 : i32
          %cond3A_480 = arith.cmpi ne, %convert_element_type3A_478, %cond3A_479 : i32
          scf.if %cond3A_480 {
          } else {
          }
          %and3A_481 = arith.constant false
          %and3A_482 = arith.andi %or3A_477, %and3A_481 : i1
          %ne3A_483 = arith.cmpi ne, %add3A_311, %add3A_347 : i32
          %or3A_484 = arith.constant false
          %or3A_485 = arith.ori %or3A_484, %ne3A_483 : i1
          %or3A_486 = arith.ori %or3A_485, %eq3A_308 : i1
          %convert_element_type3A_487 = arith.extui %or3A_486 : i1 to i32
          %cond3A_488 = arith.constant 0 : i32
          %cond3A_489 = arith.cmpi ne, %convert_element_type3A_487, %cond3A_488 : i32
          scf.if %cond3A_489 {
          } else {
          }
          %and3A_490 = arith.constant false
          %and3A_491 = arith.andi %or3A_486, %and3A_490 : i1
          %ne3A_492 = arith.cmpi ne, %add3A_310, %add3A_346 : i32
          %ne3A_493 = arith.cmpi ne, %add3A_311, %add3A_347 : i32
          %or3A_494 = arith.constant false
          %or3A_495 = arith.ori %or3A_494, %ne3A_492 : i1
          %or3A_496 = arith.ori %or3A_495, %ne3A_493 : i1
          %or3A_497 = arith.ori %or3A_496, %eq3A_308 : i1
          %convert_element_type3A_498 = arith.extui %or3A_497 : i1 to i32
          %cond3A_499 = arith.constant 0 : i32
          %cond3A_500 = arith.cmpi ne, %convert_element_type3A_498, %cond3A_499 : i32
          scf.if %cond3A_500 {
          } else {
          }
          %and3A_501 = arith.constant false
          %and3A_502 = arith.andi %or3A_497, %and3A_501 : i1
          %ne3A_503 = arith.cmpi ne, %add3A_310, %add3A_346 : i32
          %ne3A_504 = arith.cmpi ne, %add3A_311, %add3A_347 : i32
          %or3A_505 = arith.constant false
          %or3A_506 = arith.ori %or3A_505, %ne3A_503 : i1
          %or3A_507 = arith.ori %or3A_506, %ne3A_504 : i1
          %or3A_508 = arith.ori %or3A_507, %eq3A_308 : i1
          %convert_element_type3A_509 = arith.extui %or3A_508 : i1 to i32
          %cond3A_510 = arith.constant 0 : i32
          %cond3A_511 = arith.cmpi ne, %convert_element_type3A_509, %cond3A_510 : i32
          scf.if %cond3A_511 {
            "tpu.trace_start"() <{level = 10 : i32, message = "ep_copy_out"}> : () -> ()
            %rem3A_605 = arith.constant 2 : i32
            %rem3A_606 = arith.remui %while3A_298, %rem3A_605 : i32
            %mul3A_607 = arith.constant 16 : i32
            %mul3A_608 = arith.muli %mul3A_607, %add3A_310 : i32
            %mul3A_609 = arith.constant 1024 : i32
            %mul3A_610 = arith.muli %mul3A_609, %add3A_311 : i32
            %eq3A_611 = arith.constant 97 : i32
            %eq3A_612 = arith.cmpi eq, %add3A_311, %eq3A_611 : i32
            %jit3A_613 = arith.constant 768 : i32
            %jit3A_614 = arith.constant 1024 : i32
            %select_n3A_615 = arith.select %eq3A_612, %jit3A_613, %jit3A_614 : i32
            %multiple_of3A_616 = tpu.assume_multiple %select_n3A_615, 128 : i32
            %mul3A_617 = arith.constant 1024 : i32
            %mul3A_618 = arith.muli %add3A_311, %mul3A_617 : i32
            %dma_start3A_619 = arith.constant 0 : i32
            %dma_start3A_620 = arith.constant 0 : i32
            %dma_start3A_621 = tpu.memref_slice %run_scoped3A_22[%rem3A_606, %dma_start3A_619, %dma_start3A_620] <%multiple_of3A_616> : memref<2x16x1024xf32, #tpu.memory_space<vmem>> -> memref<1x16x?xf32, #tpu.memory_space<vmem>>
            %dma_start3A_622 = tpu.memref_squeeze %dma_start3A_621 : memref<1x16x?xf32, #tpu.memory_space<vmem>> -> memref<16x?xf32, #tpu.memory_space<vmem>>
            %dma_start3A_623 = tpu.memref_slice %arg5[%mul3A_608, %mul3A_618] <%multiple_of3A_616> : memref<128x100001xf32, #tpu.memory_space<hbm>> -> memref<16x?xf32, #tpu.memory_space<hbm>>
            %dma_start3A_624 = tpu.memref_slice %run_scoped3A_23[%rem3A_606] : memref<2x!tpu.dma_semaphore, #tpu.memory_space<semaphore_mem>> -> memref<1x!tpu.dma_semaphore, #tpu.memory_space<semaphore_mem>>
            %dma_start3A_625 = tpu.memref_squeeze %dma_start3A_624 : memref<1x!tpu.dma_semaphore, #tpu.memory_space<semaphore_mem>> -> memref<!tpu.dma_semaphore, #tpu.memory_space<semaphore_mem>>
            %dma_start3A_626 = tpu.memref_slice %arg5[%mul3A_608, %mul3A_618] <%multiple_of3A_616> : memref<128x100001xf32, #tpu.memory_space<hbm>> -> memref<16x?xf32, #tpu.memory_space<hbm>>
            %dma_start3A_627 = arith.constant 0 : i32
            %dma_start3A_628 = arith.constant 0 : i32
            %dma_start3A_629 = tpu.memref_slice %run_scoped3A_22[%rem3A_606, %dma_start3A_627, %dma_start3A_628] <%multiple_of3A_616> : memref<2x16x1024xf32, #tpu.memory_space<vmem>> -> memref<1x16x?xf32, #tpu.memory_space<vmem>>
            %dma_start3A_630 = tpu.memref_squeeze %dma_start3A_629 : memref<1x16x?xf32, #tpu.memory_space<vmem>> -> memref<16x?xf32, #tpu.memory_space<vmem>>
            tpu.enqueue_dma source(%dma_start3A_630 : memref<16x?xf32, #tpu.memory_space<vmem>>) target(%dma_start3A_626 : memref<16x?xf32, #tpu.memory_space<hbm>>) target_semaphore(%dma_start3A_625 : memref<!tpu.dma_semaphore, #tpu.memory_space<semaphore_mem>>)
            "tpu.trace_stop"() : () -> ()
          } else {
          }
          %and3A_512 = arith.constant true
          %and3A_513 = arith.andi %or3A_508, %and3A_512 : i1
          %add3A_514 = arith.constant 1 : i32
          %add3A_515 = arith.addi %while3A_298, %add3A_514 : i32
          %select_n3A_516 = arith.select %and3A_513, %add3A_515, %while3A_298 : i32
          %ne3A_517 = arith.cmpi ne, %add3A_311, %add3A_330 : i32
          %or3A_518 = arith.constant false
          %or3A_519 = arith.ori %or3A_518, %ne3A_517 : i1
          %not3A_520 = arith.constant true
          %not3A_521 = arith.xori %eq3A_305, %not3A_520 : i1
          %and3A_522 = arith.andi %or3A_519, %not3A_521 : i1
          %convert_element_type3A_523 = arith.extui %and3A_522 : i1 to i32
          %cond3A_524 = arith.constant 0 : i32
          %cond3A_525 = arith.cmpi ne, %convert_element_type3A_523, %cond3A_524 : i32
          scf.if %cond3A_525 {
          } else {
          }
          %and3A_526 = arith.constant false
          %and3A_527 = arith.andi %and3A_522, %and3A_526 : i1
          %ne3A_528 = arith.cmpi ne, %add3A_311, %add3A_330 : i32
          %or3A_529 = arith.constant false
          %or3A_530 = arith.ori %or3A_529, %ne3A_528 : i1
          %not3A_531 = arith.constant true
          %not3A_532 = arith.xori %eq3A_305, %not3A_531 : i1
          %and3A_533 = arith.andi %or3A_530, %not3A_532 : i1
          %convert_element_type3A_534 = arith.extui %and3A_533 : i1 to i32
          %cond3A_535 = arith.constant 0 : i32
          %cond3A_536 = arith.cmpi ne, %convert_element_type3A_534, %cond3A_535 : i32
          scf.if %cond3A_536 {
          } else {
          }
          %and3A_537 = arith.constant false
          %and3A_538 = arith.andi %and3A_533, %and3A_537 : i1
          %ne3A_539 = arith.cmpi ne, %add3A_310, %add3A_329 : i32
          %ne3A_540 = arith.cmpi ne, %add3A_311, %add3A_330 : i32
          %or3A_541 = arith.constant false
          %or3A_542 = arith.ori %or3A_541, %ne3A_539 : i1
          %or3A_543 = arith.ori %or3A_542, %ne3A_540 : i1
          %not3A_544 = arith.constant true
          %not3A_545 = arith.xori %eq3A_305, %not3A_544 : i1
          %and3A_546 = arith.andi %or3A_543, %not3A_545 : i1
          %convert_element_type3A_547 = arith.extui %and3A_546 : i1 to i32
          %cond3A_548 = arith.constant 0 : i32
          %cond3A_549 = arith.cmpi ne, %convert_element_type3A_547, %cond3A_548 : i32
          scf.if %cond3A_549 {
          } else {
          }
          %and3A_550 = arith.constant false
          %and3A_551 = arith.andi %and3A_546, %and3A_550 : i1
          %ne3A_552 = arith.cmpi ne, %add3A_310, %add3A_329 : i32
          %ne3A_553 = arith.cmpi ne, %add3A_311, %add3A_330 : i32
          %or3A_554 = arith.constant false
          %or3A_555 = arith.ori %or3A_554, %ne3A_552 : i1
          %or3A_556 = arith.ori %or3A_555, %ne3A_553 : i1
          %not3A_557 = arith.constant true
          %not3A_558 = arith.xori %eq3A_305, %not3A_557 : i1
          %and3A_559 = arith.andi %or3A_556, %not3A_558 : i1
          %convert_element_type3A_560 = arith.extui %and3A_559 : i1 to i32
          %cond3A_561 = arith.constant 0 : i32
          %cond3A_562 = arith.cmpi ne, %convert_element_type3A_560, %cond3A_561 : i32
          scf.if %cond3A_562 {
            "tpu.trace_start"() <{level = 10 : i32, message = "ep_wait_out"}> : () -> ()
            %rem3A_605 = arith.constant 2 : i32
            %rem3A_606 = arith.remui %while3A_299, %rem3A_605 : i32
            %mul3A_607 = arith.constant 16 : i32
            %mul3A_608 = arith.muli %mul3A_607, %add3A_329 : i32
            %mul3A_609 = arith.constant 1024 : i32
            %mul3A_610 = arith.muli %mul3A_609, %add3A_330 : i32
            %eq3A_611 = arith.constant 97 : i32
            %eq3A_612 = arith.cmpi eq, %add3A_330, %eq3A_611 : i32
            %jit3A_613 = arith.constant 768 : i32
            %jit3A_614 = arith.constant 1024 : i32
            %select_n3A_615 = arith.select %eq3A_612, %jit3A_613, %jit3A_614 : i32
            %multiple_of3A_616 = tpu.assume_multiple %select_n3A_615, 128 : i32
            %mul3A_617 = arith.constant 1024 : i32
            %mul3A_618 = arith.muli %add3A_330, %mul3A_617 : i32
            %dma_wait3A = arith.constant 0 : i32
            %dma_wait3A_619 = arith.constant 0 : i32
            %dma_wait3A_620 = tpu.memref_slice %run_scoped3A_22[%rem3A_606, %dma_wait3A, %dma_wait3A_619] <%multiple_of3A_616> : memref<2x16x1024xf32, #tpu.memory_space<vmem>> -> memref<1x16x?xf32, #tpu.memory_space<vmem>>
            %dma_wait3A_621 = tpu.memref_squeeze %dma_wait3A_620 : memref<1x16x?xf32, #tpu.memory_space<vmem>> -> memref<16x?xf32, #tpu.memory_space<vmem>>
            %dma_wait3A_622 = tpu.memref_slice %arg5[%mul3A_608, %mul3A_618] <%multiple_of3A_616> : memref<128x100001xf32, #tpu.memory_space<hbm>> -> memref<16x?xf32, #tpu.memory_space<hbm>>
            %dma_wait3A_623 = tpu.memref_slice %run_scoped3A_23[%rem3A_606] : memref<2x!tpu.dma_semaphore, #tpu.memory_space<semaphore_mem>> -> memref<1x!tpu.dma_semaphore, #tpu.memory_space<semaphore_mem>>
            %dma_wait3A_624 = tpu.memref_squeeze %dma_wait3A_623 : memref<1x!tpu.dma_semaphore, #tpu.memory_space<semaphore_mem>> -> memref<!tpu.dma_semaphore, #tpu.memory_space<semaphore_mem>>
            %dma_wait3A_625 = tpu.memref_slice %arg5[%mul3A_608, %mul3A_618] <%multiple_of3A_616> : memref<128x100001xf32, #tpu.memory_space<hbm>> -> memref<16x?xf32, #tpu.memory_space<hbm>>
            %dma_wait3A_626 = arith.constant 0 : i32
            %dma_wait3A_627 = arith.constant 0 : i32
            %dma_wait3A_628 = tpu.memref_slice %run_scoped3A_22[%rem3A_606, %dma_wait3A_626, %dma_wait3A_627] <%multiple_of3A_616> : memref<2x16x1024xf32, #tpu.memory_space<vmem>> -> memref<1x16x?xf32, #tpu.memory_space<vmem>>
            %dma_wait3A_629 = tpu.memref_squeeze %dma_wait3A_628 : memref<1x16x?xf32, #tpu.memory_space<vmem>> -> memref<16x?xf32, #tpu.memory_space<vmem>>
            tpu.wait_dma2 semaphore(%dma_wait3A_624 : memref<!tpu.dma_semaphore, #tpu.memory_space<semaphore_mem>>) src(%dma_wait3A_629 : memref<16x?xf32, #tpu.memory_space<vmem>>) dst(%dma_wait3A_625 : memref<16x?xf32, #tpu.memory_space<hbm>>)
            "tpu.trace_stop"() : () -> ()
          } else {
          }
          %and3A_563 = arith.constant true
          %and3A_564 = arith.andi %and3A_559, %and3A_563 : i1
          %add3A_565 = arith.constant 1 : i32
          %add3A_566 = arith.addi %while3A_299, %add3A_565 : i32
          %select_n3A_567 = arith.select %and3A_564, %add3A_566, %while3A_299 : i32
          %ne3A_568 = arith.cmpi ne, %add3A_311, %add3A_347 : i32
          %or3A_569 = arith.constant false
          %or3A_570 = arith.ori %or3A_569, %ne3A_568 : i1
          %or3A_571 = arith.ori %or3A_570, %eq3A_308 : i1
          %add3A_572 = arith.constant 1 : i32
          %add3A_573 = arith.addi %while3A_293, %add3A_572 : i32
          %select_n3A_574 = arith.select %or3A_571, %add3A_573, %while3A_293 : i32
          %ne3A_575 = arith.cmpi ne, %add3A_311, %add3A_347 : i32
          %or3A_576 = arith.constant false
          %or3A_577 = arith.ori %or3A_576, %ne3A_575 : i1
          %or3A_578 = arith.ori %or3A_577, %eq3A_308 : i1
          %add3A_579 = arith.constant 1 : i32
          %add3A_580 = arith.addi %while3A_295, %add3A_579 : i32
          %select_n3A_581 = arith.select %or3A_578, %add3A_580, %while3A_295 : i32
          %ne3A_582 = arith.cmpi ne, %add3A_310, %add3A_346 : i32
          %ne3A_583 = arith.cmpi ne, %add3A_311, %add3A_347 : i32
          %or3A_584 = arith.constant false
          %or3A_585 = arith.ori %or3A_584, %ne3A_582 : i1
          %or3A_586 = arith.ori %or3A_585, %ne3A_583 : i1
          %or3A_587 = arith.ori %or3A_586, %eq3A_308 : i1
          %add3A_588 = arith.constant 1 : i32
          %add3A_589 = arith.addi %while3A_297, %add3A_588 : i32
          %select_n3A_590 = arith.select %or3A_587, %add3A_589, %while3A_297 : i32
          %add3A_591 = arith.constant 1 : i32
          %add3A_592 = arith.addi %while3A_301, %add3A_591 : i32
          %select_n3A_593 = arith.constant true
          %select_n3A_594 = arith.select %select_n3A_593, %add3A_592, %while3A_301 : i32
          %eq3A_595 = arith.cmpi eq, %select_n3A_594, %select_n3A : i32
          %select_n3A_596 = arith.constant 0 : i32
          %select_n3A_597 = arith.select %eq3A_595, %select_n3A_596, %select_n3A_594 : i32
          %add3A_598 = arith.constant 1 : i32
          %add3A_599 = arith.addi %while3A_300, %add3A_598 : i32
          %select_n3A_600 = arith.select %eq3A_595, %add3A_599, %while3A_300 : i32
          %eq3A_601 = arith.constant 8 : i32
          %eq3A_602 = arith.cmpi eq, %select_n3A_600, %eq3A_601 : i32
          %select_n3A_603 = arith.constant 0 : i32
          %select_n3A_604 = arith.select %eq3A_602, %select_n3A_603, %select_n3A_600 : i32
          scf.yield %select_n3A_378, %select_n3A_574, %select_n3A_397, %select_n3A_581, %select_n3A_418, %select_n3A_590, %select_n3A_516, %select_n3A_567, %select_n3A_604, %select_n3A_597 : i32, i32, i32, i32, i32, i32, i32, i32, i32, i32
        }
        %sub3A_198 = arith.constant 1 : i32
        %sub3A_199 = arith.subi %while3A_197#9, %sub3A_198 : i32
        %select_n3A_200 = arith.constant true
        %select_n3A_201 = arith.select %select_n3A_200, %sub3A_199, %while3A_197#9 : i32
        %eq3A_202 = arith.constant -1 : i32
        %eq3A_203 = arith.cmpi eq, %select_n3A_201, %eq3A_202 : i32
        %sub3A_204 = arith.constant 1 : i32
        %sub3A_205 = arith.subi %select_n3A, %sub3A_204 : i32
        %select_n3A_206 = arith.select %eq3A_203, %sub3A_205, %select_n3A_201 : i32
        %sub3A_207 = arith.constant 1 : i32
        %sub3A_208 = arith.subi %while3A_197#8, %sub3A_207 : i32
        %select_n3A_209 = arith.select %eq3A_203, %sub3A_208, %while3A_197#8 : i32
        %eq3A_210 = arith.constant -1 : i32
        %eq3A_211 = arith.cmpi eq, %select_n3A_209, %eq3A_210 : i32
        %select_n3A_212 = arith.constant 7 : i32
        %select_n3A_213 = arith.select %eq3A_211, %select_n3A_212, %select_n3A_209 : i32
        %sub3A_214 = arith.constant 1 : i32
        %sub3A_215 = arith.subi %mul3A_16, %sub3A_214 : i32
        %mul3A_216 = arith.constant 8 : i32
        %mul3A_217 = arith.muli %mul3A_216, %select_n3A : i32
        %eq3A_218 = arith.constant 0 : i32
        %eq3A_219 = arith.cmpi eq, %sub3A_215, %eq3A_218 : i32
        %sub3A_220 = arith.constant 1 : i32
        %sub3A_221 = arith.subi %mul3A_217, %sub3A_220 : i32
        %eq3A_222 = arith.cmpi eq, %sub3A_215, %sub3A_221 : i32
        %add3A_223 = arith.constant 0 : i32
        %add3A_224 = arith.addi %select_n3A_213, %add3A_223 : i32
        %add3A_225 = arith.addi %select_n3A_206, %select_n3A_14 : i32
        %sub3A_226 = arith.constant 1 : i32
        %sub3A_227 = arith.subi %select_n3A_206, %sub3A_226 : i32
        %select_n3A_228 = arith.constant true
        %select_n3A_229 = arith.select %select_n3A_228, %sub3A_227, %select_n3A_206 : i32
        %eq3A_230 = arith.constant -1 : i32
        %eq3A_231 = arith.cmpi eq, %select_n3A_229, %eq3A_230 : i32
        %sub3A_232 = arith.constant 1 : i32
        %sub3A_233 = arith.subi %select_n3A, %sub3A_232 : i32
        %select_n3A_234 = arith.select %eq3A_231, %sub3A_233, %select_n3A_229 : i32
        %sub3A_235 = arith.constant 1 : i32
        %sub3A_236 = arith.subi %select_n3A_213, %sub3A_235 : i32
        %select_n3A_237 = arith.select %eq3A_231, %sub3A_236, %select_n3A_213 : i32
        %eq3A_238 = arith.constant -1 : i32
        %eq3A_239 = arith.cmpi eq, %select_n3A_237, %eq3A_238 : i32
        %select_n3A_240 = arith.constant 7 : i32
        %select_n3A_241 = arith.select %eq3A_239, %select_n3A_240, %select_n3A_237 : i32
        %add3A_242 = arith.constant 0 : i32
        %add3A_243 = arith.addi %select_n3A_241, %add3A_242 : i32
        %add3A_244 = arith.addi %select_n3A_234, %select_n3A_14 : i32
        %add3A_245 = arith.constant 1 : i32
        %add3A_246 = arith.addi %select_n3A_206, %add3A_245 : i32
        %select_n3A_247 = arith.constant true
        %select_n3A_248 = arith.select %select_n3A_247, %add3A_246, %select_n3A_206 : i32
        %eq3A_249 = arith.cmpi eq, %select_n3A_248, %select_n3A : i32
        %select_n3A_250 = arith.constant 0 : i32
        %select_n3A_251 = arith.select %eq3A_249, %select_n3A_250, %select_n3A_248 : i32
        %add3A_252 = arith.constant 1 : i32
        %add3A_253 = arith.addi %select_n3A_213, %add3A_252 : i32
        %select_n3A_254 = arith.select %eq3A_249, %add3A_253, %select_n3A_213 : i32
        %eq3A_255 = arith.constant 8 : i32
        %eq3A_256 = arith.cmpi eq, %select_n3A_254, %eq3A_255 : i32
        %select_n3A_257 = arith.constant 0 : i32
        %select_n3A_258 = arith.select %eq3A_256, %select_n3A_257, %select_n3A_254 : i32
        %add3A_259 = arith.constant 0 : i32
        %add3A_260 = arith.addi %select_n3A_258, %add3A_259 : i32
        %add3A_261 = arith.addi %select_n3A_251, %select_n3A_14 : i32
        %add3A_262 = arith.constant 1 : i32
        %add3A_263 = arith.addi %select_n3A_251, %add3A_262 : i32
        %select_n3A_264 = arith.constant true
        %select_n3A_265 = arith.select %select_n3A_264, %add3A_263, %select_n3A_251 : i32
        %eq3A_266 = arith.cmpi eq, %select_n3A_265, %select_n3A : i32
        %select_n3A_267 = arith.constant 0 : i32
        %select_n3A_268 = arith.select %eq3A_266, %select_n3A_267, %select_n3A_265 : i32
        %add3A_269 = arith.constant 1 : i32
        %add3A_270 = arith.addi %select_n3A_258, %add3A_269 : i32
        %select_n3A_271 = arith.select %eq3A_266, %add3A_270, %select_n3A_258 : i32
        %eq3A_272 = arith.constant 8 : i32
        %eq3A_273 = arith.cmpi eq, %select_n3A_271, %eq3A_272 : i32
        %select_n3A_274 = arith.constant 0 : i32
        %select_n3A_275 = arith.select %eq3A_273, %select_n3A_274, %select_n3A_271 : i32
        %add3A_276 = arith.constant 0 : i32
        %add3A_277 = arith.addi %select_n3A_275, %add3A_276 : i32
        %add3A_278 = arith.addi %select_n3A_268, %select_n3A_14 : i32
        %convert_element_type3A_279 = arith.extui %eq3A_222 : i1 to i32
        %cond3A_280 = arith.constant 0 : i32
        %cond3A_281 = arith.cmpi ne, %convert_element_type3A_279, %cond3A_280 : i32
        scf.if %cond3A_281 {
        } else {
        }
        %convert_element_type3A_282 = arith.extui %eq3A_222 : i1 to i32
        %cond3A_283 = arith.constant 0 : i32
        %cond3A_284 = arith.cmpi ne, %convert_element_type3A_282, %cond3A_283 : i32
        scf.if %cond3A_284 {
        } else {
        }
        %convert_element_type3A_285 = arith.extui %eq3A_222 : i1 to i32
        %cond3A_286 = arith.constant 0 : i32
        %cond3A_287 = arith.cmpi ne, %convert_element_type3A_285, %cond3A_286 : i32
        scf.if %cond3A_287 {
        } else {
        }
        %convert_element_type3A_288 = arith.extui %eq3A_222 : i1 to i32
        %cond3A_289 = arith.constant 0 : i32
        %cond3A_290 = arith.cmpi ne, %convert_element_type3A_288, %cond3A_289 : i32
        scf.if %cond3A_290 {
          "tpu.trace_start"() <{level = 10 : i32, message = "ep_finalize"}> : () -> ()
          %rem3A_291 = arith.constant 2 : i32
          %rem3A_292 = arith.remui %while3A_197#7, %rem3A_291 : i32
          %mul3A_293 = arith.constant 16 : i32
          %mul3A_294 = arith.muli %mul3A_293, %add3A_224 : i32
          %mul3A_295 = arith.constant 1024 : i32
          %mul3A_296 = arith.muli %mul3A_295, %add3A_225 : i32
          %eq3A_297 = arith.constant 97 : i32
          %eq3A_298 = arith.cmpi eq, %add3A_225, %eq3A_297 : i32
          %jit3A_299 = arith.constant 768 : i32
          %jit3A_300 = arith.constant 1024 : i32
          %select_n3A_301 = arith.select %eq3A_298, %jit3A_299, %jit3A_300 : i32
          %multiple_of3A_302 = tpu.assume_multiple %select_n3A_301, 128 : i32
          %mul3A_303 = arith.constant 1024 : i32
          %mul3A_304 = arith.muli %add3A_225, %mul3A_303 : i32
          %dma_wait3A = arith.constant 0 : i32
          %dma_wait3A_305 = arith.constant 0 : i32
          %dma_wait3A_306 = tpu.memref_slice %run_scoped3A_22[%rem3A_292, %dma_wait3A, %dma_wait3A_305] <%multiple_of3A_302> : memref<2x16x1024xf32, #tpu.memory_space<vmem>> -> memref<1x16x?xf32, #tpu.memory_space<vmem>>
          %dma_wait3A_307 = tpu.memref_squeeze %dma_wait3A_306 : memref<1x16x?xf32, #tpu.memory_space<vmem>> -> memref<16x?xf32, #tpu.memory_space<vmem>>
          %dma_wait3A_308 = tpu.memref_slice %arg5[%mul3A_294, %mul3A_304] <%multiple_of3A_302> : memref<128x100001xf32, #tpu.memory_space<hbm>> -> memref<16x?xf32, #tpu.memory_space<hbm>>
          %dma_wait3A_309 = tpu.memref_slice %run_scoped3A_23[%rem3A_292] : memref<2x!tpu.dma_semaphore, #tpu.memory_space<semaphore_mem>> -> memref<1x!tpu.dma_semaphore, #tpu.memory_space<semaphore_mem>>
          %dma_wait3A_310 = tpu.memref_squeeze %dma_wait3A_309 : memref<1x!tpu.dma_semaphore, #tpu.memory_space<semaphore_mem>> -> memref<!tpu.dma_semaphore, #tpu.memory_space<semaphore_mem>>
          %dma_wait3A_311 = tpu.memref_slice %arg5[%mul3A_294, %mul3A_304] <%multiple_of3A_302> : memref<128x100001xf32, #tpu.memory_space<hbm>> -> memref<16x?xf32, #tpu.memory_space<hbm>>
          %dma_wait3A_312 = arith.constant 0 : i32
          %dma_wait3A_313 = arith.constant 0 : i32
          %dma_wait3A_314 = tpu.memref_slice %run_scoped3A_22[%rem3A_292, %dma_wait3A_312, %dma_wait3A_313] <%multiple_of3A_302> : memref<2x16x1024xf32, #tpu.memory_space<vmem>> -> memref<1x16x?xf32, #tpu.memory_space<vmem>>
          %dma_wait3A_315 = tpu.memref_squeeze %dma_wait3A_314 : memref<1x16x?xf32, #tpu.memory_space<vmem>> -> memref<16x?xf32, #tpu.memory_space<vmem>>
          tpu.wait_dma2 semaphore(%dma_wait3A_310 : memref<!tpu.dma_semaphore, #tpu.memory_space<semaphore_mem>>) src(%dma_wait3A_315 : memref<16x?xf32, #tpu.memory_space<vmem>>) dst(%dma_wait3A_311 : memref<16x?xf32, #tpu.memory_space<hbm>>)
          "tpu.trace_stop"() : () -> ()
        } else {
        }
      } else {
      }
      tpu.yield
    }) : () -> ()
    return
  }
}

</mosaic_0001>

<sc_bundles>
// kernel: kernel.3.cloned.1.call-start
scs
__scs_entry_jumppad:
0x0: {  	(pc) =	sbr.rel $0x88, $3  }
0x1: {  	(tag) =	ssettag $0x0;
	lr =	simm.s32 $0x1  }
0x2: {  	[smem:$0x3F9E] =	sst lr;
	_ =	strace $0xD0000000  }
0x3: {  	_ = 	snop  }
0x4: {  	_ = 	snop  }
0x5: {  	_ = 	snop  }
0x6: {  	_ = 	snop  }
0x7: {  	_ = 	snop  }
__scs_overlays_trampoline_lowered:
0x8: {  	[smem:$0x3FAD] =	sst s0  }
0x9: {  	[smem:$0x3FAE] =	sst s1  }
0xa: {  	[smem:$0x3FAF] =	sst s2  }
0xb: {  	[smem:$0x3FB0] =	sst s3  }
0xc: {  	[smem:$0x3FB1] =	sst s4  }
0xd: {  	[smem:$0x3FB2] =	sst s5  }
0xe: {  	[smem:$0x3FB3] =	sst s6  }
0xf: {  	[smem:$0x3FB4] =	sst s7  }
0x10: {  	[smem:$0x3FB5] =	sst s8  }
0x11: {  	[smem:$0x3FB6] =	sst s9;
	s0 =	simm.s32 @!p0 $0x0  }
0x12: {  	s1 =	sld [smem:$0x3F9C];
	s0 =	simm.s32 @p0 $0x1  }
0x13: {  	[smem:$0x3FB7] =	sst s0;
	s0 =	simm.s32 @!p1 $0x0  }
0x14: {  	s2 =	sld [smem:$0x3F9B];
	s0 =	simm.s32 @p1 $0x1  }
0x15: {  	[smem:$0x3FB8] =	sst s0;
	s0 =	simm.s32 @!p2 $0x0  }
0x16: {  	s3 =	sld [smem:$0x3FDB];
	s0 =	simm.s32 @p2 $0x1  }
0x17: {  	s4 =	simm.s32 $0x1BF5;
	[smem:$0x3FBA] =	sst s0  }
0x18: {  	s0 =	sld [smem:$0x3F9D];
	_ =	swait.ge [sflag:s4], $0x0  }
0x19: {  	s7 =	sld [smem:$0x3F9E]  }
0x1a: {  	s8 =	sadd.s32 $0xFFFFE003, lr  }
0x1b: {  	s9 =	sadd.s32 $0xFFFFFEF7, lr;
	s5 =	simm.s32 $0xFFFFFFFF;
	p2 =	slt.u32 s8, $0xFFFFF086  }
0x1c: {  	p1 =	slt.u32 s9, $0xF7A;
	s5 =	simm.s32 @!p2 $0x0  }
0x1d: {  	s5 =	simm.s32 @p1 $0x1;
	p0 =	seq.s32 s7, s2  }
0x1e: {  	s7 =	smul.u32 @!p0 $0xF7A, s2;
	p2 =	seq.s32 @!p0 s5, $0x0  }
0x1f: {  	s9 =	smul.u32 $0xF7A, s1;
	s8 =	simm.s32 @!p0 $0x1BF5;
	p2 =	por !p2, p0  }
0x20: {  	[sflag:s8] =	ssyncset.s32 @!p0 $0xFFFFF086;
	s6 =	sadd.s32 @!p0 s3, s7;
	s7 =	simm.s32 @!p0 $0x108  }
0x21: {  	s3 =	sadd.s32 s3, s9;
	s6 =	sadd.s32 @!p0 $0x88, s6;
	s7 =	simm.s32 @p2 $0x1082  }
0x22: {  	[simem:s7], [sflag:s8] =	dma.local @!p0 [hbm:s6], $0xF7A  }
0x23: {  	s9 =	sor.u32 $0xD0000000, s2;
	s6 =	simm.s32 $0x108;
	_ =	swait.ge @!p0 [sflag:s8], $0x0  }
0x24: {  	s3 =	sadd.s32 $0x88, s3;
	s6 =	simm.s32 @!p1 $0x1082;
	[sflag:s4] =	ssyncset.s32 $0xFFFFF086  }
0x25: {  	[simem:s6], [sflag:s4] =	dma.local [hbm:s3], $0xF7A  }
0x26: {  	[smem:$0x3F9E] =	sst s1;
	(tag) =	ssettag s2;
	_ =	strace s9  }
0x27: {  	s1 =	sld [smem:$0x3FAE]  }
0x28: {  	s2 =	sld [smem:$0x3FAF]  }
0x29: {  	s4 =	sld [smem:$0x3FB1]  }
0x2a: {  	p0 =	seq.s32 s5, $0x0;
	s5 =	sld [smem:$0x3FB2]  }
0x2b: {  	s6 =	sld [smem:$0x3FB3]  }
0x2c: {  	s7 =	sld [smem:$0x3FB4]  }
0x2d: {  	s3 =	simm.s32 $0x108;
	s8 =	sld [smem:$0x3FB5]  }
0x2e: {  	s3 =	simm.s32 @!p0 $0x1082;
	s9 =	sld [smem:$0x3FB6]  }
0x2f: {  	lr =	sadd.s32 s0, s3;
	s0 =	sld [smem:$0x3FAD]  }
0x30: {  	s3 =	sld [smem:$0x3FB0]  }
0x31: {  	[smem:$0x3FB9] =	sst s10  }
0x32: {  	s10 =	sld [smem:$0x3FB7];
	_ =	sdelay $0x3  }
0x33: {  	p0 =	seq.s32 s10, $0x1;
	s10 =	sld [smem:$0x3FB9];
	_ =	sdelay $0x3  }
0x34: {  	[smem:$0x3FB9] =	sst s10  }
0x35: {  	s10 =	sld [smem:$0x3FB8];
	_ =	sdelay $0x3  }
0x36: {  	p1 =	seq.s32 s10, $0x1;
	s10 =	sld [smem:$0x3FB9];
	_ =	sdelay $0x3  }
0x37: {  	[smem:$0x3FB9] =	sst s10  }
0x38: {  	s10 =	sld [smem:$0x3FBA]  }
0x39: {  	_ = 	snop;
	(pc) =	sbr.ind lr, $3  }
0x3a: {  	_ = 	snop  }
0x3b: {  	_ = 	snop  }
0x3c: {  	p2 =	seq.s32 s10, $0x1;
	s10 =	sld [smem:$0x3FB9]  }
0x3d: {  	_ =	shalt  }
0x3e: {  	_ =	shalt  }
0x3f: {  	_ =	shalt  }
0x40: {  	_ =	shalt  }
0x41: {  	_ =	shalt  }
0x42: {  	_ =	shalt  }
0x43: {  	_ =	shalt  }
0x44: {  	_ =	shalt  }
0x45: {  	_ =	shalt  }
0x46: {  	_ =	shalt  }
0x47: {  	_ =	shalt  }
0x48: {  	_ =	shalt  }
0x49: {  	_ =	shalt  }
0x4a: {  	_ =	shalt  }
0x4b: {  	_ =	shalt  }
0x4c: {  	_ =	shalt  }
0x4d: {  	_ =	shalt  }
0x4e: {  	_ =	shalt  }
0x4f: {  	_ =	shalt  }
0x50: {  	_ =	shalt  }
0x51: {  	_ =	shalt  }
0x52: {  	_ =	shalt  }
0x53: {  	_ =	shalt  }
0x54: {  	_ =	shalt  }
0x55: {  	_ =	shalt  }
0x56: {  	_ =	shalt  }
0x57: {  	_ =	shalt  }
0x58: {  	_ =	shalt  }
0x59: {  	_ =	shalt  }
0x5a: {  	_ =	shalt  }
0x5b: {  	_ =	shalt  }
0x5c: {  	_ =	shalt  }
0x5d: {  	_ =	shalt  }
0x5e: {  	_ =	shalt  }
0x5f: {  	_ =	shalt  }
0x60: {  	_ =	shalt  }
0x61: {  	_ =	shalt  }
0x62: {  	_ =	shalt  }
0x63: {  	_ =	shalt  }
0x64: {  	_ =	shalt  }
0x65: {  	_ =	shalt  }
0x66: {  	_ =	shalt  }
0x67: {  	_ =	shalt  }
0x68: {  	_ =	shalt  }
0x69: {  	_ =	shalt  }
0x6a: {  	_ =	shalt  }
0x6b: {  	_ =	shalt  }
0x6c: {  	_ =	shalt  }
0x6d: {  	_ =	shalt  }
0x6e: {  	_ =	shalt  }
0x6f: {  	_ =	shalt  }
0x70: {  	_ =	shalt  }
0x71: {  	_ =	shalt  }
0x72: {  	_ =	shalt  }
0x73: {  	_ =	shalt  }
0x74: {  	_ =	shalt  }
0x75: {  	_ =	shalt  }
0x76: {  	_ =	shalt  }
0x77: {  	_ =	shalt  }
0x78: {  	_ =	shalt  }
0x79: {  	_ =	shalt  }
0x7a: {  	_ =	shalt  }
0x7b: {  	_ =	shalt  }
0x7c: {  	_ =	shalt  }
0x7d: {  	_ =	shalt  }
0x7e: {  	_ =	shalt  }
0x7f: {  	_ =	shalt  }
0x80: {  	_ =	shalt  }
0x81: {  	_ =	shalt  }
0x82: {  	_ =	shalt  }
0x83: {  	_ =	shalt  }
0x84: {  	_ =	shalt  }
0x85: {  	_ =	shalt  }
0x86: {  	_ =	shalt  }
0x87: {  	_ =	shalt  }
.Lfunc_end0:
.L_simem_size_0:
called_computation_lowered:
.L_overlay_start_0:
0x88: {  	s2 =	sld [smem:$0x3FD9]  }
0x89: {  	s3 =	sld [smem:$0x3FFE];
	_ =	sdelay $0x1  }
0x8a: {  	s1 =	srdreg.scid  }
0x8b: {  	s0 =	sand.u32 $0x1, s1  }
0x8c: {  	s14 =	sshll.u32 s0, $0xA;
	s2 =	sadd.s32 s3, s2  }
0x8d: {  	s2 =	sadd.s32 s2, s14  }
0x8e: {  	[smem:$0x3FC5] =	sst s2  }
0x8f: {  	_ = 	snop  }
0x90: {  	s2 =	sld [smem:$0x3FD0];
	_ =	sdelay $0x2  }
0x91: {  	s15 =	simm.s32 $0xA;
	s4 =	simm.s32 $0x10  }
0x92: {  	[smem:s4], [sflag:s15] =	dma.local [hbm:s2], $0x1  }
0x93: {  	_ =	swait.eq [sflag:s15], $0x1  }
0x94: {  	[sflag:s15] =	ssyncset.done $0x0  }
0x95: {  	[sflag:s15] =	ssyncadd.s32 $0xFFFFFFFF  }
0x96: {  	s16 =	sld [smem:$0x11];
	(tm) =	ssettm $0x1  }
0x97: {  	s17 =	sld [smem:$0x3FFB];
	_ =	sdelay $0x3  }
0x98: {  	_ =	strace s17  }
0x99: {  	s3 =	sld [smem:$0x3FFC];
	_ =	sdelay $0x3  }
0x9a: {  	_ =	strace s3  }
0x9b: {  	s3 =	sld [smem:$0x3FFD];
	_ =	sdelay $0x3  }
0x9c: {  	_ =	strace s3  }
0x9d: {  	_ =	strace $0x8FFFFFFF  }
0x9e: {  	s18 =	sld [smem:$0x3FDB];
	_ =	sdelay $0x1  }
0x9f: {  	s19 =	simm.s32 $_scs_section_size  }
0xa0: {  	s5 =	simm.s32 $_size__tile_overlayer_lowered;
	s6 =	simm.s32 $_tile_overlayer_lowered  }
0xa1: {  	s22 =	simm.s32 $0x1BFF;
	s21 =	sshll.u32 s6, $0x1;
	s3 =	sadd.s32 s19, s18  }
0xa2: {  	s7 =	simm.s32 $0x0;
	s20 =	sshll.u32 s5, $0x1;
	s5 =	sadd.s32 s21, s3  }
0xa3: {  	[timem:s7], [sflag:s22] =	dma.local [hbm:s5], s20  }
0xa4: {  	_ =	swait.ge [sflag:s22], s20  }
0xa5: {  	s4 =	ssub.s32 $0x0, s20;
	[sflag:s22] =	ssyncset.done $0x0  }
0xa6: {  	[sflag:s22] =	ssyncadd.s32 s4;
	_ =	sdelay $0x1  }
0xa7: {  	s23 =	simm.s32 $0x1B8B  }
0xa8: {  	_ =	swait.ge [sflag:s23], $0x1  }
0xa9: {  	[sflag:s23] =	ssyncset.done $0x0  }
0xaa: {  	s25 =	simm.s32 $0x1B8E;
	s24 =	sld [smem:$0x3FFE];
	[sflag:s23] =	ssyncadd.s32 $0xFFFFFFFF  }
0xab: {  	s26 =	simm.s32 $execute0_lowered;
	[smem:$0x3FD2] =	sst s25  }
0xac: {  	s5 =	sshll.u32 s26, $0x1;
	_ =	strace $0x80000046;
	[dreg:$0x1] =	wrdreg $0xFFFFFFFF  }
0xad: {  	s28 =	simm.s32 $_size_execute0_lowered;
	s3 =	sadd.s32 s3, s5;
	[dreg:$0x0] =	wrdreg $0x0  }
0xae: {  	s5 =	sshll.u32 s28, $0x1;
	[dreg:$0x2] =	wrdreg s3  }
0xaf: {  	[dreg:$0x3] =	wrdreg s5  }
0xb0: {  	[dreg:$0x4] =	wrdreg $0xC0  }
0xb1: {  	_ =	task [dreg:s7], $0x5FFFF  }
0xb2: {  	[dreg:$0x1] =	wrdreg $0xFFFFFFFF  }
0xb3: {  	[dreg:$0x0] =	wrdreg $0x60  }
0xb4: {  	[dreg:$0x2] =	wrdreg s16  }
0xb5: {  	[dreg:$0x3] =	wrdreg s24  }
0xb6: {  	[dreg:$0x4] =	wrdreg $0x9  }
0xb7: {  	_ =	task.clear_ibuf [dreg:s7], $0x5FFFF;
	_ =	strace $0x90000046  }
0xb8: {  	s29 =	simm.s32 $0x9;
	_ =	strace $0x80000053  }
0xb9: {  	_ =	swait.ge [sflag:s29], $0x1  }
0xba: {  	[sflag:s29] =	ssyncadd.s32 $0xFFFFFFFF  }
0xbb: {  	_ =	strace $0x90000053  }
0xbc: {  	_ =	sfence  }
0xbd: {  	s30 =	sld [smem:$0x0];
	_ =	sdelay $0x2  }
0xbe: {  	s31 =	sshll.u32 s1, $0xD;
	s1 =	sshrl.u32 s1, $0x2  }
0xbf: {  	s3 =	sand.u32 $0x4000, s31;
	s1 =	sadd.s32 s1, s30  }
0xc0: {  	s0 =	sor.u32 s3, s0;
	s1 =	sshll.u32 s1, $0x11  }
0xc1: {  	s0 =	sor.u32 s1, s0  }
0xc2: {  	s0 =	sadd.s32 $0x8F2B, s0  }
0xc3: {  	[sflag:s0] =	ssyncadd.remote.s32 $0x1  }
0xc4: {  	_ =	sfence.sel $0xFFFF  }
0xc5: {  	[dreg:$0x0] =	wrdreg $0xFFFFFFFF;
	(pc) =	sbr.abs _section_cstart, $3  }
0xc6: {  	[dreg:$0x1] =	wrdreg $0xFFFFFFFF  }
0xc7: {  	_ =	task.clear_ibuf [dreg:s7], $0x2FFFF;
	_ =	strace $0x9FFFFFFF  }
0xc8: {  	(tm) =	ssettm $0x7FFFFFFF  }
0xc9: {  	_ =	shalt  }
tec
execute0_lowered:
.L_overlay_start_1:
0x0: {  	(tag) =	ssettag $0x1  }
0x1: {  	s4 =	rddreg [dreg:$0x0]  }
0x2: {  	s0 =	rddreg [dreg:$0x1]  }
0x3: {  	s1 =	srdreg.scid;
	s5 =	simm.s32 $0x0;
	s3 =	stileid.u32  }
0x4: {  	s1 =	sand.u32 $0x1, s1;
	[smem:$0x7FF] =	sst s5;
	s23 =	sadd.s32 $0x187800, s0  }
0x5: {  	s6 =	sadd.s32 $0x800, s0;
	s0 =	sadd.s32 $0x18AA00, s0;
	s2 =	sshll.u32 s1, $0x4  }
0x6: {  	_ =	strace $0x80000047;
	[dreg:$0x5] =	wrdreg s0;
	s24 =	ssub.s32 $0x2, s1  }
0x7: {  	[dreg:$0x3] =	wrdreg s23;
	s2 =	sor.u32 s3, s2;
	s1 =	sshrl.u32 s24, $0x1  }
0x8: {  	s3 =	smul.u32 $0x3, s2;
	p0 =	seq.s32 s2, $0x0;
	s2 =	simm.s32 $0x4  }
0x9: {  	[dreg:$0x4] =	wrdreg s6;
	s0 =	ssub.s32 s24, s1;
	s2 =	simm.s32 @!p0 $0x3  }
0xa: {  	s0 =	smax.u32 s0, $0x1;
	[dreg:$0x7] =	wrdreg s2  }
0xb: {  	s21 =	sadd.s32 $0x1, s3;
	s26 =	sshll.u32 s2, $0x3;
	[dreg:$0xe] =	wrdreg s0  }
0xc: {  	s21 =	simm.s32 @p0 $0x0;
	[dreg:$0x8] =	wrdreg s26  }
0xd: {  	s9 =	sadd.s32 $0xFFFFFFFF, s26;
	s25 =	sshll.u32 s21, $0x7;
	[dreg:$0x6] =	wrdreg s21  }
0xe: {  	s30 =	sadd.s32 $0xFFFFFFFF, s21;
	[dreg:$0xc] =	wrdreg s9;
	s1 =	sand.u32 $0x1FFFFF80, s25  }
0xf: {  	s28 =	sshll.u32 s21, $0xA;
	[dreg:$0xd] =	wrdreg s30;
	s4 =	sadd.s32 s4, s1  }
0x10: {  	s29 =	sand.u32 $0x1FFFFC00, s28;
	s1 =	sadd.s32 s23, s1;
	[dreg:$0x9] =	wrdreg s4  }
0x11: {  	[dreg:$0xa] =	wrdreg s1;
	s1 =	sadd.s32 s6, s29  }
0x12: {  	[dreg:$0xb] =	wrdreg s1;
	s31 =	sadd.s32 $0x18700, s1  }
0x13: {  	s3 =	simm.s32 $0x0;
	[dreg:$0xf] =	wrdreg s31  }
.LBB2_1:
0x14: {  	[dreg:$0x10] =	wrdreg s3  }
0x15: {  	s0 =	simm.s32 $0x0;
	s2 =	simm.s32 $0x800;
	s25 =	simm.s32 $0x1000  }
0x16: {  	s29 =	simm.s32 $0x3000;
	s31 =	simm.s32 $0x0;
	_ =	strace $0x80000048  }
0x17: {  	s4 =	simm.s32 $0x0;
	s12 =	simm.s32 $0x0;
	s1 =	rddreg [dreg:$0x9]  }
0x18: {  	[tilespmem:s0], [sflag:$0x1] =	stream.linear.gather [hbm4b:s1+s0], $0x400, $0x200038;
	[tilespmem:$0x11000] =	vst v63  }
0x19: {  	s22 =	simm.s32 $0x1;
	s28 =	simm.s32 $0x0;
	s23 =	rddreg [dreg:$0xa]  }
0x1a: {  	[tilespmem:s2], [sflag:$0x3] =	stream.linear.gather [hbm4b:s23+s0], $0x400, $0x200038;
	[tilespmem:$0x11000] =	vst v63  }
0x1b: {  	s11 =	simm.s32 $0x1;
	s30 =	simm.s32 $0x0;
	s24 =	rddreg [dreg:$0xb]  }
0x1c: {  	[tilespmem:s25], [sflag:$0x5] =	stream.linear.gather [hbm4b:s24+s0], $0x2000, $0x200038;
	[tilespmem:$0x11000] =	vst v63  }
0x1d: {  	s26 =	rddreg [dreg:$0xf];
	s1 =	simm.s32 $0x0;
	s23 =	simm.s32 $0x0  }
0x1e: {  	[tilespmem:s29], [sflag:$0x5] =	stream.linear.gather [hbm4b:s26+s0], $0x2000, $0x200038;
	[tilespmem:$0x11000] =	vst v63  }
0x1f: {  	s25 =	simm.s32 $0x0;
	s24 =	simm.s32 $0x1;
	_ =	strace $0x90000048  }
.LBB2_2:
0x20: {  	s29 =	sadd.s32 $0x1, s1;
	s8 =	rddreg [dreg:$0x7]  }
0x21: {  	[dreg:$0x11] =	wrdreg s4;
	p1 =	sge.s32 s30, s9;
	p0 =	seq.s32 s29, s8  }
0x22: {  	s0 =	simm.s32 $0x1;
	s6 =	simm.s32 @!p1 $0x0;
	s29 =	simm.s32 @p0 $0x0  }
0x23: {  	s0 =	simm.s32 @!p0 $0x0;
	s6 =	simm.s32 @p1 $0x1;
	p2 =	seq.s32 @!p1 s1, s29  }
0x24: {  	s10 =	sadd.s32 s0, s31;
	s0 =	sadd.s32 s21, s29;
	p5 =	por p2, p1  }
0x25: {  	s5 =	simm.s32 @!p2 $0x0;
	s2 =	sand.u32 @!p5 $0x1, s11;
	_ =	strace @!p5 $0x80000049  }
0x26: {  	p0 =	seq.s32 @!p5 s0, $0x61;
	s4 =	sshll.u32 @!p5 s0, $0x7;
	s5 =	simm.s32 @p2 $0x1  }
0x27: {  	[smem:$0x7FB] =	sst s6;
	s7 =	simm.s32 @!p5 $0x0;
	s3 =	sadd.s32 @!p5 $0x1, s2  }
0x28: {  	[smem:$0x7FA] =	sst s5;
	p0 =	por @!p1 !p0, p2;
	s4 =	sand.u32 @!p5 $0x1FFFFF80, s4  }
0x29: {  	s5 =	simm.s32 @!p5 $0x300;
	s6 =	rddreg [dreg:$0x0];
	p0 =	por !p0, p1  }
0x2a: {  	s2 =	sshll.u32 @!p5 s2, $0xA;
	s6 =	sadd.s32 @!p5 s6, s4;
	s5 =	simm.s32 @!p0 $0x400  }
0x2b: {  	[tilespmem:s2], [sflag:s3] =	stream.linear.gather @!p5 [hbm4b:s6+s7], s5, $0x200038;
	[tilespmem:$0x11000] =	vst v63  }
0x2c: {  	p6 =	slt.s32 s30, s9;
	p1 =	sne.s32 s1, s29;
	_ =	strace @!p5 $0x90000049  }
0x2d: {  	p0 =	seq.s32 s10, $0x8;
	s2 =	sand.u32 @!p5 $0x1, s24;
	_ =	strace @!p5 $0x8000004A  }
0x2e: {  	s10 =	simm.s32 @p0 $0x0;
	s3 =	sshll.u32 @!p5 s2, $0xA;
	s6 =	rddreg [dreg:$0x3]  }
0x2f: {  	s2 =	sadd.s32 @!p5 $0x3, s2;
	s3 =	sor.u32 @!p5 $0x800, s3;
	s4 =	sadd.s32 @!p5 s6, s4  }
0x30: {  	[tilespmem:s3], [sflag:s2] =	stream.linear.gather @!p5 [hbm4b:s4+s7], s5, $0x200038;
	[tilespmem:$0x11000] =	vst v63  }
0x31: {  	p2 =	seq.s32 s1, $0x0;
	p0 =	sne.s32 s31, s10;
	s2 =	simm.s32 @!p1 $0x0  }
0x32: {  	p0 =	por p1, p0;
	[dreg:$0x15] =	wrdreg s10;
	s2 =	simm.s32 @p1 $0x1  }
0x33: {  	s7 =	smov.u32 s1;
	[smem:$0x7FC] =	sst s2;
	s2 =	simm.s32 @!p0 $0x0  }
0x34: {  	s7 =	smov.u32 @p2 s8;
	s2 =	simm.s32 @p0 $0x1;
	p0 =	por !p6, !p0  }
0x35: {  	s14 =	sadd.s32 $0xFFFFFFFF, s7;
	[smem:$0x7FD] =	sst s2;
	p6 =	por !p0, !p0  }
0x36: {  	p0 =	seq.s32 @p6 s0, $0x61;
	s2 =	simm.s32 @p6 $0x1800;
	s3 =	smul.u32 @p6 $0x187000, s10  }
0x37: {  	_ =	strace @!p5 $0x9000004A;
	s0 =	sshll.u32 @p6 s0, $0xD;
	p0 =	por !p0, !p6  }
0x38: {  	s4 =	sand.u32 @p6 $0x1, s22;
	_ =	strace @p6 $0x8000004B;
	s2 =	simm.s32 @p0 $0x2000  }
0x39: {  	s0 =	sadd.s32 @p6 s0, s3;
	s3 =	sadd.s32 @p6 $0x5, s4;
	p0 =	seq.s32 s30, $0x0  }
0x3a: {  	s4 =	sshll.u32 @p6 s4, $0xE;
	s6 =	rddreg [dreg:$0x4];
	p1 =	seq.s32 @!p0 s1, s14  }
0x3b: {  	s0 =	sshrl.u32 @p6 s0, $0x3;
	s5 =	sor.u32 @p6 $0x1000, s4;
	p1 =	por p0, !p1  }
.Ltmp0:
0x3c: {  	s0 =	sadd.s32 @p6 s6, s0;
	s6 =	simm.s32 @p6 $0x0;
	(pc) =	sbr.rel @!p1 .LBB2_4-.Ltmp0, $4  }
0x3d: {  	[tilespmem:s5], [sflag:s3] =	stream.linear.gather @p6 [hbm4b:s0+s6], s2, $0x200038;
	[tilespmem:$0x11000] =	vst v63  }
0x3e: {  	s4 =	sor.u32 @p6 $0x3000, s4;
	s0 =	sadd.s32 @p6 $0x18700, s0  }
0x3f: {  	[tilespmem:s4], [sflag:s3] =	stream.linear.gather @p6 [hbm4b:s0+s6], s2, $0x200038;
	[tilespmem:$0x11000] =	vst v63  }
0x40: {  	s4 =	sadd.s32 s21, s1;
	_ =	strace @p6 $0x9000004B  }
0x41: {  	s0 =	sand.u32 $0x1, s28;
	p1 =	seq.s32 s4, $0x61;
	s2 =	simm.s32 $0x300  }
0x42: {  	_ =	strace $0x8000004C;
	s0 =	sadd.s32 $0x1, s0;
	s2 =	simm.s32 @!p1 $0x400  }
0x43: {  	s3 =	simm.s32 $0xFFFFFD00;
	_ =	swait.ge [sflag:s0], s2  }
0x44: {  	s3 =	simm.s32 @!p1 $0xFFFFFC00;
	[sflag:s0] =	ssyncset.done $0x0  }
0x45: {  	[sflag:s0] =	ssyncadd.s32 s3  }
0x46: {  	s26 =	sand.u32 $0x1, s25;
	_ =	strace $0x9000004C  }
0x47: {  	s0 =	sadd.s32 $0x3, s26;
	_ =	strace $0x8000004D  }
0x48: {  	_ =	swait.ge [sflag:s0], s2  }
0x49: {  	[sflag:s0] =	ssyncset.done $0x0  }
0x4a: {  	[sflag:s0] =	ssyncadd.s32 s3  }
0x4b: {  	_ =	strace $0x9000004D  }
.LBB2_4:
0x4c: {  	s0 =	simm.s32 $0x1  }
0x4d: {  	s0 =	simm.s32 @!p2 $0x0  }
0x4e: {  	s0 =	ssub.s32 s31, s0  }
0x4f: {  	p4 =	sne.s32 s31, $0x7;
	p1 =	seq.s32 s0, $0xFFFFFFFF  }
0x50: {  	p3 =	sne.s32 s1, s14;
	p4 =	por @!p1 p2, p2  }
0x51: {  	p2 =	por p3, p4  }
0x52: {  	p0 =	por p0, p2  }
.Ltmp1:
0x53: {  	_ = 	snop;
	(pc) =	sbr.rel @!p0 .LBB2_6-.Ltmp1, $1  }
0x54: {  	_ =	sdelay $0x3  }
0x55: {  	s0 =	sand.u32 $0x1, s23;
	p0 =	seq.s32 s4, $0x61;
	s1 =	simm.s32 $0x3000  }
0x56: {  	_ =	strace $0x8000004E;
	s0 =	sadd.s32 $0x5, s0;
	s1 =	simm.s32 @!p0 $0x4000  }
0x57: {  	s2 =	simm.s32 $0xFFFFD000;
	_ =	swait.ge [sflag:s0], s1  }
0x58: {  	s2 =	simm.s32 @!p0 $0xFFFFC000;
	[sflag:s0] =	ssyncset.done $0x0  }
0x59: {  	[sflag:s0] =	ssyncadd.s32 s2  }
0x5a: {  	_ =	strace $0x9000004E  }
.LBB2_6:
0x5b: {  	s0 =	sshll.u32 s25, $0xA  }
0x5c: {  	s0 =	sand.u32 $0x400, s0  }
0x5d: {  	s0 =	sor.u32 $0x800, s0  }
0x5e: {  	v2 =	vmov s0;
	_ =	sdelay $0x2  }
0x5f: {  	[dreg:$0x16] =	wrdreg s4;
	s10 =	simm.s32 $0x0  }
0x60: {  	_ =	strace $0x8000004F;
	s1 =	sor.u32 $0x10, s10  }
0x61: {  	s17 =	sor.u32 $0x20, s10;
	v0 =	vld.idx.msk [tilespmem:v2+s1+$0x0 ss:$0x1], $0xffff  }
0x62: {  	s2 =	sor.u32 $0x30, s10;
	v1 =	vld.idx.msk [tilespmem:v2+s17+$0x0 ss:$0x1], $0xffff  }
0x63: {  	s3 =	sor.u32 $0x40, s10;
	v3 =	vld.idx.msk [tilespmem:v2+s2+$0x0 ss:$0x1], $0xffff  }
0x64: {  	v4 =	vld.idx.msk [tilespmem:v2+s3+$0x0 ss:$0x1], $0xffff  }
0x65: {  	s18 =	sshll.u32 s23, $0xE  }
0x66: {  	s4 =	sand.u32 $0x4000, s18;
	v5 =	vmul.f32 $1.442695020e+00, v0  }
0x67: {  	s5 =	sshll.u32 s28, $0xA;
	s4 =	sor.u32 $0x1000, s4;
	v1 =	vmul.f32 $1.442695020e+00, v1  }
0x68: {  	s5 =	sand.u32 $0x400, s5;
	v0 =	vmov s4;
	v6 =	vmul.f32 $1.442695020e+00, v3;
	(erf) = vpow2.f32 v5  }
0x69: {  	s19 =	sor.u32 $0x70, s10;
	v3 =	vmov s5;
	v4 =	vmul.f32 $1.442695020e+00, v4;
	(erf) = vpow2.f32 v1  }
0x6a: {  	v1 =	vld.idx.msk [tilespmem:v2+s19+$0x0 ss:$0x1], $0xffff;
	(erf) = vpow2.f32 v6  }
0x6b: {  	s15 =	simm.s32 $0x0;
	(erf) = vpow2.f32 v4  }
0x6c: {  	s20 =	sor.u32 $0x20, s15  }
0x6d: {  	v4 =	vld.idx.msk [tilespmem:v0+s20+$0x0 ss:$0x1], $0xffff  }
0x6e: {  	s7 =	sand.u32 $0x1, s12;
	s26 =	sor.u32 $0x30, s15;
	v17 =	vld.idx.msk [tilespmem:v3+s17+$0x0 ss:$0x1], $0xffff;
	[dreg:$0x12] =	wrdreg s12  }
0x6f: {  	s6 =	sor.u32 $0x40, s15;
	v5 =	vld.idx.msk [tilespmem:v0+s26+$0x0 ss:$0x1], $0xffff;
	[dreg:$0x19] =	wrdreg s7;
	s7 =	sshll.u32 s7, $0xE;
	v1 =	vmul.f32 $1.442695020e+00, v1  }
0x70: {  	v6 =	vld.idx.msk [tilespmem:v0+s6+$0x0 ss:$0x1], $0xffff;
	[dreg:$0x17] =	wrdreg s7;
	s7 =	sor.u32 $0x9000, s7  }
0x71: {  	v21 =	vld.idx.msk [tilespmem:v3+s2+$0x0 ss:$0x1], $0xffff;
	[dreg:$0x18] =	wrdreg s7;
	(erf) = vpow2.f32 v1;
	v28 =	vpop (erf)  }
0x72: {  	v30 =	vld.idx.msk [tilespmem:v3+s3+$0x0 ss:$0x1], $0xffff;
	v1 =	vmov s7;
	v31 =	vpop (erf)  }
0x73: {  	v4 =	vmul.f32 v31, v4;
	v22 =	vpop (erf)  }
0x74: {  	v5 =	vmul.f32 v22, v5;
	v32 =	vpop (erf)  }
0x75: {  	s8 =	sor.u32 $0x70, s15;
	v4 =	vadd.f32 v4, v17;
	v6 =	vmul.f32 v32, v6  }
0x76: {  	v7 =	vld.idx.msk [tilespmem:v0+s8+$0x0 ss:$0x1], $0xffff;
	v5 =	vadd.f32 v5, v21  }
0x77: {  	s9 =	sor.u32 $0xA0, s15;
	v25 =	vld.idx.msk [tilespmem:v3+s19+$0x0 ss:$0x1], $0xffff;
	[tilespmem:v1+s20+$0x0 ss:$0x1] =	vst.idx.msk $0xffff, v4;
	v4 =	vadd.f32 v6, v30  }
0x78: {  	s12 =	sor.u32 $0xB0, s15;
	v6 =	vld.idx.msk [tilespmem:v0+s9+$0x0 ss:$0x1], $0xffff;
	[tilespmem:v1+s26+$0x0 ss:$0x1] =	vst.idx.msk $0xffff, v5  }
0x79: {  	s13 =	sor.u32 $0xC0, s15;
	v5 =	vld.idx.msk [tilespmem:v0+s12+$0x0 ss:$0x1], $0xffff;
	[tilespmem:v1+s6+$0x0 ss:$0x1] =	vst.idx.msk $0xffff, v4  }
0x7a: {  	v26 =	vpop (erf);
	v4 =	vld.idx.msk [tilespmem:v0+s13+$0x0 ss:$0x1], $0xffff  }
0x7b: {  	s16 =	sor.u32 $0x10, s15;
	v7 =	vmul.f32 v26, v7  }
0x7c: {  	s17 =	sor.u32 $0x60, s10;
	v8 =	vld.idx.msk [tilespmem:v0+s16+$0x0 ss:$0x1], $0xffff  }
0x7d: {  	v9 =	vld.idx.msk [tilespmem:v2+s17+$0x0 ss:$0x1], $0xffff;
	v7 =	vadd.f32 v7, v25;
	v6 =	vmul.f32 v6, v31  }
0x7e: {  	s18 =	sor.u32 $0x50, s10;
	v29 =	vld.idx.msk [tilespmem:v3+s1+$0x0 ss:$0x1], $0xffff;
	v5 =	vmul.f32 v5, v22  }
0x7f: {  	s19 =	sor.u32 $0xF0, s15;
	[tilespmem:v1+s8+$0x0 ss:$0x1] =	vst.idx.msk $0xffff, v7;
	v7 =	vld.idx.msk [tilespmem:v2+s18+$0x0 ss:$0x1], $0xffff;
	v6 =	vadd.f32 v6, v17;
	v4 =	vmul.f32 v4, v32  }
0x80: {  	v10 =	vld.idx.msk [tilespmem:v0+s19+$0x0 ss:$0x1], $0xffff;
	v5 =	vadd.f32 v5, v21  }
0x81: {  	v8 =	vmul.f32 v28, v8;
	s20 =	sor.u32 $0x120, s15;
	[tilespmem:v1+s9+$0x0 ss:$0x1] =	vst.idx.msk $0xffff, v6;
	v4 =	vadd.f32 v4, v30  }
0x82: {  	s26 =	sor.u32 $0x130, s15;
	v6 =	vmul.f32 $1.442695020e+00, v9;
	v9 =	vld.idx.msk [tilespmem:v0+s20+$0x0 ss:$0x1], $0xffff;
	[tilespmem:v1+s12+$0x0 ss:$0x1] =	vst.idx.msk $0xffff, v5  }
0x83: {  	s7 =	sor.u32 $0x140, s15;
	v5 =	vadd.f32 v8, v29;
	v8 =	vld.idx.msk [tilespmem:v0+s26+$0x0 ss:$0x1], $0xffff;
	[tilespmem:v1+s13+$0x0 ss:$0x1] =	vst.idx.msk $0xffff, v4  }
0x84: {  	(erf) = vpow2.f32 v6;
	v6 =	vmul.f32 $1.442695020e+00, v7;
	v4 =	vld.idx.msk [tilespmem:v0+s7+$0x0 ss:$0x1], $0xffff  }
0x85: {  	s8 =	sor.u32 $0x90, s15;
	[tilespmem:v1+s16+$0x0 ss:$0x1] =	vst.idx.msk $0xffff, v5;
	v5 =	vmul.f32 v10, v26  }
0x86: {  	v7 =	vld.idx.msk [tilespmem:v0+s8+$0x0 ss:$0x1], $0xffff;
	(erf) = vpow2.f32 v6  }
0x87: {  	v19 =	vld.idx.msk [tilespmem:v3+s17+$0x0 ss:$0x1], $0xffff;
	v5 =	vadd.f32 v5, v25;
	v6 =	vmul.f32 v9, v31  }
0x88: {  	v23 =	vld.idx.msk [tilespmem:v3+s18+$0x0 ss:$0x1], $0xffff;
	s9 =	sor.u32 $0x60, s15;
	v8 =	vmul.f32 v8, v22  }
0x89: {  	s12 =	sor.u32 $0x170, s15;
	v9 =	vld.idx.msk [tilespmem:v0+s9+$0x0 ss:$0x1], $0xffff;
	[tilespmem:v1+s19+$0x0 ss:$0x1] =	vst.idx.msk $0xffff, v5;
	v5 =	vadd.f32 v6, v17;
	v4 =	vmul.f32 v4, v32  }
0x8a: {  	s13 =	sor.u32 $0x50, s15;
	v6 =	vld.idx.msk [tilespmem:v0+s12+$0x0 ss:$0x1], $0xffff;
	v8 =	vadd.f32 v8, v21  }
0x8b: {  	v10 =	vld.idx.msk [tilespmem:v0+s13+$0x0 ss:$0x1], $0xffff;
	s16 =	sor.u32 $0x1A0, s15;
	v7 =	vmul.f32 v7, v28;
	[tilespmem:v1+s20+$0x0 ss:$0x1] =	vst.idx.msk $0xffff, v5;
	v4 =	vadd.f32 v4, v30  }
0x8c: {  	s17 =	sor.u32 $0x1B0, s15;
	v5 =	vld.idx.msk [tilespmem:v0+s16+$0x0 ss:$0x1], $0xffff;
	[tilespmem:v1+s26+$0x0 ss:$0x1] =	vst.idx.msk $0xffff, v8  }
0x8d: {  	s18 =	sor.u32 $0x1C0, s15;
	v20 =	vpop (erf);
	v7 =	vadd.f32 v7, v29;
	v8 =	vld.idx.msk [tilespmem:v0+s17+$0x0 ss:$0x1], $0xffff;
	[tilespmem:v1+s7+$0x0 ss:$0x1] =	vst.idx.msk $0xffff, v4  }
0x8e: {  	v4 =	vmul.f32 v20, v9;
	v9 =	vld.idx.msk [tilespmem:v0+s18+$0x0 ss:$0x1], $0xffff  }
0x8f: {  	s19 =	sor.u32 $0x110, s15;
	[tilespmem:v1+s8+$0x0 ss:$0x1] =	vst.idx.msk $0xffff, v7;
	v6 =	vmul.f32 v6, v26;
	v24 =	vpop (erf)  }
0x90: {  	v4 =	vadd.f32 v4, v19;
	v7 =	vld.idx.msk [tilespmem:v0+s19+$0x0 ss:$0x1], $0xffff;
	v10 =	vmul.f32 v24, v10  }
0x91: {  	v6 =	vadd.f32 v6, v25;
	v5 =	vmul.f32 v5, v31  }
0x92: {  	s20 =	sor.u32 $0xE0, s15;
	[tilespmem:v1+s9+$0x0 ss:$0x1] =	vst.idx.msk $0xffff, v4;
	v4 =	vmul.f32 v8, v22;
	v8 =	vadd.f32 v10, v23  }
0x93: {  	s26 =	sor.u32 $0x1F0, s15;
	v10 =	vld.idx.msk [tilespmem:v0+s20+$0x0 ss:$0x1], $0xffff;
	[tilespmem:v1+s12+$0x0 ss:$0x1] =	vst.idx.msk $0xffff, v6;
	v5 =	vadd.f32 v5, v17;
	v6 =	vmul.f32 v9, v32  }
0x94: {  	s7 =	sor.u32 $0xD0, s15;
	v9 =	vld.idx.msk [tilespmem:v0+s26+$0x0 ss:$0x1], $0xffff;
	v4 =	vadd.f32 v4, v21;
	[tilespmem:v1+s13+$0x0 ss:$0x1] =	vst.idx.msk $0xffff, v8  }
0x95: {  	s8 =	sor.u32 $0x220, s15;
	v7 =	vmul.f32 v7, v28;
	[tilespmem:v1+s16+$0x0 ss:$0x1] =	vst.idx.msk $0xffff, v5;
	v5 =	vadd.f32 v6, v30;
	v6 =	vld.idx.msk [tilespmem:v0+s7+$0x0 ss:$0x1], $0xffff  }
0x96: {  	s9 =	sor.u32 $0x230, s15;
	v8 =	vld.idx.msk [tilespmem:v0+s8+$0x0 ss:$0x1], $0xffff;
	[tilespmem:v1+s17+$0x0 ss:$0x1] =	vst.idx.msk $0xffff, v4  }
0x97: {  	s12 =	sor.u32 $0x240, s15;
	v4 =	vadd.f32 v7, v29;
	v7 =	vld.idx.msk [tilespmem:v0+s9+$0x0 ss:$0x1], $0xffff;
	[tilespmem:v1+s18+$0x0 ss:$0x1] =	vst.idx.msk $0xffff, v5  }
0x98: {  	v5 =	vmul.f32 v10, v20;
	v10 =	vld.idx.msk [tilespmem:v0+s12+$0x0 ss:$0x1], $0xffff  }
0x99: {  	s13 =	sor.u32 $0x190, s15;
	[tilespmem:v1+s19+$0x0 ss:$0x1] =	vst.idx.msk $0xffff, v4;
	v4 =	vmul.f32 v9, v26  }
0x9a: {  	v9 =	vld.idx.msk [tilespmem:v0+s13+$0x0 ss:$0x1], $0xffff;
	v5 =	vadd.f32 v5, v19;
	v6 =	vmul.f32 v6, v24  }
0x9b: {  	v4 =	vadd.f32 v4, v25;
	v8 =	vmul.f32 v8, v31  }
0x9c: {  	s16 =	sor.u32 $0x160, s15;
	[tilespmem:v1+s20+$0x0 ss:$0x1] =	vst.idx.msk $0xffff, v5;
	v5 =	vmul.f32 v7, v22;
	v6 =	vadd.f32 v6, v23  }
0x9d: {  	s17 =	sor.u32 $0x270, s15;
	v7 =	vld.idx.msk [tilespmem:v0+s16+$0x0 ss:$0x1], $0xffff;
	[tilespmem:v1+s26+$0x0 ss:$0x1] =	vst.idx.msk $0xffff, v4;
	v4 =	vadd.f32 v8, v17;
	v8 =	vmul.f32 v10, v32  }
0x9e: {  	s18 =	sor.u32 $0x150, s15;
	v10 =	vld.idx.msk [tilespmem:v0+s17+$0x0 ss:$0x1], $0xffff;
	v5 =	vadd.f32 v5, v21;
	[tilespmem:v1+s7+$0x0 ss:$0x1] =	vst.idx.msk $0xffff, v6  }
0x9f: {  	s19 =	sor.u32 $0x2A0, s15;
	v6 =	vmul.f32 v9, v28;
	[tilespmem:v1+s8+$0x0 ss:$0x1] =	vst.idx.msk $0xffff, v4;
	v4 =	vadd.f32 v8, v30;
	v8 =	vld.idx.msk [tilespmem:v0+s18+$0x0 ss:$0x1], $0xffff  }
0xa0: {  	s20 =	sor.u32 $0x2B0, s15;
	v9 =	vld.idx.msk [tilespmem:v0+s19+$0x0 ss:$0x1], $0xffff;
	[tilespmem:v1+s9+$0x0 ss:$0x1] =	vst.idx.msk $0xffff, v5  }
0xa1: {  	s26 =	sor.u32 $0x2C0, s15;
	v5 =	vadd.f32 v6, v29;
	v6 =	vld.idx.msk [tilespmem:v0+s20+$0x0 ss:$0x1], $0xffff;
	[tilespmem:v1+s12+$0x0 ss:$0x1] =	vst.idx.msk $0xffff, v4  }
0xa2: {  	v4 =	vmul.f32 v7, v20;
	v7 =	vld.idx.msk [tilespmem:v0+s26+$0x0 ss:$0x1], $0xffff  }
0xa3: {  	s6 =	sor.u32 $0x210, s15;
	[tilespmem:v1+s13+$0x0 ss:$0x1] =	vst.idx.msk $0xffff, v5;
	v5 =	vmul.f32 v10, v26  }
0xa4: {  	v10 =	vld.idx.msk [tilespmem:v0+s6+$0x0 ss:$0x1], $0xffff;
	v4 =	vadd.f32 v4, v19;
	v8 =	vmul.f32 v8, v24  }
0xa5: {  	v5 =	vadd.f32 v5, v25;
	v9 =	vmul.f32 v9, v31  }
0xa6: {  	s8 =	sor.u32 $0x1E0, s15;
	[tilespmem:v1+s16+$0x0 ss:$0x1] =	vst.idx.msk $0xffff, v4;
	v4 =	vmul.f32 v6, v22;
	v6 =	vadd.f32 v8, v23  }
0xa7: {  	s9 =	sor.u32 $0x2F0, s15;
	v8 =	vld.idx.msk [tilespmem:v0+s8+$0x0 ss:$0x1], $0xffff;
	[tilespmem:v1+s17+$0x0 ss:$0x1] =	vst.idx.msk $0xffff, v5;
	v5 =	vadd.f32 v9, v17;
	v7 =	vmul.f32 v7, v32  }
0xa8: {  	s12 =	sor.u32 $0x1D0, s15;
	v9 =	vld.idx.msk [tilespmem:v0+s9+$0x0 ss:$0x1], $0xffff;
	v4 =	vadd.f32 v4, v21;
	[tilespmem:v1+s18+$0x0 ss:$0x1] =	vst.idx.msk $0xffff, v6  }
0xa9: {  	s13 =	sor.u32 $0x320, s15;
	v6 =	vmul.f32 v10, v28;
	[tilespmem:v1+s19+$0x0 ss:$0x1] =	vst.idx.msk $0xffff, v5;
	v5 =	vadd.f32 v7, v30;
	v7 =	vld.idx.msk [tilespmem:v0+s12+$0x0 ss:$0x1], $0xffff  }
0xaa: {  	s16 =	sor.u32 $0x330, s15;
	v10 =	vld.idx.msk [tilespmem:v0+s13+$0x0 ss:$0x1], $0xffff;
	[tilespmem:v1+s20+$0x0 ss:$0x1] =	vst.idx.msk $0xffff, v4  }
0xab: {  	s17 =	sor.u32 $0x340, s15;
	v4 =	vadd.f32 v6, v29;
	v6 =	vld.idx.msk [tilespmem:v0+s16+$0x0 ss:$0x1], $0xffff;
	[tilespmem:v1+s26+$0x0 ss:$0x1] =	vst.idx.msk $0xffff, v5  }
0xac: {  	v5 =	vmul.f32 v8, v20;
	v8 =	vld.idx.msk [tilespmem:v0+s17+$0x0 ss:$0x1], $0xffff  }
0xad: {  	s18 =	sor.u32 $0x290, s15;
	[tilespmem:v1+s6+$0x0 ss:$0x1] =	vst.idx.msk $0xffff, v4;
	v4 =	vmul.f32 v9, v26  }
0xae: {  	v9 =	vld.idx.msk [tilespmem:v0+s18+$0x0 ss:$0x1], $0xffff;
	v5 =	vadd.f32 v5, v19;
	v7 =	vmul.f32 v7, v24  }
0xaf: {  	v4 =	vadd.f32 v4, v25;
	v10 =	vmul.f32 v10, v31  }
0xb0: {  	s19 =	sor.u32 $0x260, s15;
	[tilespmem:v1+s8+$0x0 ss:$0x1] =	vst.idx.msk $0xffff, v5;
	v5 =	vmul.f32 v6, v22;
	v6 =	vadd.f32 v7, v23  }
0xb1: {  	s20 =	sor.u32 $0x370, s15;
	v7 =	vld.idx.msk [tilespmem:v0+s19+$0x0 ss:$0x1], $0xffff;
	[tilespmem:v1+s9+$0x0 ss:$0x1] =	vst.idx.msk $0xffff, v4;
	v4 =	vadd.f32 v10, v17;
	v8 =	vmul.f32 v8, v32  }
0xb2: {  	s26 =	sor.u32 $0x250, s15;
	v10 =	vld.idx.msk [tilespmem:v0+s20+$0x0 ss:$0x1], $0xffff;
	v5 =	vadd.f32 v5, v21;
	[tilespmem:v1+s12+$0x0 ss:$0x1] =	vst.idx.msk $0xffff, v6  }
0xb3: {  	s6 =	sor.u32 $0x3A0, s15;
	v6 =	vmul.f32 v9, v28;
	[tilespmem:v1+s13+$0x0 ss:$0x1] =	vst.idx.msk $0xffff, v4;
	v4 =	vadd.f32 v8, v30;
	v8 =	vld.idx.msk [tilespmem:v0+s26+$0x0 ss:$0x1], $0xffff  }
0xb4: {  	s8 =	sor.u32 $0x3B0, s15;
	v9 =	vld.idx.msk [tilespmem:v0+s6+$0x0 ss:$0x1], $0xffff;
	[tilespmem:v1+s16+$0x0 ss:$0x1] =	vst.idx.msk $0xffff, v5  }
0xb5: {  	s9 =	sor.u32 $0x3C0, s15;
	v5 =	vadd.f32 v6, v29;
	v6 =	vld.idx.msk [tilespmem:v0+s8+$0x0 ss:$0x1], $0xffff;
	[tilespmem:v1+s17+$0x0 ss:$0x1] =	vst.idx.msk $0xffff, v4  }
0xb6: {  	v4 =	vmul.f32 v7, v20;
	v7 =	vld.idx.msk [tilespmem:v0+s9+$0x0 ss:$0x1], $0xffff  }
0xb7: {  	s12 =	sor.u32 $0x310, s15;
	[tilespmem:v1+s18+$0x0 ss:$0x1] =	vst.idx.msk $0xffff, v5;
	v5 =	vmul.f32 v10, v26  }
0xb8: {  	v10 =	vld.idx.msk [tilespmem:v0+s12+$0x0 ss:$0x1], $0xffff;
	v4 =	vadd.f32 v4, v19;
	v8 =	vmul.f32 v8, v24  }
0xb9: {  	v5 =	vadd.f32 v5, v25;
	v9 =	vmul.f32 v9, v31  }
0xba: {  	s13 =	sor.u32 $0x2E0, s15;
	[tilespmem:v1+s19+$0x0 ss:$0x1] =	vst.idx.msk $0xffff, v4;
	v4 =	vmul.f32 v6, v22;
	v6 =	vadd.f32 v8, v23  }
0xbb: {  	s16 =	sor.u32 $0x3F0, s15;
	v8 =	vld.idx.msk [tilespmem:v0+s13+$0x0 ss:$0x1], $0xffff;
	[tilespmem:v1+s20+$0x0 ss:$0x1] =	vst.idx.msk $0xffff, v5;
	v5 =	vadd.f32 v9, v17;
	v7 =	vmul.f32 v7, v32  }
0xbc: {  	s17 =	sor.u32 $0x2D0, s15;
	v9 =	vld.idx.msk [tilespmem:v0+s16+$0x0 ss:$0x1], $0xffff;
	v4 =	vadd.f32 v4, v21;
	[tilespmem:v1+s26+$0x0 ss:$0x1] =	vst.idx.msk $0xffff, v6  }
0xbd: {  	s18 =	sor.u32 $0x2020, s15;
	v6 =	vmul.f32 v10, v28;
	[tilespmem:v1+s6+$0x0 ss:$0x1] =	vst.idx.msk $0xffff, v5;
	v5 =	vadd.f32 v7, v30;
	v7 =	vld.idx.msk [tilespmem:v0+s17+$0x0 ss:$0x1], $0xffff  }
0xbe: {  	s19 =	sor.u32 $0x2030, s15;
	v10 =	vld.idx.msk [tilespmem:v0+s18+$0x0 ss:$0x1], $0xffff;
	[tilespmem:v1+s8+$0x0 ss:$0x1] =	vst.idx.msk $0xffff, v4  }
0xbf: {  	s20 =	sor.u32 $0x2040, s15;
	v4 =	vadd.f32 v6, v29;
	v6 =	vld.idx.msk [tilespmem:v0+s19+$0x0 ss:$0x1], $0xffff;
	[tilespmem:v1+s9+$0x0 ss:$0x1] =	vst.idx.msk $0xffff, v5  }
0xc0: {  	v5 =	vmul.f32 v8, v20;
	v8 =	vld.idx.msk [tilespmem:v0+s20+$0x0 ss:$0x1], $0xffff  }
0xc1: {  	s26 =	sor.u32 $0x390, s15;
	[tilespmem:v1+s12+$0x0 ss:$0x1] =	vst.idx.msk $0xffff, v4;
	v4 =	vmul.f32 v9, v26  }
0xc2: {  	v9 =	vld.idx.msk [tilespmem:v0+s26+$0x0 ss:$0x1], $0xffff;
	v5 =	vadd.f32 v5, v19;
	v7 =	vmul.f32 v7, v24  }
0xc3: {  	v4 =	vadd.f32 v4, v25;
	v10 =	vmul.f32 v10, v31  }
0xc4: {  	s7 =	sor.u32 $0x360, s15;
	[tilespmem:v1+s13+$0x0 ss:$0x1] =	vst.idx.msk $0xffff, v5;
	v5 =	vmul.f32 v6, v22;
	v6 =	vadd.f32 v7, v23  }
0xc5: {  	s8 =	sor.u32 $0x2070, s15;
	v7 =	vld.idx.msk [tilespmem:v0+s7+$0x0 ss:$0x1], $0xffff;
	[tilespmem:v1+s16+$0x0 ss:$0x1] =	vst.idx.msk $0xffff, v4;
	v4 =	vadd.f32 v10, v17;
	v8 =	vmul.f32 v8, v32  }
0xc6: {  	s9 =	sor.u32 $0x350, s15;
	v10 =	vld.idx.msk [tilespmem:v0+s8+$0x0 ss:$0x1], $0xffff;
	v5 =	vadd.f32 v5, v21;
	[tilespmem:v1+s17+$0x0 ss:$0x1] =	vst.idx.msk $0xffff, v6  }
0xc7: {  	s12 =	sor.u32 $0x20A0, s15;
	v6 =	vmul.f32 v9, v28;
	[tilespmem:v1+s18+$0x0 ss:$0x1] =	vst.idx.msk $0xffff, v4;
	v4 =	vadd.f32 v8, v30;
	v8 =	vld.idx.msk [tilespmem:v0+s9+$0x0 ss:$0x1], $0xffff  }
0xc8: {  	s13 =	sor.u32 $0x20B0, s15;
	v9 =	vld.idx.msk [tilespmem:v0+s12+$0x0 ss:$0x1], $0xffff;
	[tilespmem:v1+s19+$0x0 ss:$0x1] =	vst.idx.msk $0xffff, v5  }
0xc9: {  	s16 =	sor.u32 $0x20C0, s15;
	v5 =	vadd.f32 v6, v29;
	v6 =	vld.idx.msk [tilespmem:v0+s13+$0x0 ss:$0x1], $0xffff;
	[tilespmem:v1+s20+$0x0 ss:$0x1] =	vst.idx.msk $0xffff, v4  }
0xca: {  	v4 =	vmul.f32 v7, v20;
	v7 =	vld.idx.msk [tilespmem:v0+s16+$0x0 ss:$0x1], $0xffff  }
0xcb: {  	s17 =	sor.u32 $0x2010, s15;
	[tilespmem:v1+s26+$0x0 ss:$0x1] =	vst.idx.msk $0xffff, v5;
	v5 =	vld.idx.msk [tilespmem:v2+s10+$0x0 ss:$0x1], $0xffff  }
0xcc: {  	v10 =	vmul.f32 v10, v26;
	v11 =	vld.idx.msk [tilespmem:v0+s17+$0x0 ss:$0x1], $0xffff;
	v4 =	vadd.f32 v4, v19  }
0xcd: {  	v8 =	vmul.f32 v8, v24  }
0xce: {  	s18 =	sor.u32 $0x3E0, s15;
	[tilespmem:v1+s7+$0x0 ss:$0x1] =	vst.idx.msk $0xffff, v4;
	v4 =	vadd.f32 v10, v25;
	v9 =	vmul.f32 v9, v31  }
0xcf: {  	v10 =	vld.idx.msk [tilespmem:v0+s18+$0x0 ss:$0x1], $0xffff;
	v6 =	vmul.f32 v6, v22;
	v8 =	vadd.f32 v8, v23  }
0xd0: {  	s19 =	sor.u32 $0x20F0, s15;
	[tilespmem:v1+s8+$0x0 ss:$0x1] =	vst.idx.msk $0xffff, v4;
	v4 =	vadd.f32 v9, v17;
	v7 =	vmul.f32 v7, v32;
	v5 =	vmul.f32 $1.442695020e+00, v5  }
0xd1: {  	s20 =	sor.u32 $0x3D0, s15;
	v9 =	vld.idx.msk [tilespmem:v0+s19+$0x0 ss:$0x1], $0xffff;
	v11 =	vmul.f32 v11, v28;
	v6 =	vadd.f32 v6, v21;
	[tilespmem:v1+s9+$0x0 ss:$0x1] =	vst.idx.msk $0xffff, v8  }
0xd2: {  	s26 =	sor.u32 $0x2120, s15;
	[tilespmem:v1+s12+$0x0 ss:$0x1] =	vst.idx.msk $0xffff, v4;
	v4 =	vadd.f32 v7, v30;
	v7 =	vld.idx.msk [tilespmem:v0+s20+$0x0 ss:$0x1], $0xffff;
	(erf) = vpow2.f32 v5  }
0xd3: {  	s7 =	sor.u32 $0x2130, s15;
	v5 =	vadd.f32 v11, v29;
	v8 =	vld.idx.msk [tilespmem:v0+s26+$0x0 ss:$0x1], $0xffff;
	[tilespmem:v1+s13+$0x0 ss:$0x1] =	vst.idx.msk $0xffff, v6  }
0xd4: {  	s8 =	sor.u32 $0x2140, s15;
	v6 =	vld.idx.msk [tilespmem:v0+s7+$0x0 ss:$0x1], $0xffff;
	[tilespmem:v1+s16+$0x0 ss:$0x1] =	vst.idx.msk $0xffff, v4  }
0xd5: {  	s9 =	sor.u32 $0x2090, s15;
	v4 =	vmul.f32 v10, v20;
	[tilespmem:v1+s17+$0x0 ss:$0x1] =	vst.idx.msk $0xffff, v5;
	v5 =	vld.idx.msk [tilespmem:v0+s8+$0x0 ss:$0x1], $0xffff  }
0xd6: {  	v10 =	vld.idx.msk [tilespmem:v0+s9+$0x0 ss:$0x1], $0xffff;
	v9 =	vmul.f32 v9, v26  }
0xd7: {  	v12 =	vld.idx.msk [tilespmem:v0+s15+$0x0 ss:$0x1], $0xffff;
	v11 =	vadd.f32 v4, v19;
	v7 =	vmul.f32 v7, v24  }
0xd8: {  	v9 =	vadd.f32 v9, v25;
	v8 =	vmul.f32 v8, v31  }
0xd9: {  	s12 =	sor.u32 $0x2060, s15;
	v4 =	vld.idx.msk [tilespmem:v3+s10+$0x0 ss:$0x1], $0xffff;
	[tilespmem:v1+s18+$0x0 ss:$0x1] =	vst.idx.msk $0xffff, v11;
	v6 =	vmul.f32 v6, v22;
	v7 =	vadd.f32 v7, v23  }
0xda: {  	s13 =	sor.u32 $0x2170, s15;
	v11 =	vld.idx.msk [tilespmem:v0+s12+$0x0 ss:$0x1], $0xffff;
	[tilespmem:v1+s19+$0x0 ss:$0x1] =	vst.idx.msk $0xffff, v9;
	v8 =	vadd.f32 v8, v17;
	v5 =	vmul.f32 v5, v32  }
0xdb: {  	s16 =	sor.u32 $0x2050, s15;
	v9 =	vld.idx.msk [tilespmem:v0+s13+$0x0 ss:$0x1], $0xffff;
	v10 =	vmul.f32 v10, v28;
	v6 =	vadd.f32 v6, v21;
	[tilespmem:v1+s20+$0x0 ss:$0x1] =	vst.idx.msk $0xffff, v7;
	v27 =	vpop (erf)  }
0xdc: {  	s17 =	sor.u32 $0x21A0, s15;
	[tilespmem:v1+s26+$0x0 ss:$0x1] =	vst.idx.msk $0xffff, v8;
	v5 =	vadd.f32 v5, v30;
	v7 =	vld.idx.msk [tilespmem:v0+s16+$0x0 ss:$0x1], $0xffff;
	v8 =	vmul.f32 v27, v12  }
0xdd: {  	v12 =	vld.idx.msk [tilespmem:v0+s17+$0x0 ss:$0x1], $0xffff;
	[tilespmem:v1+s7+$0x0 ss:$0x1] =	vst.idx.msk $0xffff, v6;
	v6 =	vadd.f32 v10, v29  }
0xde: {  	s19 =	sor.u32 $0x21C0, s15;
	[tilespmem:v1+s8+$0x0 ss:$0x1] =	vst.idx.msk $0xffff, v5;
	v5 =	vadd.f32 v8, v4  }
0xdf: {  	s18 =	sor.u32 $0x21B0, s15;
	v8 =	vmul.f32 v11, v20;
	v11 =	vld.idx.msk [tilespmem:v0+s19+$0x0 ss:$0x1], $0xffff;
	[tilespmem:v1+s9+$0x0 ss:$0x1] =	vst.idx.msk $0xffff, v6  }
0xe0: {  	s10 =	simm.s32 $0x400;
	s20 =	sor.u32 $0x80, s15;
	v10 =	vld.idx.msk [tilespmem:v0+s18+$0x0 ss:$0x1], $0xffff;
	v6 =	vmul.f32 v9, v26;
	[tilespmem:v1+s15+$0x0 ss:$0x1] =	vst.idx.msk $0xffff, v5  }
0xe1: {  	s6 =	sor.u32 $0x20, s10;
	v8 =	vadd.f32 v8, v19;
	v9 =	vld.idx.msk [tilespmem:v0+s20+$0x0 ss:$0x1], $0xffff;
	v7 =	vmul.f32 v7, v24  }
0xe2: {  	s1 =	sor.u32 $0x10, s10;
	v33 =	vld.idx.msk [tilespmem:v0+s6+$0x0 ss:$0x1], $0xffff;
	v6 =	vadd.f32 v6, v25;
	v12 =	vmul.f32 v12, v31  }
0xe3: {  	v34 =	vld.idx.msk [tilespmem:v0+s1+$0x0 ss:$0x1], $0xffff;
	s9 =	sor.u32 $0x2110, s15;
	[tilespmem:v1+s12+$0x0 ss:$0x1] =	vst.idx.msk $0xffff, v8;
	v7 =	vadd.f32 v7, v23  }
0xe4: {  	s5 =	sor.u32 $0x20E0, s15;
	v5 =	vld.idx.msk [tilespmem:v0+s9+$0x0 ss:$0x1], $0xffff;
	s12 =	simm.s32 $0x80;
	[tilespmem:v1+s13+$0x0 ss:$0x1] =	vst.idx.msk $0xffff, v6;
	v6 =	vadd.f32 v12, v17;
	v11 =	vmul.f32 v11, v32  }
0xe5: {  	v8 =	vmul.f32 v10, v22;
	v10 =	vld.idx.msk [tilespmem:v0+s5+$0x0 ss:$0x1], $0xffff;
	s0 =	sor.u32 $0x70, s12;
	[tilespmem:v1+s16+$0x0 ss:$0x1] =	vst.idx.msk $0xffff, v7  }
0xe6: {  	s13 =	sor.u32 $0x21F0, s15;
	v36 =	vld.idx.msk [tilespmem:v2+s0+$0x0 ss:$0x1], $0xffff;
	[tilespmem:v1+s17+$0x0 ss:$0x1] =	vst.idx.msk $0xffff, v6;
	v6 =	vadd.f32 v11, v30;
	v7 =	vmul.f32 v9, v27  }
0xe7: {  	s4 =	sor.u32 $0x20D0, s15;
	v12 =	vld.idx.msk [tilespmem:v0+s13+$0x0 ss:$0x1], $0xffff  }
0xe8: {  	s16 =	sor.u32 $0x20, s12;
	v11 =	vld.idx.msk [tilespmem:v0+s4+$0x0 ss:$0x1], $0xffff;
	[tilespmem:v1+s19+$0x0 ss:$0x1] =	vst.idx.msk $0xffff, v6;
	v6 =	vadd.f32 v7, v4  }
0xe9: {  	s2 =	sor.u32 $0x2240, s15;
	v8 =	vadd.f32 v8, v21;
	v14 =	vld.idx.msk [tilespmem:v2+s16+$0x0 ss:$0x1], $0xffff  }
0xea: {  	s26 =	sor.u32 $0x100, s15;
	v5 =	vmul.f32 v5, v28;
	v7 =	vld.idx.msk [tilespmem:v0+s2+$0x0 ss:$0x1], $0xffff;
	[tilespmem:v1+s20+$0x0 ss:$0x1] =	vst.idx.msk $0xffff, v6  }
0xeb: {  	s8 =	sor.u32 $0x2220, s15;
	[tilespmem:v1+s18+$0x0 ss:$0x1] =	vst.idx.msk $0xffff, v8;
	v8 =	vld.idx.msk [tilespmem:v0+s26+$0x0 ss:$0x1], $0xffff  }
0xec: {  	v9 =	vld.idx.msk [tilespmem:v0+s8+$0x0 ss:$0x1], $0xffff;
	v5 =	vadd.f32 v5, v29;
	s20 =	sor.u32 $0x10, s12  }
0xed: {  	s17 =	sor.u32 $0x30, s12;
	v13 =	vld.idx.msk [tilespmem:v2+s20+$0x0 ss:$0x1], $0xffff  }
0xee: {  	s7 =	sor.u32 $0x2190, s15;
	v16 =	vld.idx.msk [tilespmem:v2+s17+$0x0 ss:$0x1], $0xffff;
	[tilespmem:v1+s9+$0x0 ss:$0x1] =	vst.idx.msk $0xffff, v5  }
0xef: {  	s3 =	sor.u32 $0x2230, s15;
	v6 =	vld.idx.msk [tilespmem:v0+s7+$0x0 ss:$0x1], $0xffff;
	v7 =	vmul.f32 v7, v32  }
0xf0: {  	s18 =	sor.u32 $0x40, s12;
	v15 =	vld.idx.msk [tilespmem:v0+s3+$0x0 ss:$0x1], $0xffff;
	v8 =	vmul.f32 v8, v27  }
0xf1: {  	v18 =	vld.idx.msk [tilespmem:v2+s18+$0x0 ss:$0x1], $0xffff;
	s19 =	sor.u32 $0x60, s12;
	v12 =	vmul.f32 v12, v26;
	v7 =	vadd.f32 v7, v30  }
0xf2: {  	v35 =	vld.idx.msk [tilespmem:v2+s19+$0x0 ss:$0x1], $0xffff;
	v13 =	vmul.f32 $1.442695020e+00, v13;
	v8 =	vadd.f32 v8, v4  }
0xf3: {  	v5 =	vld.idx.msk [tilespmem:v3+s20+$0x0 ss:$0x1], $0xffff;
	v14 =	vmul.f32 $1.442695020e+00, v14;
	v12 =	vadd.f32 v12, v25;
	v16 =	vmul.f32 $1.442695020e+00, v16;
	[tilespmem:v1+s2+$0x0 ss:$0x1] =	vst.idx.msk $0xffff, v7  }
0xf4: {  	s20 =	sor.u32 $0x180, s15;
	(erf) = vpow2.f32 v13;
	v7 =	vmul.f32 v6, v28;
	v6 =	vld.idx.msk [tilespmem:v3+s17+$0x0 ss:$0x1], $0xffff;
	[tilespmem:v1+s26+$0x0 ss:$0x1] =	vst.idx.msk $0xffff, v8  }
0xf5: {  	s9 =	sor.u32 $0x22C0, s15;
	[tilespmem:v1+s13+$0x0 ss:$0x1] =	vst.idx.msk $0xffff, v12;
	(erf) = vpow2.f32 v14;
	v12 =	vld.idx.msk [tilespmem:v0+s20+$0x0 ss:$0x1], $0xffff  }
0xf6: {  	s2 =	sor.u32 $0x30, s10;
	v8 =	vmul.f32 $1.442695020e+00, v18;
	(erf) = vpow2.f32 v16;
	v16 =	vld.idx.msk [tilespmem:v0+s9+$0x0 ss:$0x1], $0xffff  }
0xf7: {  	v10 =	vmul.f32 v10, v20;
	v14 =	vmul.f32 $1.442695020e+00, v36;
	s26 =	sor.u32 $0x2270, s15;
	v18 =	vld.idx.msk [tilespmem:v0+s2+$0x0 ss:$0x1], $0xffff  }
0xf8: {  	v13 =	vld.idx.msk [tilespmem:v0+s26+$0x0 ss:$0x1], $0xffff;
	(erf) = vpow2.f32 v8;
	v8 =	vmul.f32 v9, v31;
	v9 =	vadd.f32 v7, v29  }
0xf9: {  	v7 =	vld.idx.msk [tilespmem:v3+s16+$0x0 ss:$0x1], $0xffff  }
0xfa: {  	s16 =	sor.u32 $0x40, s10;
	(erf) = vpow2.f32 v14;
	v14 =	vadd.f32 v10, v19;
	[tilespmem:v1+s7+$0x0 ss:$0x1] =	vst.idx.msk $0xffff, v9;
	v9 =	vmul.f32 v12, v27  }
0xfb: {  	v59 =	vld.idx.msk [tilespmem:v0+s16+$0x0 ss:$0x1], $0xffff;
	v8 =	vadd.f32 v8, v17;
	s7 =	sor.u32 $0x2210, s15  }
0xfc: {  	v37 =	vld.idx.msk [tilespmem:v0+s7+$0x0 ss:$0x1], $0xffff;
	[tilespmem:v1+s5+$0x0 ss:$0x1] =	vst.idx.msk $0xffff, v14;
	v38 =	vadd.f32 v9, v4  }
0xfd: {  	v11 =	vmul.f32 v11, v24;
	v14 =	vld.idx.msk [tilespmem:v3+s19+$0x0 ss:$0x1], $0xffff;
	[tilespmem:v1+s8+$0x0 ss:$0x1] =	vst.idx.msk $0xffff, v8;
	v12 =	vpop (erf)  }
0xfe: {  	v8 =	vld.idx.msk [tilespmem:v3+s18+$0x0 ss:$0x1], $0xffff;
	v13 =	vmul.f32 v13, v26;
	v10 =	vpop (erf);
	[tilespmem:v1+s20+$0x0 ss:$0x1] =	vst.idx.msk $0xffff, v38;
	s20 =	sor.u32 $0x200, s15  }
0xff: {  	v40 =	vadd.f32 v11, v23;
	s17 =	sor.u32 $0x22A0, s15;
	v16 =	vmul.f32 v16, v32;
	v33 =	vmul.f32 v10, v33;
	v9 =	vpop (erf);
	v61 =	vld.idx.msk [tilespmem:v0+s20+$0x0 ss:$0x1], $0xffff  }
0x100: {  	s18 =	sor.u32 $0x70, s10;
	v39 =	vld.idx.msk [tilespmem:v0+s17+$0x0 ss:$0x1], $0xffff;
	v13 =	vadd.f32 v13, v25;
	v18 =	vmul.f32 v9, v18  }
0x101: {  	[tilespmem:v1+s4+$0x0 ss:$0x1] =	vst.idx.msk $0xffff, v40;
	v60 =	vld.idx.msk [tilespmem:v0+s18+$0x0 ss:$0x1], $0xffff;
	v16 =	vadd.f32 v16, v30;
	v11 =	vpop (erf);
	v33 =	vadd.f32 v33, v7  }
0x102: {  	[tilespmem:v1+s26+$0x0 ss:$0x1] =	vst.idx.msk $0xffff, v13;
	v13 =	vld.idx.msk [tilespmem:v3+s0+$0x0 ss:$0x1], $0xffff;
	s0 =	sor.u32 $0x22F0, s15;
	v36 =	vmul.f32 v11, v59;
	v18 =	vadd.f32 v18, v6  }
0x103: {  	v15 =	vmul.f32 v15, v22;
	v37 =	vmul.f32 v37, v28;
	s26 =	sor.u32 $0xA0, s10;
	v63 =	vld.idx.msk [tilespmem:v0+s0+$0x0 ss:$0x1], $0xffff;
	[tilespmem:v1+s6+$0x0 ss:$0x1] =	vst.idx.msk $0xffff, v33  }
0x104: {  	s19 =	sor.u32 $0x2340, s15;
	[tilespmem:v1+s9+$0x0 ss:$0x1] =	vst.idx.msk $0xffff, v16;
	v62 =	vadd.f32 v36, v8;
	v41 =	vld.idx.msk [tilespmem:v0+s26+$0x0 ss:$0x1], $0xffff;
	v16 =	vmul.f32 v61, v27  }
0x105: {  	s13 =	sor.u32 $0xB0, s10;
	v51 =	vmul.f32 $1.442695020e+00, v35;
	v46 =	vld.idx.msk [tilespmem:v0+s19+$0x0 ss:$0x1], $0xffff;
	v37 =	vadd.f32 v37, v29;
	[tilespmem:v1+s2+$0x0 ss:$0x1] =	vst.idx.msk $0xffff, v18  }
0x106: {  	v44 =	vmul.f32 v39, v31;
	v42 =	vld.idx.msk [tilespmem:v0+s13+$0x0 ss:$0x1], $0xffff;
	[tilespmem:v1+s16+$0x0 ss:$0x1] =	vst.idx.msk $0xffff, v62;
	s16 =	sor.u32 $0xC0, s10;
	v18 =	vpop (erf);
	v16 =	vadd.f32 v16, v4  }
0x107: {  	v15 =	vadd.f32 v15, v21;
	s5 =	sor.u32 $0x2290, s15;
	[tilespmem:v1+s7+$0x0 ss:$0x1] =	vst.idx.msk $0xffff, v37;
	v45 =	vld.idx.msk [tilespmem:v0+s16+$0x0 ss:$0x1], $0xffff;
	v38 =	vmul.f32 v18, v60  }
0x108: {  	s9 =	sor.u32 $0x280, s15;
	v33 =	vadd.f32 v44, v17;
	v37 =	vld.idx.msk [tilespmem:v0+s5+$0x0 ss:$0x1], $0xffff;
	v47 =	vmul.f32 v63, v26;
	[tilespmem:v1+s20+$0x0 ss:$0x1] =	vst.idx.msk $0xffff, v16  }
0x109: {  	[tilespmem:v1+s3+$0x0 ss:$0x1] =	vst.idx.msk $0xffff, v15;
	v48 =	vmul.f32 v41, v10;
	v15 =	vadd.f32 v38, v13;
	s20 =	sor.u32 $0x50, s12;
	v54 =	vld.idx.msk [tilespmem:v0+s9+$0x0 ss:$0x1], $0xffff  }
0x10a: {  	s3 =	sor.u32 $0x2320, s15;
	v34 =	vmul.f32 v12, v34;
	[tilespmem:v1+s17+$0x0 ss:$0x1] =	vst.idx.msk $0xffff, v33;
	v16 =	vadd.f32 v47, v25;
	v43 =	vld.idx.msk [tilespmem:v2+s20+$0x0 ss:$0x1], $0xffff  }
0x10b: {  	s8 =	sor.u32 $0xF0, s10;
	v49 =	vmul.f32 v42, v9;
	v52 =	vadd.f32 v48, v7;
	[tilespmem:v1+s18+$0x0 ss:$0x1] =	vst.idx.msk $0xffff, v15;
	v15 =	vld.idx.msk [tilespmem:v0+s3+$0x0 ss:$0x1], $0xffff  }
0x10c: {  	v34 =	vadd.f32 v34, v5;
	v53 =	vmul.f32 v45, v11;
	[tilespmem:v1+s0+$0x0 ss:$0x1] =	vst.idx.msk $0xffff, v16;
	s0 =	sor.u32 $0x2370, s15;
	v50 =	vld.idx.msk [tilespmem:v0+s8+$0x0 ss:$0x1], $0xffff  }
0x10d: {  	v59 =	vmul.f32 v37, v28;
	v41 =	vadd.f32 v49, v6;
	[tilespmem:v1+s26+$0x0 ss:$0x1] =	vst.idx.msk $0xffff, v52;
	s26 =	sor.u32 $0x120, s10;
	v56 =	vld.idx.msk [tilespmem:v0+s0+$0x0 ss:$0x1], $0xffff  }
0x10e: {  	s4 =	sor.u32 $0x60, s10;
	[tilespmem:v1+s1+$0x0 ss:$0x1] =	vst.idx.msk $0xffff, v34;
	v55 =	vmul.f32 v46, v32;
	v16 =	vadd.f32 v53, v8;
	v57 =	vld.idx.msk [tilespmem:v0+s26+$0x0 ss:$0x1], $0xffff  }
0x10f: {  	v40 =	vld.idx.msk [tilespmem:v0+s4+$0x0 ss:$0x1], $0xffff;
	(erf) = vpow2.f32 v51;
	s2 =	sor.u32 $0x130, s10;
	v35 =	vadd.f32 v59, v29;
	[tilespmem:v1+s13+$0x0 ss:$0x1] =	vst.idx.msk $0xffff, v41  }
0x110: {  	s17 =	sor.u32 $0x140, s10;
	v58 =	vld.idx.msk [tilespmem:v0+s2+$0x0 ss:$0x1], $0xffff;
	[tilespmem:v1+s16+$0x0 ss:$0x1] =	vst.idx.msk $0xffff, v16;
	v16 =	vadd.f32 v55, v30;
	v15 =	vmul.f32 v15, v31  }
0x111: {  	s18 =	sor.u32 $0x90, s10;
	[tilespmem:v1+s5+$0x0 ss:$0x1] =	vst.idx.msk $0xffff, v35;
	v63 =	vmul.f32 $1.442695020e+00, v43;
	v60 =	vld.idx.msk [tilespmem:v0+s17+$0x0 ss:$0x1], $0xffff;
	v61 =	vmul.f32 v50, v18  }
0x112: {  	v39 =	vmul.f32 v54, v27;
	[tilespmem:v1+s19+$0x0 ss:$0x1] =	vst.idx.msk $0xffff, v16;
	v16 =	vld.idx.msk [tilespmem:v0+s18+$0x0 ss:$0x1], $0xffff;
	s19 =	sor.u32 $0x23C0, s15;
	v62 =	vadd.f32 v15, v17  }
0x113: {  	v36 =	vmul.f32 v56, v26;
	v45 =	vld.idx.msk [tilespmem:v0+s19+$0x0 ss:$0x1], $0xffff;
	v33 =	vmul.f32 v57, v10;
	v37 =	vadd.f32 v61, v13  }
0x114: {  	s16 =	sor.u32 $0x23A0, s15;
	(erf) = vpow2.f32 v63;
	v46 =	vadd.f32 v39, v4;
	v15 =	vld.idx.msk [tilespmem:v3+s20+$0x0 ss:$0x1], $0xffff;
	[tilespmem:v1+s3+$0x0 ss:$0x1] =	vst.idx.msk $0xffff, v62  }
0x115: {  	v48 =	vmul.f32 v58, v9;
	v33 =	vadd.f32 v33, v7;
	v47 =	vld.idx.msk [tilespmem:v0+s16+$0x0 ss:$0x1], $0xffff;
	[tilespmem:v1+s8+$0x0 ss:$0x1] =	vst.idx.msk $0xffff, v37;
	s8 =	sor.u32 $0x170, s10  }
0x116: {  	s20 =	sor.u32 $0x300, s15;
	v36 =	vadd.f32 v36, v25;
	[tilespmem:v1+s9+$0x0 ss:$0x1] =	vst.idx.msk $0xffff, v46;
	v34 =	vmul.f32 v60, v11;
	v50 =	vld.idx.msk [tilespmem:v0+s8+$0x0 ss:$0x1], $0xffff  }
0x117: {  	v52 =	vld.idx.msk [tilespmem:v0+s20+$0x0 ss:$0x1], $0xffff;
	v51 =	vmul.f32 v16, v12;
	v37 =	vadd.f32 v48, v6;
	[tilespmem:v1+s26+$0x0 ss:$0x1] =	vst.idx.msk $0xffff, v33;
	s26 =	sor.u32 $0x1A0, s10  }
0x118: {  	s1 =	sor.u32 $0x50, s10;
	[tilespmem:v1+s0+$0x0 ss:$0x1] =	vst.idx.msk $0xffff, v36;
	v16 =	vpop (erf);
	v53 =	vadd.f32 v34, v8;
	v54 =	vmul.f32 v45, v32;
	v57 =	vld.idx.msk [tilespmem:v0+s26+$0x0 ss:$0x1], $0xffff  }
0x119: {  	s6 =	sor.u32 $0x1B0, s10;
	v49 =	vld.idx.msk [tilespmem:v0+s1+$0x0 ss:$0x1], $0xffff;
	v55 =	vmul.f32 v16, v40;
	v56 =	vadd.f32 v51, v5;
	[tilespmem:v1+s2+$0x0 ss:$0x1] =	vst.idx.msk $0xffff, v37  }
0x11a: {  	s9 =	sor.u32 $0x1C0, s10;
	v37 =	vld.idx.msk [tilespmem:v0+s6+$0x0 ss:$0x1], $0xffff;
	[tilespmem:v1+s17+$0x0 ss:$0x1] =	vst.idx.msk $0xffff, v53;
	v30 =	vadd.f32 v54, v30;
	v31 =	vmul.f32 v47, v31  }
0x11b: {  	v58 =	vadd.f32 v55, v14;
	[tilespmem:v1+s18+$0x0 ss:$0x1] =	vst.idx.msk $0xffff, v56;
	s18 =	sor.u32 $0x110, s10;
	v59 =	vld.idx.msk [tilespmem:v0+s9+$0x0 ss:$0x1], $0xffff;
	v35 =	vmul.f32 v50, v18  }
0x11c: {  	v60 =	vld.idx.msk [tilespmem:v0+s18+$0x0 ss:$0x1], $0xffff;
	[tilespmem:v1+s19+$0x0 ss:$0x1] =	vst.idx.msk $0xffff, v30;
	s19 =	sor.u32 $0x2150, s15;
	v30 =	vmul.f32 v52, v27;
	v31 =	vadd.f32 v31, v17  }
0x11d: {  	[tilespmem:v1+s4+$0x0 ss:$0x1] =	vst.idx.msk $0xffff, v58;
	s4 =	sor.u32 $0x2310, s15;
	v17 =	vpop (erf);
	v61 =	vld.idx.msk [tilespmem:v0+s19+$0x0 ss:$0x1], $0xffff;
	v62 =	vmul.f32 v57, v10;
	v35 =	vadd.f32 v35, v13  }
0x11e: {  	s13 =	sor.u32 $0xE0, s10;
	v38 =	vmul.f32 v17, v49;
	v30 =	vadd.f32 v30, v4;
	[tilespmem:v1+s16+$0x0 ss:$0x1] =	vst.idx.msk $0xffff, v31;
	v31 =	vld.idx.msk [tilespmem:v0+s4+$0x0 ss:$0x1], $0xffff  }
0x11f: {  	s5 =	sor.u32 $0x22B0, s15;
	v63 =	vld.idx.msk [tilespmem:v0+s13+$0x0 ss:$0x1], $0xffff;
	v44 =	vmul.f32 v37, v9;
	v46 =	vadd.f32 v62, v7;
	[tilespmem:v1+s8+$0x0 ss:$0x1] =	vst.idx.msk $0xffff, v35  }
0x120: {  	v45 =	vadd.f32 v38, v15;
	[tilespmem:v1+s20+$0x0 ss:$0x1] =	vst.idx.msk $0xffff, v30;
	s20 =	sor.u32 $0x1F0, s10;
	v30 =	vld.idx.msk [tilespmem:v0+s5+$0x0 ss:$0x1], $0xffff;
	v34 =	vmul.f32 v59, v11  }
0x121: {  	s16 =	sor.u32 $0x380, s15;
	v47 =	vld.idx.msk [tilespmem:v0+s20+$0x0 ss:$0x1], $0xffff;
	v36 =	vmul.f32 v60, v12;
	v35 =	vadd.f32 v44, v6;
	[tilespmem:v1+s26+$0x0 ss:$0x1] =	vst.idx.msk $0xffff, v46  }
0x122: {  	s26 =	sor.u32 $0xD0, s10;
	v48 =	vld.idx.msk [tilespmem:v0+s16+$0x0 ss:$0x1], $0xffff;
	[tilespmem:v1+s1+$0x0 ss:$0x1] =	vst.idx.msk $0xffff, v45;
	v34 =	vadd.f32 v34, v8;
	v33 =	vmul.f32 v61, v24  }
0x123: {  	s2 =	sor.u32 $0x220, s10;
	[tilespmem:v1+s6+$0x0 ss:$0x1] =	vst.idx.msk $0xffff, v35;
	v49 =	vld.idx.msk [tilespmem:v0+s26+$0x0 ss:$0x1], $0xffff;
	v36 =	vadd.f32 v36, v5;
	v31 =	vmul.f32 v31, v28  }
0x124: {  	s17 =	sor.u32 $0x230, s10;
	v50 =	vld.idx.msk [tilespmem:v0+s2+$0x0 ss:$0x1], $0xffff;
	v51 =	vmul.f32 v63, v16;
	[tilespmem:v1+s9+$0x0 ss:$0x1] =	vst.idx.msk $0xffff, v34;
	v33 =	vadd.f32 v33, v23  }
0x125: {  	v52 =	vld.idx.msk [tilespmem:v0+s17+$0x0 ss:$0x1], $0xffff;
	[tilespmem:v1+s18+$0x0 ss:$0x1] =	vst.idx.msk $0xffff, v36;
	s18 =	sor.u32 $0x240, s10;
	v30 =	vmul.f32 v30, v22;
	v31 =	vadd.f32 v31, v29  }
0x126: {  	v34 =	vadd.f32 v51, v14;
	[tilespmem:v1+s19+$0x0 ss:$0x1] =	vst.idx.msk $0xffff, v33;
	s19 =	sor.u32 $0x190, s10;
	v53 =	vld.idx.msk [tilespmem:v0+s18+$0x0 ss:$0x1], $0xffff;
	v54 =	vmul.f32 v47, v18  }
0x127: {  	v55 =	vld.idx.msk [tilespmem:v0+s19+$0x0 ss:$0x1], $0xffff;
	v30 =	vadd.f32 v30, v21;
	[tilespmem:v1+s4+$0x0 ss:$0x1] =	vst.idx.msk $0xffff, v31;
	s4 =	sor.u32 $0x21D0, s15;
	v31 =	vmul.f32 v48, v27  }
0x128: {  	[tilespmem:v1+s13+$0x0 ss:$0x1] =	vst.idx.msk $0xffff, v34;
	s13 =	sor.u32 $0x160, s10;
	v35 =	vmul.f32 v49, v17;
	v36 =	vadd.f32 v54, v13;
	v56 =	vld.idx.msk [tilespmem:v0+s4+$0x0 ss:$0x1], $0xffff  }
0x129: {  	v57 =	vld.idx.msk [tilespmem:v0+s13+$0x0 ss:$0x1], $0xffff;
	[tilespmem:v1+s5+$0x0 ss:$0x1] =	vst.idx.msk $0xffff, v30;
	s5 =	sor.u32 $0x2390, s15;
	v30 =	vmul.f32 v50, v10;
	v31 =	vadd.f32 v31, v4  }
0x12a: {  	v40 =	vmul.f32 v52, v9;
	v58 =	vld.idx.msk [tilespmem:v0+s5+$0x0 ss:$0x1], $0xffff;
	v35 =	vadd.f32 v35, v15;
	[tilespmem:v1+s20+$0x0 ss:$0x1] =	vst.idx.msk $0xffff, v36;
	s20 =	sor.u32 $0x270, s10  }
0x12b: {  	v30 =	vadd.f32 v30, v7;
	v59 =	vld.idx.msk [tilespmem:v0+s20+$0x0 ss:$0x1], $0xffff;
	[tilespmem:v1+s16+$0x0 ss:$0x1] =	vst.idx.msk $0xffff, v31;
	s16 =	sor.u32 $0x2000, s15;
	v31 =	vmul.f32 v53, v11  }
0x12c: {  	v61 =	vadd.f32 v40, v6;
	v60 =	vmul.f32 v55, v12;
	[tilespmem:v1+s26+$0x0 ss:$0x1] =	vst.idx.msk $0xffff, v35;
	s26 =	sor.u32 $0x150, s10;
	v62 =	vld.idx.msk [tilespmem:v0+s16+$0x0 ss:$0x1], $0xffff  }
0x12d: {  	[tilespmem:v1+s2+$0x0 ss:$0x1] =	vst.idx.msk $0xffff, v30;
	s2 =	sor.u32 $0x2A0, s10;
	v30 =	vadd.f32 v31, v8;
	v31 =	vld.idx.msk [tilespmem:v0+s26+$0x0 ss:$0x1], $0xffff;
	v34 =	vmul.f32 v56, v24  }
0x12e: {  	v44 =	vmul.f32 v57, v16;
	[tilespmem:v1+s17+$0x0 ss:$0x1] =	vst.idx.msk $0xffff, v61;
	s17 =	sor.u32 $0x2B0, s10;
	v36 =	vadd.f32 v60, v5;
	v63 =	vld.idx.msk [tilespmem:v0+s2+$0x0 ss:$0x1], $0xffff  }
0x12f: {  	s3 =	sor.u32 $0x23F0, s15;
	v45 =	vld.idx.msk [tilespmem:v0+s17+$0x0 ss:$0x1], $0xffff;
	v28 =	vmul.f32 v58, v28;
	[tilespmem:v1+s18+$0x0 ss:$0x1] =	vst.idx.msk $0xffff, v30;
	v30 =	vadd.f32 v34, v23  }
0x130: {  	v32 =	vld.idx.msk [tilespmem:v0+s3+$0x0 ss:$0x1], $0xffff;
	v47 =	vadd.f32 v44, v14;
	s18 =	sor.u32 $0x2C0, s10;
	[tilespmem:v1+s19+$0x0 ss:$0x1] =	vst.idx.msk $0xffff, v36;
	v33 =	vmul.f32 v59, v18  }
0x131: {  	s19 =	sor.u32 $0x210, s10;
	v46 =	vld.idx.msk [tilespmem:v0+s18+$0x0 ss:$0x1], $0xffff;
	v28 =	vadd.f32 v28, v29;
	[tilespmem:v1+s4+$0x0 ss:$0x1] =	vst.idx.msk $0xffff, v30;
	v30 =	vmul.f32 v62, v27  }
0x132: {  	[tilespmem:v1+s13+$0x0 ss:$0x1] =	vst.idx.msk $0xffff, v47;
	v29 =	vld.idx.msk [tilespmem:v0+s19+$0x0 ss:$0x1], $0xffff;
	s4 =	sor.u32 $0x2330, s15;
	v33 =	vadd.f32 v33, v13;
	v31 =	vmul.f32 v31, v17  }
0x133: {  	s13 =	sor.u32 $0x1E0, s10;
	v48 =	vld.idx.msk [tilespmem:v0+s4+$0x0 ss:$0x1], $0xffff;
	[tilespmem:v1+s5+$0x0 ss:$0x1] =	vst.idx.msk $0xffff, v28;
	v28 =	vmul.f32 v63, v10;
	v30 =	vadd.f32 v30, v4  }
0x134: {  	v36 =	vld.idx.msk [tilespmem:v0+s13+$0x0 ss:$0x1], $0xffff;
	s5 =	sor.u32 $0x2250, s15;
	v38 =	vmul.f32 v45, v9;
	[tilespmem:v1+s20+$0x0 ss:$0x1] =	vst.idx.msk $0xffff, v33;
	v31 =	vadd.f32 v31, v15  }
0x135: {  	v26 =	vmul.f32 v32, v26;
	v49 =	vld.idx.msk [tilespmem:v0+s5+$0x0 ss:$0x1], $0xffff;
	s20 =	sor.u32 $0x2F0, s10;
	v28 =	vadd.f32 v28, v7;
	[tilespmem:v1+s16+$0x0 ss:$0x1] =	vst.idx.msk $0xffff, v30  }
0x136: {  	v33 =	vld.idx.msk [tilespmem:v0+s20+$0x0 ss:$0x1], $0xffff;
	v50 =	vadd.f32 v38, v6;
	s16 =	sor.u32 $0x2080, s15;
	v30 =	vmul.f32 v46, v11;
	[tilespmem:v1+s26+$0x0 ss:$0x1] =	vst.idx.msk $0xffff, v31  }
0x137: {  	v25 =	vadd.f32 v26, v25;
	v29 =	vmul.f32 v29, v12;
	s26 =	sor.u32 $0x1D0, s10;
	v31 =	vld.idx.msk [tilespmem:v0+s16+$0x0 ss:$0x1], $0xffff;
	[tilespmem:v1+s2+$0x0 ss:$0x1] =	vst.idx.msk $0xffff, v28  }
0x138: {  	[tilespmem:v1+s17+$0x0 ss:$0x1] =	vst.idx.msk $0xffff, v50;
	s17 =	sor.u32 $0x330, s10;
	v35 =	vmul.f32 v48, v22;
	v28 =	vadd.f32 v30, v8;
	v30 =	vld.idx.msk [tilespmem:v0+s26+$0x0 ss:$0x1], $0xffff  }
0x139: {  	[tilespmem:v1+s3+$0x0 ss:$0x1] =	vst.idx.msk $0xffff, v25;
	v52 =	vmul.f32 v36, v16;
	s2 =	sor.u32 $0x320, s10;
	v29 =	vadd.f32 v29, v5;
	v54 =	vld.idx.msk [tilespmem:v0+s17+$0x0 ss:$0x1], $0xffff  }
0x13a: {  	v51 =	vld.idx.msk [tilespmem:v0+s2+$0x0 ss:$0x1], $0xffff;
	v53 =	vmul.f32 v49, v24;
	v35 =	vadd.f32 v35, v21;
	[tilespmem:v1+s18+$0x0 ss:$0x1] =	vst.idx.msk $0xffff, v28;
	s18 =	sor.u32 $0x340, s10  }
0x13b: {  	[tilespmem:v1+s19+$0x0 ss:$0x1] =	vst.idx.msk $0xffff, v29;
	v28 =	vadd.f32 v52, v14;
	v33 =	vmul.f32 v33, v18;
	v29 =	vld.idx.msk [tilespmem:v0+s18+$0x0 ss:$0x1], $0xffff  }
0x13c: {  	s19 =	sor.u32 $0x290, s10;
	v55 =	vadd.f32 v53, v23;
	[tilespmem:v1+s4+$0x0 ss:$0x1] =	vst.idx.msk $0xffff, v35;
	v31 =	vmul.f32 v31, v27  }
0x13d: {  	v56 =	vld.idx.msk [tilespmem:v0+s19+$0x0 ss:$0x1], $0xffff;
	[tilespmem:v1+s13+$0x0 ss:$0x1] =	vst.idx.msk $0xffff, v28;
	s4 =	sor.u32 $0x260, s10;
	v33 =	vadd.f32 v33, v13;
	v30 =	vmul.f32 v30, v17  }
0x13e: {  	[tilespmem:v1+s5+$0x0 ss:$0x1] =	vst.idx.msk $0xffff, v55;
	v58 =	vld.idx.msk [tilespmem:v0+s4+$0x0 ss:$0x1], $0xffff;
	s5 =	sor.u32 $0x2160, s15;
	v37 =	vmul.f32 v54, v9;
	v31 =	vadd.f32 v31, v4  }
0x13f: {  	v57 =	vmul.f32 v51, v10;
	[tilespmem:v1+s20+$0x0 ss:$0x1] =	vst.idx.msk $0xffff, v33;
	s20 =	sor.u32 $0x370, s10;
	v59 =	vld.idx.msk [tilespmem:v0+s5+$0x0 ss:$0x1], $0xffff;
	v30 =	vadd.f32 v30, v15  }
0x140: {  	s3 =	sor.u32 $0x22D0, s15;
	v60 =	vld.idx.msk [tilespmem:v0+s20+$0x0 ss:$0x1], $0xffff;
	v37 =	vadd.f32 v37, v6;
	[tilespmem:v1+s16+$0x0 ss:$0x1] =	vst.idx.msk $0xffff, v31;
	v29 =	vmul.f32 v29, v11  }
0x141: {  	s13 =	sor.u32 $0x2100, s15;
	v41 =	vld.idx.msk [tilespmem:v0+s3+$0x0 ss:$0x1], $0xffff;
	v31 =	vadd.f32 v57, v7;
	[tilespmem:v1+s26+$0x0 ss:$0x1] =	vst.idx.msk $0xffff, v30  }
0x142: {  	v35 =	vmul.f32 v56, v12;
	s26 =	sor.u32 $0x250, s10;
	v30 =	vld.idx.msk [tilespmem:v0+s13+$0x0 ss:$0x1], $0xffff;
	[tilespmem:v1+s17+$0x0 ss:$0x1] =	vst.idx.msk $0xffff, v37;
	v29 =	vadd.f32 v29, v8  }
0x143: {  	s16 =	sor.u32 $0x3A0, s10;
	[tilespmem:v1+s2+$0x0 ss:$0x1] =	vst.idx.msk $0xffff, v31;
	v31 =	vld.idx.msk [tilespmem:v0+s26+$0x0 ss:$0x1], $0xffff;
	v36 =	vmul.f32 v58, v16  }
0x144: {  	s17 =	sor.u32 $0x3B0, s10;
	v61 =	vadd.f32 v35, v5;
	v62 =	vld.idx.msk [tilespmem:v0+s16+$0x0 ss:$0x1], $0xffff;
	[tilespmem:v1+s18+$0x0 ss:$0x1] =	vst.idx.msk $0xffff, v29;
	v29 =	vmul.f32 v59, v20  }
0x145: {  	v26 =	vld.idx.msk [tilespmem:v0+s17+$0x0 ss:$0x1], $0xffff;
	s18 =	sor.u32 $0x3C0, s10;
	v40 =	vadd.f32 v36, v14;
	v34 =	vmul.f32 v60, v18  }
0x146: {  	s1 =	sor.u32 $0x23B0, s15;
	v45 =	vmul.f32 v41, v24;
	[tilespmem:v1+s19+$0x0 ss:$0x1] =	vst.idx.msk $0xffff, v61;
	v63 =	vld.idx.msk [tilespmem:v0+s18+$0x0 ss:$0x1], $0xffff;
	v29 =	vadd.f32 v29, v19  }
0x147: {  	v28 =	vld.idx.msk [tilespmem:v0+s1+$0x0 ss:$0x1], $0xffff;
	s19 =	sor.u32 $0x310, s10;
	v30 =	vmul.f32 v30, v27;
	[tilespmem:v1+s4+$0x0 ss:$0x1] =	vst.idx.msk $0xffff, v40;
	v42 =	vadd.f32 v34, v13  }
0x148: {  	v25 =	vld.idx.msk [tilespmem:v0+s19+$0x0 ss:$0x1], $0xffff;
	s4 =	sor.u32 $0x2E0, s10;
	v34 =	vadd.f32 v45, v23;
	v31 =	vmul.f32 v31, v17;
	[tilespmem:v1+s5+$0x0 ss:$0x1] =	vst.idx.msk $0xffff, v29  }
0x149: {  	v44 =	vld.idx.msk [tilespmem:v0+s4+$0x0 ss:$0x1], $0xffff;
	v43 =	vmul.f32 v62, v10;
	v30 =	vadd.f32 v30, v4;
	s5 =	sor.u32 $0x21E0, s15;
	[tilespmem:v1+s20+$0x0 ss:$0x1] =	vst.idx.msk $0xffff, v42  }
0x14a: {  	v26 =	vmul.f32 v26, v9;
	s20 =	sor.u32 $0x3F0, s10;
	[tilespmem:v1+s3+$0x0 ss:$0x1] =	vst.idx.msk $0xffff, v34;
	v29 =	vadd.f32 v31, v15;
	v31 =	vld.idx.msk [tilespmem:v0+s5+$0x0 ss:$0x1], $0xffff  }
0x14b: {  	s3 =	sor.u32 $0x2350, s15;
	v33 =	vld.idx.msk [tilespmem:v0+s20+$0x0 ss:$0x1], $0xffff;
	[tilespmem:v1+s13+$0x0 ss:$0x1] =	vst.idx.msk $0xffff, v30;
	v30 =	vadd.f32 v43, v7;
	v32 =	vmul.f32 v63, v11  }
0x14c: {  	v22 =	vmul.f32 v28, v22;
	v26 =	vadd.f32 v26, v6;
	v34 =	vld.idx.msk [tilespmem:v0+s3+$0x0 ss:$0x1], $0xffff;
	s13 =	sor.u32 $0x2180, s15;
	[tilespmem:v1+s26+$0x0 ss:$0x1] =	vst.idx.msk $0xffff, v29  }
0x14d: {  	v25 =	vmul.f32 v25, v12;
	s26 =	sor.u32 $0x2D0, s10;
	v29 =	vld.idx.msk [tilespmem:v0+s13+$0x0 ss:$0x1], $0xffff;
	[tilespmem:v1+s16+$0x0 ss:$0x1] =	vst.idx.msk $0xffff, v30;
	v30 =	vadd.f32 v32, v8  }
0x14e: {  	v21 =	vadd.f32 v22, v21;
	[tilespmem:v1+s17+$0x0 ss:$0x1] =	vst.idx.msk $0xffff, v26;
	s16 =	sor.u32 $0x2020, s10;
	v46 =	vld.idx.msk [tilespmem:v0+s26+$0x0 ss:$0x1], $0xffff;
	v26 =	vmul.f32 v44, v16  }
0x14f: {  	s17 =	sor.u32 $0x2030, s10;
	v25 =	vadd.f32 v25, v5;
	v47 =	vld.idx.msk [tilespmem:v0+s16+$0x0 ss:$0x1], $0xffff;
	[tilespmem:v1+s18+$0x0 ss:$0x1] =	vst.idx.msk $0xffff, v30;
	v30 =	vmul.f32 v31, v20  }
0x150: {  	[tilespmem:v1+s1+$0x0 ss:$0x1] =	vst.idx.msk $0xffff, v21;
	v48 =	vld.idx.msk [tilespmem:v0+s17+$0x0 ss:$0x1], $0xffff;
	s18 =	sor.u32 $0x2040, s10;
	v26 =	vadd.f32 v26, v14;
	v31 =	vmul.f32 v33, v18  }
0x151: {  	[tilespmem:v1+s19+$0x0 ss:$0x1] =	vst.idx.msk $0xffff, v25;
	s19 =	sor.u32 $0x390, s10;
	v34 =	vmul.f32 v34, v24;
	v25 =	vld.idx.msk [tilespmem:v0+s18+$0x0 ss:$0x1], $0xffff;
	v30 =	vadd.f32 v30, v19  }
0x152: {  	v49 =	vld.idx.msk [tilespmem:v0+s19+$0x0 ss:$0x1], $0xffff;
	v29 =	vmul.f32 v29, v27;
	[tilespmem:v1+s4+$0x0 ss:$0x1] =	vst.idx.msk $0xffff, v26;
	v26 =	vadd.f32 v31, v13  }
0x153: {  	v54 =	vld.idx.msk [tilespmem:v2+s12+$0x0 ss:$0x1], $0xffff;
	s4 =	sor.u32 $0x360, s10;
	v34 =	vadd.f32 v34, v23;
	v32 =	vmul.f32 v46, v17;
	[tilespmem:v1+s5+$0x0 ss:$0x1] =	vst.idx.msk $0xffff, v30  }
0x154: {  	v50 =	vld.idx.msk [tilespmem:v0+s4+$0x0 ss:$0x1], $0xffff;
	v31 =	vmul.f32 v47, v10;
	v29 =	vadd.f32 v29, v4;
	s5 =	sor.u32 $0x2260, s15;
	[tilespmem:v1+s20+$0x0 ss:$0x1] =	vst.idx.msk $0xffff, v26  }
0x155: {  	v30 =	vmul.f32 v48, v9;
	s20 =	sor.u32 $0x2070, s10;
	[tilespmem:v1+s3+$0x0 ss:$0x1] =	vst.idx.msk $0xffff, v34;
	v32 =	vadd.f32 v32, v15;
	v26 =	vld.idx.msk [tilespmem:v0+s5+$0x0 ss:$0x1], $0xffff  }
0x156: {  	[tilespmem:v1+s13+$0x0 ss:$0x1] =	vst.idx.msk $0xffff, v29;
	s13 =	sor.u32 $0x2200, s15;
	v29 =	vadd.f32 v31, v7;
	v25 =	vmul.f32 v25, v11;
	v31 =	vld.idx.msk [tilespmem:v0+s20+$0x0 ss:$0x1], $0xffff  }
0x157: {  	v33 =	vmul.f32 v49, v12;
	v30 =	vadd.f32 v30, v6;
	[tilespmem:v1+s26+$0x0 ss:$0x1] =	vst.idx.msk $0xffff, v32;
	s26 =	sor.u32 $0x350, s10;
	v51 =	vld.idx.msk [tilespmem:v0+s13+$0x0 ss:$0x1], $0xffff  }
0x158: {  	[tilespmem:v1+s16+$0x0 ss:$0x1] =	vst.idx.msk $0xffff, v29;
	s16 =	sor.u32 $0x20A0, s10;
	v25 =	vadd.f32 v25, v8;
	v29 =	vld.idx.msk [tilespmem:v0+s26+$0x0 ss:$0x1], $0xffff  }
0x159: {  	v33 =	vadd.f32 v33, v5;
	[tilespmem:v1+s17+$0x0 ss:$0x1] =	vst.idx.msk $0xffff, v30;
	s17 =	sor.u32 $0x20B0, s10;
	v30 =	vmul.f32 v50, v16;
	v52 =	vld.idx.msk [tilespmem:v0+s16+$0x0 ss:$0x1], $0xffff  }
0x15a: {  	v34 =	vmul.f32 $1.442695020e+00, v54;
	v53 =	vld.idx.msk [tilespmem:v0+s17+$0x0 ss:$0x1], $0xffff;
	[tilespmem:v1+s18+$0x0 ss:$0x1] =	vst.idx.msk $0xffff, v25;
	s18 =	sor.u32 $0x20C0, s10;
	v25 =	vmul.f32 v26, v20  }
0x15b: {  	[tilespmem:v1+s19+$0x0 ss:$0x1] =	vst.idx.msk $0xffff, v33;
	s19 =	sor.u32 $0x2010, s10;
	v30 =	vadd.f32 v30, v14;
	v26 =	vld.idx.msk [tilespmem:v0+s18+$0x0 ss:$0x1], $0xffff;
	v31 =	vmul.f32 v31, v18  }
0x15c: {  	s3 =	sor.u32 $0x23D0, s15;
	(erf) = vpow2.f32 v34;
	v33 =	vld.idx.msk [tilespmem:v0+s19+$0x0 ss:$0x1], $0xffff;
	v32 =	vmul.f32 v51, v27;
	v25 =	vadd.f32 v25, v19  }
0x15d: {  	[tilespmem:v1+s4+$0x0 ss:$0x1] =	vst.idx.msk $0xffff, v30;
	s4 =	sor.u32 $0x3E0, s10;
	v30 =	vadd.f32 v31, v13;
	v31 =	vld.idx.msk [tilespmem:v0+s3+$0x0 ss:$0x1], $0xffff;
	v29 =	vmul.f32 v29, v17  }
0x15e: {  	v28 =	vld.idx.msk [tilespmem:v0+s4+$0x0 ss:$0x1], $0xffff;
	v32 =	vadd.f32 v32, v4;
	[tilespmem:v1+s5+$0x0 ss:$0x1] =	vst.idx.msk $0xffff, v25;
	v25 =	vmul.f32 v52, v10;
	s5 =	sor.u32 $0x22E0, s15  }
0x15f: {  	[tilespmem:v1+s20+$0x0 ss:$0x1] =	vst.idx.msk $0xffff, v30;
	v30 =	vmul.f32 v53, v9;
	v29 =	vadd.f32 v29, v15;
	s20 =	sor.u32 $0x20F0, s10;
	v55 =	vld.idx.msk [tilespmem:v0+s5+$0x0 ss:$0x1], $0xffff  }
0x160: {  	[tilespmem:v1+s13+$0x0 ss:$0x1] =	vst.idx.msk $0xffff, v32;
	s13 =	sor.u32 $0x2280, s15;
	v25 =	vadd.f32 v25, v7;
	v26 =	vmul.f32 v26, v11;
	v56 =	vld.idx.msk [tilespmem:v0+s20+$0x0 ss:$0x1], $0xffff  }
0x161: {  	v33 =	vmul.f32 v33, v12;
	v30 =	vadd.f32 v30, v6;
	[tilespmem:v1+s26+$0x0 ss:$0x1] =	vst.idx.msk $0xffff, v29;
	s26 =	sor.u32 $0x3D0, s10;
	v29 =	vld.idx.msk [tilespmem:v0+s13+$0x0 ss:$0x1], $0xffff  }
0x162: {  	v24 =	vmul.f32 v31, v24;
	[tilespmem:v1+s16+$0x0 ss:$0x1] =	vst.idx.msk $0xffff, v25;
	s16 =	sor.u32 $0x2120, s10;
	v25 =	vadd.f32 v26, v8;
	v26 =	vld.idx.msk [tilespmem:v0+s26+$0x0 ss:$0x1], $0xffff  }
0x163: {  	v31 =	vadd.f32 v33, v5;
	v22 =	vmul.f32 v28, v16;
	v57 =	vld.idx.msk [tilespmem:v0+s16+$0x0 ss:$0x1], $0xffff;
	[tilespmem:v1+s17+$0x0 ss:$0x1] =	vst.idx.msk $0xffff, v30;
	s17 =	sor.u32 $0x2130, s10  }
0x164: {  	v30 =	vld.idx.msk [tilespmem:v0+s17+$0x0 ss:$0x1], $0xffff;
	[tilespmem:v1+s18+$0x0 ss:$0x1] =	vst.idx.msk $0xffff, v25;
	v23 =	vadd.f32 v24, v23  }
0x165: {  	s18 =	sor.u32 $0x2140, s10;
	[tilespmem:v1+s19+$0x0 ss:$0x1] =	vst.idx.msk $0xffff, v31;
	v25 =	vmul.f32 v55, v20;
	v28 =	vadd.f32 v22, v14;
	v22 =	vld.idx.msk [tilespmem:v3+s12+$0x0 ss:$0x1], $0xffff  }
0x166: {  	s19 =	sor.u32 $0x2090, s10;
	v24 =	vld.idx.msk [tilespmem:v0+s18+$0x0 ss:$0x1], $0xffff;
	v31 =	vmul.f32 v56, v18;
	[tilespmem:v1+s3+$0x0 ss:$0x1] =	vst.idx.msk $0xffff, v23;
	v23 =	vmul.f32 v29, v27  }
0x167: {  	v21 =	vld.idx.msk [tilespmem:v0+s19+$0x0 ss:$0x1], $0xffff;
	v25 =	vadd.f32 v25, v19;
	[tilespmem:v1+s4+$0x0 ss:$0x1] =	vst.idx.msk $0xffff, v28  }
0x168: {  	v29 =	vld.idx.msk [tilespmem:v0+s10+$0x0 ss:$0x1], $0xffff;
	s3 =	sor.u32 $0x2060, s10;
	v26 =	vmul.f32 v26, v17;
	v28 =	vadd.f32 v31, v13;
	v23 =	vadd.f32 v23, v4  }
0x169: {  	s4 =	sor.u32 $0x2360, s15;
	v58 =	vld.idx.msk [tilespmem:v0+s3+$0x0 ss:$0x1], $0xffff;
	v31 =	vmul.f32 v57, v10;
	[tilespmem:v1+s5+$0x0 ss:$0x1] =	vst.idx.msk $0xffff, v25  }
0x16a: {  	s5 =	sor.u32 $0x2170, s10;
	v25 =	vmul.f32 v30, v9;
	v26 =	vadd.f32 v26, v15;
	[tilespmem:v1+s20+$0x0 ss:$0x1] =	vst.idx.msk $0xffff, v28;
	v28 =	vld.idx.msk [tilespmem:v0+s4+$0x0 ss:$0x1], $0xffff  }
0x16b: {  	s20 =	sor.u32 $0x2300, s15;
	v30 =	vadd.f32 v31, v7;
	v24 =	vmul.f32 v24, v11;
	v31 =	vld.idx.msk [tilespmem:v0+s5+$0x0 ss:$0x1], $0xffff;
	[tilespmem:v1+s13+$0x0 ss:$0x1] =	vst.idx.msk $0xffff, v23  }
0x16c: {  	v21 =	vmul.f32 v21, v12;
	v25 =	vadd.f32 v25, v6;
	[tilespmem:v1+s26+$0x0 ss:$0x1] =	vst.idx.msk $0xffff, v26;
	s26 =	sor.u32 $0x2050, s10;
	v26 =	vld.idx.msk [tilespmem:v0+s20+$0x0 ss:$0x1], $0xffff;
	v23 =	vpop (erf)  }
0x16d: {  	s8 =	sor.u32 $0x21A0, s10;
	[tilespmem:v1+s16+$0x0 ss:$0x1] =	vst.idx.msk $0xffff, v30;
	v24 =	vadd.f32 v24, v8;
	v30 =	vld.idx.msk [tilespmem:v0+s26+$0x0 ss:$0x1], $0xffff;
	v29 =	vmul.f32 v23, v29  }
0x16e: {  	v21 =	vadd.f32 v21, v5;
	v59 =	vld.idx.msk [tilespmem:v0+s8+$0x0 ss:$0x1], $0xffff;
	[tilespmem:v1+s17+$0x0 ss:$0x1] =	vst.idx.msk $0xffff, v25;
	v25 =	vmul.f32 v58, v16  }
0x16f: {  	[tilespmem:v1+s18+$0x0 ss:$0x1] =	vst.idx.msk $0xffff, v24;
	v28 =	vmul.f32 v28, v20;
	v24 =	vadd.f32 v29, v22  }
0x170: {  	[tilespmem:v1+s19+$0x0 ss:$0x1] =	vst.idx.msk $0xffff, v21;
	v21 =	vadd.f32 v25, v14;
	v25 =	vmul.f32 v31, v18  }
0x171: {  	v26 =	vmul.f32 v26, v27;
	v28 =	vadd.f32 v28, v19;
	[tilespmem:v1+s10+$0x0 ss:$0x1] =	vst.idx.msk $0xffff, v24  }
0x172: {  	v30 =	vmul.f32 v30, v17;
	[tilespmem:v1+s3+$0x0 ss:$0x1] =	vst.idx.msk $0xffff, v21;
	v21 =	vadd.f32 v25, v13  }
0x173: {  	v25 =	vmul.f32 v59, v10;
	v26 =	vadd.f32 v26, v4;
	[tilespmem:v1+s4+$0x0 ss:$0x1] =	vst.idx.msk $0xffff, v28  }
0x174: {  	s13 =	sor.u32 $0x21B0, s10;
	v30 =	vadd.f32 v30, v15;
	[tilespmem:v1+s5+$0x0 ss:$0x1] =	vst.idx.msk $0xffff, v21  }
0x175: {  	s16 =	sor.u32 $0x21C0, s10;
	v60 =	vld.idx.msk [tilespmem:v0+s13+$0x0 ss:$0x1], $0xffff;
	v25 =	vadd.f32 v25, v7;
	[tilespmem:v1+s20+$0x0 ss:$0x1] =	vst.idx.msk $0xffff, v26  }
0x176: {  	s17 =	sor.u32 $0x2110, s10;
	v29 =	vld.idx.msk [tilespmem:v0+s16+$0x0 ss:$0x1], $0xffff;
	[tilespmem:v1+s26+$0x0 ss:$0x1] =	vst.idx.msk $0xffff, v30  }
0x177: {  	s18 =	sor.u32 $0x80, s10;
	v24 =	vld.idx.msk [tilespmem:v0+s17+$0x0 ss:$0x1], $0xffff;
	[tilespmem:v1+s8+$0x0 ss:$0x1] =	vst.idx.msk $0xffff, v25  }
0x178: {  	v31 =	vld.idx.msk [tilespmem:v0+s18+$0x0 ss:$0x1], $0xffff;
	s1 =	sld [smem:$0x7FB]  }
0x179: {  	s19 =	sor.u32 $0x20E0, s10;
	s20 =	sld [smem:$0x7FA]  }
0x17a: {  	v61 =	vld.idx.msk [tilespmem:v0+s19+$0x0 ss:$0x1], $0xffff;
	v28 =	vmul.f32 v60, v9  }
0x17b: {  	s0 =	sadd.s32 @!p5 $0x1, s11;
	s12 =	sor.u32 $0x23E0, s15;
	v29 =	vmul.f32 v29, v11  }
0x17c: {  	s4 =	sor.u32 $0x21F0, s10;
	v21 =	vld.idx.msk [tilespmem:v0+s12+$0x0 ss:$0x1], $0xffff;
	v26 =	vadd.f32 v28, v6;
	v24 =	vmul.f32 v24, v12;
	p1 =	seq.s32 s1, $0x1;
	p0 =	seq.s32 s20, $0x1  }
0x17d: {  	s3 =	sor.u32 $0x2380, s15;
	s15 =	smov.u32 s11;
	v62 =	vld.idx.msk [tilespmem:v0+s4+$0x0 ss:$0x1], $0xffff;
	v29 =	vadd.f32 v29, v8;
	v30 =	vmul.f32 v31, v23;
	p0 =	por !p0, p1  }
0x17e: {  	s5 =	sor.u32 $0x20D0, s10;
	v28 =	vld.idx.msk [tilespmem:v0+s3+$0x0 ss:$0x1], $0xffff;
	[tilespmem:v1+s13+$0x0 ss:$0x1] =	vst.idx.msk $0xffff, v26;
	v26 =	vadd.f32 v24, v5;
	s15 =	smov.u32 @p0 s0;
	s0 =	simm.s32 $0x0  }
0x17f: {  	s6 =	sor.u32 $0x2240, s10;
	v31 =	vld.idx.msk [tilespmem:v0+s5+$0x0 ss:$0x1], $0xffff;
	v33 =	vmul.f32 v61, v16;
	[tilespmem:v1+s16+$0x0 ss:$0x1] =	vst.idx.msk $0xffff, v29;
	v29 =	vadd.f32 v30, v22;
	s0 =	simm.s32 @p0 $0x1  }
0x180: {  	s1 =	sor.u32 $0x2220, s10;
	[tilespmem:v1+s17+$0x0 ss:$0x1] =	vst.idx.msk $0xffff, v26;
	v26 =	vld.idx.msk [tilespmem:v0+s6+$0x0 ss:$0x1], $0xffff;
	s0 =	simm.s32 @p1 $0x0  }
0x181: {  	v30 =	vadd.f32 v33, v14;
	s20 =	sor.u32 $0x2230, s10;
	v25 =	vld.idx.msk [tilespmem:v0+s1+$0x0 ss:$0x1], $0xffff;
	[tilespmem:v1+s18+$0x0 ss:$0x1] =	vst.idx.msk $0xffff, v29;
	s24 =	sadd.s32 s24, s0  }
0x182: {  	s2 =	simm.s32 $0x1;
	v24 =	vld.idx.msk [tilespmem:v0+s20+$0x0 ss:$0x1], $0xffff;
	[dreg:$0x14] =	wrdreg s24  }
0x183: {  	s9 =	sor.u32 $0x2190, s10;
	s2 =	simm.s32 @!p6 $0x0;
	s26 =	sadd.s32 s21, s14;
	[tilespmem:v1+s19+$0x0 ss:$0x1] =	vst.idx.msk $0xffff, v30  }
0x184: {  	s22 =	sadd.s32 s2, s22;
	v63 =	vmul.f32 v21, v20;
	v32 =	vmul.f32 v62, v18;
	v21 =	vld.idx.msk [tilespmem:v0+s9+$0x0 ss:$0x1], $0xffff;
	[dreg:$0x1a] =	wrdreg s26  }
0x185: {  	s8 =	sor.u32 $0x100, s10;
	v20 =	vmul.f32 v28, v27;
	[dreg:$0x13] =	wrdreg s22  }
0x186: {  	s14 =	simm.s32 $0x100;
	v19 =	vadd.f32 v63, v19;
	v27 =	vadd.f32 v32, v13;
	v28 =	vmul.f32 v31, v17;
	s15 =	smov.u32 @p1 s11;
	v29 =	vld.idx.msk [tilespmem:v0+s8+$0x0 ss:$0x1], $0xffff  }
.LBB2_7:
0x187: {  	s0 =	sor.u32 $0x10, s14;
	v25 =	vmul.f32 v25, v10  }
0x188: {  	p3 =	slt.u32 s14, $0x380;
	v30 =	vadd.f32 v20, v4;
	[tilespmem:v1+s12+$0x0 ss:$0x1] =	vst.idx.msk $0xffff, v19;
	v19 =	vmovc v14;
	v4 =	vmov v22;
	v20 =	vmov v23;
	s12 =	smov.u32 s14;
	s14 =	sadd.s32 $0x80, s14  }
0x189: {  	v22 =	vmul.f32 v24, v9;
	v14 =	vld.idx.msk [tilespmem:v2+s0+$0x0 ss:$0x1], $0xffff;
	s2 =	sor.u32 $0x20, s12;
	v23 =	vadd.f32 v28, v15;
	[tilespmem:v1+s4+$0x0 ss:$0x1] =	vst.idx.msk $0xffff, v27  }
0x18a: {  	s11 =	sor.u32 $0x30, s12;
	v26 =	vmul.f32 v26, v11;
	v24 =	vld.idx.msk [tilespmem:v2+s2+$0x0 ss:$0x1], $0xffff;
	v25 =	vadd.f32 v25, v7;
	[tilespmem:v1+s3+$0x0 ss:$0x1] =	vst.idx.msk $0xffff, v30  }
0x18b: {  	s18 =	sshll.u32 s12, $0x3;
	s7 =	sor.u32 $0x40, s12;
	v22 =	vadd.f32 v22, v6;
	v27 =	vld.idx.msk [tilespmem:v2+s11+$0x0 ss:$0x1], $0xffff;
	[tilespmem:v1+s5+$0x0 ss:$0x1] =	vst.idx.msk $0xffff, v23  }
0x18c: {  	s4 =	sor.u32 $0x10, s18;
	s5 =	sor.u32 $0x20, s18;
	v21 =	vmul.f32 v21, v12;
	v26 =	vadd.f32 v26, v8;
	v23 =	vld.idx.msk [tilespmem:v2+s7+$0x0 ss:$0x1], $0xffff;
	[tilespmem:v1+s1+$0x0 ss:$0x1] =	vst.idx.msk $0xffff, v25  }
0x18d: {  	v28 =	vmul.f32 v29, v20;
	v25 =	vld.idx.msk [tilespmem:v3+s0+$0x0 ss:$0x1], $0xffff;
	[tilespmem:v1+s20+$0x0 ss:$0x1] =	vst.idx.msk $0xffff, v22  }
0x18e: {  	s0 =	sor.u32 $0x60, s12;
	v21 =	vadd.f32 v21, v5;
	v22 =	vld.idx.msk [tilespmem:v0+s5+$0x0 ss:$0x1], $0xffff;
	[tilespmem:v1+s6+$0x0 ss:$0x1] =	vst.idx.msk $0xffff, v26  }
0x18f: {  	s3 =	sor.u32 $0x60, s18;
	v14 =	vmul.f32 $1.442695020e+00, v14;
	v28 =	vadd.f32 v28, v4;
	v26 =	vld.idx.msk [tilespmem:v0+s4+$0x0 ss:$0x1], $0xffff  }
0x190: {  	s1 =	sor.u32 $0x70, s12;
	v24 =	vmul.f32 $1.442695020e+00, v24;
	v29 =	vld.idx.msk [tilespmem:v2+s0+$0x0 ss:$0x1], $0xffff;
	[tilespmem:v1+s9+$0x0 ss:$0x1] =	vst.idx.msk $0xffff, v21  }
0x191: {  	v21 =	vmul.f32 $1.442695020e+00, v27;
	v27 =	vld.idx.msk [tilespmem:v2+s1+$0x0 ss:$0x1], $0xffff;
	(erf) = vpow2.f32 v14;
	[tilespmem:v1+s8+$0x0 ss:$0x1] =	vst.idx.msk $0xffff, v28;
	s8 =	sor.u32 $0x180, s10  }
0x192: {  	s9 =	sor.u32 $0x2270, s10;
	v14 =	vmul.f32 $1.442695020e+00, v23;
	(erf) = vpow2.f32 v24;
	v24 =	vld.idx.msk [tilespmem:v0+s8+$0x0 ss:$0x1], $0xffff  }
0x193: {  	s13 =	sor.u32 $0x22C0, s10;
	(erf) = vpow2.f32 v21;
	v21 =	vld.idx.msk [tilespmem:v0+s9+$0x0 ss:$0x1], $0xffff  }
0x194: {  	(erf) = vpow2.f32 v14;
	v14 =	vld.idx.msk [tilespmem:v0+s13+$0x0 ss:$0x1], $0xffff  }
0x195: {  	v23 =	vld.idx.msk [tilespmem:v3+s11+$0x0 ss:$0x1], $0xffff  }
0x196: {  	v33 =	vmul.f32 $1.442695020e+00, v29;
	v30 =	vld.idx.msk [tilespmem:v3+s2+$0x0 ss:$0x1], $0xffff;
	s2 =	sor.u32 $0x30, s18  }
0x197: {  	s11 =	sor.u32 $0x40, s18;
	v28 =	vmul.f32 $1.442695020e+00, v27;
	v32 =	vld.idx.msk [tilespmem:v0+s2+$0x0 ss:$0x1], $0xffff  }
0x198: {  	s16 =	sor.u32 $0x2210, s10;
	v24 =	vmul.f32 v24, v20;
	v34 =	vld.idx.msk [tilespmem:v0+s11+$0x0 ss:$0x1], $0xffff  }
0x199: {  	v21 =	vmul.f32 v21, v18;
	(erf) = vpow2.f32 v28;
	v35 =	vld.idx.msk [tilespmem:v0+s16+$0x0 ss:$0x1], $0xffff  }
0x19a: {  	s6 =	sor.u32 $0x22A0, s10;
	v24 =	vadd.f32 v24, v4;
	v36 =	vmul.f32 v14, v11;
	v29 =	vld.idx.msk [tilespmem:v3+s7+$0x0 ss:$0x1], $0xffff;
	v27 =	vpop (erf)  }
0x19b: {  	v21 =	vadd.f32 v21, v13;
	v26 =	vmul.f32 v27, v26;
	v31 =	vpop (erf);
	v37 =	vld.idx.msk [tilespmem:v0+s6+$0x0 ss:$0x1], $0xffff  }
0x19c: {  	s7 =	sor.u32 $0x200, s10;
	v22 =	vmul.f32 v31, v22;
	v14 =	vld.idx.msk [tilespmem:v3+s0+$0x0 ss:$0x1], $0xffff;
	s0 =	sor.u32 $0x70, s18;
	v28 =	vpop (erf);
	[tilespmem:v1+s8+$0x0 ss:$0x1] =	vst.idx.msk $0xffff, v24;
	v24 =	vadd.f32 v36, v8  }
0x19d: {  	v36 =	vadd.f32 v26, v25;
	v26 =	vmul.f32 v28, v32;
	v38 =	vld.idx.msk [tilespmem:v0+s0+$0x0 ss:$0x1], $0xffff;
	v32 =	vpop (erf);
	[tilespmem:v1+s9+$0x0 ss:$0x1] =	vst.idx.msk $0xffff, v21  }
0x19e: {  	v21 =	vadd.f32 v22, v30;
	v22 =	vmul.f32 v32, v34;
	v34 =	vld.idx.msk [tilespmem:v0+s7+$0x0 ss:$0x1], $0xffff;
	[tilespmem:v1+s13+$0x0 ss:$0x1] =	vst.idx.msk $0xffff, v24  }
0x19f: {  	s9 =	sor.u32 $0x22F0, s10;
	v35 =	vmul.f32 v35, v12;
	v41 =	vadd.f32 v26, v23;
	v24 =	vld.idx.msk [tilespmem:v3+s1+$0x0 ss:$0x1], $0xffff  }
0x1a0: {  	s13 =	sor.u32 $0xA0, s18;
	[tilespmem:v1+s5+$0x0 ss:$0x1] =	vst.idx.msk $0xffff, v21;
	v21 =	vadd.f32 v22, v29;
	v22 =	vld.idx.msk [tilespmem:v0+s9+$0x0 ss:$0x1], $0xffff  }
0x1a1: {  	s17 =	sor.u32 $0xB0, s18;
	v35 =	vadd.f32 v35, v5;
	v39 =	vld.idx.msk [tilespmem:v0+s13+$0x0 ss:$0x1], $0xffff;
	[tilespmem:v1+s2+$0x0 ss:$0x1] =	vst.idx.msk $0xffff, v41  }
0x1a2: {  	s19 =	sor.u32 $0xC0, s18;
	v40 =	vld.idx.msk [tilespmem:v0+s17+$0x0 ss:$0x1], $0xffff;
	[tilespmem:v1+s11+$0x0 ss:$0x1] =	vst.idx.msk $0xffff, v21;
	(erf) = vpow2.f32 v33;
	v26 =	vpop (erf);
	v21 =	vmul.f32 v37, v10  }
0x1a3: {  	s5 =	sor.u32 $0x2290, s10;
	v33 =	vld.idx.msk [tilespmem:v0+s19+$0x0 ss:$0x1], $0xffff;
	v37 =	vmul.f32 v26, v38;
	[tilespmem:v1+s16+$0x0 ss:$0x1] =	vst.idx.msk $0xffff, v35  }
0x1a4: {  	s20 =	sor.u32 $0x2340, s10;
	v34 =	vmul.f32 v34, v20;
	v35 =	vld.idx.msk [tilespmem:v0+s5+$0x0 ss:$0x1], $0xffff;
	v21 =	vadd.f32 v21, v7  }
0x1a5: {  	s1 =	sor.u32 $0xE0, s18;
	v37 =	vadd.f32 v37, v24;
	v38 =	vld.idx.msk [tilespmem:v0+s20+$0x0 ss:$0x1], $0xffff  }
0x1a6: {  	v34 =	vadd.f32 v34, v4;
	v41 =	vld.idx.msk [tilespmem:v0+s3+$0x0 ss:$0x1], $0xffff;
	[tilespmem:v1+s6+$0x0 ss:$0x1] =	vst.idx.msk $0xffff, v21;
	s6 =	sor.u32 $0x2320, s10;
	v21 =	vmul.f32 v22, v18  }
0x1a7: {  	s8 =	sor.u32 $0x280, s10;
	s2 =	sor.u32 $0xF0, s18;
	v22 =	vmul.f32 v39, v31;
	[tilespmem:v1+s0+$0x0 ss:$0x1] =	vst.idx.msk $0xffff, v37;
	v37 =	vld.idx.msk [tilespmem:v0+s6+$0x0 ss:$0x1], $0xffff  }
0x1a8: {  	v39 =	vmul.f32 v40, v28;
	v40 =	vld.idx.msk [tilespmem:v0+s2+$0x0 ss:$0x1], $0xffff;
	[tilespmem:v1+s7+$0x0 ss:$0x1] =	vst.idx.msk $0xffff, v34;
	v43 =	vadd.f32 v21, v13  }
0x1a9: {  	s0 =	sor.u32 $0x50, s12;
	v22 =	vadd.f32 v22, v30;
	v33 =	vmul.f32 v33, v32;
	v34 =	vld.idx.msk [tilespmem:v0+s8+$0x0 ss:$0x1], $0xffff  }
0x1aa: {  	s11 =	sor.u32 $0x2370, s10;
	v39 =	vadd.f32 v39, v23;
	v35 =	vmul.f32 v35, v12;
	v42 =	vld.idx.msk [tilespmem:v2+s0+$0x0 ss:$0x1], $0xffff;
	[tilespmem:v1+s9+$0x0 ss:$0x1] =	vst.idx.msk $0xffff, v43  }
0x1ab: {  	[tilespmem:v1+s13+$0x0 ss:$0x1] =	vst.idx.msk $0xffff, v22;
	s13 =	sor.u32 $0x120, s18;
	v22 =	vadd.f32 v33, v29;
	v21 =	vpop (erf);
	v33 =	vmul.f32 v38, v11;
	v38 =	vld.idx.msk [tilespmem:v0+s11+$0x0 ss:$0x1], $0xffff  }
0x1ac: {  	s16 =	sor.u32 $0x130, s18;
	v35 =	vadd.f32 v35, v5;
	v43 =	vld.idx.msk [tilespmem:v0+s13+$0x0 ss:$0x1], $0xffff;
	[tilespmem:v1+s17+$0x0 ss:$0x1] =	vst.idx.msk $0xffff, v39;
	v39 =	vmul.f32 v21, v41  }
0x1ad: {  	v41 =	vld.idx.msk [tilespmem:v0+s16+$0x0 ss:$0x1], $0xffff;
	[tilespmem:v1+s19+$0x0 ss:$0x1] =	vst.idx.msk $0xffff, v22;
	s19 =	sor.u32 $0x140, s18;
	v22 =	vmul.f32 v37, v10;
	v33 =	vadd.f32 v33, v8  }
0x1ae: {  	s17 =	sor.u32 $0x90, s18;
	[tilespmem:v1+s4+$0x0 ss:$0x1] =	vst.idx.msk $0xffff, v36;
	v36 =	vld.idx.msk [tilespmem:v0+s19+$0x0 ss:$0x1], $0xffff;
	v37 =	vadd.f32 v39, v14;
	v39 =	vmul.f32 v40, v26  }
0x1af: {  	s22 =	sor.u32 $0x23C0, s10;
	v34 =	vmul.f32 v34, v20;
	v40 =	vld.idx.msk [tilespmem:v0+s17+$0x0 ss:$0x1], $0xffff;
	v44 =	vadd.f32 v22, v7;
	[tilespmem:v1+s20+$0x0 ss:$0x1] =	vst.idx.msk $0xffff, v33  }
0x1b0: {  	s4 =	sor.u32 $0x160, s18;
	v33 =	vmul.f32 $1.442695020e+00, v42;
	v39 =	vadd.f32 v39, v24;
	[tilespmem:v1+s5+$0x0 ss:$0x1] =	vst.idx.msk $0xffff, v35;
	v35 =	vld.idx.msk [tilespmem:v0+s22+$0x0 ss:$0x1], $0xffff  }
0x1b1: {  	v34 =	vadd.f32 v34, v4;
	v38 =	vmul.f32 v38, v18;
	v22 =	vld.idx.msk [tilespmem:v3+s0+$0x0 ss:$0x1], $0xffff;
	[tilespmem:v1+s6+$0x0 ss:$0x1] =	vst.idx.msk $0xffff, v44;
	s6 =	sor.u32 $0x23A0, s10  }
0x1b2: {  	s5 =	sor.u32 $0x50, s18;
	v42 =	vmul.f32 v43, v31;
	[tilespmem:v1+s2+$0x0 ss:$0x1] =	vst.idx.msk $0xffff, v39;
	(erf) = vpow2.f32 v33;
	v33 =	vld.idx.msk [tilespmem:v0+s6+$0x0 ss:$0x1], $0xffff  }
0x1b3: {  	s7 =	sor.u32 $0x170, s18;
	s9 =	sor.u32 $0x300, s10;
	v39 =	vmul.f32 v41, v28;
	v41 =	vld.idx.msk [tilespmem:v0+s5+$0x0 ss:$0x1], $0xffff;
	[tilespmem:v1+s8+$0x0 ss:$0x1] =	vst.idx.msk $0xffff, v34;
	v34 =	vadd.f32 v38, v13  }
0x1b4: {  	v38 =	vadd.f32 v42, v30;
	v36 =	vmul.f32 v36, v32;
	v42 =	vld.idx.msk [tilespmem:v0+s7+$0x0 ss:$0x1], $0xffff  }
0x1b5: {  	s20 =	sor.u32 $0x23F0, s10;
	v40 =	vmul.f32 v40, v27;
	v39 =	vadd.f32 v39, v23;
	v43 =	vld.idx.msk [tilespmem:v0+s9+$0x0 ss:$0x1], $0xffff;
	[tilespmem:v1+s11+$0x0 ss:$0x1] =	vst.idx.msk $0xffff, v34  }
0x1b6: {  	s24 =	sor.u32 $0x1A0, s18;
	v34 =	vadd.f32 v36, v29;
	v35 =	vmul.f32 v35, v11;
	[tilespmem:v1+s13+$0x0 ss:$0x1] =	vst.idx.msk $0xffff, v38;
	v36 =	vld.idx.msk [tilespmem:v0+s20+$0x0 ss:$0x1], $0xffff  }
0x1b7: {  	s26 =	sor.u32 $0x1B0, s18;
	v11 =	vmov v32;
	v38 =	vadd.f32 v40, v25;
	v40 =	vld.idx.msk [tilespmem:v0+s24+$0x0 ss:$0x1], $0xffff;
	[tilespmem:v1+s16+$0x0 ss:$0x1] =	vst.idx.msk $0xffff, v39  }
0x1b8: {  	s16 =	sor.u32 $0x1C0, s18;
	v33 =	vmul.f32 v33, v10;
	v32 =	vld.idx.msk [tilespmem:v0+s26+$0x0 ss:$0x1], $0xffff;
	[tilespmem:v1+s19+$0x0 ss:$0x1] =	vst.idx.msk $0xffff, v34;
	v34 =	vadd.f32 v35, v8  }
0x1b9: {  	s13 =	sor.u32 $0x110, s18;
	v10 =	vmov v31;
	v8 =	vmov v29;
	[tilespmem:v1+s17+$0x0 ss:$0x1] =	vst.idx.msk $0xffff, v38;
	v35 =	vld.idx.msk [tilespmem:v0+s16+$0x0 ss:$0x1], $0xffff  }
0x1ba: {  	v38 =	vmul.f32 v42, v26;
	v33 =	vadd.f32 v33, v7;
	s17 =	sor.u32 $0x2150, s10;
	v31 =	vld.idx.msk [tilespmem:v0+s13+$0x0 ss:$0x1], $0xffff;
	[tilespmem:v1+s22+$0x0 ss:$0x1] =	vst.idx.msk $0xffff, v34  }
0x1bb: {  	s19 =	sor.u32 $0x2310, s10;
	v7 =	vmov v30;
	v34 =	vmul.f32 v43, v20;
	[tilespmem:v1+s3+$0x0 ss:$0x1] =	vst.idx.msk $0xffff, v37;
	s3 =	sor.u32 $0x1E0, s18;
	v29 =	vpop (erf);
	v37 =	vld.idx.msk [tilespmem:v0+s17+$0x0 ss:$0x1], $0xffff  }
0x1bc: {  	v38 =	vadd.f32 v38, v24;
	v18 =	vmul.f32 v36, v18;
	v30 =	vmul.f32 v29, v41;
	v39 =	vld.idx.msk [tilespmem:v0+s19+$0x0 ss:$0x1], $0xffff  }
0x1bd: {  	s2 =	sor.u32 $0x22B0, s10;
	s8 =	sor.u32 $0x380, s10;
	v36 =	vmul.f32 v40, v10;
	v34 =	vadd.f32 v34, v4;
	v40 =	vld.idx.msk [tilespmem:v0+s1+$0x0 ss:$0x1], $0xffff;
	[tilespmem:v1+s6+$0x0 ss:$0x1] =	vst.idx.msk $0xffff, v33  }
0x1be: {  	s22 =	sor.u32 $0x1F0, s18;
	v32 =	vmul.f32 v32, v28;
	v30 =	vadd.f32 v30, v22;
	[tilespmem:v1+s7+$0x0 ss:$0x1] =	vst.idx.msk $0xffff, v38;
	v33 =	vld.idx.msk [tilespmem:v0+s2+$0x0 ss:$0x1], $0xffff  }
0x1bf: {  	v36 =	vadd.f32 v36, v7;
	v35 =	vmul.f32 v35, v11;
	v38 =	vld.idx.msk [tilespmem:v0+s22+$0x0 ss:$0x1], $0xffff;
	[tilespmem:v1+s9+$0x0 ss:$0x1] =	vst.idx.msk $0xffff, v34  }
0x1c0: {  	s11 =	sor.u32 $0xD0, s18;
	v31 =	vmul.f32 v31, v27;
	v32 =	vadd.f32 v32, v23;
	[tilespmem:v1+s5+$0x0 ss:$0x1] =	vst.idx.msk $0xffff, v30;
	v30 =	vld.idx.msk [tilespmem:v0+s8+$0x0 ss:$0x1], $0xffff  }
0x1c1: {  	s9 =	sor.u32 $0x220, s18;
	v34 =	vadd.f32 v35, v8;
	[tilespmem:v1+s24+$0x0 ss:$0x1] =	vst.idx.msk $0xffff, v36;
	v35 =	vld.idx.msk [tilespmem:v0+s11+$0x0 ss:$0x1], $0xffff;
	v36 =	vmul.f32 v37, v17  }
0x1c2: {  	v31 =	vadd.f32 v31, v25;
	s24 =	sor.u32 $0x230, s18;
	v37 =	vld.idx.msk [tilespmem:v0+s9+$0x0 ss:$0x1], $0xffff;
	[tilespmem:v1+s26+$0x0 ss:$0x1] =	vst.idx.msk $0xffff, v32;
	v32 =	vmul.f32 v39, v12  }
0x1c3: {  	v39 =	vld.idx.msk [tilespmem:v0+s24+$0x0 ss:$0x1], $0xffff;
	[tilespmem:v1+s16+$0x0 ss:$0x1] =	vst.idx.msk $0xffff, v34;
	s16 =	sor.u32 $0x240, s18;
	v34 =	vmul.f32 v40, v21;
	v36 =	vadd.f32 v36, v15  }
0x1c4: {  	s7 =	sor.u32 $0x190, s18;
	v33 =	vmul.f32 v33, v9;
	[tilespmem:v1+s13+$0x0 ss:$0x1] =	vst.idx.msk $0xffff, v31;
	v31 =	vld.idx.msk [tilespmem:v0+s16+$0x0 ss:$0x1], $0xffff;
	v32 =	vadd.f32 v32, v5  }
0x1c5: {  	v38 =	vmul.f32 v38, v26;
	s13 =	sor.u32 $0x21D0, s10;
	v40 =	vld.idx.msk [tilespmem:v0+s7+$0x0 ss:$0x1], $0xffff;
	v34 =	vadd.f32 v34, v14;
	[tilespmem:v1+s17+$0x0 ss:$0x1] =	vst.idx.msk $0xffff, v36  }
0x1c6: {  	s6 =	sor.u32 $0x260, s18;
	v30 =	vmul.f32 v30, v20;
	s17 =	sor.u32 $0x2390, s10;
	[tilespmem:v1+s19+$0x0 ss:$0x1] =	vst.idx.msk $0xffff, v32;
	v32 =	vadd.f32 v33, v6;
	v33 =	vld.idx.msk [tilespmem:v0+s13+$0x0 ss:$0x1], $0xffff  }
0x1c7: {  	v35 =	vmul.f32 v35, v29;
	[tilespmem:v1+s1+$0x0 ss:$0x1] =	vst.idx.msk $0xffff, v34;
	v34 =	vadd.f32 v38, v24;
	v36 =	vld.idx.msk [tilespmem:v0+s17+$0x0 ss:$0x1], $0xffff  }
0x1c8: {  	s5 =	sor.u32 $0x2000, s10;
	s26 =	sor.u32 $0x2330, s10;
	v37 =	vmul.f32 v37, v10;
	v30 =	vadd.f32 v30, v4;
	v38 =	vld.idx.msk [tilespmem:v0+s4+$0x0 ss:$0x1], $0xffff;
	[tilespmem:v1+s2+$0x0 ss:$0x1] =	vst.idx.msk $0xffff, v32  }
0x1c9: {  	s0 =	sor.u32 $0x270, s18;
	v32 =	vmul.f32 v39, v28;
	v35 =	vadd.f32 v35, v22;
	[tilespmem:v1+s22+$0x0 ss:$0x1] =	vst.idx.msk $0xffff, v34;
	v34 =	vld.idx.msk [tilespmem:v0+s26+$0x0 ss:$0x1], $0xffff  }
0x1ca: {  	v37 =	vadd.f32 v37, v7;
	v31 =	vmul.f32 v31, v11;
	v39 =	vld.idx.msk [tilespmem:v0+s0+$0x0 ss:$0x1], $0xffff;
	[tilespmem:v1+s8+$0x0 ss:$0x1] =	vst.idx.msk $0xffff, v30  }
0x1cb: {  	s21 =	sor.u32 $0x150, s18;
	v30 =	vmul.f32 v40, v27;
	v32 =	vadd.f32 v32, v23;
	[tilespmem:v1+s11+$0x0 ss:$0x1] =	vst.idx.msk $0xffff, v35;
	v35 =	vld.idx.msk [tilespmem:v0+s5+$0x0 ss:$0x1], $0xffff  }
0x1cc: {  	s2 =	sor.u32 $0x2A0, s18;
	v31 =	vadd.f32 v31, v8;
	v33 =	vmul.f32 v33, v17;
	[tilespmem:v1+s9+$0x0 ss:$0x1] =	vst.idx.msk $0xffff, v37;
	v37 =	vld.idx.msk [tilespmem:v0+s21+$0x0 ss:$0x1], $0xffff  }
0x1cd: {  	s19 =	sor.u32 $0x2B0, s18;
	v30 =	vadd.f32 v30, v25;
	v12 =	vmul.f32 v36, v12;
	v40 =	vld.idx.msk [tilespmem:v0+s2+$0x0 ss:$0x1], $0xffff;
	[tilespmem:v1+s24+$0x0 ss:$0x1] =	vst.idx.msk $0xffff, v32  }
0x1ce: {  	s22 =	sor.u32 $0x2C0, s18;
	v33 =	vadd.f32 v33, v15;
	v32 =	vld.idx.msk [tilespmem:v0+s19+$0x0 ss:$0x1], $0xffff;
	[tilespmem:v1+s16+$0x0 ss:$0x1] =	vst.idx.msk $0xffff, v31;
	v31 =	vmul.f32 v38, v21  }
0x1cf: {  	s16 =	sor.u32 $0x210, s18;
	v38 =	vadd.f32 v12, v5;
	v12 =	vmul.f32 v34, v9;
	[tilespmem:v1+s7+$0x0 ss:$0x1] =	vst.idx.msk $0xffff, v30;
	v30 =	vld.idx.msk [tilespmem:v0+s22+$0x0 ss:$0x1], $0xffff  }
0x1d0: {  	s11 =	sor.u32 $0x2250, s10;
	v36 =	vmul.f32 v39, v26;
	v34 =	vld.idx.msk [tilespmem:v0+s16+$0x0 ss:$0x1], $0xffff;
	v31 =	vadd.f32 v31, v14;
	[tilespmem:v1+s13+$0x0 ss:$0x1] =	vst.idx.msk $0xffff, v33  }
0x1d1: {  	v33 =	vmul.f32 v35, v20;
	v12 =	vadd.f32 v12, v6;
	[tilespmem:v1+s17+$0x0 ss:$0x1] =	vst.idx.msk $0xffff, v38;
	v35 =	vld.idx.msk [tilespmem:v0+s11+$0x0 ss:$0x1], $0xffff  }
0x1d2: {  	v5 =	vmov v25;
	v37 =	vmul.f32 v37, v29;
	[tilespmem:v1+s4+$0x0 ss:$0x1] =	vst.idx.msk $0xffff, v31;
	v31 =	vadd.f32 v36, v24  }
0x1d3: {  	s1 =	sor.u32 $0x2080, s10;
	s8 =	sor.u32 $0x23B0, s10;
	v25 =	vmul.f32 v40, v10;
	v33 =	vadd.f32 v33, v4;
	v36 =	vld.idx.msk [tilespmem:v0+s3+$0x0 ss:$0x1], $0xffff;
	[tilespmem:v1+s26+$0x0 ss:$0x1] =	vst.idx.msk $0xffff, v12  }
0x1d4: {  	s13 =	sor.u32 $0x2F0, s18;
	v12 =	vmul.f32 v32, v28;
	v32 =	vadd.f32 v37, v22;
	[tilespmem:v1+s0+$0x0 ss:$0x1] =	vst.idx.msk $0xffff, v31;
	v31 =	vld.idx.msk [tilespmem:v0+s8+$0x0 ss:$0x1], $0xffff  }
0x1d5: {  	v25 =	vadd.f32 v25, v7;
	v30 =	vmul.f32 v30, v11;
	v37 =	vld.idx.msk [tilespmem:v0+s13+$0x0 ss:$0x1], $0xffff;
	[tilespmem:v1+s5+$0x0 ss:$0x1] =	vst.idx.msk $0xffff, v33  }
0x1d6: {  	s9 =	sor.u32 $0x1D0, s18;
	v33 =	vmul.f32 v34, v27;
	v12 =	vadd.f32 v12, v23;
	[tilespmem:v1+s21+$0x0 ss:$0x1] =	vst.idx.msk $0xffff, v32;
	v32 =	vld.idx.msk [tilespmem:v0+s1+$0x0 ss:$0x1], $0xffff  }
0x1d7: {  	s5 =	sor.u32 $0x320, s18;
	v34 =	vmul.f32 v35, v17;
	[tilespmem:v1+s2+$0x0 ss:$0x1] =	vst.idx.msk $0xffff, v25;
	v25 =	vadd.f32 v30, v8;
	v30 =	vld.idx.msk [tilespmem:v0+s9+$0x0 ss:$0x1], $0xffff  }
0x1d8: {  	v13 =	vadd.f32 v18, v13;
	s7 =	sor.u32 $0x330, s18;
	v33 =	vadd.f32 v33, v5;
	v35 =	vld.idx.msk [tilespmem:v0+s5+$0x0 ss:$0x1], $0xffff;
	[tilespmem:v1+s19+$0x0 ss:$0x1] =	vst.idx.msk $0xffff, v12  }
0x1d9: {  	s2 =	sor.u32 $0x340, s18;
	v34 =	vadd.f32 v34, v15;
	v18 =	vld.idx.msk [tilespmem:v0+s7+$0x0 ss:$0x1], $0xffff;
	[tilespmem:v1+s22+$0x0 ss:$0x1] =	vst.idx.msk $0xffff, v25;
	v25 =	vmul.f32 v36, v21  }
0x1da: {  	s4 =	sor.u32 $0x290, s18;
	v31 =	vmul.f32 v31, v9;
	v12 =	vmov v27;
	v9 =	vmov v28;
	[tilespmem:v1+s16+$0x0 ss:$0x1] =	vst.idx.msk $0xffff, v33;
	v33 =	vld.idx.msk [tilespmem:v0+s2+$0x0 ss:$0x1], $0xffff  }
0x1db: {  	v28 =	vmul.f32 v37, v26;
	v27 =	vld.idx.msk [tilespmem:v0+s4+$0x0 ss:$0x1], $0xffff;
	v25 =	vadd.f32 v25, v14;
	[tilespmem:v1+s11+$0x0 ss:$0x1] =	vst.idx.msk $0xffff, v34;
	s11 =	sor.u32 $0x22D0, s10  }
0x1dc: {  	v32 =	vmul.f32 v32, v20;
	v31 =	vadd.f32 v31, v6;
	v34 =	vld.idx.msk [tilespmem:v0+s11+$0x0 ss:$0x1], $0xffff;
	[tilespmem:v1+s20+$0x0 ss:$0x1] =	vst.idx.msk $0xffff, v13  }
0x1dd: {  	v6 =	vmov v23;
	v13 =	vmul.f32 v30, v29;
	[tilespmem:v1+s3+$0x0 ss:$0x1] =	vst.idx.msk $0xffff, v25;
	v25 =	vadd.f32 v28, v24  }
0x1de: {  	s0 =	sor.u32 $0x2160, s10;
	v23 =	vmul.f32 v35, v10;
	v30 =	vadd.f32 v32, v4;
	s3 =	sor.u32 $0x2100, s10;
	v28 =	vld.idx.msk [tilespmem:v0+s6+$0x0 ss:$0x1], $0xffff;
	[tilespmem:v1+s8+$0x0 ss:$0x1] =	vst.idx.msk $0xffff, v31  }
0x1df: {  	v18 =	vmul.f32 v18, v9;
	v13 =	vadd.f32 v13, v22;
	s8 =	sor.u32 $0x370, s18;
	[tilespmem:v1+s13+$0x0 ss:$0x1] =	vst.idx.msk $0xffff, v25;
	v25 =	vld.idx.msk [tilespmem:v0+s0+$0x0 ss:$0x1], $0xffff  }
0x1e0: {  	v23 =	vadd.f32 v23, v7;
	v31 =	vmul.f32 v33, v11;
	v32 =	vld.idx.msk [tilespmem:v0+s8+$0x0 ss:$0x1], $0xffff;
	[tilespmem:v1+s1+$0x0 ss:$0x1] =	vst.idx.msk $0xffff, v30  }
0x1e1: {  	v27 =	vmul.f32 v27, v12;
	v35 =	vadd.f32 v18, v6;
	s1 =	sor.u32 $0x250, s18;
	[tilespmem:v1+s9+$0x0 ss:$0x1] =	vst.idx.msk $0xffff, v13;
	v30 =	vld.idx.msk [tilespmem:v0+s3+$0x0 ss:$0x1], $0xffff  }
0x1e2: {  	v33 =	vmul.f32 v34, v17;
	[tilespmem:v1+s5+$0x0 ss:$0x1] =	vst.idx.msk $0xffff, v23;
	s5 =	sor.u32 $0x3A0, s18;
	v23 =	vadd.f32 v31, v8;
	v31 =	vld.idx.msk [tilespmem:v0+s1+$0x0 ss:$0x1], $0xffff  }
0x1e3: {  	v27 =	vadd.f32 v27, v5;
	v13 =	vmov v24;
	v18 =	vmov v26;
	v34 =	vld.idx.msk [tilespmem:v0+s5+$0x0 ss:$0x1], $0xffff;
	[tilespmem:v1+s7+$0x0 ss:$0x1] =	vst.idx.msk $0xffff, v35;
	s7 =	sor.u32 $0x3B0, s18  }
0x1e4: {  	v26 =	vadd.f32 v33, v15;
	v24 =	vld.idx.msk [tilespmem:v0+s7+$0x0 ss:$0x1], $0xffff;
	[tilespmem:v1+s2+$0x0 ss:$0x1] =	vst.idx.msk $0xffff, v23;
	s2 =	sor.u32 $0x3C0, s18;
	v23 =	vmul.f32 v28, v21  }
0x1e5: {  	s9 =	sor.u32 $0x310, s18;
	v25 =	vmul.f32 v25, v16;
	[tilespmem:v1+s4+$0x0 ss:$0x1] =	vst.idx.msk $0xffff, v27;
	v27 =	vld.idx.msk [tilespmem:v0+s2+$0x0 ss:$0x1], $0xffff  }
0x1e6: {  	v32 =	vmul.f32 v32, v18;
	v28 =	vld.idx.msk [tilespmem:v0+s9+$0x0 ss:$0x1], $0xffff;
	v23 =	vadd.f32 v23, v14;
	[tilespmem:v1+s11+$0x0 ss:$0x1] =	vst.idx.msk $0xffff, v26;
	s11 =	sor.u32 $0x2350, s10  }
0x1e7: {  	v26 =	vmul.f32 v30, v20;
	v25 =	vadd.f32 v25, v19;
	v30 =	vld.idx.msk [tilespmem:v0+s11+$0x0 ss:$0x1], $0xffff  }
0x1e8: {  	v31 =	vmul.f32 v31, v29;
	[tilespmem:v1+s6+$0x0 ss:$0x1] =	vst.idx.msk $0xffff, v23;
	s6 =	sor.u32 $0x2E0, s18;
	v23 =	vadd.f32 v32, v13  }
0x1e9: {  	s4 =	sor.u32 $0x2180, s10;
	v32 =	vmul.f32 v34, v10;
	v26 =	vadd.f32 v26, v4;
	v33 =	vld.idx.msk [tilespmem:v0+s6+$0x0 ss:$0x1], $0xffff;
	[tilespmem:v1+s0+$0x0 ss:$0x1] =	vst.idx.msk $0xffff, v25;
	s0 =	sor.u32 $0x21E0, s10  }
0x1ea: {  	v24 =	vmul.f32 v24, v9;
	v25 =	vadd.f32 v31, v22;
	[tilespmem:v1+s8+$0x0 ss:$0x1] =	vst.idx.msk $0xffff, v23;
	s8 =	sor.u32 $0x3F0, s18;
	v23 =	vld.idx.msk [tilespmem:v0+s0+$0x0 ss:$0x1], $0xffff  }
0x1eb: {  	v31 =	vadd.f32 v32, v7;
	v27 =	vmul.f32 v27, v11;
	v32 =	vld.idx.msk [tilespmem:v0+s8+$0x0 ss:$0x1], $0xffff;
	[tilespmem:v1+s3+$0x0 ss:$0x1] =	vst.idx.msk $0xffff, v26  }
0x1ec: {  	v26 =	vmul.f32 v28, v12;
	v24 =	vadd.f32 v24, v6;
	s3 =	sor.u32 $0x2D0, s18;
	[tilespmem:v1+s1+$0x0 ss:$0x1] =	vst.idx.msk $0xffff, v25;
	v25 =	vld.idx.msk [tilespmem:v0+s4+$0x0 ss:$0x1], $0xffff  }
0x1ed: {  	v27 =	vadd.f32 v27, v8;
	v30 =	vmul.f32 v30, v17;
	[tilespmem:v1+s5+$0x0 ss:$0x1] =	vst.idx.msk $0xffff, v31;
	s5 =	sor.u32 $0x2020, s18;
	v28 =	vld.idx.msk [tilespmem:v0+s3+$0x0 ss:$0x1], $0xffff  }
0x1ee: {  	v26 =	vadd.f32 v26, v5;
	v31 =	vld.idx.msk [tilespmem:v0+s5+$0x0 ss:$0x1], $0xffff;
	[tilespmem:v1+s7+$0x0 ss:$0x1] =	vst.idx.msk $0xffff, v24;
	s7 =	sor.u32 $0x2030, s18  }
0x1ef: {  	v30 =	vadd.f32 v30, v15;
	v24 =	vld.idx.msk [tilespmem:v0+s7+$0x0 ss:$0x1], $0xffff;
	[tilespmem:v1+s2+$0x0 ss:$0x1] =	vst.idx.msk $0xffff, v27;
	s2 =	sor.u32 $0x2040, s18;
	v27 =	vmul.f32 v33, v21  }
0x1f0: {  	v23 =	vmul.f32 v23, v16;
	[tilespmem:v1+s9+$0x0 ss:$0x1] =	vst.idx.msk $0xffff, v26;
	s9 =	sor.u32 $0x390, s18;
	v26 =	vld.idx.msk [tilespmem:v0+s2+$0x0 ss:$0x1], $0xffff  }
0x1f1: {  	v32 =	vmul.f32 v32, v18;
	v33 =	vld.idx.msk [tilespmem:v0+s9+$0x0 ss:$0x1], $0xffff;
	v27 =	vadd.f32 v27, v14;
	[tilespmem:v1+s11+$0x0 ss:$0x1] =	vst.idx.msk $0xffff, v30;
	s11 =	sor.u32 $0x23D0, s10  }
0x1f2: {  	v25 =	vmul.f32 v25, v20;
	v23 =	vadd.f32 v23, v19;
	v30 =	vld.idx.msk [tilespmem:v0+s11+$0x0 ss:$0x1], $0xffff  }
0x1f3: {  	v28 =	vmul.f32 v28, v29;
	[tilespmem:v1+s6+$0x0 ss:$0x1] =	vst.idx.msk $0xffff, v27;
	s6 =	sor.u32 $0x360, s18;
	v27 =	vadd.f32 v32, v13  }
0x1f4: {  	s1 =	sor.u32 $0x2200, s10;
	v31 =	vmul.f32 v31, v10;
	v25 =	vadd.f32 v25, v4;
	v32 =	vld.idx.msk [tilespmem:v0+s6+$0x0 ss:$0x1], $0xffff;
	[tilespmem:v1+s0+$0x0 ss:$0x1] =	vst.idx.msk $0xffff, v23;
	s0 =	sor.u32 $0x2260, s10  }
0x1f5: {  	v23 =	vmul.f32 v24, v9;
	v24 =	vadd.f32 v28, v22;
	[tilespmem:v1+s8+$0x0 ss:$0x1] =	vst.idx.msk $0xffff, v27;
	s8 =	sor.u32 $0x2070, s18;
	v27 =	vld.idx.msk [tilespmem:v0+s0+$0x0 ss:$0x1], $0xffff  }
0x1f6: {  	v28 =	vadd.f32 v31, v7;
	v26 =	vmul.f32 v26, v11;
	v31 =	vld.idx.msk [tilespmem:v0+s8+$0x0 ss:$0x1], $0xffff;
	[tilespmem:v1+s4+$0x0 ss:$0x1] =	vst.idx.msk $0xffff, v25  }
0x1f7: {  	v25 =	vmul.f32 v33, v12;
	v23 =	vadd.f32 v23, v6;
	s4 =	sor.u32 $0x350, s18;
	[tilespmem:v1+s3+$0x0 ss:$0x1] =	vst.idx.msk $0xffff, v24;
	v24 =	vld.idx.msk [tilespmem:v0+s1+$0x0 ss:$0x1], $0xffff  }
0x1f8: {  	v26 =	vadd.f32 v26, v8;
	v30 =	vmul.f32 v30, v17;
	[tilespmem:v1+s5+$0x0 ss:$0x1] =	vst.idx.msk $0xffff, v28;
	s5 =	sor.u32 $0x20A0, s18;
	v28 =	vld.idx.msk [tilespmem:v0+s4+$0x0 ss:$0x1], $0xffff  }
0x1f9: {  	v17 =	vmov v29;
	v25 =	vadd.f32 v25, v5;
	v33 =	vld.idx.msk [tilespmem:v0+s5+$0x0 ss:$0x1], $0xffff;
	[tilespmem:v1+s7+$0x0 ss:$0x1] =	vst.idx.msk $0xffff, v23;
	s7 =	sor.u32 $0x20B0, s18  }
0x1fa: {  	v29 =	vadd.f32 v30, v15;
	v23 =	vld.idx.msk [tilespmem:v0+s7+$0x0 ss:$0x1], $0xffff;
	[tilespmem:v1+s2+$0x0 ss:$0x1] =	vst.idx.msk $0xffff, v26;
	s2 =	sor.u32 $0x20C0, s18;
	v26 =	vmul.f32 v32, v21  }
0x1fb: {  	v15 =	vmov v22;
	v27 =	vmul.f32 v27, v16;
	[tilespmem:v1+s9+$0x0 ss:$0x1] =	vst.idx.msk $0xffff, v25;
	s9 =	sor.u32 $0x2010, s18;
	v25 =	vld.idx.msk [tilespmem:v0+s2+$0x0 ss:$0x1], $0xffff  }
0x1fc: {  	v30 =	vmul.f32 v31, v18;
	v22 =	vld.idx.msk [tilespmem:v0+s9+$0x0 ss:$0x1], $0xffff;
	v26 =	vadd.f32 v26, v14;
	[tilespmem:v1+s11+$0x0 ss:$0x1] =	vst.idx.msk $0xffff, v29  }
0x1fd: {  	v24 =	vmul.f32 v24, v20;
	v27 =	vadd.f32 v27, v19;
	v29 =	vld.idx.msk [tilespmem:v2+s12+$0x0 ss:$0x1], $0xffff  }
0x1fe: {  	v28 =	vmul.f32 v28, v17;
	[tilespmem:v1+s6+$0x0 ss:$0x1] =	vst.idx.msk $0xffff, v26;
	s6 =	sor.u32 $0x3E0, s18;
	v26 =	vadd.f32 v30, v13  }
0x1ff: {  	s3 =	sor.u32 $0x2280, s10;
	v30 =	vmul.f32 v33, v10;
	v24 =	vadd.f32 v24, v4;
	v31 =	vld.idx.msk [tilespmem:v0+s6+$0x0 ss:$0x1], $0xffff;
	[tilespmem:v1+s0+$0x0 ss:$0x1] =	vst.idx.msk $0xffff, v27;
	s0 =	sor.u32 $0x22E0, s10  }
0x200: {  	v23 =	vmul.f32 v23, v9;
	v27 =	vadd.f32 v28, v15;
	[tilespmem:v1+s8+$0x0 ss:$0x1] =	vst.idx.msk $0xffff, v26;
	s8 =	sor.u32 $0x20F0, s18;
	v26 =	vld.idx.msk [tilespmem:v0+s0+$0x0 ss:$0x1], $0xffff  }
0x201: {  	v28 =	vadd.f32 v30, v7;
	v25 =	vmul.f32 v25, v11;
	v30 =	vld.idx.msk [tilespmem:v0+s8+$0x0 ss:$0x1], $0xffff;
	[tilespmem:v1+s1+$0x0 ss:$0x1] =	vst.idx.msk $0xffff, v24  }
0x202: {  	v22 =	vmul.f32 v22, v12;
	v23 =	vadd.f32 v23, v6;
	[tilespmem:v1+s4+$0x0 ss:$0x1] =	vst.idx.msk $0xffff, v27;
	s4 =	sor.u32 $0x3D0, s18;
	v24 =	vld.idx.msk [tilespmem:v0+s3+$0x0 ss:$0x1], $0xffff  }
0x203: {  	v27 =	vmul.f32 $1.442695020e+00, v29;
	v25 =	vadd.f32 v25, v8;
	[tilespmem:v1+s5+$0x0 ss:$0x1] =	vst.idx.msk $0xffff, v28;
	s5 =	sor.u32 $0x2120, s18;
	v28 =	vld.idx.msk [tilespmem:v0+s4+$0x0 ss:$0x1], $0xffff  }
0x204: {  	v22 =	vadd.f32 v22, v5;
	v29 =	vld.idx.msk [tilespmem:v0+s5+$0x0 ss:$0x1], $0xffff;
	[tilespmem:v1+s7+$0x0 ss:$0x1] =	vst.idx.msk $0xffff, v23;
	s7 =	sor.u32 $0x2130, s18  }
0x205: {  	s11 =	sor.u32 $0x2140, s18;
	v23 =	vld.idx.msk [tilespmem:v0+s7+$0x0 ss:$0x1], $0xffff;
	[tilespmem:v1+s2+$0x0 ss:$0x1] =	vst.idx.msk $0xffff, v25;
	v25 =	vmul.f32 v31, v21;
	(erf) = vpow2.f32 v27  }
0x206: {  	s2 =	sor.u32 $0x2090, s18;
	v26 =	vmul.f32 v26, v16;
	[tilespmem:v1+s9+$0x0 ss:$0x1] =	vst.idx.msk $0xffff, v22;
	v27 =	vld.idx.msk [tilespmem:v0+s11+$0x0 ss:$0x1], $0xffff  }
0x207: {  	v30 =	vmul.f32 v30, v18;
	v31 =	vld.idx.msk [tilespmem:v0+s2+$0x0 ss:$0x1], $0xffff;
	v25 =	vadd.f32 v25, v14  }
0x208: {  	v24 =	vmul.f32 v24, v20;
	v26 =	vadd.f32 v26, v19;
	v22 =	vld.idx.msk [tilespmem:v3+s12+$0x0 ss:$0x1], $0xffff  }
0x209: {  	v28 =	vmul.f32 v28, v17;
	v32 =	vld.idx.msk [tilespmem:v0+s18+$0x0 ss:$0x1], $0xffff;
	[tilespmem:v1+s6+$0x0 ss:$0x1] =	vst.idx.msk $0xffff, v25;
	s6 =	sor.u32 $0x2060, s18;
	v25 =	vadd.f32 v30, v13  }
0x20a: {  	s1 =	sor.u32 $0x2300, s10;
	v29 =	vmul.f32 v29, v10;
	v24 =	vadd.f32 v24, v4;
	v30 =	vld.idx.msk [tilespmem:v0+s6+$0x0 ss:$0x1], $0xffff;
	[tilespmem:v1+s0+$0x0 ss:$0x1] =	vst.idx.msk $0xffff, v26;
	s0 =	sor.u32 $0x2360, s10  }
0x20b: {  	v33 =	vmul.f32 v23, v9;
	v26 =	vadd.f32 v28, v15;
	[tilespmem:v1+s8+$0x0 ss:$0x1] =	vst.idx.msk $0xffff, v25;
	s8 =	sor.u32 $0x2170, s18;
	v25 =	vld.idx.msk [tilespmem:v0+s0+$0x0 ss:$0x1], $0xffff  }
0x20c: {  	v28 =	vadd.f32 v29, v7;
	v27 =	vmul.f32 v27, v11;
	v29 =	vld.idx.msk [tilespmem:v0+s8+$0x0 ss:$0x1], $0xffff;
	[tilespmem:v1+s3+$0x0 ss:$0x1] =	vst.idx.msk $0xffff, v24  }
0x20d: {  	s9 =	sor.u32 $0x2050, s18;
	v24 =	vmul.f32 v31, v12;
	v31 =	vadd.f32 v33, v6;
	[tilespmem:v1+s4+$0x0 ss:$0x1] =	vst.idx.msk $0xffff, v26;
	v26 =	vld.idx.msk [tilespmem:v0+s1+$0x0 ss:$0x1], $0xffff  }
0x20e: {  	s13 =	sor.u32 $0x21A0, s18;
	v27 =	vadd.f32 v27, v8;
	[tilespmem:v1+s5+$0x0 ss:$0x1] =	vst.idx.msk $0xffff, v28;
	v28 =	vld.idx.msk [tilespmem:v0+s9+$0x0 ss:$0x1], $0xffff;
	v23 =	vpop (erf)  }
0x20f: {  	v32 =	vmul.f32 v23, v32;
	v33 =	vld.idx.msk [tilespmem:v0+s13+$0x0 ss:$0x1], $0xffff;
	[tilespmem:v1+s7+$0x0 ss:$0x1] =	vst.idx.msk $0xffff, v31;
	s7 =	sor.u32 $0x21B0, s18  }
0x210: {  	v24 =	vadd.f32 v24, v5;
	v31 =	vld.idx.msk [tilespmem:v0+s7+$0x0 ss:$0x1], $0xffff;
	[tilespmem:v1+s11+$0x0 ss:$0x1] =	vst.idx.msk $0xffff, v27;
	s11 =	sor.u32 $0x21C0, s18;
	v27 =	vmul.f32 v30, v21  }
0x211: {  	v25 =	vmul.f32 v25, v16;
	v30 =	vadd.f32 v32, v22;
	v32 =	vld.idx.msk [tilespmem:v0+s11+$0x0 ss:$0x1], $0xffff  }
0x212: {  	[tilespmem:v1+s2+$0x0 ss:$0x1] =	vst.idx.msk $0xffff, v24;
	s2 =	sor.u32 $0x2110, s18;
	v24 =	vadd.f32 v27, v14;
	v27 =	vmul.f32 v29, v18  }
0x213: {  	s16 =	sor.u32 $0x80, s18;
	v26 =	vmul.f32 v26, v20;
	v25 =	vadd.f32 v25, v19;
	[tilespmem:v1+s18+$0x0 ss:$0x1] =	vst.idx.msk $0xffff, v30;
	v29 =	vld.idx.msk [tilespmem:v0+s2+$0x0 ss:$0x1], $0xffff  }
0x214: {  	s17 =	sor.u32 $0x20E0, s18;
	v28 =	vmul.f32 v28, v17;
	v30 =	vld.idx.msk [tilespmem:v0+s16+$0x0 ss:$0x1], $0xffff;
	[tilespmem:v1+s6+$0x0 ss:$0x1] =	vst.idx.msk $0xffff, v24;
	v24 =	vadd.f32 v27, v13  }
0x215: {  	s12 =	sor.u32 $0x23E0, s10;
	s3 =	sor.u32 $0x2380, s10;
	s10 =	smov.u32 s18;
	v27 =	vmul.f32 v33, v10;
	v26 =	vadd.f32 v26, v4;
	v33 =	vld.idx.msk [tilespmem:v0+s17+$0x0 ss:$0x1], $0xffff;
	[tilespmem:v1+s0+$0x0 ss:$0x1] =	vst.idx.msk $0xffff, v25  }
0x216: {  	s4 =	sor.u32 $0x21F0, s10;
	v25 =	vmul.f32 v31, v9;
	v28 =	vadd.f32 v28, v15;
	[tilespmem:v1+s8+$0x0 ss:$0x1] =	vst.idx.msk $0xffff, v24;
	v31 =	vld.idx.msk [tilespmem:v0+s12+$0x0 ss:$0x1], $0xffff  }
0x217: {  	v24 =	vadd.f32 v27, v7;
	v27 =	vmul.f32 v32, v11;
	v32 =	vld.idx.msk [tilespmem:v0+s4+$0x0 ss:$0x1], $0xffff;
	[tilespmem:v1+s1+$0x0 ss:$0x1] =	vst.idx.msk $0xffff, v26  }
0x218: {  	s5 =	sor.u32 $0x20D0, s10;
	v26 =	vadd.f32 v25, v6;
	[tilespmem:v1+s9+$0x0 ss:$0x1] =	vst.idx.msk $0xffff, v28;
	v28 =	vld.idx.msk [tilespmem:v0+s3+$0x0 ss:$0x1], $0xffff  }
0x219: {  	s1 =	sor.u32 $0x2220, s10;
	v29 =	vmul.f32 v29, v12;
	v27 =	vadd.f32 v27, v8;
	[tilespmem:v1+s13+$0x0 ss:$0x1] =	vst.idx.msk $0xffff, v24;
	v34 =	vld.idx.msk [tilespmem:v0+s5+$0x0 ss:$0x1], $0xffff  }
0x21a: {  	s20 =	sor.u32 $0x2230, s10;
	v30 =	vmul.f32 v30, v23;
	v25 =	vld.idx.msk [tilespmem:v0+s1+$0x0 ss:$0x1], $0xffff;
	[tilespmem:v1+s7+$0x0 ss:$0x1] =	vst.idx.msk $0xffff, v26  }
.Ltmp2:
0x21b: {  	s6 =	sor.u32 $0x2240, s10;
	v29 =	vadd.f32 v29, v5;
	v24 =	vld.idx.msk [tilespmem:v0+s20+$0x0 ss:$0x1], $0xffff;
	[tilespmem:v1+s11+$0x0 ss:$0x1] =	vst.idx.msk $0xffff, v27;
	v27 =	vmul.f32 v33, v21;
	(pc) =	sbr.rel @p3 .LBB2_7-.Ltmp2, $4  }
0x21c: {  	v30 =	vadd.f32 v30, v22;
	v31 =	vmul.f32 v31, v16;
	v16 =	vmov v21;
	v26 =	vld.idx.msk [tilespmem:v0+s6+$0x0 ss:$0x1], $0xffff  }
0x21d: {  	s9 =	sor.u32 $0x2190, s10;
	v32 =	vmul.f32 v32, v18;
	[tilespmem:v1+s2+$0x0 ss:$0x1] =	vst.idx.msk $0xffff, v29;
	v27 =	vadd.f32 v27, v14  }
0x21e: {  	s8 =	sor.u32 $0x100, s10;
	v20 =	vmul.f32 v28, v20;
	v19 =	vadd.f32 v31, v19;
	[tilespmem:v1+s16+$0x0 ss:$0x1] =	vst.idx.msk $0xffff, v30;
	v21 =	vld.idx.msk [tilespmem:v0+s9+$0x0 ss:$0x1], $0xffff  }
0x21f: {  	v28 =	vmul.f32 v34, v17;
	v29 =	vld.idx.msk [tilespmem:v0+s8+$0x0 ss:$0x1], $0xffff;
	[tilespmem:v1+s17+$0x0 ss:$0x1] =	vst.idx.msk $0xffff, v27;
	v27 =	vadd.f32 v32, v13  }
0x220: {  	_ =	sdelay $0x3  }
0x221: {  	v2 =	vmul.f32 v29, v23;
	_ =	sdelay $0x1  }
0x222: {  	v2 =	vadd.f32 v2, v22;
	_ =	sdelay $0x1  }
0x223: {  	s0 =	sor.u32 $0x180, s10;
	[tilespmem:v1+s8+$0x0 ss:$0x1] =	vst.idx.msk $0xffff, v2  }
0x224: {  	v2 =	vld.idx.msk [tilespmem:v0+s0+$0x0 ss:$0x1], $0xffff;
	_ =	sdelay $0x4  }
0x225: {  	v2 =	vmul.f32 v2, v23;
	_ =	sdelay $0x1  }
0x226: {  	v2 =	vadd.f32 v2, v22;
	_ =	sdelay $0x1  }
0x227: {  	s26 =	sor.u32 $0x200, s10;
	[tilespmem:v1+s0+$0x0 ss:$0x1] =	vst.idx.msk $0xffff, v2  }
0x228: {  	v2 =	vld.idx.msk [tilespmem:v0+s26+$0x0 ss:$0x1], $0xffff;
	_ =	sdelay $0x4  }
0x229: {  	v2 =	vmul.f32 v2, v23;
	_ =	sdelay $0x1  }
0x22a: {  	v2 =	vadd.f32 v2, v22;
	_ =	sdelay $0x1  }
0x22b: {  	s2 =	sor.u32 $0x280, s10;
	[tilespmem:v1+s26+$0x0 ss:$0x1] =	vst.idx.msk $0xffff, v2  }
0x22c: {  	v2 =	vld.idx.msk [tilespmem:v0+s2+$0x0 ss:$0x1], $0xffff;
	_ =	sdelay $0x4  }
0x22d: {  	v2 =	vmul.f32 v2, v23;
	_ =	sdelay $0x1  }
0x22e: {  	v2 =	vadd.f32 v2, v22;
	_ =	sdelay $0x1  }
0x22f: {  	[tilespmem:v1+s2+$0x0 ss:$0x1] =	vst.idx.msk $0xffff, v2;
	s2 =	sor.u32 $0x300, s10  }
0x230: {  	v2 =	vld.idx.msk [tilespmem:v0+s2+$0x0 ss:$0x1], $0xffff;
	_ =	sdelay $0x4  }
0x231: {  	v2 =	vmul.f32 v2, v23;
	_ =	sdelay $0x1  }
0x232: {  	v2 =	vadd.f32 v2, v22;
	_ =	sdelay $0x1  }
0x233: {  	s7 =	sor.u32 $0x380, s10;
	[tilespmem:v1+s2+$0x0 ss:$0x1] =	vst.idx.msk $0xffff, v2  }
0x234: {  	v2 =	vld.idx.msk [tilespmem:v0+s7+$0x0 ss:$0x1], $0xffff;
	_ =	sdelay $0x4  }
0x235: {  	v2 =	vmul.f32 v2, v23;
	_ =	sdelay $0x1  }
0x236: {  	v2 =	vadd.f32 v2, v22;
	_ =	sdelay $0x1  }
0x237: {  	s8 =	sor.u32 $0x2000, s10;
	[tilespmem:v1+s7+$0x0 ss:$0x1] =	vst.idx.msk $0xffff, v2  }
0x238: {  	v2 =	vld.idx.msk [tilespmem:v0+s8+$0x0 ss:$0x1], $0xffff;
	_ =	sdelay $0x4  }
0x239: {  	v2 =	vmul.f32 v2, v23;
	_ =	sdelay $0x1  }
0x23a: {  	v2 =	vadd.f32 v2, v22;
	_ =	sdelay $0x1  }
0x23b: {  	s11 =	sor.u32 $0x2080, s10;
	[tilespmem:v1+s8+$0x0 ss:$0x1] =	vst.idx.msk $0xffff, v2  }
0x23c: {  	v2 =	vld.idx.msk [tilespmem:v0+s11+$0x0 ss:$0x1], $0xffff;
	_ =	sdelay $0x4  }
0x23d: {  	v3 =	vadd.f32 v28, v15;
	v2 =	vmul.f32 v2, v23;
	_ =	sdelay $0x1  }
0x23e: {  	s13 =	sor.u32 $0x2150, s10;
	[tilespmem:v1+s5+$0x0 ss:$0x1] =	vst.idx.msk $0xffff, v3;
	v2 =	vadd.f32 v2, v22  }
0x23f: {  	s14 =	sor.u32 $0x2160, s10;
	v3 =	vld.idx.msk [tilespmem:v0+s13+$0x0 ss:$0x1], $0xffff  }
0x240: {  	s16 =	sor.u32 $0x2100, s10;
	v33 =	vld.idx.msk [tilespmem:v0+s14+$0x0 ss:$0x1], $0xffff;
	[tilespmem:v1+s11+$0x0 ss:$0x1] =	vst.idx.msk $0xffff, v2  }
0x241: {  	v34 =	vld.idx.msk [tilespmem:v0+s16+$0x0 ss:$0x1], $0xffff;
	_ =	sdelay $0x2  }
0x242: {  	v3 =	vmul.f32 v3, v17  }
0x243: {  	v2 =	vmul.f32 v33, v16  }
0x244: {  	v3 =	vadd.f32 v3, v15;
	v28 =	vmul.f32 v34, v23  }
0x245: {  	v2 =	vadd.f32 v2, v14  }
0x246: {  	s17 =	sor.u32 $0x21D0, s10;
	[tilespmem:v1+s13+$0x0 ss:$0x1] =	vst.idx.msk $0xffff, v3;
	v35 =	vadd.f32 v28, v22  }
0x247: {  	s18 =	sor.u32 $0x21E0, s10;
	v36 =	vld.idx.msk [tilespmem:v0+s17+$0x0 ss:$0x1], $0xffff;
	[tilespmem:v1+s14+$0x0 ss:$0x1] =	vst.idx.msk $0xffff, v2  }
0x248: {  	s19 =	sor.u32 $0x2180, s10;
	v37 =	vmul.f32 v21, v12;
	v2 =	vld.idx.msk [tilespmem:v0+s18+$0x0 ss:$0x1], $0xffff;
	[tilespmem:v1+s16+$0x0 ss:$0x1] =	vst.idx.msk $0xffff, v35  }
0x249: {  	v38 =	vld.idx.msk [tilespmem:v0+s19+$0x0 ss:$0x1], $0xffff  }
0x24a: {  	v3 =	vadd.f32 v37, v5;
	_ =	sdelay $0x1  }
0x24b: {  	[tilespmem:v1+s9+$0x0 ss:$0x1] =	vst.idx.msk $0xffff, v3;
	s7 =	sor.u32 $0x2210, s10;
	v28 =	vmul.f32 v36, v17  }
0x24c: {  	s21 =	sor.u32 $0x2270, s10;
	[tilespmem:v1+s4+$0x0 ss:$0x1] =	vst.idx.msk $0xffff, v27;
	v3 =	vld.idx.msk [tilespmem:v0+s7+$0x0 ss:$0x1], $0xffff;
	v2 =	vmul.f32 v2, v16  }
0x24d: {  	v40 =	vld.idx.msk [tilespmem:v0+s21+$0x0 ss:$0x1], $0xffff;
	v39 =	vadd.f32 v28, v15;
	v21 =	vmul.f32 v38, v23  }
0x24e: {  	v2 =	vadd.f32 v2, v14  }
0x24f: {  	s22 =	sor.u32 $0x2250, s10;
	[tilespmem:v1+s17+$0x0 ss:$0x1] =	vst.idx.msk $0xffff, v39;
	v21 =	vadd.f32 v21, v22  }
0x250: {  	s24 =	sor.u32 $0x2260, s10;
	v26 =	vmul.f32 v26, v11;
	v27 =	vld.idx.msk [tilespmem:v0+s22+$0x0 ss:$0x1], $0xffff;
	[tilespmem:v1+s18+$0x0 ss:$0x1] =	vst.idx.msk $0xffff, v2  }
0x251: {  	s26 =	sor.u32 $0x2200, s10;
	v3 =	vmul.f32 v3, v12;
	v42 =	vld.idx.msk [tilespmem:v0+s24+$0x0 ss:$0x1], $0xffff;
	[tilespmem:v1+s19+$0x0 ss:$0x1] =	vst.idx.msk $0xffff, v21  }
0x252: {  	v43 =	vadd.f32 v26, v8;
	v28 =	vmul.f32 v40, v18;
	v44 =	vld.idx.msk [tilespmem:v0+s26+$0x0 ss:$0x1], $0xffff  }
0x253: {  	v41 =	vmul.f32 v25, v10;
	v3 =	vadd.f32 v3, v5  }
0x254: {  	v24 =	vmul.f32 v24, v9;
	[tilespmem:v1+s6+$0x0 ss:$0x1] =	vst.idx.msk $0xffff, v43;
	s8 =	sor.u32 $0x22C0, s10;
	v46 =	vadd.f32 v28, v13  }
0x255: {  	[tilespmem:v1+s7+$0x0 ss:$0x1] =	vst.idx.msk $0xffff, v3;
	v45 =	vld.idx.msk [tilespmem:v0+s8+$0x0 ss:$0x1], $0xffff;
	s11 =	sor.u32 $0x2290, s10;
	v2 =	vadd.f32 v41, v7;
	v27 =	vmul.f32 v27, v17  }
0x256: {  	v24 =	vadd.f32 v24, v6;
	s13 =	sor.u32 $0x22F0, s10;
	v49 =	vld.idx.msk [tilespmem:v0+s11+$0x0 ss:$0x1], $0xffff;
	[tilespmem:v1+s21+$0x0 ss:$0x1] =	vst.idx.msk $0xffff, v46;
	v48 =	vmul.f32 v42, v16  }
0x257: {  	s9 =	sor.u32 $0x22A0, s10;
	v51 =	vld.idx.msk [tilespmem:v0+s13+$0x0 ss:$0x1], $0xffff;
	[tilespmem:v1+s1+$0x0 ss:$0x1] =	vst.idx.msk $0xffff, v2;
	v50 =	vadd.f32 v27, v15;
	v26 =	vmul.f32 v44, v23  }
0x258: {  	[tilespmem:v1+s20+$0x0 ss:$0x1] =	vst.idx.msk $0xffff, v24;
	s14 =	sor.u32 $0x22B0, s10;
	v47 =	vld.idx.msk [tilespmem:v0+s9+$0x0 ss:$0x1], $0xffff;
	v3 =	vadd.f32 v48, v14  }
0x259: {  	v52 =	vld.idx.msk [tilespmem:v0+s14+$0x0 ss:$0x1], $0xffff;
	s16 =	sor.u32 $0x22D0, s10;
	[tilespmem:v1+s22+$0x0 ss:$0x1] =	vst.idx.msk $0xffff, v50;
	v53 =	vadd.f32 v26, v22  }
0x25a: {  	s17 =	sor.u32 $0x22E0, s10;
	v2 =	vmul.f32 v45, v11;
	v54 =	vld.idx.msk [tilespmem:v0+s16+$0x0 ss:$0x1], $0xffff;
	[tilespmem:v1+s24+$0x0 ss:$0x1] =	vst.idx.msk $0xffff, v3  }
0x25b: {  	s18 =	sor.u32 $0x2280, s10;
	v21 =	vmul.f32 v49, v12;
	v56 =	vld.idx.msk [tilespmem:v0+s17+$0x0 ss:$0x1], $0xffff;
	[tilespmem:v1+s26+$0x0 ss:$0x1] =	vst.idx.msk $0xffff, v53  }
0x25c: {  	v2 =	vadd.f32 v2, v8;
	v24 =	vmul.f32 v51, v18;
	v57 =	vld.idx.msk [tilespmem:v0+s18+$0x0 ss:$0x1], $0xffff  }
0x25d: {  	v55 =	vmul.f32 v47, v10;
	v58 =	vadd.f32 v21, v5  }
0x25e: {  	v59 =	vmul.f32 v52, v9;
	[tilespmem:v1+s8+$0x0 ss:$0x1] =	vst.idx.msk $0xffff, v2;
	s19 =	sor.u32 $0x2340, s10;
	v61 =	vadd.f32 v24, v13  }
0x25f: {  	s21 =	sor.u32 $0x2310, s10;
	v60 =	vld.idx.msk [tilespmem:v0+s19+$0x0 ss:$0x1], $0xffff;
	v3 =	vadd.f32 v55, v7;
	[tilespmem:v1+s11+$0x0 ss:$0x1] =	vst.idx.msk $0xffff, v58;
	v62 =	vmul.f32 v54, v17  }
0x260: {  	v32 =	vadd.f32 v59, v6;
	s22 =	sor.u32 $0x2370, s10;
	[tilespmem:v1+s13+$0x0 ss:$0x1] =	vst.idx.msk $0xffff, v61;
	v34 =	vld.idx.msk [tilespmem:v0+s21+$0x0 ss:$0x1], $0xffff;
	v33 =	vmul.f32 v56, v16  }
0x261: {  	s20 =	sor.u32 $0x2320, s10;
	v36 =	vld.idx.msk [tilespmem:v0+s22+$0x0 ss:$0x1], $0xffff;
	[tilespmem:v1+s9+$0x0 ss:$0x1] =	vst.idx.msk $0xffff, v3;
	v24 =	vadd.f32 v62, v15;
	v35 =	vmul.f32 v57, v23  }
0x262: {  	[tilespmem:v1+s14+$0x0 ss:$0x1] =	vst.idx.msk $0xffff, v32;
	s24 =	sor.u32 $0x2330, s10;
	v63 =	vld.idx.msk [tilespmem:v0+s20+$0x0 ss:$0x1], $0xffff;
	v37 =	vadd.f32 v33, v14  }
0x263: {  	v38 =	vld.idx.msk [tilespmem:v0+s24+$0x0 ss:$0x1], $0xffff;
	s26 =	sor.u32 $0x2350, s10;
	[tilespmem:v1+s16+$0x0 ss:$0x1] =	vst.idx.msk $0xffff, v24;
	v39 =	vadd.f32 v35, v22  }
0x264: {  	v40 =	vmul.f32 v60, v11;
	s9 =	sor.u32 $0x2360, s10;
	v41 =	vld.idx.msk [tilespmem:v0+s26+$0x0 ss:$0x1], $0xffff;
	[tilespmem:v1+s17+$0x0 ss:$0x1] =	vst.idx.msk $0xffff, v37  }
0x265: {  	s11 =	sor.u32 $0x2300, s10;
	v3 =	vmul.f32 v34, v12;
	v43 =	vld.idx.msk [tilespmem:v0+s9+$0x0 ss:$0x1], $0xffff;
	[tilespmem:v1+s18+$0x0 ss:$0x1] =	vst.idx.msk $0xffff, v39  }
0x266: {  	v25 =	vadd.f32 v40, v8;
	v28 =	vmul.f32 v36, v18;
	v44 =	vld.idx.msk [tilespmem:v0+s11+$0x0 ss:$0x1], $0xffff  }
0x267: {  	v42 =	vmul.f32 v63, v10;
	v3 =	vadd.f32 v3, v5  }
0x268: {  	s13 =	sor.u32 $0x23C0, s10;
	[tilespmem:v1+s19+$0x0 ss:$0x1] =	vst.idx.msk $0xffff, v25;
	v21 =	vmul.f32 v38, v9;
	v46 =	vadd.f32 v28, v13  }
0x269: {  	v45 =	vld.idx.msk [tilespmem:v0+s13+$0x0 ss:$0x1], $0xffff;
	s16 =	sor.u32 $0x2390, s10;
	v2 =	vadd.f32 v42, v7;
	[tilespmem:v1+s21+$0x0 ss:$0x1] =	vst.idx.msk $0xffff, v3;
	v27 =	vmul.f32 v41, v17  }
0x26a: {  	v21 =	vadd.f32 v21, v6;
	[tilespmem:v1+s22+$0x0 ss:$0x1] =	vst.idx.msk $0xffff, v46;
	s17 =	sor.u32 $0x23F0, s10;
	v48 =	vld.idx.msk [tilespmem:v0+s16+$0x0 ss:$0x1], $0xffff;
	v24 =	vmul.f32 v43, v16  }
0x26b: {  	s14 =	sor.u32 $0x23A0, s10;
	v49 =	vld.idx.msk [tilespmem:v0+s17+$0x0 ss:$0x1], $0xffff;
	[tilespmem:v1+s20+$0x0 ss:$0x1] =	vst.idx.msk $0xffff, v2;
	v27 =	vadd.f32 v27, v15;
	v26 =	vmul.f32 v44, v23  }
0x26c: {  	[tilespmem:v1+s24+$0x0 ss:$0x1] =	vst.idx.msk $0xffff, v21;
	v47 =	vld.idx.msk [tilespmem:v0+s14+$0x0 ss:$0x1], $0xffff;
	s18 =	sor.u32 $0x23B0, s10;
	v24 =	vadd.f32 v24, v14  }
0x26d: {  	s19 =	sor.u32 $0x23D0, s10;
	v50 =	vld.idx.msk [tilespmem:v0+s18+$0x0 ss:$0x1], $0xffff;
	[tilespmem:v1+s26+$0x0 ss:$0x1] =	vst.idx.msk $0xffff, v27;
	v26 =	vadd.f32 v26, v22  }
0x26e: {  	v2 =	vmul.f32 v45, v11;
	s20 =	sor.u32 $0x23E0, s10;
	v51 =	vld.idx.msk [tilespmem:v0+s19+$0x0 ss:$0x1], $0xffff;
	[tilespmem:v1+s9+$0x0 ss:$0x1] =	vst.idx.msk $0xffff, v24  }
0x26f: {  	v4 =	vadd.f32 v20, v4;
	s21 =	sor.u32 $0x2380, s10;
	v53 =	vmul.f32 v48, v12;
	v52 =	vld.idx.msk [tilespmem:v0+s20+$0x0 ss:$0x1], $0xffff;
	[tilespmem:v1+s11+$0x0 ss:$0x1] =	vst.idx.msk $0xffff, v26  }
0x270: {  	[tilespmem:v1+s12+$0x0 ss:$0x1] =	vst.idx.msk $0xffff, v19;
	v2 =	vadd.f32 v2, v8;
	v55 =	vmul.f32 v49, v18;
	v54 =	vld.idx.msk [tilespmem:v0+s21+$0x0 ss:$0x1], $0xffff  }
0x271: {  	[tilespmem:v1+s3+$0x0 ss:$0x1] =	vst.idx.msk $0xffff, v4;
	v3 =	vmul.f32 v47, v10;
	v56 =	vadd.f32 v53, v5  }
0x272: {  	[tilespmem:v1+s13+$0x0 ss:$0x1] =	vst.idx.msk $0xffff, v2;
	v58 =	vadd.f32 v55, v13;
	v57 =	vmul.f32 v50, v9  }
0x273: {  	v3 =	vadd.f32 v3, v7;
	[tilespmem:v1+s16+$0x0 ss:$0x1] =	vst.idx.msk $0xffff, v56;
	v59 =	vmul.f32 v51, v17  }
0x274: {  	[tilespmem:v1+s17+$0x0 ss:$0x1] =	vst.idx.msk $0xffff, v58;
	v60 =	vadd.f32 v57, v6;
	v61 =	vmul.f32 v52, v16  }
0x275: {  	[tilespmem:v1+s14+$0x0 ss:$0x1] =	vst.idx.msk $0xffff, v3;
	v62 =	vadd.f32 v59, v15;
	v0 =	vmul.f32 v54, v23  }
0x276: {  	[tilespmem:v1+s18+$0x0 ss:$0x1] =	vst.idx.msk $0xffff, v60;
	v63 =	vadd.f32 v61, v14  }
0x277: {  	[tilespmem:v1+s19+$0x0 ss:$0x1] =	vst.idx.msk $0xffff, v62;
	v0 =	vadd.f32 v0, v22  }
0x278: {  	[tilespmem:v1+s20+$0x0 ss:$0x1] =	vst.idx.msk $0xffff, v63  }
0x279: {  	s9 =	rddreg [dreg:$0xc];
	[tilespmem:v1+s21+$0x0 ss:$0x1] =	vst.idx.msk $0xffff, v0  }
0x27a: {  	s0 =	sld [smem:$0x7FD];
	_ =	sdelay $0x2  }
0x27b: {  	p3 =	seq.s32 s30, s9;
	p0 =	seq.s32 s0, $0x1  }
0x27c: {  	_ =	strace $0x9000004F;
	p1 =	por p3, p0  }
0x27d: {  	_ =	strace @p1 $0x80000050  }
0x27e: {  	s2 =	rddreg [dreg:$0x16]  }
0x27f: {  	s0 =	smul.u32 @p1 $0x187000, s31;
	s3 =	rddreg [dreg:$0x5]  }
0x280: {  	s1 =	sshll.u32 @p1 s2, $0xD;
	p0 =	seq.s32 @p1 s2, $0x61;
	s2 =	rddreg [dreg:$0x19]  }
0x281: {  	s4 =	rddreg [dreg:$0x18];
	s2 =	sadd.s32 @p1 $0x7, s2;
	s0 =	sadd.s32 @p1 s1, s0  }
0x282: {  	s1 =	simm.s32 @p1 $0x1800;
	p0 =	por !p0, !p1;
	s0 =	sshrl.u32 @p1 s0, $0x3  }
0x283: {  	s1 =	simm.s32 @p0 $0x2000;
	s0 =	sadd.s32 @p1 s3, s0;
	s3 =	simm.s32 @p1 $0x0  }
0x284: {  	[hbm4b:s0+s3] =	stream.linear.scatter @p1 [tilespmem:s4], [sflag:s2], s1, $0x200038;
	[tilespmem:$0x11000] =	vst v63  }
0x285: {  	p5 =	sne.s32 s30, $0x0;
	s4 =	rddreg [dreg:$0x17]  }
0x286: {  	p0 =	por !p5, !p2;
	s0 =	sadd.s32 @p1 $0x18700, s0;
	s4 =	sadd.s32 @p1 $0xB000, s4  }
0x287: {  	[hbm4b:s0+s3] =	stream.linear.scatter @p1 [tilespmem:s4], [sflag:s2], s1, $0x200038;
	[tilespmem:$0x11000] =	vst v63  }
0x288: {  	s11 =	smov.u32 s15;
	p0 =	por !p0, !p0;
	_ =	strace @p1 $0x90000050  }
0x289: {  	s30 =	sadd.s32 $0x1, s30;
	s1 =	simm.s32 @p0 $0x3000;
	s0 =	rddreg [dreg:$0x1a]  }
0x28a: {  	s2 =	simm.s32 @p0 $0xFFFFD000;
	s4 =	rddreg [dreg:$0x11];
	p2 =	seq.s32 @p0 s0, $0x61  }
0x28b: {  	s3 =	simm.s32 $0x1;
	s0 =	sand.u32 @p0 $0x1, s4;
	p2 =	por !p2, !p0  }
0x28c: {  	_ =	strace @p0 $0x80000051;
	s0 =	sadd.s32 @p0 $0x7, s0;
	s1 =	simm.s32 @p2 $0x4000  }
0x28d: {  	s2 =	simm.s32 @p2 $0xFFFFC000;
	_ =	swait.ge @p0 [sflag:s0], s1;
	s1 =	simm.s32 $0x1  }
0x28e: {  	[sflag:s0] =	ssyncset.done @p0 $0x0;
	s1 =	simm.s32 @!p0 $0x0;
	s22 =	sld [smem:$0x7FC]  }
0x28f: {  	s24 =	rddreg [dreg:$0x8];
	[sflag:s0] =	ssyncadd.s32 @p0 s2;
	s0 =	simm.s32 $0x1  }
0x290: {  	s26 =	rddreg [dreg:$0x12];
	s0 =	simm.s32 @!p1 $0x0;
	p1 =	sne.s32 s30, s24  }
.Ltmp3:
0x291: {  	s4 =	sadd.s32 s1, s4;
	_ =	strace @p0 $0x90000051;
	(pc) =	sbr.rel @p1 .LBB2_2-.Ltmp3, $4  }
0x292: {  	s1 =	smov.u32 s29;
	p6 =	seq.s32 s22, $0x1;
	s31 =	rddreg [dreg:$0x15]  }
0x293: {  	s12 =	sadd.s32 s0, s26;
	s21 =	rddreg [dreg:$0x6];
	p2 =	por p3, p6  }
0x294: {  	s23 =	sadd.s32 s0, s23;
	s22 =	rddreg [dreg:$0x13];
	s3 =	simm.s32 @!p2 $0x0  }
0x295: {  	s24 =	rddreg [dreg:$0x14];
	s28 =	sadd.s32 s3, s28;
	s25 =	sadd.s32 s3, s25  }
0x296: {  	p0 =	seq.s32 s29, $0x0;
	s0 =	rddreg [dreg:$0x7]  }
0x297: {  	s31 =	rddreg [dreg:$0xd];
	s29 =	smov.u32 @p0 s0  }
0x298: {  	s0 =	sadd.s32 s29, s31  }
0x299: {  	s1 =	sand.u32 $0x1, s4;
	p0 =	seq.s32 s0, $0x61;
	s0 =	simm.s32 $0x3000  }
0x29a: {  	_ =	strace $0x80000052;
	s1 =	sadd.s32 $0x7, s1;
	s0 =	simm.s32 @!p0 $0x4000  }
0x29b: {  	_ =	swait.ge [sflag:s1], s0  }
0x29c: {  	s3 =	rddreg [dreg:$0x10]  }
0x29d: {  	s2 =	simm.s32 $0xFFFFD000;
	s0 =	rddreg [dreg:$0xe];
	s3 =	sadd.s32 $0x1, s3  }
0x29e: {  	s2 =	simm.s32 @!p0 $0xFFFFC000;
	p0 =	sne.s32 s3, s0  }
.Ltmp4:
0x29f: {  	_ = 	snop;
	(pc) =	sbr.rel @p0 .LBB2_1-.Ltmp4, $4  }
0x2a0: {  	_ = 	snop  }
0x2a1: {  	[sflag:s1] =	ssyncset.done $0x0  }
0x2a2: {  	[sflag:s1] =	ssyncadd.s32 s2  }
0x2a3: {  	_ =	strace $0x90000052  }
0x2a4: {  	_ =	sfence.sel $0x180000  }
0x2a5: {  	[bflag:$0x0] =	sbarrier.arrive $0xFFFF  }
0x2a6: {  	_ =	strace $0x90000047  }
0x2a7: {  	s0 =	stileid.u32;
	[bflag:$0x2] =	sbarrier.arrive $0xFFFF  }
0x2a8: {  	p0 =	sne.s32 s0, $0x0;
	s0 =	rddreg [dreg:$0x2]  }
0x2a9: {  	s0 =	sadd.s32 @!p0 $0x100000, s0  }
0x2aa: {  	[sflag:s0] =	ssyncadd.tile.s32 @!p0 $0x1;
	_ =	shalt  }
.Lfunc_end2:
_tile_overlayer_lowered:
.L_overlay_start_2:
0x2ab: {  	(tag) =	ssettag $0x2  }
0x2ac: {  	s0 =	rddreg [dreg:$0x0];
	s2 =	stileid.u32  }
0x2ad: {  	s1 =	rddreg [dreg:$0x1];
	p0 =	sne.s32 s2, $0x0  }
0x2ae: {  	s3 =	rddreg [dreg:$0x2];
	[bflag:$0x3] =	sbarrier.arrive $0xFFFF;
	s2 =	simm.s32 @!p0 $0x1C01  }
0x2af: {  	[timem:s3], [sflag:s2] =	dma.local @!p0 [hbm:s0], s1  }
0x2b0: {  	s0 =	simm.s32 @!p0 $0x1  }
0x2b1: {  	_ =	swait.ge @!p0 [sflag:s0], s1  }
0x2b2: {  	s1 =	ssub.s32 @!p0 $0x0, s1;
	[sflag:s0] =	ssyncset.done @!p0 $0x0  }
0x2b3: {  	[sflag:s0] =	ssyncadd.s32 @!p0 s1  }
0x2b4: {  	[bflag:$0x3] =	sbarrier.arrive $0xFFFF  }
0x2b5: {  	_ =	shalt  }

</sc_bundles>
